<compile_context>
chip_gen: v7x
topology: tpu7x:2x2x1
jax: 0.10.2.dev20260603
libtpu: 0.0.44.dev20260713+nightly
codegen_flags: <defaults>
</compile_context>

<pallas_src>
import functools

import jax
import jax.numpy as jnp
from jax import lax
from jax.experimental import pallas as pl
from jax.experimental.pallas import tpu as pltpu
from jax.experimental.pallas import tpu_sc as plsc

N = 10000
E = 320000
D = 128
NC = 2
NS = 16
NW = NC * NS
EPW = E // NW
CH = 80
CH2 = CH // 2
NCHUNK = EPW // CH
SUP = 25
RPS = N // NS

_NEG_SLOPE = 0.01


def _tc_pre_body(h_ref, wf_ref, a2_ref, z_ref, s_ref, d_ref, mx_ref, m16_ref):
    z = jnp.dot(h_ref[...], wf_ref[...], preferred_element_type=jnp.float32)
    z_ref[...] = z.astype(jnp.bfloat16)
    sd = jnp.dot(z, a2_ref[...], preferred_element_type=jnp.float32)
    s_ref[...] = sd[:, 0:1]
    d_ref[...] = sd[:, 1:2]
    m = jnp.max(sd, axis=0, keepdims=True)

    @pl.when(pl.program_id(0) == 0)
    def _():
        mx_ref[...] = m

    @pl.when(pl.program_id(0) > 0)
    def _():
        mx_ref[...] = jnp.maximum(mx_ref[...], m)

    mm = mx_ref[0, 0] + mx_ref[0, 1]
    mm = jnp.where(mm > 0, mm, mm * _NEG_SLOPE)
    m16_ref[...] = jnp.full((1, 16), mm, jnp.float32)


_ROWBLK = 10000


def _tc_pre(h, w_fc, a2):
    return pl.pallas_call(
        _tc_pre_body,
        grid=(N // _ROWBLK,),
        in_specs=[
            pl.BlockSpec((_ROWBLK, D), lambda i: (i, 0)),
            pl.BlockSpec((D, D), lambda i: (0, 0)),
            pl.BlockSpec((D, 2), lambda i: (0, 0)),
        ],
        out_specs=[
            pl.BlockSpec((_ROWBLK, D), lambda i: (i, 0)),
            pl.BlockSpec((_ROWBLK, 1), lambda i: (i, 0)),
            pl.BlockSpec((_ROWBLK, 1), lambda i: (i, 0)),
            pl.BlockSpec((1, 2), lambda i: (0, 0)),
            pl.BlockSpec((1, 16), lambda i: (0, 0)),
        ],
        out_shape=[
            jax.ShapeDtypeStruct((N, D), jnp.bfloat16),
            jax.ShapeDtypeStruct((N, 1), jnp.float32),
            jax.ShapeDtypeStruct((N, 1), jnp.float32),
            jax.ShapeDtypeStruct((1, 2), jnp.float32),
            jax.ShapeDtypeStruct((1, 16), jnp.float32),
        ],
    )(h, w_fc, a2)


@functools.cache
def _get_sc_gat():
    mesh = plsc.VectorSubcoreMesh(core_axis_name="c", subcore_axis_name="s")

    @functools.partial(
        pl.kernel,
        out_type=(
            jax.ShapeDtypeStruct((NC, N, D), jnp.float32),
            jax.ShapeDtypeStruct((NC, N), jnp.float32),
        ),
        mesh=mesh,
        compiler_params=pltpu.CompilerParams(
            use_tc_tiling_on_sc=False,
            needs_layout_passes=False,
        ),
        scratch_types=[
            pltpu.VMEM((N,), jnp.float32),
            pltpu.VMEM((N,), jnp.float32),
            pltpu.VMEM((2, 2, SUP, CH), jnp.int32),
            pltpu.VMEM((2, CH), jnp.float32),
            pltpu.VMEM((2, CH), jnp.int32),
            pltpu.VMEM((2, CH, D), jnp.bfloat16),
            pltpu.VMEM((2, CH2, D), jnp.float32),
            pltpu.VMEM((1024,), jnp.float32),
            pltpu.VMEM((16,), jnp.float32),
            pltpu.VMEM_SHARED((N, D), jnp.float32),
            pltpu.VMEM_SHARED((N,), jnp.float32),
            pltpu.SemaphoreType.DMA,
            pltpu.SemaphoreType.DMA,
            pltpu.SemaphoreType.DMA,
            pltpu.SemaphoreType.DMA,
            pltpu.SemaphoreType.DMA,
            pltpu.SemaphoreType.DMA,
            pltpu.SemaphoreType.DMA,
        ],
    )
    def sc_gat(z_hbm, s_hbm, d_hbm, ei_hbm, m_hbm, wp_hbm, dp_hbm,
               s_v, d_v, idx_s, p_c, dstx, zbuf, zs, zvec, m_v, wacc, dacc,
               gsem0, gsem1, isem, ssemA, ssemB, psem0, psem1):
        gsem = (gsem0, gsem1)
        hsem = (ssemA, ssemB)
        psem = (psem0, psem1)
        c = lax.axis_index("c")
        s = lax.axis_index("s")
        wid = c * NS + s
        r0 = wid * NCHUNK

        pltpu.sync_copy(s_hbm, s_v)
        pltpu.sync_copy(d_hbm, d_v)
        pltpu.sync_copy(m_hbm, m_v)

        zeros16 = jnp.zeros((16,), jnp.float32)

        def fill_zs(i, carry):
            for h2 in range(2):
                for k in range(D // 16):
                    zs[h2, i, pl.ds(k * 16, 16)] = zeros16
            return carry

        lax.fori_loop(0, CH2, fill_zs, 0)

        def fill_zvec(i, carry):
            zvec[pl.ds(i * 16, 16)] = zeros16
            return carry

        lax.fori_loop(0, 1024 // 16, fill_zvec, 0)

        for k in range(RPS // CH2):
            pltpu.sync_copy(zs.at[0], wacc.at[pl.ds(s * RPS + k * CH2, CH2)])
        rem = RPS % CH2
        pltpu.sync_copy(
            zs.at[0, pl.ds(0, rem)],
            wacc.at[pl.ds(s * RPS + (RPS // CH2) * CH2, rem)],
        )

        @pl.when(s == 0)
        def _():
            for k in range(N // 1000):
                pltpu.sync_copy(zvec.at[pl.ds(0, 1000)], dacc.at[pl.ds(k * 1000, 1000)])

        mshift = m_v[...]

        for t in range(2):
            pltpu.sync_copy(ei_hbm.at[t, pl.ds(r0, SUP)], idx_s.at[0, t])
            pltpu.async_copy(ei_hbm.at[t, pl.ds(r0 + SUP, SUP)], idx_s.at[1, t], isem)
        pltpu.async_copy(z_hbm.at[idx_s.at[0, 0, 0]], zbuf.at[0], gsem[0])

        plsc.subcore_barrier()

        iot16 = jnp.arange(16, dtype=jnp.int32)

        def pair(t, carry):
            for b in (0, 1):
                ch = 2 * t + b

                @pl.when(ch < NCHUNK)
                def _():
                    g = ch // SUP
                    cm = ch % SUP
                    gb = g % 2
                    nxt = ch + 1

                    @pl.when((nxt < NCHUNK) & (nxt % SUP == 0))
                    def _():
                        gn = nxt // SUP
                        for t2 in range(2):
                            pltpu.make_async_copy(
                                ei_hbm.at[t2, pl.ds(r0 + gn * SUP, SUP)],
                                idx_s.at[gn % 2, t2], isem,
                            ).wait()

                    @pl.when(nxt < NCHUNK)
                    def _():
                        pltpu.async_copy(
                            z_hbm.at[idx_s.at[(nxt // SUP) % 2, 0, nxt % SUP]],
                            zbuf.at[1 - b], gsem[1 - b],
                        )

                    @pl.when(ch >= 2)
                    def _():
                        pltpu.make_async_copy(
                            p_c.at[b], dacc.at[dstx.at[b]], psem[b]
                        ).wait()

                    for k in range(CH // 16):
                        srcv = idx_s[gb, 0, cm, pl.ds(k * 16, 16)]
                        dstv = idx_s[gb, 1, cm, pl.ds(k * 16, 16)]
                        sv = plsc.load_gather(s_v, [srcv])
                        dv = plsc.load_gather(d_v, [dstv])
                        e = sv + dv
                        e = jnp.where(e > 0, e, e * _NEG_SLOPE)
                        p_c[b, pl.ds(k * 16, 16)] = jnp.exp(e - mshift)
                        dstx[b, pl.ds(k * 16, 16)] = dstv

                    pltpu.make_async_copy(
                        z_hbm.at[idx_s.at[gb, 0, cm]], zbuf.at[b], gsem[b]
                    ).wait()

                    @pl.when((nxt < NCHUNK) & (nxt % SUP == 0)
                             & (nxt // SUP + 1 < NCHUNK // SUP))
                    def _():
                        gn1 = nxt // SUP + 1
                        for t2 in range(2):
                            pltpu.async_copy(
                                ei_hbm.at[t2, pl.ds(r0 + gn1 * SUP, SUP)],
                                idx_s.at[gn1 % 2, t2], isem,
                            )

                    bvec = jnp.full((16,), b, jnp.int32)

                    for h in (0, 1):
                        hidx = dstx.at[b, pl.ds(h * CH2, CH2)]

                        @pl.when(ch >= 1)
                        def _():
                            pltpu.make_async_copy(
                                zs.at[h], wacc.at[hidx], hsem[h]
                            ).wait()

                        @plsc.parallel_loop(0, CH2, 1, unroll=8)
                        def conv(r):
                            row = h * CH2 + r
                            pb = plsc.load_gather(
                                p_c, [bvec, jnp.full((16,), row, jnp.int32)]
                            )
                            dst_row = zs.at[h, r]
                            for k in range(D // 32):
                                w = zbuf[b, row, pl.ds(k * 32, 32)]
                                ea, eo = plsc.unpack(
                                    w, format=plsc.PackFormat.INTERLEAVED
                                )
                                plsc.store_scatter(
                                    dst_row, [k * 32 + 2 * iot16], ea * pb
                                )
                                plsc.store_scatter(
                                    dst_row, [k * 32 + 2 * iot16 + 1], eo * pb
                                )

                        pltpu.async_copy(
                            zs.at[h], wacc.at[hidx], hsem[h], add=True
                        )

                    pltpu.async_copy(
                        p_c.at[b], dacc.at[dstx.at[b]], psem[b], add=True
                    )

            return carry

        lax.fori_loop(0, (NCHUNK + 1) // 2, pair, 0)

        for h in (0, 1):
            pltpu.make_async_copy(
                zs.at[h], wacc.at[dstx.at[0, pl.ds(h * CH2, CH2)]], hsem[h]
            ).wait()
        for b in (0, 1):
            pltpu.make_async_copy(p_c.at[b], dacc.at[dstx.at[b]], psem[b]).wait()

        plsc.subcore_barrier()
        pltpu.sync_copy(wacc.at[pl.ds(s * RPS, RPS)], wp_hbm.at[c, pl.ds(s * RPS, RPS)])

        @pl.when(s == 0)
        def _():
            pltpu.sync_copy(dacc, dp_hbm.at[c])

    return sc_gat


def _tc_post_body(wp_ref, dp_ref, o_ref):
    w = wp_ref[0] + wp_ref[1]
    den = dp_ref[0] + dp_ref[1]
    o_ref[...] = jnp.where(den > 0, w / den, 0.0)


def _tc_post(wp, dp3):
    return pl.pallas_call(
        _tc_post_body,
        grid=(N // _ROWBLK,),
        in_specs=[
            pl.BlockSpec((NC, _ROWBLK, D), lambda i: (0, i, 0)),
            pl.BlockSpec((NC, _ROWBLK, 1), lambda i: (0, i, 0)),
        ],
        out_specs=pl.BlockSpec((_ROWBLK, D), lambda i: (i, 0)),
        out_shape=jax.ShapeDtypeStruct((N, D), jnp.float32),
    )(wp, dp3)


def kernel(h, edge_index, W_fc, W_attn):
    a2 = W_attn.reshape(2, D).T
    z, s1, d1, _mx, m16 = _tc_pre(h, W_fc, a2)
    ei = edge_index.reshape(2, E // CH, CH)
    wp, dp = _get_sc_gat()(z, s1.reshape(N), d1.reshape(N), ei, m16.reshape(16))
    return _tc_post(wp, dp.reshape(NC, N, 1))

# --- scband reference (transcript-rebuilt; emitter-appended) ---
"""Pipeline reference for scband-gatlayer-76836964925866 (READ-ONLY COPY).

The authoritative reference and input builder live on the scoring server;
editing this copy changes nothing except your own understanding.
"""

import jax, jax.numpy as jnp
import numpy as np

N = 10000
E = 320000
IN_DIM = 128
OUT_DIM = 128


def setup_inputs(seed: int = 0) -> dict:
    key = jax.random.key(seed)
    k1, k2, k3, k4 = jax.random.split(key, 4)
    h = jax.random.normal(k1, (N, IN_DIM), dtype=jnp.float32)
    edge_index = jax.random.randint(k2, (2, E), 0, N, dtype=jnp.int32)
    # learned params (nn.Linear without bias): fc [in, out], attn_fc [2*out, 1]
    W_fc = jax.random.normal(k3, (IN_DIM, OUT_DIM), dtype=jnp.float32) * (1.0 / np.sqrt(IN_DIM))
    W_attn = jax.random.normal(k4, (2 * OUT_DIM, 1), dtype=jnp.float32) * (1.0 / np.sqrt(2 * OUT_DIM))
    return {"h": h, "edge_index": edge_index, "W_fc": W_fc, "W_attn": W_attn}


def reference(h, edge_index, W_fc, W_attn):
    # z = fc(h)
    z = h @ W_fc  # [N, OUT]
    src = edge_index[0]
    dst = edge_index[1]
    # gather src/dst node features per edge (DGL apply_edges)
    z_src = jnp.take(z, src, axis=0)  # [E, OUT]
    z_dst = jnp.take(z, dst, axis=0)  # [E, OUT]
    # edge attention: leaky_relu(attn_fc(cat(z_src, z_dst)))
    z2 = jnp.concatenate([z_src, z_dst], axis=1)  # [E, 2*OUT]
    e = jax.nn.leaky_relu(z2 @ W_attn, negative_slope=0.01)[:, 0]  # [E]
    # softmax over incoming edges of each dst node (DGL reduce_func softmax over mailbox)
    e_max = jax.ops.segment_max(e, dst, num_segments=N)
    e_max = jnp.where(jnp.isfinite(e_max), e_max, 0.0)  # isolated nodes -> 0
    e_exp = jnp.exp(e - jnp.take(e_max, dst, axis=0))
    denom = jax.ops.segment_sum(e_exp, dst, num_segments=N)
    alpha = e_exp / jnp.take(denom, dst, axis=0)  # [E]
    # weighted sum of src messages per dst node
    out = jax.ops.segment_sum(alpha[:, None] * z_src, dst, num_segments=N)  # [N, OUT]
    return out

if __name__ == "__main__":
    import jax
    _d = setup_inputs()
    print(jax.jit(kernel)(*tuple(_d.values())))

</pallas_src>

<mosaic_0001>
#map = affine_map<(d0, d1) -> (0, 0)>
#map1 = affine_map<(d0, d1) -> (0)>
#map2 = affine_map<(d0, d1) -> (0, 0, 0)>
module attributes {stable_mosaic.version = 14 : i64} {
  func.func @sc_gat(%arg0: i32, %arg1: i32, %arg2: memref<10000x128xbf16, #tpu.memory_space<hbm>>, %arg3: memref<10000xf32, #tpu.memory_space<hbm>>, %arg4: memref<10000xf32, #tpu.memory_space<hbm>>, %arg5: memref<2x4000x80xi32, #tpu.memory_space<hbm>>, %arg6: memref<16xf32, #tpu.memory_space<hbm>>, %arg7: memref<2x10000x128xf32, #tpu.memory_space<hbm>>, %arg8: memref<2x10000xf32, #tpu.memory_space<hbm>>, %arg9: memref<10000xf32, #tpu.memory_space<vmem>>, %arg10: memref<10000xf32, #tpu.memory_space<vmem>>, %arg11: memref<2x2x25x80xi32, #tpu.memory_space<vmem>>, %arg12: memref<2x80xf32, #tpu.memory_space<vmem>>, %arg13: memref<2x80xi32, #tpu.memory_space<vmem>>, %arg14: memref<2x80x128xbf16, #tpu.memory_space<vmem>>, %arg15: memref<2x40x128xf32, #tpu.memory_space<vmem>>, %arg16: memref<1024xf32, #tpu.memory_space<vmem>>, %arg17: memref<16xf32, #tpu.memory_space<vmem>>, %arg18: memref<10000x128xf32, #tpu.memory_space<vmem_shared>>, %arg19: memref<10000xf32, #tpu.memory_space<vmem_shared>>, %arg20: memref<!tpu.dma_semaphore, #tpu.memory_space<semaphore_mem>>, %arg21: memref<!tpu.dma_semaphore, #tpu.memory_space<semaphore_mem>>, %arg22: memref<!tpu.dma_semaphore, #tpu.memory_space<semaphore_mem>>, %arg23: memref<!tpu.dma_semaphore, #tpu.memory_space<semaphore_mem>>, %arg24: memref<!tpu.dma_semaphore, #tpu.memory_space<semaphore_mem>>, %arg25: memref<!tpu.dma_semaphore, #tpu.memory_space<semaphore_mem>>, %arg26: memref<!tpu.dma_semaphore, #tpu.memory_space<semaphore_mem>>) attributes {dimension_semantics = [#tpu.dimension_semantics<core_parallel>, #tpu.dimension_semantics<subcore_parallel>], iteration_bounds = array<i64: 2, 16>, scalar_prefetch = 0 : i64, scratch_operands = 18 : i64, tpu.core_type = #tpu.core_type<sc_vector_subcore>, window_params = [{transform_indices = #map}, {transform_indices = #map1}, {transform_indices = #map1}, {transform_indices = #map2}, {transform_indices = #map1}, {transform_indices = #map2}, {transform_indices = #map}]} {
    %mul3A = arith.constant 16 : i32
    %mul3A_0 = arith.muli %arg0, %mul3A : i32
    %add3A = arith.addi %mul3A_0, %arg1 : i32
    %mul3A_1 = arith.constant 125 : i32
    %mul3A_2 = arith.muli %add3A, %mul3A_1 : i32
    "tpu.region"() ({
      %run_scoped3A_213 = tpu.sem_alloc : memref<!tpu.dma_semaphore, #tpu.memory_space<semaphore_mem>>
      tpu.enqueue_dma source(%arg3 : memref<10000xf32, #tpu.memory_space<hbm>>) target(%arg9 : memref<10000xf32, #tpu.memory_space<vmem>>) target_semaphore(%run_scoped3A_213 : memref<!tpu.dma_semaphore, #tpu.memory_space<semaphore_mem>>)
      tpu.wait_dma2 semaphore(%run_scoped3A_213 : memref<!tpu.dma_semaphore, #tpu.memory_space<semaphore_mem>>) src(%arg3 : memref<10000xf32, #tpu.memory_space<hbm>>) dst(%arg9 : memref<10000xf32, #tpu.memory_space<vmem>>)
      tpu.yield
    }) : () -> ()
    "tpu.region"() ({
      %run_scoped3A_213 = tpu.sem_alloc : memref<!tpu.dma_semaphore, #tpu.memory_space<semaphore_mem>>
      tpu.enqueue_dma source(%arg4 : memref<10000xf32, #tpu.memory_space<hbm>>) target(%arg10 : memref<10000xf32, #tpu.memory_space<vmem>>) target_semaphore(%run_scoped3A_213 : memref<!tpu.dma_semaphore, #tpu.memory_space<semaphore_mem>>)
      tpu.wait_dma2 semaphore(%run_scoped3A_213 : memref<!tpu.dma_semaphore, #tpu.memory_space<semaphore_mem>>) src(%arg4 : memref<10000xf32, #tpu.memory_space<hbm>>) dst(%arg10 : memref<10000xf32, #tpu.memory_space<vmem>>)
      tpu.yield
    }) : () -> ()
    "tpu.region"() ({
      %run_scoped3A_213 = tpu.sem_alloc : memref<!tpu.dma_semaphore, #tpu.memory_space<semaphore_mem>>
      tpu.enqueue_dma source(%arg6 : memref<16xf32, #tpu.memory_space<hbm>>) target(%arg17 : memref<16xf32, #tpu.memory_space<vmem>>) target_semaphore(%run_scoped3A_213 : memref<!tpu.dma_semaphore, #tpu.memory_space<semaphore_mem>>)
      tpu.wait_dma2 semaphore(%run_scoped3A_213 : memref<!tpu.dma_semaphore, #tpu.memory_space<semaphore_mem>>) src(%arg6 : memref<16xf32, #tpu.memory_space<hbm>>) dst(%arg17 : memref<16xf32, #tpu.memory_space<vmem>>)
      tpu.yield
    }) : () -> ()
    %broadcast_in_dim3A = arith.constant 0.000000e+00 : f32
    %broadcast_in_dim3A_3 = vector.broadcast %broadcast_in_dim3A : f32 to vector<16xf32>
    %scan3A = arith.constant 0 : i32
    %scan3A_4 = arith.constant 0 : i32
    %scan3A_5 = arith.constant 40 : i32
    %scan3A_6 = arith.addi %scan3A_4, %scan3A_5 : i32
    %scan3A_7 = arith.constant 1 : i32
    scf.for %scan3A_213 = %scan3A_4 to %scan3A_6 step %scan3A_7  : i32 {
      %swap3A = arith.constant 0 : i32
      %swap3A_214 = arith.index_cast %swap3A : i32 to index
      %swap3A_215 = arith.index_cast %scan3A_213 : i32 to index
      %swap3A_216 = arith.constant 0 : index
      %swap3A_217 = tpu.vector_load %arg15[%swap3A_214, %swap3A_215, %swap3A_216] {strides = array<i32>} : memref<2x40x128xf32, #tpu.memory_space<vmem>>, vector<16xf32>,
      tpu.vector_store %arg15[%swap3A_214, %swap3A_215, %swap3A_216], %broadcast_in_dim3A_3 {strides = array<i32>} : memref<2x40x128xf32, #tpu.memory_space<vmem>>, vector<16xf32>,
      %swap3A_218 = arith.constant 0 : i32
      %swap3A_219 = arith.index_cast %swap3A_218 : i32 to index
      %swap3A_220 = arith.index_cast %scan3A_213 : i32 to index
      %swap3A_221 = arith.constant 16 : index
      %swap3A_222 = tpu.vector_load %arg15[%swap3A_219, %swap3A_220, %swap3A_221] {strides = array<i32>} : memref<2x40x128xf32, #tpu.memory_space<vmem>>, vector<16xf32>,
      tpu.vector_store %arg15[%swap3A_219, %swap3A_220, %swap3A_221], %broadcast_in_dim3A_3 {strides = array<i32>} : memref<2x40x128xf32, #tpu.memory_space<vmem>>, vector<16xf32>,
      %swap3A_223 = arith.constant 0 : i32
      %swap3A_224 = arith.index_cast %swap3A_223 : i32 to index
      %swap3A_225 = arith.index_cast %scan3A_213 : i32 to index
      %swap3A_226 = arith.constant 32 : index
      %swap3A_227 = tpu.vector_load %arg15[%swap3A_224, %swap3A_225, %swap3A_226] {strides = array<i32>} : memref<2x40x128xf32, #tpu.memory_space<vmem>>, vector<16xf32>,
      tpu.vector_store %arg15[%swap3A_224, %swap3A_225, %swap3A_226], %broadcast_in_dim3A_3 {strides = array<i32>} : memref<2x40x128xf32, #tpu.memory_space<vmem>>, vector<16xf32>,
      %swap3A_228 = arith.constant 0 : i32
      %swap3A_229 = arith.index_cast %swap3A_228 : i32 to index
      %swap3A_230 = arith.index_cast %scan3A_213 : i32 to index
      %swap3A_231 = arith.constant 48 : index
      %swap3A_232 = tpu.vector_load %arg15[%swap3A_229, %swap3A_230, %swap3A_231] {strides = array<i32>} : memref<2x40x128xf32, #tpu.memory_space<vmem>>, vector<16xf32>,
      tpu.vector_store %arg15[%swap3A_229, %swap3A_230, %swap3A_231], %broadcast_in_dim3A_3 {strides = array<i32>} : memref<2x40x128xf32, #tpu.memory_space<vmem>>, vector<16xf32>,
      %swap3A_233 = arith.constant 0 : i32
      %swap3A_234 = arith.index_cast %swap3A_233 : i32 to index
      %swap3A_235 = arith.index_cast %scan3A_213 : i32 to index
      %swap3A_236 = arith.constant 64 : index
      %swap3A_237 = tpu.vector_load %arg15[%swap3A_234, %swap3A_235, %swap3A_236] {strides = array<i32>} : memref<2x40x128xf32, #tpu.memory_space<vmem>>, vector<16xf32>,
      tpu.vector_store %arg15[%swap3A_234, %swap3A_235, %swap3A_236], %broadcast_in_dim3A_3 {strides = array<i32>} : memref<2x40x128xf32, #tpu.memory_space<vmem>>, vector<16xf32>,
      %swap3A_238 = arith.constant 0 : i32
      %swap3A_239 = arith.index_cast %swap3A_238 : i32 to index
      %swap3A_240 = arith.index_cast %scan3A_213 : i32 to index
      %swap3A_241 = arith.constant 80 : index
      %swap3A_242 = tpu.vector_load %arg15[%swap3A_239, %swap3A_240, %swap3A_241] {strides = array<i32>} : memref<2x40x128xf32, #tpu.memory_space<vmem>>, vector<16xf32>,
      tpu.vector_store %arg15[%swap3A_239, %swap3A_240, %swap3A_241], %broadcast_in_dim3A_3 {strides = array<i32>} : memref<2x40x128xf32, #tpu.memory_space<vmem>>, vector<16xf32>,
      %swap3A_243 = arith.constant 0 : i32
      %swap3A_244 = arith.index_cast %swap3A_243 : i32 to index
      %swap3A_245 = arith.index_cast %scan3A_213 : i32 to index
      %swap3A_246 = arith.constant 96 : index
      %swap3A_247 = tpu.vector_load %arg15[%swap3A_244, %swap3A_245, %swap3A_246] {strides = array<i32>} : memref<2x40x128xf32, #tpu.memory_space<vmem>>, vector<16xf32>,
      tpu.vector_store %arg15[%swap3A_244, %swap3A_245, %swap3A_246], %broadcast_in_dim3A_3 {strides = array<i32>} : memref<2x40x128xf32, #tpu.memory_space<vmem>>, vector<16xf32>,
      %swap3A_248 = arith.constant 0 : i32
      %swap3A_249 = arith.index_cast %swap3A_248 : i32 to index
      %swap3A_250 = arith.index_cast %scan3A_213 : i32 to index
      %swap3A_251 = arith.constant 112 : index
      %swap3A_252 = tpu.vector_load %arg15[%swap3A_249, %swap3A_250, %swap3A_251] {strides = array<i32>} : memref<2x40x128xf32, #tpu.memory_space<vmem>>, vector<16xf32>,
      tpu.vector_store %arg15[%swap3A_249, %swap3A_250, %swap3A_251], %broadcast_in_dim3A_3 {strides = array<i32>} : memref<2x40x128xf32, #tpu.memory_space<vmem>>, vector<16xf32>,
      %swap3A_253 = arith.constant 1 : i32
      %swap3A_254 = arith.index_cast %swap3A_253 : i32 to index
      %swap3A_255 = arith.index_cast %scan3A_213 : i32 to index
      %swap3A_256 = arith.constant 0 : index
      %swap3A_257 = tpu.vector_load %arg15[%swap3A_254, %swap3A_255, %swap3A_256] {strides = array<i32>} : memref<2x40x128xf32, #tpu.memory_space<vmem>>, vector<16xf32>,
      tpu.vector_store %arg15[%swap3A_254, %swap3A_255, %swap3A_256], %broadcast_in_dim3A_3 {strides = array<i32>} : memref<2x40x128xf32, #tpu.memory_space<vmem>>, vector<16xf32>,
      %swap3A_258 = arith.constant 1 : i32
      %swap3A_259 = arith.index_cast %swap3A_258 : i32 to index
      %swap3A_260 = arith.index_cast %scan3A_213 : i32 to index
      %swap3A_261 = arith.constant 16 : index
      %swap3A_262 = tpu.vector_load %arg15[%swap3A_259, %swap3A_260, %swap3A_261] {strides = array<i32>} : memref<2x40x128xf32, #tpu.memory_space<vmem>>, vector<16xf32>,
      tpu.vector_store %arg15[%swap3A_259, %swap3A_260, %swap3A_261], %broadcast_in_dim3A_3 {strides = array<i32>} : memref<2x40x128xf32, #tpu.memory_space<vmem>>, vector<16xf32>,
      %swap3A_263 = arith.constant 1 : i32
      %swap3A_264 = arith.index_cast %swap3A_263 : i32 to index
      %swap3A_265 = arith.index_cast %scan3A_213 : i32 to index
      %swap3A_266 = arith.constant 32 : index
      %swap3A_267 = tpu.vector_load %arg15[%swap3A_264, %swap3A_265, %swap3A_266] {strides = array<i32>} : memref<2x40x128xf32, #tpu.memory_space<vmem>>, vector<16xf32>,
      tpu.vector_store %arg15[%swap3A_264, %swap3A_265, %swap3A_266], %broadcast_in_dim3A_3 {strides = array<i32>} : memref<2x40x128xf32, #tpu.memory_space<vmem>>, vector<16xf32>,
      %swap3A_268 = arith.constant 1 : i32
      %swap3A_269 = arith.index_cast %swap3A_268 : i32 to index
      %swap3A_270 = arith.index_cast %scan3A_213 : i32 to index
      %swap3A_271 = arith.constant 48 : index
      %swap3A_272 = tpu.vector_load %arg15[%swap3A_269, %swap3A_270, %swap3A_271] {strides = array<i32>} : memref<2x40x128xf32, #tpu.memory_space<vmem>>, vector<16xf32>,
      tpu.vector_store %arg15[%swap3A_269, %swap3A_270, %swap3A_271], %broadcast_in_dim3A_3 {strides = array<i32>} : memref<2x40x128xf32, #tpu.memory_space<vmem>>, vector<16xf32>,
      %swap3A_273 = arith.constant 1 : i32
      %swap3A_274 = arith.index_cast %swap3A_273 : i32 to index
      %swap3A_275 = arith.index_cast %scan3A_213 : i32 to index
      %swap3A_276 = arith.constant 64 : index
      %swap3A_277 = tpu.vector_load %arg15[%swap3A_274, %swap3A_275, %swap3A_276] {strides = array<i32>} : memref<2x40x128xf32, #tpu.memory_space<vmem>>, vector<16xf32>,
      tpu.vector_store %arg15[%swap3A_274, %swap3A_275, %swap3A_276], %broadcast_in_dim3A_3 {strides = array<i32>} : memref<2x40x128xf32, #tpu.memory_space<vmem>>, vector<16xf32>,
      %swap3A_278 = arith.constant 1 : i32
      %swap3A_279 = arith.index_cast %swap3A_278 : i32 to index
      %swap3A_280 = arith.index_cast %scan3A_213 : i32 to index
      %swap3A_281 = arith.constant 80 : index
      %swap3A_282 = tpu.vector_load %arg15[%swap3A_279, %swap3A_280, %swap3A_281] {strides = array<i32>} : memref<2x40x128xf32, #tpu.memory_space<vmem>>, vector<16xf32>,
      tpu.vector_store %arg15[%swap3A_279, %swap3A_280, %swap3A_281], %broadcast_in_dim3A_3 {strides = array<i32>} : memref<2x40x128xf32, #tpu.memory_space<vmem>>, vector<16xf32>,
      %swap3A_283 = arith.constant 1 : i32
      %swap3A_284 = arith.index_cast %swap3A_283 : i32 to index
      %swap3A_285 = arith.index_cast %scan3A_213 : i32 to index
      %swap3A_286 = arith.constant 96 : index
      %swap3A_287 = tpu.vector_load %arg15[%swap3A_284, %swap3A_285, %swap3A_286] {strides = array<i32>} : memref<2x40x128xf32, #tpu.memory_space<vmem>>, vector<16xf32>,
      tpu.vector_store %arg15[%swap3A_284, %swap3A_285, %swap3A_286], %broadcast_in_dim3A_3 {strides = array<i32>} : memref<2x40x128xf32, #tpu.memory_space<vmem>>, vector<16xf32>,
      %swap3A_288 = arith.constant 1 : i32
      %swap3A_289 = arith.index_cast %swap3A_288 : i32 to index
      %swap3A_290 = arith.index_cast %scan3A_213 : i32 to index
      %swap3A_291 = arith.constant 112 : index
      %swap3A_292 = tpu.vector_load %arg15[%swap3A_289, %swap3A_290, %swap3A_291] {strides = array<i32>} : memref<2x40x128xf32, #tpu.memory_space<vmem>>, vector<16xf32>,
      tpu.vector_store %arg15[%swap3A_289, %swap3A_290, %swap3A_291], %broadcast_in_dim3A_3 {strides = array<i32>} : memref<2x40x128xf32, #tpu.memory_space<vmem>>, vector<16xf32>,
    }
    %scan3A_8 = arith.constant 40 : i32
    %scan3A_9 = arith.constant 0 : i32
    %scan3A_10 = arith.constant 0 : i32
    %scan3A_11 = arith.constant 64 : i32
    %scan3A_12 = arith.addi %scan3A_10, %scan3A_11 : i32
    %scan3A_13 = arith.constant 1 : i32
    scf.for %scan3A_213 = %scan3A_10 to %scan3A_12 step %scan3A_13  : i32 {
      %mul3A_214 = arith.constant 16 : i32
      %mul3A_215 = arith.muli %scan3A_213, %mul3A_214 : i32
      %swap3A = arith.index_cast %mul3A_215 : i32 to index
      %swap3A_216 = tpu.vector_load %arg16[%swap3A] {strides = array<i32>} : memref<1024xf32, #tpu.memory_space<vmem>>, vector<16xf32>,
      tpu.vector_store %arg16[%swap3A], %broadcast_in_dim3A_3 {strides = array<i32>} : memref<1024xf32, #tpu.memory_space<vmem>>, vector<16xf32>,
    }
    %scan3A_14 = arith.constant 64 : i32
    %mul3A_15 = arith.constant 625 : i32
    %mul3A_16 = arith.muli %arg1, %mul3A_15 : i32
    %add3A_17 = arith.constant 0 : i32
    %add3A_18 = arith.addi %mul3A_16, %add3A_17 : i32
    %run_scoped3A = arith.constant 0 : i32
    "tpu.region"() ({
      %run_scoped3A_213 = tpu.sem_alloc : memref<!tpu.dma_semaphore, #tpu.memory_space<semaphore_mem>>
      %dma_start3A_214 = arith.constant 0 : i32
      %dma_start3A_215 = arith.constant 0 : i32
      %dma_start3A_216 = tpu.memref_slice %arg15[%run_scoped3A, %dma_start3A_214, %dma_start3A_215] : memref<2x40x128xf32, #tpu.memory_space<vmem>> -> memref<1x40x128xf32, #tpu.memory_space<vmem>>
      %dma_start3A_217 = tpu.memref_squeeze %dma_start3A_216 : memref<1x40x128xf32, #tpu.memory_space<vmem>> -> memref<40x128xf32, #tpu.memory_space<vmem>>
      %dma_start3A_218 = arith.constant 0 : i32
      %dma_start3A_219 = tpu.memref_slice %arg18[%add3A_18, %dma_start3A_218] : memref<10000x128xf32, #tpu.memory_space<vmem_shared>> -> memref<40x128xf32, #tpu.memory_space<vmem_shared>>
      %dma_start3A_220 = arith.constant 0 : i32
      %dma_start3A_221 = tpu.memref_slice %arg18[%add3A_18, %dma_start3A_220] : memref<10000x128xf32, #tpu.memory_space<vmem_shared>> -> memref<40x128xf32, #tpu.memory_space<vmem_shared>>
      %dma_start3A_222 = arith.constant 0 : i32
      %dma_start3A_223 = arith.constant 0 : i32
      %dma_start3A_224 = tpu.memref_slice %arg15[%run_scoped3A, %dma_start3A_222, %dma_start3A_223] : memref<2x40x128xf32, #tpu.memory_space<vmem>> -> memref<1x40x128xf32, #tpu.memory_space<vmem>>
      %dma_start3A_225 = tpu.memref_squeeze %dma_start3A_224 : memref<1x40x128xf32, #tpu.memory_space<vmem>> -> memref<40x128xf32, #tpu.memory_space<vmem>>
      tpu.enqueue_dma source(%dma_start3A_225 : memref<40x128xf32, #tpu.memory_space<vmem>>) target(%dma_start3A_221 : memref<40x128xf32, #tpu.memory_space<vmem_shared>>) target_semaphore(%run_scoped3A_213 : memref<!tpu.dma_semaphore, #tpu.memory_space<semaphore_mem>>)
      %dma_wait3A_226 = arith.constant 0 : i32
      %dma_wait3A_227 = arith.constant 0 : i32
      %dma_wait3A_228 = tpu.memref_slice %arg15[%run_scoped3A, %dma_wait3A_226, %dma_wait3A_227] : memref<2x40x128xf32, #tpu.memory_space<vmem>> -> memref<1x40x128xf32, #tpu.memory_space<vmem>>
      %dma_wait3A_229 = tpu.memref_squeeze %dma_wait3A_228 : memref<1x40x128xf32, #tpu.memory_space<vmem>> -> memref<40x128xf32, #tpu.memory_space<vmem>>
      %dma_wait3A_230 = arith.constant 0 : i32
      %dma_wait3A_231 = tpu.memref_slice %arg18[%add3A_18, %dma_wait3A_230] : memref<10000x128xf32, #tpu.memory_space<vmem_shared>> -> memref<40x128xf32, #tpu.memory_space<vmem_shared>>
      %dma_wait3A_232 = arith.constant 0 : i32
      %dma_wait3A_233 = tpu.memref_slice %arg18[%add3A_18, %dma_wait3A_232] : memref<10000x128xf32, #tpu.memory_space<vmem_shared>> -> memref<40x128xf32, #tpu.memory_space<vmem_shared>>
      %dma_wait3A_234 = arith.constant 0 : i32
      %dma_wait3A_235 = arith.constant 0 : i32
      %dma_wait3A_236 = tpu.memref_slice %arg15[%run_scoped3A, %dma_wait3A_234, %dma_wait3A_235] : memref<2x40x128xf32, #tpu.memory_space<vmem>> -> memref<1x40x128xf32, #tpu.memory_space<vmem>>
      %dma_wait3A_237 = tpu.memref_squeeze %dma_wait3A_236 : memref<1x40x128xf32, #tpu.memory_space<vmem>> -> memref<40x128xf32, #tpu.memory_space<vmem>>
      tpu.wait_dma2 semaphore(%run_scoped3A_213 : memref<!tpu.dma_semaphore, #tpu.memory_space<semaphore_mem>>) src(%dma_wait3A_237 : memref<40x128xf32, #tpu.memory_space<vmem>>) dst(%dma_wait3A_233 : memref<40x128xf32, #tpu.memory_space<vmem_shared>>)
      tpu.yield
    }) : () -> ()
    %mul3A_19 = arith.constant 625 : i32
    %mul3A_20 = arith.muli %arg1, %mul3A_19 : i32
    %add3A_21 = arith.constant 40 : i32
    %add3A_22 = arith.addi %mul3A_20, %add3A_21 : i32
    %run_scoped3A_23 = arith.constant 0 : i32
    "tpu.region"() ({
      %run_scoped3A_213 = tpu.sem_alloc : memref<!tpu.dma_semaphore, #tpu.memory_space<semaphore_mem>>
      %dma_start3A_214 = arith.constant 0 : i32
      %dma_start3A_215 = arith.constant 0 : i32
      %dma_start3A_216 = tpu.memref_slice %arg15[%run_scoped3A_23, %dma_start3A_214, %dma_start3A_215] : memref<2x40x128xf32, #tpu.memory_space<vmem>> -> memref<1x40x128xf32, #tpu.memory_space<vmem>>
      %dma_start3A_217 = tpu.memref_squeeze %dma_start3A_216 : memref<1x40x128xf32, #tpu.memory_space<vmem>> -> memref<40x128xf32, #tpu.memory_space<vmem>>
      %dma_start3A_218 = arith.constant 0 : i32
      %dma_start3A_219 = tpu.memref_slice %arg18[%add3A_22, %dma_start3A_218] : memref<10000x128xf32, #tpu.memory_space<vmem_shared>> -> memref<40x128xf32, #tpu.memory_space<vmem_shared>>
      %dma_start3A_220 = arith.constant 0 : i32
      %dma_start3A_221 = tpu.memref_slice %arg18[%add3A_22, %dma_start3A_220] : memref<10000x128xf32, #tpu.memory_space<vmem_shared>> -> memref<40x128xf32, #tpu.memory_space<vmem_shared>>
      %dma_start3A_222 = arith.constant 0 : i32
      %dma_start3A_223 = arith.constant 0 : i32
      %dma_start3A_224 = tpu.memref_slice %arg15[%run_scoped3A_23, %dma_start3A_222, %dma_start3A_223] : memref<2x40x128xf32, #tpu.memory_space<vmem>> -> memref<1x40x128xf32, #tpu.memory_space<vmem>>
      %dma_start3A_225 = tpu.memref_squeeze %dma_start3A_224 : memref<1x40x128xf32, #tpu.memory_space<vmem>> -> memref<40x128xf32, #tpu.memory_space<vmem>>
      tpu.enqueue_dma source(%dma_start3A_225 : memref<40x128xf32, #tpu.memory_space<vmem>>) target(%dma_start3A_221 : memref<40x128xf32, #tpu.memory_space<vmem_shared>>) target_semaphore(%run_scoped3A_213 : memref<!tpu.dma_semaphore, #tpu.memory_space<semaphore_mem>>)
      %dma_wait3A_226 = arith.constant 0 : i32
      %dma_wait3A_227 = arith.constant 0 : i32
      %dma_wait3A_228 = tpu.memref_slice %arg15[%run_scoped3A_23, %dma_wait3A_226, %dma_wait3A_227] : memref<2x40x128xf32, #tpu.memory_space<vmem>> -> memref<1x40x128xf32, #tpu.memory_space<vmem>>
      %dma_wait3A_229 = tpu.memref_squeeze %dma_wait3A_228 : memref<1x40x128xf32, #tpu.memory_space<vmem>> -> memref<40x128xf32, #tpu.memory_space<vmem>>
      %dma_wait3A_230 = arith.constant 0 : i32
      %dma_wait3A_231 = tpu.memref_slice %arg18[%add3A_22, %dma_wait3A_230] : memref<10000x128xf32, #tpu.memory_space<vmem_shared>> -> memref<40x128xf32, #tpu.memory_space<vmem_shared>>
      %dma_wait3A_232 = arith.constant 0 : i32
      %dma_wait3A_233 = tpu.memref_slice %arg18[%add3A_22, %dma_wait3A_232] : memref<10000x128xf32, #tpu.memory_space<vmem_shared>> -> memref<40x128xf32, #tpu.memory_space<vmem_shared>>
      %dma_wait3A_234 = arith.constant 0 : i32
      %dma_wait3A_235 = arith.constant 0 : i32
      %dma_wait3A_236 = tpu.memref_slice %arg15[%run_scoped3A_23, %dma_wait3A_234, %dma_wait3A_235] : memref<2x40x128xf32, #tpu.memory_space<vmem>> -> memref<1x40x128xf32, #tpu.memory_space<vmem>>
      %dma_wait3A_237 = tpu.memref_squeeze %dma_wait3A_236 : memref<1x40x128xf32, #tpu.memory_space<vmem>> -> memref<40x128xf32, #tpu.memory_space<vmem>>
      tpu.wait_dma2 semaphore(%run_scoped3A_213 : memref<!tpu.dma_semaphore, #tpu.memory_space<semaphore_mem>>) src(%dma_wait3A_237 : memref<40x128xf32, #tpu.memory_space<vmem>>) dst(%dma_wait3A_233 : memref<40x128xf32, #tpu.memory_space<vmem_shared>>)
      tpu.yield
    }) : () -> ()
    %mul3A_24 = arith.constant 625 : i32
    %mul3A_25 = arith.muli %arg1, %mul3A_24 : i32
    %add3A_26 = arith.constant 80 : i32
    %add3A_27 = arith.addi %mul3A_25, %add3A_26 : i32
    %run_scoped3A_28 = arith.constant 0 : i32
    "tpu.region"() ({
      %run_scoped3A_213 = tpu.sem_alloc : memref<!tpu.dma_semaphore, #tpu.memory_space<semaphore_mem>>
      %dma_start3A_214 = arith.constant 0 : i32
      %dma_start3A_215 = arith.constant 0 : i32
      %dma_start3A_216 = tpu.memref_slice %arg15[%run_scoped3A_28, %dma_start3A_214, %dma_start3A_215] : memref<2x40x128xf32, #tpu.memory_space<vmem>> -> memref<1x40x128xf32, #tpu.memory_space<vmem>>
      %dma_start3A_217 = tpu.memref_squeeze %dma_start3A_216 : memref<1x40x128xf32, #tpu.memory_space<vmem>> -> memref<40x128xf32, #tpu.memory_space<vmem>>
      %dma_start3A_218 = arith.constant 0 : i32
      %dma_start3A_219 = tpu.memref_slice %arg18[%add3A_27, %dma_start3A_218] : memref<10000x128xf32, #tpu.memory_space<vmem_shared>> -> memref<40x128xf32, #tpu.memory_space<vmem_shared>>
      %dma_start3A_220 = arith.constant 0 : i32
      %dma_start3A_221 = tpu.memref_slice %arg18[%add3A_27, %dma_start3A_220] : memref<10000x128xf32, #tpu.memory_space<vmem_shared>> -> memref<40x128xf32, #tpu.memory_space<vmem_shared>>
      %dma_start3A_222 = arith.constant 0 : i32
      %dma_start3A_223 = arith.constant 0 : i32
      %dma_start3A_224 = tpu.memref_slice %arg15[%run_scoped3A_28, %dma_start3A_222, %dma_start3A_223] : memref<2x40x128xf32, #tpu.memory_space<vmem>> -> memref<1x40x128xf32, #tpu.memory_space<vmem>>
      %dma_start3A_225 = tpu.memref_squeeze %dma_start3A_224 : memref<1x40x128xf32, #tpu.memory_space<vmem>> -> memref<40x128xf32, #tpu.memory_space<vmem>>
      tpu.enqueue_dma source(%dma_start3A_225 : memref<40x128xf32, #tpu.memory_space<vmem>>) target(%dma_start3A_221 : memref<40x128xf32, #tpu.memory_space<vmem_shared>>) target_semaphore(%run_scoped3A_213 : memref<!tpu.dma_semaphore, #tpu.memory_space<semaphore_mem>>)
      %dma_wait3A_226 = arith.constant 0 : i32
      %dma_wait3A_227 = arith.constant 0 : i32
      %dma_wait3A_228 = tpu.memref_slice %arg15[%run_scoped3A_28, %dma_wait3A_226, %dma_wait3A_227] : memref<2x40x128xf32, #tpu.memory_space<vmem>> -> memref<1x40x128xf32, #tpu.memory_space<vmem>>
      %dma_wait3A_229 = tpu.memref_squeeze %dma_wait3A_228 : memref<1x40x128xf32, #tpu.memory_space<vmem>> -> memref<40x128xf32, #tpu.memory_space<vmem>>
      %dma_wait3A_230 = arith.constant 0 : i32
      %dma_wait3A_231 = tpu.memref_slice %arg18[%add3A_27, %dma_wait3A_230] : memref<10000x128xf32, #tpu.memory_space<vmem_shared>> -> memref<40x128xf32, #tpu.memory_space<vmem_shared>>
      %dma_wait3A_232 = arith.constant 0 : i32
      %dma_wait3A_233 = tpu.memref_slice %arg18[%add3A_27, %dma_wait3A_232] : memref<10000x128xf32, #tpu.memory_space<vmem_shared>> -> memref<40x128xf32, #tpu.memory_space<vmem_shared>>
      %dma_wait3A_234 = arith.constant 0 : i32
      %dma_wait3A_235 = arith.constant 0 : i32
      %dma_wait3A_236 = tpu.memref_slice %arg15[%run_scoped3A_28, %dma_wait3A_234, %dma_wait3A_235] : memref<2x40x128xf32, #tpu.memory_space<vmem>> -> memref<1x40x128xf32, #tpu.memory_space<vmem>>
      %dma_wait3A_237 = tpu.memref_squeeze %dma_wait3A_236 : memref<1x40x128xf32, #tpu.memory_space<vmem>> -> memref<40x128xf32, #tpu.memory_space<vmem>>
      tpu.wait_dma2 semaphore(%run_scoped3A_213 : memref<!tpu.dma_semaphore, #tpu.memory_space<semaphore_mem>>) src(%dma_wait3A_237 : memref<40x128xf32, #tpu.memory_space<vmem>>) dst(%dma_wait3A_233 : memref<40x128xf32, #tpu.memory_space<vmem_shared>>)
      tpu.yield
    }) : () -> ()
    %mul3A_29 = arith.constant 625 : i32
    %mul3A_30 = arith.muli %arg1, %mul3A_29 : i32
    %add3A_31 = arith.constant 120 : i32
    %add3A_32 = arith.addi %mul3A_30, %add3A_31 : i32
    %run_scoped3A_33 = arith.constant 0 : i32
    "tpu.region"() ({
      %run_scoped3A_213 = tpu.sem_alloc : memref<!tpu.dma_semaphore, #tpu.memory_space<semaphore_mem>>
      %dma_start3A_214 = arith.constant 0 : i32
      %dma_start3A_215 = arith.constant 0 : i32
      %dma_start3A_216 = tpu.memref_slice %arg15[%run_scoped3A_33, %dma_start3A_214, %dma_start3A_215] : memref<2x40x128xf32, #tpu.memory_space<vmem>> -> memref<1x40x128xf32, #tpu.memory_space<vmem>>
      %dma_start3A_217 = tpu.memref_squeeze %dma_start3A_216 : memref<1x40x128xf32, #tpu.memory_space<vmem>> -> memref<40x128xf32, #tpu.memory_space<vmem>>
      %dma_start3A_218 = arith.constant 0 : i32
      %dma_start3A_219 = tpu.memref_slice %arg18[%add3A_32, %dma_start3A_218] : memref<10000x128xf32, #tpu.memory_space<vmem_shared>> -> memref<40x128xf32, #tpu.memory_space<vmem_shared>>
      %dma_start3A_220 = arith.constant 0 : i32
      %dma_start3A_221 = tpu.memref_slice %arg18[%add3A_32, %dma_start3A_220] : memref<10000x128xf32, #tpu.memory_space<vmem_shared>> -> memref<40x128xf32, #tpu.memory_space<vmem_shared>>
      %dma_start3A_222 = arith.constant 0 : i32
      %dma_start3A_223 = arith.constant 0 : i32
      %dma_start3A_224 = tpu.memref_slice %arg15[%run_scoped3A_33, %dma_start3A_222, %dma_start3A_223] : memref<2x40x128xf32, #tpu.memory_space<vmem>> -> memref<1x40x128xf32, #tpu.memory_space<vmem>>
      %dma_start3A_225 = tpu.memref_squeeze %dma_start3A_224 : memref<1x40x128xf32, #tpu.memory_space<vmem>> -> memref<40x128xf32, #tpu.memory_space<vmem>>
      tpu.enqueue_dma source(%dma_start3A_225 : memref<40x128xf32, #tpu.memory_space<vmem>>) target(%dma_start3A_221 : memref<40x128xf32, #tpu.memory_space<vmem_shared>>) target_semaphore(%run_scoped3A_213 : memref<!tpu.dma_semaphore, #tpu.memory_space<semaphore_mem>>)
      %dma_wait3A_226 = arith.constant 0 : i32
      %dma_wait3A_227 = arith.constant 0 : i32
      %dma_wait3A_228 = tpu.memref_slice %arg15[%run_scoped3A_33, %dma_wait3A_226, %dma_wait3A_227] : memref<2x40x128xf32, #tpu.memory_space<vmem>> -> memref<1x40x128xf32, #tpu.memory_space<vmem>>
      %dma_wait3A_229 = tpu.memref_squeeze %dma_wait3A_228 : memref<1x40x128xf32, #tpu.memory_space<vmem>> -> memref<40x128xf32, #tpu.memory_space<vmem>>
      %dma_wait3A_230 = arith.constant 0 : i32
      %dma_wait3A_231 = tpu.memref_slice %arg18[%add3A_32, %dma_wait3A_230] : memref<10000x128xf32, #tpu.memory_space<vmem_shared>> -> memref<40x128xf32, #tpu.memory_space<vmem_shared>>
      %dma_wait3A_232 = arith.constant 0 : i32
      %dma_wait3A_233 = tpu.memref_slice %arg18[%add3A_32, %dma_wait3A_232] : memref<10000x128xf32, #tpu.memory_space<vmem_shared>> -> memref<40x128xf32, #tpu.memory_space<vmem_shared>>
      %dma_wait3A_234 = arith.constant 0 : i32
      %dma_wait3A_235 = arith.constant 0 : i32
      %dma_wait3A_236 = tpu.memref_slice %arg15[%run_scoped3A_33, %dma_wait3A_234, %dma_wait3A_235] : memref<2x40x128xf32, #tpu.memory_space<vmem>> -> memref<1x40x128xf32, #tpu.memory_space<vmem>>
      %dma_wait3A_237 = tpu.memref_squeeze %dma_wait3A_236 : memref<1x40x128xf32, #tpu.memory_space<vmem>> -> memref<40x128xf32, #tpu.memory_space<vmem>>
      tpu.wait_dma2 semaphore(%run_scoped3A_213 : memref<!tpu.dma_semaphore, #tpu.memory_space<semaphore_mem>>) src(%dma_wait3A_237 : memref<40x128xf32, #tpu.memory_space<vmem>>) dst(%dma_wait3A_233 : memref<40x128xf32, #tpu.memory_space<vmem_shared>>)
      tpu.yield
    }) : () -> ()
    %mul3A_34 = arith.constant 625 : i32
    %mul3A_35 = arith.muli %arg1, %mul3A_34 : i32
    %add3A_36 = arith.constant 160 : i32
    %add3A_37 = arith.addi %mul3A_35, %add3A_36 : i32
    %run_scoped3A_38 = arith.constant 0 : i32
    "tpu.region"() ({
      %run_scoped3A_213 = tpu.sem_alloc : memref<!tpu.dma_semaphore, #tpu.memory_space<semaphore_mem>>
      %dma_start3A_214 = arith.constant 0 : i32
      %dma_start3A_215 = arith.constant 0 : i32
      %dma_start3A_216 = tpu.memref_slice %arg15[%run_scoped3A_38, %dma_start3A_214, %dma_start3A_215] : memref<2x40x128xf32, #tpu.memory_space<vmem>> -> memref<1x40x128xf32, #tpu.memory_space<vmem>>
      %dma_start3A_217 = tpu.memref_squeeze %dma_start3A_216 : memref<1x40x128xf32, #tpu.memory_space<vmem>> -> memref<40x128xf32, #tpu.memory_space<vmem>>
      %dma_start3A_218 = arith.constant 0 : i32
      %dma_start3A_219 = tpu.memref_slice %arg18[%add3A_37, %dma_start3A_218] : memref<10000x128xf32, #tpu.memory_space<vmem_shared>> -> memref<40x128xf32, #tpu.memory_space<vmem_shared>>
      %dma_start3A_220 = arith.constant 0 : i32
      %dma_start3A_221 = tpu.memref_slice %arg18[%add3A_37, %dma_start3A_220] : memref<10000x128xf32, #tpu.memory_space<vmem_shared>> -> memref<40x128xf32, #tpu.memory_space<vmem_shared>>
      %dma_start3A_222 = arith.constant 0 : i32
      %dma_start3A_223 = arith.constant 0 : i32
      %dma_start3A_224 = tpu.memref_slice %arg15[%run_scoped3A_38, %dma_start3A_222, %dma_start3A_223] : memref<2x40x128xf32, #tpu.memory_space<vmem>> -> memref<1x40x128xf32, #tpu.memory_space<vmem>>
      %dma_start3A_225 = tpu.memref_squeeze %dma_start3A_224 : memref<1x40x128xf32, #tpu.memory_space<vmem>> -> memref<40x128xf32, #tpu.memory_space<vmem>>
      tpu.enqueue_dma source(%dma_start3A_225 : memref<40x128xf32, #tpu.memory_space<vmem>>) target(%dma_start3A_221 : memref<40x128xf32, #tpu.memory_space<vmem_shared>>) target_semaphore(%run_scoped3A_213 : memref<!tpu.dma_semaphore, #tpu.memory_space<semaphore_mem>>)
      %dma_wait3A_226 = arith.constant 0 : i32
      %dma_wait3A_227 = arith.constant 0 : i32
      %dma_wait3A_228 = tpu.memref_slice %arg15[%run_scoped3A_38, %dma_wait3A_226, %dma_wait3A_227] : memref<2x40x128xf32, #tpu.memory_space<vmem>> -> memref<1x40x128xf32, #tpu.memory_space<vmem>>
      %dma_wait3A_229 = tpu.memref_squeeze %dma_wait3A_228 : memref<1x40x128xf32, #tpu.memory_space<vmem>> -> memref<40x128xf32, #tpu.memory_space<vmem>>
      %dma_wait3A_230 = arith.constant 0 : i32
      %dma_wait3A_231 = tpu.memref_slice %arg18[%add3A_37, %dma_wait3A_230] : memref<10000x128xf32, #tpu.memory_space<vmem_shared>> -> memref<40x128xf32, #tpu.memory_space<vmem_shared>>
      %dma_wait3A_232 = arith.constant 0 : i32
      %dma_wait3A_233 = tpu.memref_slice %arg18[%add3A_37, %dma_wait3A_232] : memref<10000x128xf32, #tpu.memory_space<vmem_shared>> -> memref<40x128xf32, #tpu.memory_space<vmem_shared>>
      %dma_wait3A_234 = arith.constant 0 : i32
      %dma_wait3A_235 = arith.constant 0 : i32
      %dma_wait3A_236 = tpu.memref_slice %arg15[%run_scoped3A_38, %dma_wait3A_234, %dma_wait3A_235] : memref<2x40x128xf32, #tpu.memory_space<vmem>> -> memref<1x40x128xf32, #tpu.memory_space<vmem>>
      %dma_wait3A_237 = tpu.memref_squeeze %dma_wait3A_236 : memref<1x40x128xf32, #tpu.memory_space<vmem>> -> memref<40x128xf32, #tpu.memory_space<vmem>>
      tpu.wait_dma2 semaphore(%run_scoped3A_213 : memref<!tpu.dma_semaphore, #tpu.memory_space<semaphore_mem>>) src(%dma_wait3A_237 : memref<40x128xf32, #tpu.memory_space<vmem>>) dst(%dma_wait3A_233 : memref<40x128xf32, #tpu.memory_space<vmem_shared>>)
      tpu.yield
    }) : () -> ()
    %mul3A_39 = arith.constant 625 : i32
    %mul3A_40 = arith.muli %arg1, %mul3A_39 : i32
    %add3A_41 = arith.constant 200 : i32
    %add3A_42 = arith.addi %mul3A_40, %add3A_41 : i32
    %run_scoped3A_43 = arith.constant 0 : i32
    "tpu.region"() ({
      %run_scoped3A_213 = tpu.sem_alloc : memref<!tpu.dma_semaphore, #tpu.memory_space<semaphore_mem>>
      %dma_start3A_214 = arith.constant 0 : i32
      %dma_start3A_215 = arith.constant 0 : i32
      %dma_start3A_216 = tpu.memref_slice %arg15[%run_scoped3A_43, %dma_start3A_214, %dma_start3A_215] : memref<2x40x128xf32, #tpu.memory_space<vmem>> -> memref<1x40x128xf32, #tpu.memory_space<vmem>>
      %dma_start3A_217 = tpu.memref_squeeze %dma_start3A_216 : memref<1x40x128xf32, #tpu.memory_space<vmem>> -> memref<40x128xf32, #tpu.memory_space<vmem>>
      %dma_start3A_218 = arith.constant 0 : i32
      %dma_start3A_219 = tpu.memref_slice %arg18[%add3A_42, %dma_start3A_218] : memref<10000x128xf32, #tpu.memory_space<vmem_shared>> -> memref<40x128xf32, #tpu.memory_space<vmem_shared>>
      %dma_start3A_220 = arith.constant 0 : i32
      %dma_start3A_221 = tpu.memref_slice %arg18[%add3A_42, %dma_start3A_220] : memref<10000x128xf32, #tpu.memory_space<vmem_shared>> -> memref<40x128xf32, #tpu.memory_space<vmem_shared>>
      %dma_start3A_222 = arith.constant 0 : i32
      %dma_start3A_223 = arith.constant 0 : i32
      %dma_start3A_224 = tpu.memref_slice %arg15[%run_scoped3A_43, %dma_start3A_222, %dma_start3A_223] : memref<2x40x128xf32, #tpu.memory_space<vmem>> -> memref<1x40x128xf32, #tpu.memory_space<vmem>>
      %dma_start3A_225 = tpu.memref_squeeze %dma_start3A_224 : memref<1x40x128xf32, #tpu.memory_space<vmem>> -> memref<40x128xf32, #tpu.memory_space<vmem>>
      tpu.enqueue_dma source(%dma_start3A_225 : memref<40x128xf32, #tpu.memory_space<vmem>>) target(%dma_start3A_221 : memref<40x128xf32, #tpu.memory_space<vmem_shared>>) target_semaphore(%run_scoped3A_213 : memref<!tpu.dma_semaphore, #tpu.memory_space<semaphore_mem>>)
      %dma_wait3A_226 = arith.constant 0 : i32
      %dma_wait3A_227 = arith.constant 0 : i32
      %dma_wait3A_228 = tpu.memref_slice %arg15[%run_scoped3A_43, %dma_wait3A_226, %dma_wait3A_227] : memref<2x40x128xf32, #tpu.memory_space<vmem>> -> memref<1x40x128xf32, #tpu.memory_space<vmem>>
      %dma_wait3A_229 = tpu.memref_squeeze %dma_wait3A_228 : memref<1x40x128xf32, #tpu.memory_space<vmem>> -> memref<40x128xf32, #tpu.memory_space<vmem>>
      %dma_wait3A_230 = arith.constant 0 : i32
      %dma_wait3A_231 = tpu.memref_slice %arg18[%add3A_42, %dma_wait3A_230] : memref<10000x128xf32, #tpu.memory_space<vmem_shared>> -> memref<40x128xf32, #tpu.memory_space<vmem_shared>>
      %dma_wait3A_232 = arith.constant 0 : i32
      %dma_wait3A_233 = tpu.memref_slice %arg18[%add3A_42, %dma_wait3A_232] : memref<10000x128xf32, #tpu.memory_space<vmem_shared>> -> memref<40x128xf32, #tpu.memory_space<vmem_shared>>
      %dma_wait3A_234 = arith.constant 0 : i32
      %dma_wait3A_235 = arith.constant 0 : i32
      %dma_wait3A_236 = tpu.memref_slice %arg15[%run_scoped3A_43, %dma_wait3A_234, %dma_wait3A_235] : memref<2x40x128xf32, #tpu.memory_space<vmem>> -> memref<1x40x128xf32, #tpu.memory_space<vmem>>
      %dma_wait3A_237 = tpu.memref_squeeze %dma_wait3A_236 : memref<1x40x128xf32, #tpu.memory_space<vmem>> -> memref<40x128xf32, #tpu.memory_space<vmem>>
      tpu.wait_dma2 semaphore(%run_scoped3A_213 : memref<!tpu.dma_semaphore, #tpu.memory_space<semaphore_mem>>) src(%dma_wait3A_237 : memref<40x128xf32, #tpu.memory_space<vmem>>) dst(%dma_wait3A_233 : memref<40x128xf32, #tpu.memory_space<vmem_shared>>)
      tpu.yield
    }) : () -> ()
    %mul3A_44 = arith.constant 625 : i32
    %mul3A_45 = arith.muli %arg1, %mul3A_44 : i32
    %add3A_46 = arith.constant 240 : i32
    %add3A_47 = arith.addi %mul3A_45, %add3A_46 : i32
    %run_scoped3A_48 = arith.constant 0 : i32
    "tpu.region"() ({
      %run_scoped3A_213 = tpu.sem_alloc : memref<!tpu.dma_semaphore, #tpu.memory_space<semaphore_mem>>
      %dma_start3A_214 = arith.constant 0 : i32
      %dma_start3A_215 = arith.constant 0 : i32
      %dma_start3A_216 = tpu.memref_slice %arg15[%run_scoped3A_48, %dma_start3A_214, %dma_start3A_215] : memref<2x40x128xf32, #tpu.memory_space<vmem>> -> memref<1x40x128xf32, #tpu.memory_space<vmem>>
      %dma_start3A_217 = tpu.memref_squeeze %dma_start3A_216 : memref<1x40x128xf32, #tpu.memory_space<vmem>> -> memref<40x128xf32, #tpu.memory_space<vmem>>
      %dma_start3A_218 = arith.constant 0 : i32
      %dma_start3A_219 = tpu.memref_slice %arg18[%add3A_47, %dma_start3A_218] : memref<10000x128xf32, #tpu.memory_space<vmem_shared>> -> memref<40x128xf32, #tpu.memory_space<vmem_shared>>
      %dma_start3A_220 = arith.constant 0 : i32
      %dma_start3A_221 = tpu.memref_slice %arg18[%add3A_47, %dma_start3A_220] : memref<10000x128xf32, #tpu.memory_space<vmem_shared>> -> memref<40x128xf32, #tpu.memory_space<vmem_shared>>
      %dma_start3A_222 = arith.constant 0 : i32
      %dma_start3A_223 = arith.constant 0 : i32
      %dma_start3A_224 = tpu.memref_slice %arg15[%run_scoped3A_48, %dma_start3A_222, %dma_start3A_223] : memref<2x40x128xf32, #tpu.memory_space<vmem>> -> memref<1x40x128xf32, #tpu.memory_space<vmem>>
      %dma_start3A_225 = tpu.memref_squeeze %dma_start3A_224 : memref<1x40x128xf32, #tpu.memory_space<vmem>> -> memref<40x128xf32, #tpu.memory_space<vmem>>
      tpu.enqueue_dma source(%dma_start3A_225 : memref<40x128xf32, #tpu.memory_space<vmem>>) target(%dma_start3A_221 : memref<40x128xf32, #tpu.memory_space<vmem_shared>>) target_semaphore(%run_scoped3A_213 : memref<!tpu.dma_semaphore, #tpu.memory_space<semaphore_mem>>)
      %dma_wait3A_226 = arith.constant 0 : i32
      %dma_wait3A_227 = arith.constant 0 : i32
      %dma_wait3A_228 = tpu.memref_slice %arg15[%run_scoped3A_48, %dma_wait3A_226, %dma_wait3A_227] : memref<2x40x128xf32, #tpu.memory_space<vmem>> -> memref<1x40x128xf32, #tpu.memory_space<vmem>>
      %dma_wait3A_229 = tpu.memref_squeeze %dma_wait3A_228 : memref<1x40x128xf32, #tpu.memory_space<vmem>> -> memref<40x128xf32, #tpu.memory_space<vmem>>
      %dma_wait3A_230 = arith.constant 0 : i32
      %dma_wait3A_231 = tpu.memref_slice %arg18[%add3A_47, %dma_wait3A_230] : memref<10000x128xf32, #tpu.memory_space<vmem_shared>> -> memref<40x128xf32, #tpu.memory_space<vmem_shared>>
      %dma_wait3A_232 = arith.constant 0 : i32
      %dma_wait3A_233 = tpu.memref_slice %arg18[%add3A_47, %dma_wait3A_232] : memref<10000x128xf32, #tpu.memory_space<vmem_shared>> -> memref<40x128xf32, #tpu.memory_space<vmem_shared>>
      %dma_wait3A_234 = arith.constant 0 : i32
      %dma_wait3A_235 = arith.constant 0 : i32
      %dma_wait3A_236 = tpu.memref_slice %arg15[%run_scoped3A_48, %dma_wait3A_234, %dma_wait3A_235] : memref<2x40x128xf32, #tpu.memory_space<vmem>> -> memref<1x40x128xf32, #tpu.memory_space<vmem>>
      %dma_wait3A_237 = tpu.memref_squeeze %dma_wait3A_236 : memref<1x40x128xf32, #tpu.memory_space<vmem>> -> memref<40x128xf32, #tpu.memory_space<vmem>>
      tpu.wait_dma2 semaphore(%run_scoped3A_213 : memref<!tpu.dma_semaphore, #tpu.memory_space<semaphore_mem>>) src(%dma_wait3A_237 : memref<40x128xf32, #tpu.memory_space<vmem>>) dst(%dma_wait3A_233 : memref<40x128xf32, #tpu.memory_space<vmem_shared>>)
      tpu.yield
    }) : () -> ()
    %mul3A_49 = arith.constant 625 : i32
    %mul3A_50 = arith.muli %arg1, %mul3A_49 : i32
    %add3A_51 = arith.constant 280 : i32
    %add3A_52 = arith.addi %mul3A_50, %add3A_51 : i32
    %run_scoped3A_53 = arith.constant 0 : i32
    "tpu.region"() ({
      %run_scoped3A_213 = tpu.sem_alloc : memref<!tpu.dma_semaphore, #tpu.memory_space<semaphore_mem>>
      %dma_start3A_214 = arith.constant 0 : i32
      %dma_start3A_215 = arith.constant 0 : i32
      %dma_start3A_216 = tpu.memref_slice %arg15[%run_scoped3A_53, %dma_start3A_214, %dma_start3A_215] : memref<2x40x128xf32, #tpu.memory_space<vmem>> -> memref<1x40x128xf32, #tpu.memory_space<vmem>>
      %dma_start3A_217 = tpu.memref_squeeze %dma_start3A_216 : memref<1x40x128xf32, #tpu.memory_space<vmem>> -> memref<40x128xf32, #tpu.memory_space<vmem>>
      %dma_start3A_218 = arith.constant 0 : i32
      %dma_start3A_219 = tpu.memref_slice %arg18[%add3A_52, %dma_start3A_218] : memref<10000x128xf32, #tpu.memory_space<vmem_shared>> -> memref<40x128xf32, #tpu.memory_space<vmem_shared>>
      %dma_start3A_220 = arith.constant 0 : i32
      %dma_start3A_221 = tpu.memref_slice %arg18[%add3A_52, %dma_start3A_220] : memref<10000x128xf32, #tpu.memory_space<vmem_shared>> -> memref<40x128xf32, #tpu.memory_space<vmem_shared>>
      %dma_start3A_222 = arith.constant 0 : i32
      %dma_start3A_223 = arith.constant 0 : i32
      %dma_start3A_224 = tpu.memref_slice %arg15[%run_scoped3A_53, %dma_start3A_222, %dma_start3A_223] : memref<2x40x128xf32, #tpu.memory_space<vmem>> -> memref<1x40x128xf32, #tpu.memory_space<vmem>>
      %dma_start3A_225 = tpu.memref_squeeze %dma_start3A_224 : memref<1x40x128xf32, #tpu.memory_space<vmem>> -> memref<40x128xf32, #tpu.memory_space<vmem>>
      tpu.enqueue_dma source(%dma_start3A_225 : memref<40x128xf32, #tpu.memory_space<vmem>>) target(%dma_start3A_221 : memref<40x128xf32, #tpu.memory_space<vmem_shared>>) target_semaphore(%run_scoped3A_213 : memref<!tpu.dma_semaphore, #tpu.memory_space<semaphore_mem>>)
      %dma_wait3A_226 = arith.constant 0 : i32
      %dma_wait3A_227 = arith.constant 0 : i32
      %dma_wait3A_228 = tpu.memref_slice %arg15[%run_scoped3A_53, %dma_wait3A_226, %dma_wait3A_227] : memref<2x40x128xf32, #tpu.memory_space<vmem>> -> memref<1x40x128xf32, #tpu.memory_space<vmem>>
      %dma_wait3A_229 = tpu.memref_squeeze %dma_wait3A_228 : memref<1x40x128xf32, #tpu.memory_space<vmem>> -> memref<40x128xf32, #tpu.memory_space<vmem>>
      %dma_wait3A_230 = arith.constant 0 : i32
      %dma_wait3A_231 = tpu.memref_slice %arg18[%add3A_52, %dma_wait3A_230] : memref<10000x128xf32, #tpu.memory_space<vmem_shared>> -> memref<40x128xf32, #tpu.memory_space<vmem_shared>>
      %dma_wait3A_232 = arith.constant 0 : i32
      %dma_wait3A_233 = tpu.memref_slice %arg18[%add3A_52, %dma_wait3A_232] : memref<10000x128xf32, #tpu.memory_space<vmem_shared>> -> memref<40x128xf32, #tpu.memory_space<vmem_shared>>
      %dma_wait3A_234 = arith.constant 0 : i32
      %dma_wait3A_235 = arith.constant 0 : i32
      %dma_wait3A_236 = tpu.memref_slice %arg15[%run_scoped3A_53, %dma_wait3A_234, %dma_wait3A_235] : memref<2x40x128xf32, #tpu.memory_space<vmem>> -> memref<1x40x128xf32, #tpu.memory_space<vmem>>
      %dma_wait3A_237 = tpu.memref_squeeze %dma_wait3A_236 : memref<1x40x128xf32, #tpu.memory_space<vmem>> -> memref<40x128xf32, #tpu.memory_space<vmem>>
      tpu.wait_dma2 semaphore(%run_scoped3A_213 : memref<!tpu.dma_semaphore, #tpu.memory_space<semaphore_mem>>) src(%dma_wait3A_237 : memref<40x128xf32, #tpu.memory_space<vmem>>) dst(%dma_wait3A_233 : memref<40x128xf32, #tpu.memory_space<vmem_shared>>)
      tpu.yield
    }) : () -> ()
    %mul3A_54 = arith.constant 625 : i32
    %mul3A_55 = arith.muli %arg1, %mul3A_54 : i32
    %add3A_56 = arith.constant 320 : i32
    %add3A_57 = arith.addi %mul3A_55, %add3A_56 : i32
    %run_scoped3A_58 = arith.constant 0 : i32
    "tpu.region"() ({
      %run_scoped3A_213 = tpu.sem_alloc : memref<!tpu.dma_semaphore, #tpu.memory_space<semaphore_mem>>
      %dma_start3A_214 = arith.constant 0 : i32
      %dma_start3A_215 = arith.constant 0 : i32
      %dma_start3A_216 = tpu.memref_slice %arg15[%run_scoped3A_58, %dma_start3A_214, %dma_start3A_215] : memref<2x40x128xf32, #tpu.memory_space<vmem>> -> memref<1x40x128xf32, #tpu.memory_space<vmem>>
      %dma_start3A_217 = tpu.memref_squeeze %dma_start3A_216 : memref<1x40x128xf32, #tpu.memory_space<vmem>> -> memref<40x128xf32, #tpu.memory_space<vmem>>
      %dma_start3A_218 = arith.constant 0 : i32
      %dma_start3A_219 = tpu.memref_slice %arg18[%add3A_57, %dma_start3A_218] : memref<10000x128xf32, #tpu.memory_space<vmem_shared>> -> memref<40x128xf32, #tpu.memory_space<vmem_shared>>
      %dma_start3A_220 = arith.constant 0 : i32
      %dma_start3A_221 = tpu.memref_slice %arg18[%add3A_57, %dma_start3A_220] : memref<10000x128xf32, #tpu.memory_space<vmem_shared>> -> memref<40x128xf32, #tpu.memory_space<vmem_shared>>
      %dma_start3A_222 = arith.constant 0 : i32
      %dma_start3A_223 = arith.constant 0 : i32
      %dma_start3A_224 = tpu.memref_slice %arg15[%run_scoped3A_58, %dma_start3A_222, %dma_start3A_223] : memref<2x40x128xf32, #tpu.memory_space<vmem>> -> memref<1x40x128xf32, #tpu.memory_space<vmem>>
      %dma_start3A_225 = tpu.memref_squeeze %dma_start3A_224 : memref<1x40x128xf32, #tpu.memory_space<vmem>> -> memref<40x128xf32, #tpu.memory_space<vmem>>
      tpu.enqueue_dma source(%dma_start3A_225 : memref<40x128xf32, #tpu.memory_space<vmem>>) target(%dma_start3A_221 : memref<40x128xf32, #tpu.memory_space<vmem_shared>>) target_semaphore(%run_scoped3A_213 : memref<!tpu.dma_semaphore, #tpu.memory_space<semaphore_mem>>)
      %dma_wait3A_226 = arith.constant 0 : i32
      %dma_wait3A_227 = arith.constant 0 : i32
      %dma_wait3A_228 = tpu.memref_slice %arg15[%run_scoped3A_58, %dma_wait3A_226, %dma_wait3A_227] : memref<2x40x128xf32, #tpu.memory_space<vmem>> -> memref<1x40x128xf32, #tpu.memory_space<vmem>>
      %dma_wait3A_229 = tpu.memref_squeeze %dma_wait3A_228 : memref<1x40x128xf32, #tpu.memory_space<vmem>> -> memref<40x128xf32, #tpu.memory_space<vmem>>
      %dma_wait3A_230 = arith.constant 0 : i32
      %dma_wait3A_231 = tpu.memref_slice %arg18[%add3A_57, %dma_wait3A_230] : memref<10000x128xf32, #tpu.memory_space<vmem_shared>> -> memref<40x128xf32, #tpu.memory_space<vmem_shared>>
      %dma_wait3A_232 = arith.constant 0 : i32
      %dma_wait3A_233 = tpu.memref_slice %arg18[%add3A_57, %dma_wait3A_232] : memref<10000x128xf32, #tpu.memory_space<vmem_shared>> -> memref<40x128xf32, #tpu.memory_space<vmem_shared>>
      %dma_wait3A_234 = arith.constant 0 : i32
      %dma_wait3A_235 = arith.constant 0 : i32
      %dma_wait3A_236 = tpu.memref_slice %arg15[%run_scoped3A_58, %dma_wait3A_234, %dma_wait3A_235] : memref<2x40x128xf32, #tpu.memory_space<vmem>> -> memref<1x40x128xf32, #tpu.memory_space<vmem>>
      %dma_wait3A_237 = tpu.memref_squeeze %dma_wait3A_236 : memref<1x40x128xf32, #tpu.memory_space<vmem>> -> memref<40x128xf32, #tpu.memory_space<vmem>>
      tpu.wait_dma2 semaphore(%run_scoped3A_213 : memref<!tpu.dma_semaphore, #tpu.memory_space<semaphore_mem>>) src(%dma_wait3A_237 : memref<40x128xf32, #tpu.memory_space<vmem>>) dst(%dma_wait3A_233 : memref<40x128xf32, #tpu.memory_space<vmem_shared>>)
      tpu.yield
    }) : () -> ()
    %mul3A_59 = arith.constant 625 : i32
    %mul3A_60 = arith.muli %arg1, %mul3A_59 : i32
    %add3A_61 = arith.constant 360 : i32
    %add3A_62 = arith.addi %mul3A_60, %add3A_61 : i32
    %run_scoped3A_63 = arith.constant 0 : i32
    "tpu.region"() ({
      %run_scoped3A_213 = tpu.sem_alloc : memref<!tpu.dma_semaphore, #tpu.memory_space<semaphore_mem>>
      %dma_start3A_214 = arith.constant 0 : i32
      %dma_start3A_215 = arith.constant 0 : i32
      %dma_start3A_216 = tpu.memref_slice %arg15[%run_scoped3A_63, %dma_start3A_214, %dma_start3A_215] : memref<2x40x128xf32, #tpu.memory_space<vmem>> -> memref<1x40x128xf32, #tpu.memory_space<vmem>>
      %dma_start3A_217 = tpu.memref_squeeze %dma_start3A_216 : memref<1x40x128xf32, #tpu.memory_space<vmem>> -> memref<40x128xf32, #tpu.memory_space<vmem>>
      %dma_start3A_218 = arith.constant 0 : i32
      %dma_start3A_219 = tpu.memref_slice %arg18[%add3A_62, %dma_start3A_218] : memref<10000x128xf32, #tpu.memory_space<vmem_shared>> -> memref<40x128xf32, #tpu.memory_space<vmem_shared>>
      %dma_start3A_220 = arith.constant 0 : i32
      %dma_start3A_221 = tpu.memref_slice %arg18[%add3A_62, %dma_start3A_220] : memref<10000x128xf32, #tpu.memory_space<vmem_shared>> -> memref<40x128xf32, #tpu.memory_space<vmem_shared>>
      %dma_start3A_222 = arith.constant 0 : i32
      %dma_start3A_223 = arith.constant 0 : i32
      %dma_start3A_224 = tpu.memref_slice %arg15[%run_scoped3A_63, %dma_start3A_222, %dma_start3A_223] : memref<2x40x128xf32, #tpu.memory_space<vmem>> -> memref<1x40x128xf32, #tpu.memory_space<vmem>>
      %dma_start3A_225 = tpu.memref_squeeze %dma_start3A_224 : memref<1x40x128xf32, #tpu.memory_space<vmem>> -> memref<40x128xf32, #tpu.memory_space<vmem>>
      tpu.enqueue_dma source(%dma_start3A_225 : memref<40x128xf32, #tpu.memory_space<vmem>>) target(%dma_start3A_221 : memref<40x128xf32, #tpu.memory_space<vmem_shared>>) target_semaphore(%run_scoped3A_213 : memref<!tpu.dma_semaphore, #tpu.memory_space<semaphore_mem>>)
      %dma_wait3A_226 = arith.constant 0 : i32
      %dma_wait3A_227 = arith.constant 0 : i32
      %dma_wait3A_228 = tpu.memref_slice %arg15[%run_scoped3A_63, %dma_wait3A_226, %dma_wait3A_227] : memref<2x40x128xf32, #tpu.memory_space<vmem>> -> memref<1x40x128xf32, #tpu.memory_space<vmem>>
      %dma_wait3A_229 = tpu.memref_squeeze %dma_wait3A_228 : memref<1x40x128xf32, #tpu.memory_space<vmem>> -> memref<40x128xf32, #tpu.memory_space<vmem>>
      %dma_wait3A_230 = arith.constant 0 : i32
      %dma_wait3A_231 = tpu.memref_slice %arg18[%add3A_62, %dma_wait3A_230] : memref<10000x128xf32, #tpu.memory_space<vmem_shared>> -> memref<40x128xf32, #tpu.memory_space<vmem_shared>>
      %dma_wait3A_232 = arith.constant 0 : i32
      %dma_wait3A_233 = tpu.memref_slice %arg18[%add3A_62, %dma_wait3A_232] : memref<10000x128xf32, #tpu.memory_space<vmem_shared>> -> memref<40x128xf32, #tpu.memory_space<vmem_shared>>
      %dma_wait3A_234 = arith.constant 0 : i32
      %dma_wait3A_235 = arith.constant 0 : i32
      %dma_wait3A_236 = tpu.memref_slice %arg15[%run_scoped3A_63, %dma_wait3A_234, %dma_wait3A_235] : memref<2x40x128xf32, #tpu.memory_space<vmem>> -> memref<1x40x128xf32, #tpu.memory_space<vmem>>
      %dma_wait3A_237 = tpu.memref_squeeze %dma_wait3A_236 : memref<1x40x128xf32, #tpu.memory_space<vmem>> -> memref<40x128xf32, #tpu.memory_space<vmem>>
      tpu.wait_dma2 semaphore(%run_scoped3A_213 : memref<!tpu.dma_semaphore, #tpu.memory_space<semaphore_mem>>) src(%dma_wait3A_237 : memref<40x128xf32, #tpu.memory_space<vmem>>) dst(%dma_wait3A_233 : memref<40x128xf32, #tpu.memory_space<vmem_shared>>)
      tpu.yield
    }) : () -> ()
    %mul3A_64 = arith.constant 625 : i32
    %mul3A_65 = arith.muli %arg1, %mul3A_64 : i32
    %add3A_66 = arith.constant 400 : i32
    %add3A_67 = arith.addi %mul3A_65, %add3A_66 : i32
    %run_scoped3A_68 = arith.constant 0 : i32
    "tpu.region"() ({
      %run_scoped3A_213 = tpu.sem_alloc : memref<!tpu.dma_semaphore, #tpu.memory_space<semaphore_mem>>
      %dma_start3A_214 = arith.constant 0 : i32
      %dma_start3A_215 = arith.constant 0 : i32
      %dma_start3A_216 = tpu.memref_slice %arg15[%run_scoped3A_68, %dma_start3A_214, %dma_start3A_215] : memref<2x40x128xf32, #tpu.memory_space<vmem>> -> memref<1x40x128xf32, #tpu.memory_space<vmem>>
      %dma_start3A_217 = tpu.memref_squeeze %dma_start3A_216 : memref<1x40x128xf32, #tpu.memory_space<vmem>> -> memref<40x128xf32, #tpu.memory_space<vmem>>
      %dma_start3A_218 = arith.constant 0 : i32
      %dma_start3A_219 = tpu.memref_slice %arg18[%add3A_67, %dma_start3A_218] : memref<10000x128xf32, #tpu.memory_space<vmem_shared>> -> memref<40x128xf32, #tpu.memory_space<vmem_shared>>
      %dma_start3A_220 = arith.constant 0 : i32
      %dma_start3A_221 = tpu.memref_slice %arg18[%add3A_67, %dma_start3A_220] : memref<10000x128xf32, #tpu.memory_space<vmem_shared>> -> memref<40x128xf32, #tpu.memory_space<vmem_shared>>
      %dma_start3A_222 = arith.constant 0 : i32
      %dma_start3A_223 = arith.constant 0 : i32
      %dma_start3A_224 = tpu.memref_slice %arg15[%run_scoped3A_68, %dma_start3A_222, %dma_start3A_223] : memref<2x40x128xf32, #tpu.memory_space<vmem>> -> memref<1x40x128xf32, #tpu.memory_space<vmem>>
      %dma_start3A_225 = tpu.memref_squeeze %dma_start3A_224 : memref<1x40x128xf32, #tpu.memory_space<vmem>> -> memref<40x128xf32, #tpu.memory_space<vmem>>
      tpu.enqueue_dma source(%dma_start3A_225 : memref<40x128xf32, #tpu.memory_space<vmem>>) target(%dma_start3A_221 : memref<40x128xf32, #tpu.memory_space<vmem_shared>>) target_semaphore(%run_scoped3A_213 : memref<!tpu.dma_semaphore, #tpu.memory_space<semaphore_mem>>)
      %dma_wait3A_226 = arith.constant 0 : i32
      %dma_wait3A_227 = arith.constant 0 : i32
      %dma_wait3A_228 = tpu.memref_slice %arg15[%run_scoped3A_68, %dma_wait3A_226, %dma_wait3A_227] : memref<2x40x128xf32, #tpu.memory_space<vmem>> -> memref<1x40x128xf32, #tpu.memory_space<vmem>>
      %dma_wait3A_229 = tpu.memref_squeeze %dma_wait3A_228 : memref<1x40x128xf32, #tpu.memory_space<vmem>> -> memref<40x128xf32, #tpu.memory_space<vmem>>
      %dma_wait3A_230 = arith.constant 0 : i32
      %dma_wait3A_231 = tpu.memref_slice %arg18[%add3A_67, %dma_wait3A_230] : memref<10000x128xf32, #tpu.memory_space<vmem_shared>> -> memref<40x128xf32, #tpu.memory_space<vmem_shared>>
      %dma_wait3A_232 = arith.constant 0 : i32
      %dma_wait3A_233 = tpu.memref_slice %arg18[%add3A_67, %dma_wait3A_232] : memref<10000x128xf32, #tpu.memory_space<vmem_shared>> -> memref<40x128xf32, #tpu.memory_space<vmem_shared>>
      %dma_wait3A_234 = arith.constant 0 : i32
      %dma_wait3A_235 = arith.constant 0 : i32
      %dma_wait3A_236 = tpu.memref_slice %arg15[%run_scoped3A_68, %dma_wait3A_234, %dma_wait3A_235] : memref<2x40x128xf32, #tpu.memory_space<vmem>> -> memref<1x40x128xf32, #tpu.memory_space<vmem>>
      %dma_wait3A_237 = tpu.memref_squeeze %dma_wait3A_236 : memref<1x40x128xf32, #tpu.memory_space<vmem>> -> memref<40x128xf32, #tpu.memory_space<vmem>>
      tpu.wait_dma2 semaphore(%run_scoped3A_213 : memref<!tpu.dma_semaphore, #tpu.memory_space<semaphore_mem>>) src(%dma_wait3A_237 : memref<40x128xf32, #tpu.memory_space<vmem>>) dst(%dma_wait3A_233 : memref<40x128xf32, #tpu.memory_space<vmem_shared>>)
      tpu.yield
    }) : () -> ()
    %mul3A_69 = arith.constant 625 : i32
    %mul3A_70 = arith.muli %arg1, %mul3A_69 : i32
    %add3A_71 = arith.constant 440 : i32
    %add3A_72 = arith.addi %mul3A_70, %add3A_71 : i32
    %run_scoped3A_73 = arith.constant 0 : i32
    "tpu.region"() ({
      %run_scoped3A_213 = tpu.sem_alloc : memref<!tpu.dma_semaphore, #tpu.memory_space<semaphore_mem>>
      %dma_start3A_214 = arith.constant 0 : i32
      %dma_start3A_215 = arith.constant 0 : i32
      %dma_start3A_216 = tpu.memref_slice %arg15[%run_scoped3A_73, %dma_start3A_214, %dma_start3A_215] : memref<2x40x128xf32, #tpu.memory_space<vmem>> -> memref<1x40x128xf32, #tpu.memory_space<vmem>>
      %dma_start3A_217 = tpu.memref_squeeze %dma_start3A_216 : memref<1x40x128xf32, #tpu.memory_space<vmem>> -> memref<40x128xf32, #tpu.memory_space<vmem>>
      %dma_start3A_218 = arith.constant 0 : i32
      %dma_start3A_219 = tpu.memref_slice %arg18[%add3A_72, %dma_start3A_218] : memref<10000x128xf32, #tpu.memory_space<vmem_shared>> -> memref<40x128xf32, #tpu.memory_space<vmem_shared>>
      %dma_start3A_220 = arith.constant 0 : i32
      %dma_start3A_221 = tpu.memref_slice %arg18[%add3A_72, %dma_start3A_220] : memref<10000x128xf32, #tpu.memory_space<vmem_shared>> -> memref<40x128xf32, #tpu.memory_space<vmem_shared>>
      %dma_start3A_222 = arith.constant 0 : i32
      %dma_start3A_223 = arith.constant 0 : i32
      %dma_start3A_224 = tpu.memref_slice %arg15[%run_scoped3A_73, %dma_start3A_222, %dma_start3A_223] : memref<2x40x128xf32, #tpu.memory_space<vmem>> -> memref<1x40x128xf32, #tpu.memory_space<vmem>>
      %dma_start3A_225 = tpu.memref_squeeze %dma_start3A_224 : memref<1x40x128xf32, #tpu.memory_space<vmem>> -> memref<40x128xf32, #tpu.memory_space<vmem>>
      tpu.enqueue_dma source(%dma_start3A_225 : memref<40x128xf32, #tpu.memory_space<vmem>>) target(%dma_start3A_221 : memref<40x128xf32, #tpu.memory_space<vmem_shared>>) target_semaphore(%run_scoped3A_213 : memref<!tpu.dma_semaphore, #tpu.memory_space<semaphore_mem>>)
      %dma_wait3A_226 = arith.constant 0 : i32
      %dma_wait3A_227 = arith.constant 0 : i32
      %dma_wait3A_228 = tpu.memref_slice %arg15[%run_scoped3A_73, %dma_wait3A_226, %dma_wait3A_227] : memref<2x40x128xf32, #tpu.memory_space<vmem>> -> memref<1x40x128xf32, #tpu.memory_space<vmem>>
      %dma_wait3A_229 = tpu.memref_squeeze %dma_wait3A_228 : memref<1x40x128xf32, #tpu.memory_space<vmem>> -> memref<40x128xf32, #tpu.memory_space<vmem>>
      %dma_wait3A_230 = arith.constant 0 : i32
      %dma_wait3A_231 = tpu.memref_slice %arg18[%add3A_72, %dma_wait3A_230] : memref<10000x128xf32, #tpu.memory_space<vmem_shared>> -> memref<40x128xf32, #tpu.memory_space<vmem_shared>>
      %dma_wait3A_232 = arith.constant 0 : i32
      %dma_wait3A_233 = tpu.memref_slice %arg18[%add3A_72, %dma_wait3A_232] : memref<10000x128xf32, #tpu.memory_space<vmem_shared>> -> memref<40x128xf32, #tpu.memory_space<vmem_shared>>
      %dma_wait3A_234 = arith.constant 0 : i32
      %dma_wait3A_235 = arith.constant 0 : i32
      %dma_wait3A_236 = tpu.memref_slice %arg15[%run_scoped3A_73, %dma_wait3A_234, %dma_wait3A_235] : memref<2x40x128xf32, #tpu.memory_space<vmem>> -> memref<1x40x128xf32, #tpu.memory_space<vmem>>
      %dma_wait3A_237 = tpu.memref_squeeze %dma_wait3A_236 : memref<1x40x128xf32, #tpu.memory_space<vmem>> -> memref<40x128xf32, #tpu.memory_space<vmem>>
      tpu.wait_dma2 semaphore(%run_scoped3A_213 : memref<!tpu.dma_semaphore, #tpu.memory_space<semaphore_mem>>) src(%dma_wait3A_237 : memref<40x128xf32, #tpu.memory_space<vmem>>) dst(%dma_wait3A_233 : memref<40x128xf32, #tpu.memory_space<vmem_shared>>)
      tpu.yield
    }) : () -> ()
    %mul3A_74 = arith.constant 625 : i32
    %mul3A_75 = arith.muli %arg1, %mul3A_74 : i32
    %add3A_76 = arith.constant 480 : i32
    %add3A_77 = arith.addi %mul3A_75, %add3A_76 : i32
    %run_scoped3A_78 = arith.constant 0 : i32
    "tpu.region"() ({
      %run_scoped3A_213 = tpu.sem_alloc : memref<!tpu.dma_semaphore, #tpu.memory_space<semaphore_mem>>
      %dma_start3A_214 = arith.constant 0 : i32
      %dma_start3A_215 = arith.constant 0 : i32
      %dma_start3A_216 = tpu.memref_slice %arg15[%run_scoped3A_78, %dma_start3A_214, %dma_start3A_215] : memref<2x40x128xf32, #tpu.memory_space<vmem>> -> memref<1x40x128xf32, #tpu.memory_space<vmem>>
      %dma_start3A_217 = tpu.memref_squeeze %dma_start3A_216 : memref<1x40x128xf32, #tpu.memory_space<vmem>> -> memref<40x128xf32, #tpu.memory_space<vmem>>
      %dma_start3A_218 = arith.constant 0 : i32
      %dma_start3A_219 = tpu.memref_slice %arg18[%add3A_77, %dma_start3A_218] : memref<10000x128xf32, #tpu.memory_space<vmem_shared>> -> memref<40x128xf32, #tpu.memory_space<vmem_shared>>
      %dma_start3A_220 = arith.constant 0 : i32
      %dma_start3A_221 = tpu.memref_slice %arg18[%add3A_77, %dma_start3A_220] : memref<10000x128xf32, #tpu.memory_space<vmem_shared>> -> memref<40x128xf32, #tpu.memory_space<vmem_shared>>
      %dma_start3A_222 = arith.constant 0 : i32
      %dma_start3A_223 = arith.constant 0 : i32
      %dma_start3A_224 = tpu.memref_slice %arg15[%run_scoped3A_78, %dma_start3A_222, %dma_start3A_223] : memref<2x40x128xf32, #tpu.memory_space<vmem>> -> memref<1x40x128xf32, #tpu.memory_space<vmem>>
      %dma_start3A_225 = tpu.memref_squeeze %dma_start3A_224 : memref<1x40x128xf32, #tpu.memory_space<vmem>> -> memref<40x128xf32, #tpu.memory_space<vmem>>
      tpu.enqueue_dma source(%dma_start3A_225 : memref<40x128xf32, #tpu.memory_space<vmem>>) target(%dma_start3A_221 : memref<40x128xf32, #tpu.memory_space<vmem_shared>>) target_semaphore(%run_scoped3A_213 : memref<!tpu.dma_semaphore, #tpu.memory_space<semaphore_mem>>)
      %dma_wait3A_226 = arith.constant 0 : i32
      %dma_wait3A_227 = arith.constant 0 : i32
      %dma_wait3A_228 = tpu.memref_slice %arg15[%run_scoped3A_78, %dma_wait3A_226, %dma_wait3A_227] : memref<2x40x128xf32, #tpu.memory_space<vmem>> -> memref<1x40x128xf32, #tpu.memory_space<vmem>>
      %dma_wait3A_229 = tpu.memref_squeeze %dma_wait3A_228 : memref<1x40x128xf32, #tpu.memory_space<vmem>> -> memref<40x128xf32, #tpu.memory_space<vmem>>
      %dma_wait3A_230 = arith.constant 0 : i32
      %dma_wait3A_231 = tpu.memref_slice %arg18[%add3A_77, %dma_wait3A_230] : memref<10000x128xf32, #tpu.memory_space<vmem_shared>> -> memref<40x128xf32, #tpu.memory_space<vmem_shared>>
      %dma_wait3A_232 = arith.constant 0 : i32
      %dma_wait3A_233 = tpu.memref_slice %arg18[%add3A_77, %dma_wait3A_232] : memref<10000x128xf32, #tpu.memory_space<vmem_shared>> -> memref<40x128xf32, #tpu.memory_space<vmem_shared>>
      %dma_wait3A_234 = arith.constant 0 : i32
      %dma_wait3A_235 = arith.constant 0 : i32
      %dma_wait3A_236 = tpu.memref_slice %arg15[%run_scoped3A_78, %dma_wait3A_234, %dma_wait3A_235] : memref<2x40x128xf32, #tpu.memory_space<vmem>> -> memref<1x40x128xf32, #tpu.memory_space<vmem>>
      %dma_wait3A_237 = tpu.memref_squeeze %dma_wait3A_236 : memref<1x40x128xf32, #tpu.memory_space<vmem>> -> memref<40x128xf32, #tpu.memory_space<vmem>>
      tpu.wait_dma2 semaphore(%run_scoped3A_213 : memref<!tpu.dma_semaphore, #tpu.memory_space<semaphore_mem>>) src(%dma_wait3A_237 : memref<40x128xf32, #tpu.memory_space<vmem>>) dst(%dma_wait3A_233 : memref<40x128xf32, #tpu.memory_space<vmem_shared>>)
      tpu.yield
    }) : () -> ()
    %mul3A_79 = arith.constant 625 : i32
    %mul3A_80 = arith.muli %arg1, %mul3A_79 : i32
    %add3A_81 = arith.constant 520 : i32
    %add3A_82 = arith.addi %mul3A_80, %add3A_81 : i32
    %run_scoped3A_83 = arith.constant 0 : i32
    "tpu.region"() ({
      %run_scoped3A_213 = tpu.sem_alloc : memref<!tpu.dma_semaphore, #tpu.memory_space<semaphore_mem>>
      %dma_start3A_214 = arith.constant 0 : i32
      %dma_start3A_215 = arith.constant 0 : i32
      %dma_start3A_216 = tpu.memref_slice %arg15[%run_scoped3A_83, %dma_start3A_214, %dma_start3A_215] : memref<2x40x128xf32, #tpu.memory_space<vmem>> -> memref<1x40x128xf32, #tpu.memory_space<vmem>>
      %dma_start3A_217 = tpu.memref_squeeze %dma_start3A_216 : memref<1x40x128xf32, #tpu.memory_space<vmem>> -> memref<40x128xf32, #tpu.memory_space<vmem>>
      %dma_start3A_218 = arith.constant 0 : i32
      %dma_start3A_219 = tpu.memref_slice %arg18[%add3A_82, %dma_start3A_218] : memref<10000x128xf32, #tpu.memory_space<vmem_shared>> -> memref<40x128xf32, #tpu.memory_space<vmem_shared>>
      %dma_start3A_220 = arith.constant 0 : i32
      %dma_start3A_221 = tpu.memref_slice %arg18[%add3A_82, %dma_start3A_220] : memref<10000x128xf32, #tpu.memory_space<vmem_shared>> -> memref<40x128xf32, #tpu.memory_space<vmem_shared>>
      %dma_start3A_222 = arith.constant 0 : i32
      %dma_start3A_223 = arith.constant 0 : i32
      %dma_start3A_224 = tpu.memref_slice %arg15[%run_scoped3A_83, %dma_start3A_222, %dma_start3A_223] : memref<2x40x128xf32, #tpu.memory_space<vmem>> -> memref<1x40x128xf32, #tpu.memory_space<vmem>>
      %dma_start3A_225 = tpu.memref_squeeze %dma_start3A_224 : memref<1x40x128xf32, #tpu.memory_space<vmem>> -> memref<40x128xf32, #tpu.memory_space<vmem>>
      tpu.enqueue_dma source(%dma_start3A_225 : memref<40x128xf32, #tpu.memory_space<vmem>>) target(%dma_start3A_221 : memref<40x128xf32, #tpu.memory_space<vmem_shared>>) target_semaphore(%run_scoped3A_213 : memref<!tpu.dma_semaphore, #tpu.memory_space<semaphore_mem>>)
      %dma_wait3A_226 = arith.constant 0 : i32
      %dma_wait3A_227 = arith.constant 0 : i32
      %dma_wait3A_228 = tpu.memref_slice %arg15[%run_scoped3A_83, %dma_wait3A_226, %dma_wait3A_227] : memref<2x40x128xf32, #tpu.memory_space<vmem>> -> memref<1x40x128xf32, #tpu.memory_space<vmem>>
      %dma_wait3A_229 = tpu.memref_squeeze %dma_wait3A_228 : memref<1x40x128xf32, #tpu.memory_space<vmem>> -> memref<40x128xf32, #tpu.memory_space<vmem>>
      %dma_wait3A_230 = arith.constant 0 : i32
      %dma_wait3A_231 = tpu.memref_slice %arg18[%add3A_82, %dma_wait3A_230] : memref<10000x128xf32, #tpu.memory_space<vmem_shared>> -> memref<40x128xf32, #tpu.memory_space<vmem_shared>>
      %dma_wait3A_232 = arith.constant 0 : i32
      %dma_wait3A_233 = tpu.memref_slice %arg18[%add3A_82, %dma_wait3A_232] : memref<10000x128xf32, #tpu.memory_space<vmem_shared>> -> memref<40x128xf32, #tpu.memory_space<vmem_shared>>
      %dma_wait3A_234 = arith.constant 0 : i32
      %dma_wait3A_235 = arith.constant 0 : i32
      %dma_wait3A_236 = tpu.memref_slice %arg15[%run_scoped3A_83, %dma_wait3A_234, %dma_wait3A_235] : memref<2x40x128xf32, #tpu.memory_space<vmem>> -> memref<1x40x128xf32, #tpu.memory_space<vmem>>
      %dma_wait3A_237 = tpu.memref_squeeze %dma_wait3A_236 : memref<1x40x128xf32, #tpu.memory_space<vmem>> -> memref<40x128xf32, #tpu.memory_space<vmem>>
      tpu.wait_dma2 semaphore(%run_scoped3A_213 : memref<!tpu.dma_semaphore, #tpu.memory_space<semaphore_mem>>) src(%dma_wait3A_237 : memref<40x128xf32, #tpu.memory_space<vmem>>) dst(%dma_wait3A_233 : memref<40x128xf32, #tpu.memory_space<vmem_shared>>)
      tpu.yield
    }) : () -> ()
    %mul3A_84 = arith.constant 625 : i32
    %mul3A_85 = arith.muli %arg1, %mul3A_84 : i32
    %add3A_86 = arith.constant 560 : i32
    %add3A_87 = arith.addi %mul3A_85, %add3A_86 : i32
    %run_scoped3A_88 = arith.constant 0 : i32
    "tpu.region"() ({
      %run_scoped3A_213 = tpu.sem_alloc : memref<!tpu.dma_semaphore, #tpu.memory_space<semaphore_mem>>
      %dma_start3A_214 = arith.constant 0 : i32
      %dma_start3A_215 = arith.constant 0 : i32
      %dma_start3A_216 = tpu.memref_slice %arg15[%run_scoped3A_88, %dma_start3A_214, %dma_start3A_215] : memref<2x40x128xf32, #tpu.memory_space<vmem>> -> memref<1x40x128xf32, #tpu.memory_space<vmem>>
      %dma_start3A_217 = tpu.memref_squeeze %dma_start3A_216 : memref<1x40x128xf32, #tpu.memory_space<vmem>> -> memref<40x128xf32, #tpu.memory_space<vmem>>
      %dma_start3A_218 = arith.constant 0 : i32
      %dma_start3A_219 = tpu.memref_slice %arg18[%add3A_87, %dma_start3A_218] : memref<10000x128xf32, #tpu.memory_space<vmem_shared>> -> memref<40x128xf32, #tpu.memory_space<vmem_shared>>
      %dma_start3A_220 = arith.constant 0 : i32
      %dma_start3A_221 = tpu.memref_slice %arg18[%add3A_87, %dma_start3A_220] : memref<10000x128xf32, #tpu.memory_space<vmem_shared>> -> memref<40x128xf32, #tpu.memory_space<vmem_shared>>
      %dma_start3A_222 = arith.constant 0 : i32
      %dma_start3A_223 = arith.constant 0 : i32
      %dma_start3A_224 = tpu.memref_slice %arg15[%run_scoped3A_88, %dma_start3A_222, %dma_start3A_223] : memref<2x40x128xf32, #tpu.memory_space<vmem>> -> memref<1x40x128xf32, #tpu.memory_space<vmem>>
      %dma_start3A_225 = tpu.memref_squeeze %dma_start3A_224 : memref<1x40x128xf32, #tpu.memory_space<vmem>> -> memref<40x128xf32, #tpu.memory_space<vmem>>
      tpu.enqueue_dma source(%dma_start3A_225 : memref<40x128xf32, #tpu.memory_space<vmem>>) target(%dma_start3A_221 : memref<40x128xf32, #tpu.memory_space<vmem_shared>>) target_semaphore(%run_scoped3A_213 : memref<!tpu.dma_semaphore, #tpu.memory_space<semaphore_mem>>)
      %dma_wait3A_226 = arith.constant 0 : i32
      %dma_wait3A_227 = arith.constant 0 : i32
      %dma_wait3A_228 = tpu.memref_slice %arg15[%run_scoped3A_88, %dma_wait3A_226, %dma_wait3A_227] : memref<2x40x128xf32, #tpu.memory_space<vmem>> -> memref<1x40x128xf32, #tpu.memory_space<vmem>>
      %dma_wait3A_229 = tpu.memref_squeeze %dma_wait3A_228 : memref<1x40x128xf32, #tpu.memory_space<vmem>> -> memref<40x128xf32, #tpu.memory_space<vmem>>
      %dma_wait3A_230 = arith.constant 0 : i32
      %dma_wait3A_231 = tpu.memref_slice %arg18[%add3A_87, %dma_wait3A_230] : memref<10000x128xf32, #tpu.memory_space<vmem_shared>> -> memref<40x128xf32, #tpu.memory_space<vmem_shared>>
      %dma_wait3A_232 = arith.constant 0 : i32
      %dma_wait3A_233 = tpu.memref_slice %arg18[%add3A_87, %dma_wait3A_232] : memref<10000x128xf32, #tpu.memory_space<vmem_shared>> -> memref<40x128xf32, #tpu.memory_space<vmem_shared>>
      %dma_wait3A_234 = arith.constant 0 : i32
      %dma_wait3A_235 = arith.constant 0 : i32
      %dma_wait3A_236 = tpu.memref_slice %arg15[%run_scoped3A_88, %dma_wait3A_234, %dma_wait3A_235] : memref<2x40x128xf32, #tpu.memory_space<vmem>> -> memref<1x40x128xf32, #tpu.memory_space<vmem>>
      %dma_wait3A_237 = tpu.memref_squeeze %dma_wait3A_236 : memref<1x40x128xf32, #tpu.memory_space<vmem>> -> memref<40x128xf32, #tpu.memory_space<vmem>>
      tpu.wait_dma2 semaphore(%run_scoped3A_213 : memref<!tpu.dma_semaphore, #tpu.memory_space<semaphore_mem>>) src(%dma_wait3A_237 : memref<40x128xf32, #tpu.memory_space<vmem>>) dst(%dma_wait3A_233 : memref<40x128xf32, #tpu.memory_space<vmem_shared>>)
      tpu.yield
    }) : () -> ()
    %mul3A_89 = arith.constant 625 : i32
    %mul3A_90 = arith.muli %arg1, %mul3A_89 : i32
    %add3A_91 = arith.constant 600 : i32
    %add3A_92 = arith.addi %mul3A_90, %add3A_91 : i32
    %run_scoped3A_93 = arith.constant 0 : i32
    "tpu.region"() ({
      %run_scoped3A_213 = tpu.sem_alloc : memref<!tpu.dma_semaphore, #tpu.memory_space<semaphore_mem>>
      %dma_start3A_214 = arith.constant 0 : i32
      %dma_start3A_215 = arith.constant 0 : i32
      %dma_start3A_216 = tpu.memref_slice %arg15[%run_scoped3A_93, %dma_start3A_214, %dma_start3A_215] : memref<2x40x128xf32, #tpu.memory_space<vmem>> -> memref<1x25x128xf32, #tpu.memory_space<vmem>>
      %dma_start3A_217 = tpu.memref_squeeze %dma_start3A_216 : memref<1x25x128xf32, #tpu.memory_space<vmem>> -> memref<25x128xf32, #tpu.memory_space<vmem>>
      %dma_start3A_218 = arith.constant 0 : i32
      %dma_start3A_219 = tpu.memref_slice %arg18[%add3A_92, %dma_start3A_218] : memref<10000x128xf32, #tpu.memory_space<vmem_shared>> -> memref<25x128xf32, #tpu.memory_space<vmem_shared>>
      %dma_start3A_220 = arith.constant 0 : i32
      %dma_start3A_221 = tpu.memref_slice %arg18[%add3A_92, %dma_start3A_220] : memref<10000x128xf32, #tpu.memory_space<vmem_shared>> -> memref<25x128xf32, #tpu.memory_space<vmem_shared>>
      %dma_start3A_222 = arith.constant 0 : i32
      %dma_start3A_223 = arith.constant 0 : i32
      %dma_start3A_224 = tpu.memref_slice %arg15[%run_scoped3A_93, %dma_start3A_222, %dma_start3A_223] : memref<2x40x128xf32, #tpu.memory_space<vmem>> -> memref<1x25x128xf32, #tpu.memory_space<vmem>>
      %dma_start3A_225 = tpu.memref_squeeze %dma_start3A_224 : memref<1x25x128xf32, #tpu.memory_space<vmem>> -> memref<25x128xf32, #tpu.memory_space<vmem>>
      tpu.enqueue_dma source(%dma_start3A_225 : memref<25x128xf32, #tpu.memory_space<vmem>>) target(%dma_start3A_221 : memref<25x128xf32, #tpu.memory_space<vmem_shared>>) target_semaphore(%run_scoped3A_213 : memref<!tpu.dma_semaphore, #tpu.memory_space<semaphore_mem>>)
      %dma_wait3A_226 = arith.constant 0 : i32
      %dma_wait3A_227 = arith.constant 0 : i32
      %dma_wait3A_228 = tpu.memref_slice %arg15[%run_scoped3A_93, %dma_wait3A_226, %dma_wait3A_227] : memref<2x40x128xf32, #tpu.memory_space<vmem>> -> memref<1x25x128xf32, #tpu.memory_space<vmem>>
      %dma_wait3A_229 = tpu.memref_squeeze %dma_wait3A_228 : memref<1x25x128xf32, #tpu.memory_space<vmem>> -> memref<25x128xf32, #tpu.memory_space<vmem>>
      %dma_wait3A_230 = arith.constant 0 : i32
      %dma_wait3A_231 = tpu.memref_slice %arg18[%add3A_92, %dma_wait3A_230] : memref<10000x128xf32, #tpu.memory_space<vmem_shared>> -> memref<25x128xf32, #tpu.memory_space<vmem_shared>>
      %dma_wait3A_232 = arith.constant 0 : i32
      %dma_wait3A_233 = tpu.memref_slice %arg18[%add3A_92, %dma_wait3A_232] : memref<10000x128xf32, #tpu.memory_space<vmem_shared>> -> memref<25x128xf32, #tpu.memory_space<vmem_shared>>
      %dma_wait3A_234 = arith.constant 0 : i32
      %dma_wait3A_235 = arith.constant 0 : i32
      %dma_wait3A_236 = tpu.memref_slice %arg15[%run_scoped3A_93, %dma_wait3A_234, %dma_wait3A_235] : memref<2x40x128xf32, #tpu.memory_space<vmem>> -> memref<1x25x128xf32, #tpu.memory_space<vmem>>
      %dma_wait3A_237 = tpu.memref_squeeze %dma_wait3A_236 : memref<1x25x128xf32, #tpu.memory_space<vmem>> -> memref<25x128xf32, #tpu.memory_space<vmem>>
      tpu.wait_dma2 semaphore(%run_scoped3A_213 : memref<!tpu.dma_semaphore, #tpu.memory_space<semaphore_mem>>) src(%dma_wait3A_237 : memref<25x128xf32, #tpu.memory_space<vmem>>) dst(%dma_wait3A_233 : memref<25x128xf32, #tpu.memory_space<vmem_shared>>)
      tpu.yield
    }) : () -> ()
    %eq3A = arith.constant 0 : i32
    %eq3A_94 = arith.cmpi eq, %arg1, %eq3A : i32
    %convert_element_type3A = arith.extui %eq3A_94 : i1 to i32
    %cond3A = arith.constant 0 : i32
    %cond3A_95 = arith.cmpi ne, %convert_element_type3A, %cond3A : i32
    scf.if %cond3A_95 {
      "tpu.region"() ({
        %run_scoped3A_213 = tpu.sem_alloc : memref<!tpu.dma_semaphore, #tpu.memory_space<semaphore_mem>>
        %dma_start3A_214 = arith.constant 0 : i32
        %dma_start3A_215 = tpu.memref_slice %arg16[%dma_start3A_214] : memref<1024xf32, #tpu.memory_space<vmem>> -> memref<1000xf32, #tpu.memory_space<vmem>>
        %dma_start3A_216 = arith.constant 0 : i32
        %dma_start3A_217 = tpu.memref_slice %arg19[%dma_start3A_216] : memref<10000xf32, #tpu.memory_space<vmem_shared>> -> memref<1000xf32, #tpu.memory_space<vmem_shared>>
        %dma_start3A_218 = arith.constant 0 : i32
        %dma_start3A_219 = tpu.memref_slice %arg19[%dma_start3A_218] : memref<10000xf32, #tpu.memory_space<vmem_shared>> -> memref<1000xf32, #tpu.memory_space<vmem_shared>>
        %dma_start3A_220 = arith.constant 0 : i32
        %dma_start3A_221 = tpu.memref_slice %arg16[%dma_start3A_220] : memref<1024xf32, #tpu.memory_space<vmem>> -> memref<1000xf32, #tpu.memory_space<vmem>>
        tpu.enqueue_dma source(%dma_start3A_221 : memref<1000xf32, #tpu.memory_space<vmem>>) target(%dma_start3A_219 : memref<1000xf32, #tpu.memory_space<vmem_shared>>) target_semaphore(%run_scoped3A_213 : memref<!tpu.dma_semaphore, #tpu.memory_space<semaphore_mem>>)
        %dma_wait3A_222 = arith.constant 0 : i32
        %dma_wait3A_223 = tpu.memref_slice %arg16[%dma_wait3A_222] : memref<1024xf32, #tpu.memory_space<vmem>> -> memref<1000xf32, #tpu.memory_space<vmem>>
        %dma_wait3A_224 = arith.constant 0 : i32
        %dma_wait3A_225 = tpu.memref_slice %arg19[%dma_wait3A_224] : memref<10000xf32, #tpu.memory_space<vmem_shared>> -> memref<1000xf32, #tpu.memory_space<vmem_shared>>
        %dma_wait3A_226 = arith.constant 0 : i32
        %dma_wait3A_227 = tpu.memref_slice %arg19[%dma_wait3A_226] : memref<10000xf32, #tpu.memory_space<vmem_shared>> -> memref<1000xf32, #tpu.memory_space<vmem_shared>>
        %dma_wait3A_228 = arith.constant 0 : i32
        %dma_wait3A_229 = tpu.memref_slice %arg16[%dma_wait3A_228] : memref<1024xf32, #tpu.memory_space<vmem>> -> memref<1000xf32, #tpu.memory_space<vmem>>
        tpu.wait_dma2 semaphore(%run_scoped3A_213 : memref<!tpu.dma_semaphore, #tpu.memory_space<semaphore_mem>>) src(%dma_wait3A_229 : memref<1000xf32, #tpu.memory_space<vmem>>) dst(%dma_wait3A_227 : memref<1000xf32, #tpu.memory_space<vmem_shared>>)
        tpu.yield
      }) : () -> ()
      "tpu.region"() ({
        %run_scoped3A_213 = tpu.sem_alloc : memref<!tpu.dma_semaphore, #tpu.memory_space<semaphore_mem>>
        %dma_start3A_214 = arith.constant 0 : i32
        %dma_start3A_215 = tpu.memref_slice %arg16[%dma_start3A_214] : memref<1024xf32, #tpu.memory_space<vmem>> -> memref<1000xf32, #tpu.memory_space<vmem>>
        %dma_start3A_216 = arith.constant 1000 : i32
        %dma_start3A_217 = tpu.memref_slice %arg19[%dma_start3A_216] : memref<10000xf32, #tpu.memory_space<vmem_shared>> -> memref<1000xf32, #tpu.memory_space<vmem_shared>>
        %dma_start3A_218 = arith.constant 1000 : i32
        %dma_start3A_219 = tpu.memref_slice %arg19[%dma_start3A_218] : memref<10000xf32, #tpu.memory_space<vmem_shared>> -> memref<1000xf32, #tpu.memory_space<vmem_shared>>
        %dma_start3A_220 = arith.constant 0 : i32
        %dma_start3A_221 = tpu.memref_slice %arg16[%dma_start3A_220] : memref<1024xf32, #tpu.memory_space<vmem>> -> memref<1000xf32, #tpu.memory_space<vmem>>
        tpu.enqueue_dma source(%dma_start3A_221 : memref<1000xf32, #tpu.memory_space<vmem>>) target(%dma_start3A_219 : memref<1000xf32, #tpu.memory_space<vmem_shared>>) target_semaphore(%run_scoped3A_213 : memref<!tpu.dma_semaphore, #tpu.memory_space<semaphore_mem>>)
        %dma_wait3A_222 = arith.constant 0 : i32
        %dma_wait3A_223 = tpu.memref_slice %arg16[%dma_wait3A_222] : memref<1024xf32, #tpu.memory_space<vmem>> -> memref<1000xf32, #tpu.memory_space<vmem>>
        %dma_wait3A_224 = arith.constant 1000 : i32
        %dma_wait3A_225 = tpu.memref_slice %arg19[%dma_wait3A_224] : memref<10000xf32, #tpu.memory_space<vmem_shared>> -> memref<1000xf32, #tpu.memory_space<vmem_shared>>
        %dma_wait3A_226 = arith.constant 1000 : i32
        %dma_wait3A_227 = tpu.memref_slice %arg19[%dma_wait3A_226] : memref<10000xf32, #tpu.memory_space<vmem_shared>> -> memref<1000xf32, #tpu.memory_space<vmem_shared>>
        %dma_wait3A_228 = arith.constant 0 : i32
        %dma_wait3A_229 = tpu.memref_slice %arg16[%dma_wait3A_228] : memref<1024xf32, #tpu.memory_space<vmem>> -> memref<1000xf32, #tpu.memory_space<vmem>>
        tpu.wait_dma2 semaphore(%run_scoped3A_213 : memref<!tpu.dma_semaphore, #tpu.memory_space<semaphore_mem>>) src(%dma_wait3A_229 : memref<1000xf32, #tpu.memory_space<vmem>>) dst(%dma_wait3A_227 : memref<1000xf32, #tpu.memory_space<vmem_shared>>)
        tpu.yield
      }) : () -> ()
      "tpu.region"() ({
        %run_scoped3A_213 = tpu.sem_alloc : memref<!tpu.dma_semaphore, #tpu.memory_space<semaphore_mem>>
        %dma_start3A_214 = arith.constant 0 : i32
        %dma_start3A_215 = tpu.memref_slice %arg16[%dma_start3A_214] : memref<1024xf32, #tpu.memory_space<vmem>> -> memref<1000xf32, #tpu.memory_space<vmem>>
        %dma_start3A_216 = arith.constant 2000 : i32
        %dma_start3A_217 = tpu.memref_slice %arg19[%dma_start3A_216] : memref<10000xf32, #tpu.memory_space<vmem_shared>> -> memref<1000xf32, #tpu.memory_space<vmem_shared>>
        %dma_start3A_218 = arith.constant 2000 : i32
        %dma_start3A_219 = tpu.memref_slice %arg19[%dma_start3A_218] : memref<10000xf32, #tpu.memory_space<vmem_shared>> -> memref<1000xf32, #tpu.memory_space<vmem_shared>>
        %dma_start3A_220 = arith.constant 0 : i32
        %dma_start3A_221 = tpu.memref_slice %arg16[%dma_start3A_220] : memref<1024xf32, #tpu.memory_space<vmem>> -> memref<1000xf32, #tpu.memory_space<vmem>>
        tpu.enqueue_dma source(%dma_start3A_221 : memref<1000xf32, #tpu.memory_space<vmem>>) target(%dma_start3A_219 : memref<1000xf32, #tpu.memory_space<vmem_shared>>) target_semaphore(%run_scoped3A_213 : memref<!tpu.dma_semaphore, #tpu.memory_space<semaphore_mem>>)
        %dma_wait3A_222 = arith.constant 0 : i32
        %dma_wait3A_223 = tpu.memref_slice %arg16[%dma_wait3A_222] : memref<1024xf32, #tpu.memory_space<vmem>> -> memref<1000xf32, #tpu.memory_space<vmem>>
        %dma_wait3A_224 = arith.constant 2000 : i32
        %dma_wait3A_225 = tpu.memref_slice %arg19[%dma_wait3A_224] : memref<10000xf32, #tpu.memory_space<vmem_shared>> -> memref<1000xf32, #tpu.memory_space<vmem_shared>>
        %dma_wait3A_226 = arith.constant 2000 : i32
        %dma_wait3A_227 = tpu.memref_slice %arg19[%dma_wait3A_226] : memref<10000xf32, #tpu.memory_space<vmem_shared>> -> memref<1000xf32, #tpu.memory_space<vmem_shared>>
        %dma_wait3A_228 = arith.constant 0 : i32
        %dma_wait3A_229 = tpu.memref_slice %arg16[%dma_wait3A_228] : memref<1024xf32, #tpu.memory_space<vmem>> -> memref<1000xf32, #tpu.memory_space<vmem>>
        tpu.wait_dma2 semaphore(%run_scoped3A_213 : memref<!tpu.dma_semaphore, #tpu.memory_space<semaphore_mem>>) src(%dma_wait3A_229 : memref<1000xf32, #tpu.memory_space<vmem>>) dst(%dma_wait3A_227 : memref<1000xf32, #tpu.memory_space<vmem_shared>>)
        tpu.yield
      }) : () -> ()
      "tpu.region"() ({
        %run_scoped3A_213 = tpu.sem_alloc : memref<!tpu.dma_semaphore, #tpu.memory_space<semaphore_mem>>
        %dma_start3A_214 = arith.constant 0 : i32
        %dma_start3A_215 = tpu.memref_slice %arg16[%dma_start3A_214] : memref<1024xf32, #tpu.memory_space<vmem>> -> memref<1000xf32, #tpu.memory_space<vmem>>
        %dma_start3A_216 = arith.constant 3000 : i32
        %dma_start3A_217 = tpu.memref_slice %arg19[%dma_start3A_216] : memref<10000xf32, #tpu.memory_space<vmem_shared>> -> memref<1000xf32, #tpu.memory_space<vmem_shared>>
        %dma_start3A_218 = arith.constant 3000 : i32
        %dma_start3A_219 = tpu.memref_slice %arg19[%dma_start3A_218] : memref<10000xf32, #tpu.memory_space<vmem_shared>> -> memref<1000xf32, #tpu.memory_space<vmem_shared>>
        %dma_start3A_220 = arith.constant 0 : i32
        %dma_start3A_221 = tpu.memref_slice %arg16[%dma_start3A_220] : memref<1024xf32, #tpu.memory_space<vmem>> -> memref<1000xf32, #tpu.memory_space<vmem>>
        tpu.enqueue_dma source(%dma_start3A_221 : memref<1000xf32, #tpu.memory_space<vmem>>) target(%dma_start3A_219 : memref<1000xf32, #tpu.memory_space<vmem_shared>>) target_semaphore(%run_scoped3A_213 : memref<!tpu.dma_semaphore, #tpu.memory_space<semaphore_mem>>)
        %dma_wait3A_222 = arith.constant 0 : i32
        %dma_wait3A_223 = tpu.memref_slice %arg16[%dma_wait3A_222] : memref<1024xf32, #tpu.memory_space<vmem>> -> memref<1000xf32, #tpu.memory_space<vmem>>
        %dma_wait3A_224 = arith.constant 3000 : i32
        %dma_wait3A_225 = tpu.memref_slice %arg19[%dma_wait3A_224] : memref<10000xf32, #tpu.memory_space<vmem_shared>> -> memref<1000xf32, #tpu.memory_space<vmem_shared>>
        %dma_wait3A_226 = arith.constant 3000 : i32
        %dma_wait3A_227 = tpu.memref_slice %arg19[%dma_wait3A_226] : memref<10000xf32, #tpu.memory_space<vmem_shared>> -> memref<1000xf32, #tpu.memory_space<vmem_shared>>
        %dma_wait3A_228 = arith.constant 0 : i32
        %dma_wait3A_229 = tpu.memref_slice %arg16[%dma_wait3A_228] : memref<1024xf32, #tpu.memory_space<vmem>> -> memref<1000xf32, #tpu.memory_space<vmem>>
        tpu.wait_dma2 semaphore(%run_scoped3A_213 : memref<!tpu.dma_semaphore, #tpu.memory_space<semaphore_mem>>) src(%dma_wait3A_229 : memref<1000xf32, #tpu.memory_space<vmem>>) dst(%dma_wait3A_227 : memref<1000xf32, #tpu.memory_space<vmem_shared>>)
        tpu.yield
      }) : () -> ()
      "tpu.region"() ({
        %run_scoped3A_213 = tpu.sem_alloc : memref<!tpu.dma_semaphore, #tpu.memory_space<semaphore_mem>>
        %dma_start3A_214 = arith.constant 0 : i32
        %dma_start3A_215 = tpu.memref_slice %arg16[%dma_start3A_214] : memref<1024xf32, #tpu.memory_space<vmem>> -> memref<1000xf32, #tpu.memory_space<vmem>>
        %dma_start3A_216 = arith.constant 4000 : i32
        %dma_start3A_217 = tpu.memref_slice %arg19[%dma_start3A_216] : memref<10000xf32, #tpu.memory_space<vmem_shared>> -> memref<1000xf32, #tpu.memory_space<vmem_shared>>
        %dma_start3A_218 = arith.constant 4000 : i32
        %dma_start3A_219 = tpu.memref_slice %arg19[%dma_start3A_218] : memref<10000xf32, #tpu.memory_space<vmem_shared>> -> memref<1000xf32, #tpu.memory_space<vmem_shared>>
        %dma_start3A_220 = arith.constant 0 : i32
        %dma_start3A_221 = tpu.memref_slice %arg16[%dma_start3A_220] : memref<1024xf32, #tpu.memory_space<vmem>> -> memref<1000xf32, #tpu.memory_space<vmem>>
        tpu.enqueue_dma source(%dma_start3A_221 : memref<1000xf32, #tpu.memory_space<vmem>>) target(%dma_start3A_219 : memref<1000xf32, #tpu.memory_space<vmem_shared>>) target_semaphore(%run_scoped3A_213 : memref<!tpu.dma_semaphore, #tpu.memory_space<semaphore_mem>>)
        %dma_wait3A_222 = arith.constant 0 : i32
        %dma_wait3A_223 = tpu.memref_slice %arg16[%dma_wait3A_222] : memref<1024xf32, #tpu.memory_space<vmem>> -> memref<1000xf32, #tpu.memory_space<vmem>>
        %dma_wait3A_224 = arith.constant 4000 : i32
        %dma_wait3A_225 = tpu.memref_slice %arg19[%dma_wait3A_224] : memref<10000xf32, #tpu.memory_space<vmem_shared>> -> memref<1000xf32, #tpu.memory_space<vmem_shared>>
        %dma_wait3A_226 = arith.constant 4000 : i32
        %dma_wait3A_227 = tpu.memref_slice %arg19[%dma_wait3A_226] : memref<10000xf32, #tpu.memory_space<vmem_shared>> -> memref<1000xf32, #tpu.memory_space<vmem_shared>>
        %dma_wait3A_228 = arith.constant 0 : i32
        %dma_wait3A_229 = tpu.memref_slice %arg16[%dma_wait3A_228] : memref<1024xf32, #tpu.memory_space<vmem>> -> memref<1000xf32, #tpu.memory_space<vmem>>
        tpu.wait_dma2 semaphore(%run_scoped3A_213 : memref<!tpu.dma_semaphore, #tpu.memory_space<semaphore_mem>>) src(%dma_wait3A_229 : memref<1000xf32, #tpu.memory_space<vmem>>) dst(%dma_wait3A_227 : memref<1000xf32, #tpu.memory_space<vmem_shared>>)
        tpu.yield
      }) : () -> ()
      "tpu.region"() ({
        %run_scoped3A_213 = tpu.sem_alloc : memref<!tpu.dma_semaphore, #tpu.memory_space<semaphore_mem>>
        %dma_start3A_214 = arith.constant 0 : i32
        %dma_start3A_215 = tpu.memref_slice %arg16[%dma_start3A_214] : memref<1024xf32, #tpu.memory_space<vmem>> -> memref<1000xf32, #tpu.memory_space<vmem>>
        %dma_start3A_216 = arith.constant 5000 : i32
        %dma_start3A_217 = tpu.memref_slice %arg19[%dma_start3A_216] : memref<10000xf32, #tpu.memory_space<vmem_shared>> -> memref<1000xf32, #tpu.memory_space<vmem_shared>>
        %dma_start3A_218 = arith.constant 5000 : i32
        %dma_start3A_219 = tpu.memref_slice %arg19[%dma_start3A_218] : memref<10000xf32, #tpu.memory_space<vmem_shared>> -> memref<1000xf32, #tpu.memory_space<vmem_shared>>
        %dma_start3A_220 = arith.constant 0 : i32
        %dma_start3A_221 = tpu.memref_slice %arg16[%dma_start3A_220] : memref<1024xf32, #tpu.memory_space<vmem>> -> memref<1000xf32, #tpu.memory_space<vmem>>
        tpu.enqueue_dma source(%dma_start3A_221 : memref<1000xf32, #tpu.memory_space<vmem>>) target(%dma_start3A_219 : memref<1000xf32, #tpu.memory_space<vmem_shared>>) target_semaphore(%run_scoped3A_213 : memref<!tpu.dma_semaphore, #tpu.memory_space<semaphore_mem>>)
        %dma_wait3A_222 = arith.constant 0 : i32
        %dma_wait3A_223 = tpu.memref_slice %arg16[%dma_wait3A_222] : memref<1024xf32, #tpu.memory_space<vmem>> -> memref<1000xf32, #tpu.memory_space<vmem>>
        %dma_wait3A_224 = arith.constant 5000 : i32
        %dma_wait3A_225 = tpu.memref_slice %arg19[%dma_wait3A_224] : memref<10000xf32, #tpu.memory_space<vmem_shared>> -> memref<1000xf32, #tpu.memory_space<vmem_shared>>
        %dma_wait3A_226 = arith.constant 5000 : i32
        %dma_wait3A_227 = tpu.memref_slice %arg19[%dma_wait3A_226] : memref<10000xf32, #tpu.memory_space<vmem_shared>> -> memref<1000xf32, #tpu.memory_space<vmem_shared>>
        %dma_wait3A_228 = arith.constant 0 : i32
        %dma_wait3A_229 = tpu.memref_slice %arg16[%dma_wait3A_228] : memref<1024xf32, #tpu.memory_space<vmem>> -> memref<1000xf32, #tpu.memory_space<vmem>>
        tpu.wait_dma2 semaphore(%run_scoped3A_213 : memref<!tpu.dma_semaphore, #tpu.memory_space<semaphore_mem>>) src(%dma_wait3A_229 : memref<1000xf32, #tpu.memory_space<vmem>>) dst(%dma_wait3A_227 : memref<1000xf32, #tpu.memory_space<vmem_shared>>)
        tpu.yield
      }) : () -> ()
      "tpu.region"() ({
        %run_scoped3A_213 = tpu.sem_alloc : memref<!tpu.dma_semaphore, #tpu.memory_space<semaphore_mem>>
        %dma_start3A_214 = arith.constant 0 : i32
        %dma_start3A_215 = tpu.memref_slice %arg16[%dma_start3A_214] : memref<1024xf32, #tpu.memory_space<vmem>> -> memref<1000xf32, #tpu.memory_space<vmem>>
        %dma_start3A_216 = arith.constant 6000 : i32
        %dma_start3A_217 = tpu.memref_slice %arg19[%dma_start3A_216] : memref<10000xf32, #tpu.memory_space<vmem_shared>> -> memref<1000xf32, #tpu.memory_space<vmem_shared>>
        %dma_start3A_218 = arith.constant 6000 : i32
        %dma_start3A_219 = tpu.memref_slice %arg19[%dma_start3A_218] : memref<10000xf32, #tpu.memory_space<vmem_shared>> -> memref<1000xf32, #tpu.memory_space<vmem_shared>>
        %dma_start3A_220 = arith.constant 0 : i32
        %dma_start3A_221 = tpu.memref_slice %arg16[%dma_start3A_220] : memref<1024xf32, #tpu.memory_space<vmem>> -> memref<1000xf32, #tpu.memory_space<vmem>>
        tpu.enqueue_dma source(%dma_start3A_221 : memref<1000xf32, #tpu.memory_space<vmem>>) target(%dma_start3A_219 : memref<1000xf32, #tpu.memory_space<vmem_shared>>) target_semaphore(%run_scoped3A_213 : memref<!tpu.dma_semaphore, #tpu.memory_space<semaphore_mem>>)
        %dma_wait3A_222 = arith.constant 0 : i32
        %dma_wait3A_223 = tpu.memref_slice %arg16[%dma_wait3A_222] : memref<1024xf32, #tpu.memory_space<vmem>> -> memref<1000xf32, #tpu.memory_space<vmem>>
        %dma_wait3A_224 = arith.constant 6000 : i32
        %dma_wait3A_225 = tpu.memref_slice %arg19[%dma_wait3A_224] : memref<10000xf32, #tpu.memory_space<vmem_shared>> -> memref<1000xf32, #tpu.memory_space<vmem_shared>>
        %dma_wait3A_226 = arith.constant 6000 : i32
        %dma_wait3A_227 = tpu.memref_slice %arg19[%dma_wait3A_226] : memref<10000xf32, #tpu.memory_space<vmem_shared>> -> memref<1000xf32, #tpu.memory_space<vmem_shared>>
        %dma_wait3A_228 = arith.constant 0 : i32
        %dma_wait3A_229 = tpu.memref_slice %arg16[%dma_wait3A_228] : memref<1024xf32, #tpu.memory_space<vmem>> -> memref<1000xf32, #tpu.memory_space<vmem>>
        tpu.wait_dma2 semaphore(%run_scoped3A_213 : memref<!tpu.dma_semaphore, #tpu.memory_space<semaphore_mem>>) src(%dma_wait3A_229 : memref<1000xf32, #tpu.memory_space<vmem>>) dst(%dma_wait3A_227 : memref<1000xf32, #tpu.memory_space<vmem_shared>>)
        tpu.yield
      }) : () -> ()
      "tpu.region"() ({
        %run_scoped3A_213 = tpu.sem_alloc : memref<!tpu.dma_semaphore, #tpu.memory_space<semaphore_mem>>
        %dma_start3A_214 = arith.constant 0 : i32
        %dma_start3A_215 = tpu.memref_slice %arg16[%dma_start3A_214] : memref<1024xf32, #tpu.memory_space<vmem>> -> memref<1000xf32, #tpu.memory_space<vmem>>
        %dma_start3A_216 = arith.constant 7000 : i32
        %dma_start3A_217 = tpu.memref_slice %arg19[%dma_start3A_216] : memref<10000xf32, #tpu.memory_space<vmem_shared>> -> memref<1000xf32, #tpu.memory_space<vmem_shared>>
        %dma_start3A_218 = arith.constant 7000 : i32
        %dma_start3A_219 = tpu.memref_slice %arg19[%dma_start3A_218] : memref<10000xf32, #tpu.memory_space<vmem_shared>> -> memref<1000xf32, #tpu.memory_space<vmem_shared>>
        %dma_start3A_220 = arith.constant 0 : i32
        %dma_start3A_221 = tpu.memref_slice %arg16[%dma_start3A_220] : memref<1024xf32, #tpu.memory_space<vmem>> -> memref<1000xf32, #tpu.memory_space<vmem>>
        tpu.enqueue_dma source(%dma_start3A_221 : memref<1000xf32, #tpu.memory_space<vmem>>) target(%dma_start3A_219 : memref<1000xf32, #tpu.memory_space<vmem_shared>>) target_semaphore(%run_scoped3A_213 : memref<!tpu.dma_semaphore, #tpu.memory_space<semaphore_mem>>)
        %dma_wait3A_222 = arith.constant 0 : i32
        %dma_wait3A_223 = tpu.memref_slice %arg16[%dma_wait3A_222] : memref<1024xf32, #tpu.memory_space<vmem>> -> memref<1000xf32, #tpu.memory_space<vmem>>
        %dma_wait3A_224 = arith.constant 7000 : i32
        %dma_wait3A_225 = tpu.memref_slice %arg19[%dma_wait3A_224] : memref<10000xf32, #tpu.memory_space<vmem_shared>> -> memref<1000xf32, #tpu.memory_space<vmem_shared>>
        %dma_wait3A_226 = arith.constant 7000 : i32
        %dma_wait3A_227 = tpu.memref_slice %arg19[%dma_wait3A_226] : memref<10000xf32, #tpu.memory_space<vmem_shared>> -> memref<1000xf32, #tpu.memory_space<vmem_shared>>
        %dma_wait3A_228 = arith.constant 0 : i32
        %dma_wait3A_229 = tpu.memref_slice %arg16[%dma_wait3A_228] : memref<1024xf32, #tpu.memory_space<vmem>> -> memref<1000xf32, #tpu.memory_space<vmem>>
        tpu.wait_dma2 semaphore(%run_scoped3A_213 : memref<!tpu.dma_semaphore, #tpu.memory_space<semaphore_mem>>) src(%dma_wait3A_229 : memref<1000xf32, #tpu.memory_space<vmem>>) dst(%dma_wait3A_227 : memref<1000xf32, #tpu.memory_space<vmem_shared>>)
        tpu.yield
      }) : () -> ()
      "tpu.region"() ({
        %run_scoped3A_213 = tpu.sem_alloc : memref<!tpu.dma_semaphore, #tpu.memory_space<semaphore_mem>>
        %dma_start3A_214 = arith.constant 0 : i32
        %dma_start3A_215 = tpu.memref_slice %arg16[%dma_start3A_214] : memref<1024xf32, #tpu.memory_space<vmem>> -> memref<1000xf32, #tpu.memory_space<vmem>>
        %dma_start3A_216 = arith.constant 8000 : i32
        %dma_start3A_217 = tpu.memref_slice %arg19[%dma_start3A_216] : memref<10000xf32, #tpu.memory_space<vmem_shared>> -> memref<1000xf32, #tpu.memory_space<vmem_shared>>
        %dma_start3A_218 = arith.constant 8000 : i32
        %dma_start3A_219 = tpu.memref_slice %arg19[%dma_start3A_218] : memref<10000xf32, #tpu.memory_space<vmem_shared>> -> memref<1000xf32, #tpu.memory_space<vmem_shared>>
        %dma_start3A_220 = arith.constant 0 : i32
        %dma_start3A_221 = tpu.memref_slice %arg16[%dma_start3A_220] : memref<1024xf32, #tpu.memory_space<vmem>> -> memref<1000xf32, #tpu.memory_space<vmem>>
        tpu.enqueue_dma source(%dma_start3A_221 : memref<1000xf32, #tpu.memory_space<vmem>>) target(%dma_start3A_219 : memref<1000xf32, #tpu.memory_space<vmem_shared>>) target_semaphore(%run_scoped3A_213 : memref<!tpu.dma_semaphore, #tpu.memory_space<semaphore_mem>>)
        %dma_wait3A_222 = arith.constant 0 : i32
        %dma_wait3A_223 = tpu.memref_slice %arg16[%dma_wait3A_222] : memref<1024xf32, #tpu.memory_space<vmem>> -> memref<1000xf32, #tpu.memory_space<vmem>>
        %dma_wait3A_224 = arith.constant 8000 : i32
        %dma_wait3A_225 = tpu.memref_slice %arg19[%dma_wait3A_224] : memref<10000xf32, #tpu.memory_space<vmem_shared>> -> memref<1000xf32, #tpu.memory_space<vmem_shared>>
        %dma_wait3A_226 = arith.constant 8000 : i32
        %dma_wait3A_227 = tpu.memref_slice %arg19[%dma_wait3A_226] : memref<10000xf32, #tpu.memory_space<vmem_shared>> -> memref<1000xf32, #tpu.memory_space<vmem_shared>>
        %dma_wait3A_228 = arith.constant 0 : i32
        %dma_wait3A_229 = tpu.memref_slice %arg16[%dma_wait3A_228] : memref<1024xf32, #tpu.memory_space<vmem>> -> memref<1000xf32, #tpu.memory_space<vmem>>
        tpu.wait_dma2 semaphore(%run_scoped3A_213 : memref<!tpu.dma_semaphore, #tpu.memory_space<semaphore_mem>>) src(%dma_wait3A_229 : memref<1000xf32, #tpu.memory_space<vmem>>) dst(%dma_wait3A_227 : memref<1000xf32, #tpu.memory_space<vmem_shared>>)
        tpu.yield
      }) : () -> ()
      "tpu.region"() ({
        %run_scoped3A_213 = tpu.sem_alloc : memref<!tpu.dma_semaphore, #tpu.memory_space<semaphore_mem>>
        %dma_start3A_214 = arith.constant 0 : i32
        %dma_start3A_215 = tpu.memref_slice %arg16[%dma_start3A_214] : memref<1024xf32, #tpu.memory_space<vmem>> -> memref<1000xf32, #tpu.memory_space<vmem>>
        %dma_start3A_216 = arith.constant 9000 : i32
        %dma_start3A_217 = tpu.memref_slice %arg19[%dma_start3A_216] : memref<10000xf32, #tpu.memory_space<vmem_shared>> -> memref<1000xf32, #tpu.memory_space<vmem_shared>>
        %dma_start3A_218 = arith.constant 9000 : i32
        %dma_start3A_219 = tpu.memref_slice %arg19[%dma_start3A_218] : memref<10000xf32, #tpu.memory_space<vmem_shared>> -> memref<1000xf32, #tpu.memory_space<vmem_shared>>
        %dma_start3A_220 = arith.constant 0 : i32
        %dma_start3A_221 = tpu.memref_slice %arg16[%dma_start3A_220] : memref<1024xf32, #tpu.memory_space<vmem>> -> memref<1000xf32, #tpu.memory_space<vmem>>
        tpu.enqueue_dma source(%dma_start3A_221 : memref<1000xf32, #tpu.memory_space<vmem>>) target(%dma_start3A_219 : memref<1000xf32, #tpu.memory_space<vmem_shared>>) target_semaphore(%run_scoped3A_213 : memref<!tpu.dma_semaphore, #tpu.memory_space<semaphore_mem>>)
        %dma_wait3A_222 = arith.constant 0 : i32
        %dma_wait3A_223 = tpu.memref_slice %arg16[%dma_wait3A_222] : memref<1024xf32, #tpu.memory_space<vmem>> -> memref<1000xf32, #tpu.memory_space<vmem>>
        %dma_wait3A_224 = arith.constant 9000 : i32
        %dma_wait3A_225 = tpu.memref_slice %arg19[%dma_wait3A_224] : memref<10000xf32, #tpu.memory_space<vmem_shared>> -> memref<1000xf32, #tpu.memory_space<vmem_shared>>
        %dma_wait3A_226 = arith.constant 9000 : i32
        %dma_wait3A_227 = tpu.memref_slice %arg19[%dma_wait3A_226] : memref<10000xf32, #tpu.memory_space<vmem_shared>> -> memref<1000xf32, #tpu.memory_space<vmem_shared>>
        %dma_wait3A_228 = arith.constant 0 : i32
        %dma_wait3A_229 = tpu.memref_slice %arg16[%dma_wait3A_228] : memref<1024xf32, #tpu.memory_space<vmem>> -> memref<1000xf32, #tpu.memory_space<vmem>>
        tpu.wait_dma2 semaphore(%run_scoped3A_213 : memref<!tpu.dma_semaphore, #tpu.memory_space<semaphore_mem>>) src(%dma_wait3A_229 : memref<1000xf32, #tpu.memory_space<vmem>>) dst(%dma_wait3A_227 : memref<1000xf32, #tpu.memory_space<vmem_shared>>)
        tpu.yield
      }) : () -> ()
    } else {
    }
    %get3A = arith.constant 0 : index
    %get3A_96 = tpu.vector_load %arg17[%get3A] {strides = array<i32>} : memref<16xf32, #tpu.memory_space<vmem>>, vector<16xf32>,
    %run_scoped3A_97 = arith.constant 0 : i32
    %run_scoped3A_98 = arith.constant 0 : i32
    %run_scoped3A_99 = arith.constant 0 : i32
    "tpu.region"() ({
      %run_scoped3A_213 = tpu.sem_alloc : memref<!tpu.dma_semaphore, #tpu.memory_space<semaphore_mem>>
      %dma_start3A_214 = arith.constant 0 : i32
      %dma_start3A_215 = arith.constant 0 : i32
      %dma_start3A_216 = tpu.memref_slice %arg11[%run_scoped3A_98, %run_scoped3A_99, %dma_start3A_214, %dma_start3A_215] : memref<2x2x25x80xi32, #tpu.memory_space<vmem>> -> memref<1x1x25x80xi32, #tpu.memory_space<vmem>>
      %dma_start3A_217 = tpu.memref_squeeze %dma_start3A_216 : memref<1x1x25x80xi32, #tpu.memory_space<vmem>> -> memref<25x80xi32, #tpu.memory_space<vmem>>
      %dma_start3A_218 = arith.constant 0 : i32
      %dma_start3A_219 = tpu.memref_slice %arg5[%run_scoped3A_97, %mul3A_2, %dma_start3A_218] : memref<2x4000x80xi32, #tpu.memory_space<hbm>> -> memref<1x25x80xi32, #tpu.memory_space<hbm>>
      %dma_start3A_220 = tpu.memref_squeeze %dma_start3A_219 : memref<1x25x80xi32, #tpu.memory_space<hbm>> -> memref<25x80xi32, #tpu.memory_space<hbm>>
      %dma_start3A_221 = arith.constant 0 : i32
      %dma_start3A_222 = arith.constant 0 : i32
      %dma_start3A_223 = tpu.memref_slice %arg11[%run_scoped3A_98, %run_scoped3A_99, %dma_start3A_221, %dma_start3A_222] : memref<2x2x25x80xi32, #tpu.memory_space<vmem>> -> memref<1x1x25x80xi32, #tpu.memory_space<vmem>>
      %dma_start3A_224 = tpu.memref_squeeze %dma_start3A_223 : memref<1x1x25x80xi32, #tpu.memory_space<vmem>> -> memref<25x80xi32, #tpu.memory_space<vmem>>
      %dma_start3A_225 = arith.constant 0 : i32
      %dma_start3A_226 = tpu.memref_slice %arg5[%run_scoped3A_97, %mul3A_2, %dma_start3A_225] : memref<2x4000x80xi32, #tpu.memory_space<hbm>> -> memref<1x25x80xi32, #tpu.memory_space<hbm>>
      %dma_start3A_227 = tpu.memref_squeeze %dma_start3A_226 : memref<1x25x80xi32, #tpu.memory_space<hbm>> -> memref<25x80xi32, #tpu.memory_space<hbm>>
      tpu.enqueue_dma source(%dma_start3A_227 : memref<25x80xi32, #tpu.memory_space<hbm>>) target(%dma_start3A_224 : memref<25x80xi32, #tpu.memory_space<vmem>>) target_semaphore(%run_scoped3A_213 : memref<!tpu.dma_semaphore, #tpu.memory_space<semaphore_mem>>)
      %dma_wait3A_228 = arith.constant 0 : i32
      %dma_wait3A_229 = arith.constant 0 : i32
      %dma_wait3A_230 = tpu.memref_slice %arg11[%run_scoped3A_98, %run_scoped3A_99, %dma_wait3A_228, %dma_wait3A_229] : memref<2x2x25x80xi32, #tpu.memory_space<vmem>> -> memref<1x1x25x80xi32, #tpu.memory_space<vmem>>
      %dma_wait3A_231 = tpu.memref_squeeze %dma_wait3A_230 : memref<1x1x25x80xi32, #tpu.memory_space<vmem>> -> memref<25x80xi32, #tpu.memory_space<vmem>>
      %dma_wait3A_232 = arith.constant 0 : i32
      %dma_wait3A_233 = tpu.memref_slice %arg5[%run_scoped3A_97, %mul3A_2, %dma_wait3A_232] : memref<2x4000x80xi32, #tpu.memory_space<hbm>> -> memref<1x25x80xi32, #tpu.memory_space<hbm>>
      %dma_wait3A_234 = tpu.memref_squeeze %dma_wait3A_233 : memref<1x25x80xi32, #tpu.memory_space<hbm>> -> memref<25x80xi32, #tpu.memory_space<hbm>>
      %dma_wait3A_235 = arith.constant 0 : i32
      %dma_wait3A_236 = arith.constant 0 : i32
      %dma_wait3A_237 = tpu.memref_slice %arg11[%run_scoped3A_98, %run_scoped3A_99, %dma_wait3A_235, %dma_wait3A_236] : memref<2x2x25x80xi32, #tpu.memory_space<vmem>> -> memref<1x1x25x80xi32, #tpu.memory_space<vmem>>
      %dma_wait3A_238 = tpu.memref_squeeze %dma_wait3A_237 : memref<1x1x25x80xi32, #tpu.memory_space<vmem>> -> memref<25x80xi32, #tpu.memory_space<vmem>>
      %dma_wait3A_239 = arith.constant 0 : i32
      %dma_wait3A_240 = tpu.memref_slice %arg5[%run_scoped3A_97, %mul3A_2, %dma_wait3A_239] : memref<2x4000x80xi32, #tpu.memory_space<hbm>> -> memref<1x25x80xi32, #tpu.memory_space<hbm>>
      %dma_wait3A_241 = tpu.memref_squeeze %dma_wait3A_240 : memref<1x25x80xi32, #tpu.memory_space<hbm>> -> memref<25x80xi32, #tpu.memory_space<hbm>>
      tpu.wait_dma2 semaphore(%run_scoped3A_213 : memref<!tpu.dma_semaphore, #tpu.memory_space<semaphore_mem>>) src(%dma_wait3A_241 : memref<25x80xi32, #tpu.memory_space<hbm>>) dst(%dma_wait3A_238 : memref<25x80xi32, #tpu.memory_space<vmem>>)
      tpu.yield
    }) : () -> ()
    %add3A_100 = arith.constant 25 : i32
    %add3A_101 = arith.addi %mul3A_2, %add3A_100 : i32
    %dma_start3A = arith.constant 0 : i32
    %dma_start3A_102 = arith.constant 1 : i32
    %dma_start3A_103 = arith.constant 0 : i32
    %dma_start3A_104 = arith.constant 0 : i32
    %dma_start3A_105 = arith.constant 0 : i32
    %dma_start3A_106 = tpu.memref_slice %arg11[%dma_start3A_102, %dma_start3A_103, %dma_start3A_104, %dma_start3A_105] : memref<2x2x25x80xi32, #tpu.memory_space<vmem>> -> memref<1x1x25x80xi32, #tpu.memory_space<vmem>>
    %dma_start3A_107 = tpu.memref_squeeze %dma_start3A_106 : memref<1x1x25x80xi32, #tpu.memory_space<vmem>> -> memref<25x80xi32, #tpu.memory_space<vmem>>
    %dma_start3A_108 = arith.constant 0 : i32
    %dma_start3A_109 = tpu.memref_slice %arg5[%dma_start3A, %add3A_101, %dma_start3A_108] : memref<2x4000x80xi32, #tpu.memory_space<hbm>> -> memref<1x25x80xi32, #tpu.memory_space<hbm>>
    %dma_start3A_110 = tpu.memref_squeeze %dma_start3A_109 : memref<1x25x80xi32, #tpu.memory_space<hbm>> -> memref<25x80xi32, #tpu.memory_space<hbm>>
    %dma_start3A_111 = arith.constant 0 : i32
    %dma_start3A_112 = arith.constant 0 : i32
    %dma_start3A_113 = tpu.memref_slice %arg11[%dma_start3A_102, %dma_start3A_103, %dma_start3A_111, %dma_start3A_112] : memref<2x2x25x80xi32, #tpu.memory_space<vmem>> -> memref<1x1x25x80xi32, #tpu.memory_space<vmem>>
    %dma_start3A_114 = tpu.memref_squeeze %dma_start3A_113 : memref<1x1x25x80xi32, #tpu.memory_space<vmem>> -> memref<25x80xi32, #tpu.memory_space<vmem>>
    %dma_start3A_115 = arith.constant 0 : i32
    %dma_start3A_116 = tpu.memref_slice %arg5[%dma_start3A, %add3A_101, %dma_start3A_115] : memref<2x4000x80xi32, #tpu.memory_space<hbm>> -> memref<1x25x80xi32, #tpu.memory_space<hbm>>
    %dma_start3A_117 = tpu.memref_squeeze %dma_start3A_116 : memref<1x25x80xi32, #tpu.memory_space<hbm>> -> memref<25x80xi32, #tpu.memory_space<hbm>>
    tpu.enqueue_dma source(%dma_start3A_117 : memref<25x80xi32, #tpu.memory_space<hbm>>) target(%dma_start3A_114 : memref<25x80xi32, #tpu.memory_space<vmem>>) target_semaphore(%arg22 : memref<!tpu.dma_semaphore, #tpu.memory_space<semaphore_mem>>)
    %run_scoped3A_118 = arith.constant 1 : i32
    %run_scoped3A_119 = arith.constant 0 : i32
    %run_scoped3A_120 = arith.constant 1 : i32
    "tpu.region"() ({
      %run_scoped3A_213 = tpu.sem_alloc : memref<!tpu.dma_semaphore, #tpu.memory_space<semaphore_mem>>
      %dma_start3A_214 = arith.constant 0 : i32
      %dma_start3A_215 = arith.constant 0 : i32
      %dma_start3A_216 = tpu.memref_slice %arg11[%run_scoped3A_119, %run_scoped3A_120, %dma_start3A_214, %dma_start3A_215] : memref<2x2x25x80xi32, #tpu.memory_space<vmem>> -> memref<1x1x25x80xi32, #tpu.memory_space<vmem>>
      %dma_start3A_217 = tpu.memref_squeeze %dma_start3A_216 : memref<1x1x25x80xi32, #tpu.memory_space<vmem>> -> memref<25x80xi32, #tpu.memory_space<vmem>>
      %dma_start3A_218 = arith.constant 0 : i32
      %dma_start3A_219 = tpu.memref_slice %arg5[%run_scoped3A_118, %mul3A_2, %dma_start3A_218] : memref<2x4000x80xi32, #tpu.memory_space<hbm>> -> memref<1x25x80xi32, #tpu.memory_space<hbm>>
      %dma_start3A_220 = tpu.memref_squeeze %dma_start3A_219 : memref<1x25x80xi32, #tpu.memory_space<hbm>> -> memref<25x80xi32, #tpu.memory_space<hbm>>
      %dma_start3A_221 = arith.constant 0 : i32
      %dma_start3A_222 = arith.constant 0 : i32
      %dma_start3A_223 = tpu.memref_slice %arg11[%run_scoped3A_119, %run_scoped3A_120, %dma_start3A_221, %dma_start3A_222] : memref<2x2x25x80xi32, #tpu.memory_space<vmem>> -> memref<1x1x25x80xi32, #tpu.memory_space<vmem>>
      %dma_start3A_224 = tpu.memref_squeeze %dma_start3A_223 : memref<1x1x25x80xi32, #tpu.memory_space<vmem>> -> memref<25x80xi32, #tpu.memory_space<vmem>>
      %dma_start3A_225 = arith.constant 0 : i32
      %dma_start3A_226 = tpu.memref_slice %arg5[%run_scoped3A_118, %mul3A_2, %dma_start3A_225] : memref<2x4000x80xi32, #tpu.memory_space<hbm>> -> memref<1x25x80xi32, #tpu.memory_space<hbm>>
      %dma_start3A_227 = tpu.memref_squeeze %dma_start3A_226 : memref<1x25x80xi32, #tpu.memory_space<hbm>> -> memref<25x80xi32, #tpu.memory_space<hbm>>
      tpu.enqueue_dma source(%dma_start3A_227 : memref<25x80xi32, #tpu.memory_space<hbm>>) target(%dma_start3A_224 : memref<25x80xi32, #tpu.memory_space<vmem>>) target_semaphore(%run_scoped3A_213 : memref<!tpu.dma_semaphore, #tpu.memory_space<semaphore_mem>>)
      %dma_wait3A_228 = arith.constant 0 : i32
      %dma_wait3A_229 = arith.constant 0 : i32
      %dma_wait3A_230 = tpu.memref_slice %arg11[%run_scoped3A_119, %run_scoped3A_120, %dma_wait3A_228, %dma_wait3A_229] : memref<2x2x25x80xi32, #tpu.memory_space<vmem>> -> memref<1x1x25x80xi32, #tpu.memory_space<vmem>>
      %dma_wait3A_231 = tpu.memref_squeeze %dma_wait3A_230 : memref<1x1x25x80xi32, #tpu.memory_space<vmem>> -> memref<25x80xi32, #tpu.memory_space<vmem>>
      %dma_wait3A_232 = arith.constant 0 : i32
      %dma_wait3A_233 = tpu.memref_slice %arg5[%run_scoped3A_118, %mul3A_2, %dma_wait3A_232] : memref<2x4000x80xi32, #tpu.memory_space<hbm>> -> memref<1x25x80xi32, #tpu.memory_space<hbm>>
      %dma_wait3A_234 = tpu.memref_squeeze %dma_wait3A_233 : memref<1x25x80xi32, #tpu.memory_space<hbm>> -> memref<25x80xi32, #tpu.memory_space<hbm>>
      %dma_wait3A_235 = arith.constant 0 : i32
      %dma_wait3A_236 = arith.constant 0 : i32
      %dma_wait3A_237 = tpu.memref_slice %arg11[%run_scoped3A_119, %run_scoped3A_120, %dma_wait3A_235, %dma_wait3A_236] : memref<2x2x25x80xi32, #tpu.memory_space<vmem>> -> memref<1x1x25x80xi32, #tpu.memory_space<vmem>>
      %dma_wait3A_238 = tpu.memref_squeeze %dma_wait3A_237 : memref<1x1x25x80xi32, #tpu.memory_space<vmem>> -> memref<25x80xi32, #tpu.memory_space<vmem>>
      %dma_wait3A_239 = arith.constant 0 : i32
      %dma_wait3A_240 = tpu.memref_slice %arg5[%run_scoped3A_118, %mul3A_2, %dma_wait3A_239] : memref<2x4000x80xi32, #tpu.memory_space<hbm>> -> memref<1x25x80xi32, #tpu.memory_space<hbm>>
      %dma_wait3A_241 = tpu.memref_squeeze %dma_wait3A_240 : memref<1x25x80xi32, #tpu.memory_space<hbm>> -> memref<25x80xi32, #tpu.memory_space<hbm>>
      tpu.wait_dma2 semaphore(%run_scoped3A_213 : memref<!tpu.dma_semaphore, #tpu.memory_space<semaphore_mem>>) src(%dma_wait3A_241 : memref<25x80xi32, #tpu.memory_space<hbm>>) dst(%dma_wait3A_238 : memref<25x80xi32, #tpu.memory_space<vmem>>)
      tpu.yield
    }) : () -> ()
    %add3A_121 = arith.constant 25 : i32
    %add3A_122 = arith.addi %mul3A_2, %add3A_121 : i32
    %dma_start3A_123 = arith.constant 1 : i32
    %dma_start3A_124 = arith.constant 1 : i32
    %dma_start3A_125 = arith.constant 1 : i32
    %dma_start3A_126 = arith.constant 0 : i32
    %dma_start3A_127 = arith.constant 0 : i32
    %dma_start3A_128 = tpu.memref_slice %arg11[%dma_start3A_124, %dma_start3A_125, %dma_start3A_126, %dma_start3A_127] : memref<2x2x25x80xi32, #tpu.memory_space<vmem>> -> memref<1x1x25x80xi32, #tpu.memory_space<vmem>>
    %dma_start3A_129 = tpu.memref_squeeze %dma_start3A_128 : memref<1x1x25x80xi32, #tpu.memory_space<vmem>> -> memref<25x80xi32, #tpu.memory_space<vmem>>
    %dma_start3A_130 = arith.constant 0 : i32
    %dma_start3A_131 = tpu.memref_slice %arg5[%dma_start3A_123, %add3A_122, %dma_start3A_130] : memref<2x4000x80xi32, #tpu.memory_space<hbm>> -> memref<1x25x80xi32, #tpu.memory_space<hbm>>
    %dma_start3A_132 = tpu.memref_squeeze %dma_start3A_131 : memref<1x25x80xi32, #tpu.memory_space<hbm>> -> memref<25x80xi32, #tpu.memory_space<hbm>>
    %dma_start3A_133 = arith.constant 0 : i32
    %dma_start3A_134 = arith.constant 0 : i32
    %dma_start3A_135 = tpu.memref_slice %arg11[%dma_start3A_124, %dma_start3A_125, %dma_start3A_133, %dma_start3A_134] : memref<2x2x25x80xi32, #tpu.memory_space<vmem>> -> memref<1x1x25x80xi32, #tpu.memory_space<vmem>>
    %dma_start3A_136 = tpu.memref_squeeze %dma_start3A_135 : memref<1x1x25x80xi32, #tpu.memory_space<vmem>> -> memref<25x80xi32, #tpu.memory_space<vmem>>
    %dma_start3A_137 = arith.constant 0 : i32
    %dma_start3A_138 = tpu.memref_slice %arg5[%dma_start3A_123, %add3A_122, %dma_start3A_137] : memref<2x4000x80xi32, #tpu.memory_space<hbm>> -> memref<1x25x80xi32, #tpu.memory_space<hbm>>
    %dma_start3A_139 = tpu.memref_squeeze %dma_start3A_138 : memref<1x25x80xi32, #tpu.memory_space<hbm>> -> memref<25x80xi32, #tpu.memory_space<hbm>>
    tpu.enqueue_dma source(%dma_start3A_139 : memref<25x80xi32, #tpu.memory_space<hbm>>) target(%dma_start3A_136 : memref<25x80xi32, #tpu.memory_space<vmem>>) target_semaphore(%arg22 : memref<!tpu.dma_semaphore, #tpu.memory_space<semaphore_mem>>)
    %dma_start3A_140 = arith.constant 0 : i32
    %dma_start3A_141 = arith.constant 0 : i32
    %dma_start3A_142 = arith.constant 0 : i32
    %dma_start3A_143 = arith.constant 0 : i32
    %dma_start3A_144 = arith.constant 0 : i32
    %dma_start3A_145 = arith.constant 0 : i32
    %dma_start3A_146 = tpu.memref_slice %arg14[%dma_start3A_143, %dma_start3A_144, %dma_start3A_145] : memref<2x80x128xbf16, #tpu.memory_space<vmem>> -> memref<1x80x128xbf16, #tpu.memory_space<vmem>>
    %dma_start3A_147 = tpu.memref_squeeze %dma_start3A_146 : memref<1x80x128xbf16, #tpu.memory_space<vmem>> -> memref<80x128xbf16, #tpu.memory_space<vmem>>
    %dma_start3A_148 = arith.constant 0 : i32
    %dma_start3A_149 = tpu.memref_slice %arg11[%dma_start3A_140, %dma_start3A_141, %dma_start3A_142, %dma_start3A_148] : memref<2x2x25x80xi32, #tpu.memory_space<vmem>> -> memref<1x1x1x80xi32, #tpu.memory_space<vmem>>
    %dma_start3A_150 = tpu.memref_squeeze %dma_start3A_149 : memref<1x1x1x80xi32, #tpu.memory_space<vmem>> -> memref<80xi32, #tpu.memory_space<vmem>>
    %dma_start3A_151 = arith.constant 0 : i32
    %dma_start3A_152 = arith.constant 0 : i32
    %dma_start3A_153 = tpu.memref_slice %arg2[%dma_start3A_151, %dma_start3A_152] : memref<10000x128xbf16, #tpu.memory_space<hbm>> -> memref<10000x128xbf16, #tpu.memory_space<hbm>>
    tpu.enqueue_indirect_dma source(%dma_start3A_153 : memref<10000x128xbf16, #tpu.memory_space<hbm>>) target(%dma_start3A_147 : memref<80x128xbf16, #tpu.memory_space<vmem>>) offsets(%dma_start3A_150 : memref<80xi32, #tpu.memory_space<vmem>>) semaphore(%arg20 : memref<!tpu.dma_semaphore, #tpu.memory_space<semaphore_mem>>)
    %barrier3A = arith.constant 0 : index
    tpu.barrier barrier_id(%barrier3A)
    %iota3A = tpu.iota {dimensions = array<i32: 0>} : vector<16xi32>
    %scan3A_154 = arith.constant 0 : i32
    %scan3A_155 = arith.constant 0 : i32
    %scan3A_156 = arith.constant 63 : i32
    %scan3A_157 = arith.addi %scan3A_155, %scan3A_156 : i32
    %scan3A_158 = arith.constant 1 : i32
    scf.for %scan3A_213 = %scan3A_155 to %scan3A_157 step %scan3A_158  : i32 {
      %mul3A_214 = arith.constant 2 : i32
      %mul3A_215 = arith.muli %mul3A_214, %scan3A_213 : i32
      %add3A_216 = arith.constant 0 : i32
      %add3A_217 = arith.addi %mul3A_215, %add3A_216 : i32
      %lt3A = arith.constant 125 : i32
      %lt3A_218 = arith.cmpi slt, %add3A_217, %lt3A : i32
      %convert_element_type3A_219 = arith.extui %lt3A_218 : i1 to i32
      %cond3A_220 = arith.constant 0 : i32
      %cond3A_221 = arith.cmpi ne, %convert_element_type3A_219, %cond3A_220 : i32
      scf.if %cond3A_221 {
        %jit3A = arith.constant 25 : i32
        %div3A = arith.divsi %add3A_217, %jit3A : i32
        %sign3A = arith.constant 0 : i32
        %sign3A_231 = arith.cmpi sgt, %add3A_217, %sign3A : i32
        %sign3A_232 = arith.extui %sign3A_231 : i1 to i32
        %sign3A_233 = arith.constant 0 : i32
        %sign3A_234 = arith.cmpi slt, %add3A_217, %sign3A_233 : i32
        %sign3A_235 = arith.extui %sign3A_234 : i1 to i32
        %sign3A_236 = arith.subi %sign3A_232, %sign3A_235 : i32
        %sign3A_237 = arith.constant 0 : i32
        %sign3A_238 = arith.cmpi sgt, %jit3A, %sign3A_237 : i32
        %sign3A_239 = arith.extui %sign3A_238 : i1 to i32
        %sign3A_240 = arith.constant 0 : i32
        %sign3A_241 = arith.cmpi slt, %jit3A, %sign3A_240 : i32
        %sign3A_242 = arith.extui %sign3A_241 : i1 to i32
        %sign3A_243 = arith.subi %sign3A_239, %sign3A_242 : i32
        %ne3A = arith.cmpi ne, %sign3A_236, %sign3A_243 : i32
        %rem3A = arith.remsi %add3A_217, %jit3A : i32
        %ne3A_244 = arith.constant 0 : i32
        %ne3A_245 = arith.cmpi ne, %rem3A, %ne3A_244 : i32
        %and3A = arith.andi %ne3A, %ne3A_245 : i1
        %sub3A = arith.constant 1 : i32
        %sub3A_246 = arith.subi %div3A, %sub3A : i32
        %select_n3A = arith.select %and3A, %sub3A_246, %div3A : i32
        %jit3A_247 = arith.constant 25 : i32
        %eq3A_248 = arith.constant 0 : i32
        %eq3A_249 = arith.cmpi eq, %jit3A_247, %eq3A_248 : i32
        %jit3A_250 = arith.constant 1 : i32
        %select_n3A_251 = arith.select %eq3A_249, %jit3A_250, %jit3A_247 : i32
        %rem3A_252 = arith.remsi %add3A_217, %select_n3A_251 : i32
        %ne3A_253 = arith.constant 0 : i32
        %ne3A_254 = arith.cmpi ne, %rem3A_252, %ne3A_253 : i32
        %lt3A_255 = arith.constant 0 : i32
        %lt3A_256 = arith.cmpi slt, %rem3A_252, %lt3A_255 : i32
        %lt3A_257 = arith.constant 0 : i32
        %lt3A_258 = arith.cmpi slt, %select_n3A_251, %lt3A_257 : i32
        %ne3A_259 = arith.xori %lt3A_256, %lt3A_258 : i1
        %and3A_260 = arith.andi %ne3A_259, %ne3A_254 : i1
        %add3A_261 = arith.addi %rem3A_252, %select_n3A_251 : i32
        %select_n3A_262 = arith.select %and3A_260, %add3A_261, %rem3A_252 : i32
        %jit3A_263 = arith.constant 2 : i32
        %eq3A_264 = arith.constant 0 : i32
        %eq3A_265 = arith.cmpi eq, %jit3A_263, %eq3A_264 : i32
        %jit3A_266 = arith.constant 1 : i32
        %select_n3A_267 = arith.select %eq3A_265, %jit3A_266, %jit3A_263 : i32
        %rem3A_268 = arith.remsi %select_n3A, %select_n3A_267 : i32
        %ne3A_269 = arith.constant 0 : i32
        %ne3A_270 = arith.cmpi ne, %rem3A_268, %ne3A_269 : i32
        %lt3A_271 = arith.constant 0 : i32
        %lt3A_272 = arith.cmpi slt, %rem3A_268, %lt3A_271 : i32
        %lt3A_273 = arith.constant 0 : i32
        %lt3A_274 = arith.cmpi slt, %select_n3A_267, %lt3A_273 : i32
        %ne3A_275 = arith.xori %lt3A_272, %lt3A_274 : i1
        %and3A_276 = arith.andi %ne3A_275, %ne3A_270 : i1
        %add3A_277 = arith.addi %rem3A_268, %select_n3A_267 : i32
        %select_n3A_278 = arith.select %and3A_276, %add3A_277, %rem3A_268 : i32
        %add3A_279 = arith.constant 1 : i32
        %add3A_280 = arith.addi %add3A_217, %add3A_279 : i32
        %lt3A_281 = arith.constant 125 : i32
        %lt3A_282 = arith.cmpi slt, %add3A_280, %lt3A_281 : i32
        %jit3A_283 = arith.constant 25 : i32
        %eq3A_284 = arith.constant 0 : i32
        %eq3A_285 = arith.cmpi eq, %jit3A_283, %eq3A_284 : i32
        %jit3A_286 = arith.constant 1 : i32
        %select_n3A_287 = arith.select %eq3A_285, %jit3A_286, %jit3A_283 : i32
        %rem3A_288 = arith.remsi %add3A_280, %select_n3A_287 : i32
        %ne3A_289 = arith.constant 0 : i32
        %ne3A_290 = arith.cmpi ne, %rem3A_288, %ne3A_289 : i32
        %lt3A_291 = arith.constant 0 : i32
        %lt3A_292 = arith.cmpi slt, %rem3A_288, %lt3A_291 : i32
        %lt3A_293 = arith.constant 0 : i32
        %lt3A_294 = arith.cmpi slt, %select_n3A_287, %lt3A_293 : i32
        %ne3A_295 = arith.xori %lt3A_292, %lt3A_294 : i1
        %and3A_296 = arith.andi %ne3A_295, %ne3A_290 : i1
        %add3A_297 = arith.addi %rem3A_288, %select_n3A_287 : i32
        %select_n3A_298 = arith.select %and3A_296, %add3A_297, %rem3A_288 : i32
        %eq3A_299 = arith.constant 0 : i32
        %eq3A_300 = arith.cmpi eq, %select_n3A_298, %eq3A_299 : i32
        %and3A_301 = arith.andi %lt3A_282, %eq3A_300 : i1
        %convert_element_type3A_302 = arith.extui %and3A_301 : i1 to i32
        %cond3A_303 = arith.constant 0 : i32
        %cond3A_304 = arith.cmpi ne, %convert_element_type3A_302, %cond3A_303 : i32
        scf.if %cond3A_304 {
          %jit3A_588 = arith.constant 25 : i32
          %div3A_589 = arith.divsi %add3A_280, %jit3A_588 : i32
          %sign3A_590 = arith.constant 0 : i32
          %sign3A_591 = arith.cmpi sgt, %add3A_280, %sign3A_590 : i32
          %sign3A_592 = arith.extui %sign3A_591 : i1 to i32
          %sign3A_593 = arith.constant 0 : i32
          %sign3A_594 = arith.cmpi slt, %add3A_280, %sign3A_593 : i32
          %sign3A_595 = arith.extui %sign3A_594 : i1 to i32
          %sign3A_596 = arith.subi %sign3A_592, %sign3A_595 : i32
          %sign3A_597 = arith.constant 0 : i32
          %sign3A_598 = arith.cmpi sgt, %jit3A_588, %sign3A_597 : i32
          %sign3A_599 = arith.extui %sign3A_598 : i1 to i32
          %sign3A_600 = arith.constant 0 : i32
          %sign3A_601 = arith.cmpi slt, %jit3A_588, %sign3A_600 : i32
          %sign3A_602 = arith.extui %sign3A_601 : i1 to i32
          %sign3A_603 = arith.subi %sign3A_599, %sign3A_602 : i32
          %ne3A_604 = arith.cmpi ne, %sign3A_596, %sign3A_603 : i32
          %rem3A_605 = arith.remsi %add3A_280, %jit3A_588 : i32
          %ne3A_606 = arith.constant 0 : i32
          %ne3A_607 = arith.cmpi ne, %rem3A_605, %ne3A_606 : i32
          %and3A_608 = arith.andi %ne3A_604, %ne3A_607 : i1
          %sub3A_609 = arith.constant 1 : i32
          %sub3A_610 = arith.subi %div3A_589, %sub3A_609 : i32
          %select_n3A_611 = arith.select %and3A_608, %sub3A_610, %div3A_589 : i32
          %mul3A_612 = arith.constant 25 : i32
          %mul3A_613 = arith.muli %select_n3A_611, %mul3A_612 : i32
          %add3A_614 = arith.addi %mul3A_2, %mul3A_613 : i32
          %jit3A_615 = arith.constant 2 : i32
          %eq3A_616 = arith.constant 0 : i32
          %eq3A_617 = arith.cmpi eq, %jit3A_615, %eq3A_616 : i32
          %jit3A_618 = arith.constant 1 : i32
          %select_n3A_619 = arith.select %eq3A_617, %jit3A_618, %jit3A_615 : i32
          %rem3A_620 = arith.remsi %select_n3A_611, %select_n3A_619 : i32
          %ne3A_621 = arith.constant 0 : i32
          %ne3A_622 = arith.cmpi ne, %rem3A_620, %ne3A_621 : i32
          %lt3A_623 = arith.constant 0 : i32
          %lt3A_624 = arith.cmpi slt, %rem3A_620, %lt3A_623 : i32
          %lt3A_625 = arith.constant 0 : i32
          %lt3A_626 = arith.cmpi slt, %select_n3A_619, %lt3A_625 : i32
          %ne3A_627 = arith.xori %lt3A_624, %lt3A_626 : i1
          %and3A_628 = arith.andi %ne3A_627, %ne3A_622 : i1
          %add3A_629 = arith.addi %rem3A_620, %select_n3A_619 : i32
          %select_n3A_630 = arith.select %and3A_628, %add3A_629, %rem3A_620 : i32
          %dma_wait3A_631 = arith.constant 0 : i32
          %dma_wait3A_632 = arith.constant 0 : i32
          %dma_wait3A_633 = arith.constant 0 : i32
          %dma_wait3A_634 = arith.constant 0 : i32
          %dma_wait3A_635 = tpu.memref_slice %arg11[%select_n3A_630, %dma_wait3A_632, %dma_wait3A_633, %dma_wait3A_634] : memref<2x2x25x80xi32, #tpu.memory_space<vmem>> -> memref<1x1x25x80xi32, #tpu.memory_space<vmem>>
          %dma_wait3A_636 = tpu.memref_squeeze %dma_wait3A_635 : memref<1x1x25x80xi32, #tpu.memory_space<vmem>> -> memref<25x80xi32, #tpu.memory_space<vmem>>
          %dma_wait3A_637 = arith.constant 0 : i32
          %dma_wait3A_638 = tpu.memref_slice %arg5[%dma_wait3A_631, %add3A_614, %dma_wait3A_637] : memref<2x4000x80xi32, #tpu.memory_space<hbm>> -> memref<1x25x80xi32, #tpu.memory_space<hbm>>
          %dma_wait3A_639 = tpu.memref_squeeze %dma_wait3A_638 : memref<1x25x80xi32, #tpu.memory_space<hbm>> -> memref<25x80xi32, #tpu.memory_space<hbm>>
          %dma_wait3A_640 = arith.constant 0 : i32
          %dma_wait3A_641 = arith.constant 0 : i32
          %dma_wait3A_642 = tpu.memref_slice %arg11[%select_n3A_630, %dma_wait3A_632, %dma_wait3A_640, %dma_wait3A_641] : memref<2x2x25x80xi32, #tpu.memory_space<vmem>> -> memref<1x1x25x80xi32, #tpu.memory_space<vmem>>
          %dma_wait3A_643 = tpu.memref_squeeze %dma_wait3A_642 : memref<1x1x25x80xi32, #tpu.memory_space<vmem>> -> memref<25x80xi32, #tpu.memory_space<vmem>>
          %dma_wait3A_644 = arith.constant 0 : i32
          %dma_wait3A_645 = tpu.memref_slice %arg5[%dma_wait3A_631, %add3A_614, %dma_wait3A_644] : memref<2x4000x80xi32, #tpu.memory_space<hbm>> -> memref<1x25x80xi32, #tpu.memory_space<hbm>>
          %dma_wait3A_646 = tpu.memref_squeeze %dma_wait3A_645 : memref<1x25x80xi32, #tpu.memory_space<hbm>> -> memref<25x80xi32, #tpu.memory_space<hbm>>
          tpu.wait_dma2 semaphore(%arg22 : memref<!tpu.dma_semaphore, #tpu.memory_space<semaphore_mem>>) src(%dma_wait3A_646 : memref<25x80xi32, #tpu.memory_space<hbm>>) dst(%dma_wait3A_643 : memref<25x80xi32, #tpu.memory_space<vmem>>)
          %mul3A_647 = arith.constant 25 : i32
          %mul3A_648 = arith.muli %select_n3A_611, %mul3A_647 : i32
          %add3A_649 = arith.addi %mul3A_2, %mul3A_648 : i32
          %jit3A_650 = arith.constant 2 : i32
          %eq3A_651 = arith.constant 0 : i32
          %eq3A_652 = arith.cmpi eq, %jit3A_650, %eq3A_651 : i32
          %jit3A_653 = arith.constant 1 : i32
          %select_n3A_654 = arith.select %eq3A_652, %jit3A_653, %jit3A_650 : i32
          %rem3A_655 = arith.remsi %select_n3A_611, %select_n3A_654 : i32
          %ne3A_656 = arith.constant 0 : i32
          %ne3A_657 = arith.cmpi ne, %rem3A_655, %ne3A_656 : i32
          %lt3A_658 = arith.constant 0 : i32
          %lt3A_659 = arith.cmpi slt, %rem3A_655, %lt3A_658 : i32
          %lt3A_660 = arith.constant 0 : i32
          %lt3A_661 = arith.cmpi slt, %select_n3A_654, %lt3A_660 : i32
          %ne3A_662 = arith.xori %lt3A_659, %lt3A_661 : i1
          %and3A_663 = arith.andi %ne3A_662, %ne3A_657 : i1
          %add3A_664 = arith.addi %rem3A_655, %select_n3A_654 : i32
          %select_n3A_665 = arith.select %and3A_663, %add3A_664, %rem3A_655 : i32
          %dma_wait3A_666 = arith.constant 1 : i32
          %dma_wait3A_667 = arith.constant 1 : i32
          %dma_wait3A_668 = arith.constant 0 : i32
          %dma_wait3A_669 = arith.constant 0 : i32
          %dma_wait3A_670 = tpu.memref_slice %arg11[%select_n3A_665, %dma_wait3A_667, %dma_wait3A_668, %dma_wait3A_669] : memref<2x2x25x80xi32, #tpu.memory_space<vmem>> -> memref<1x1x25x80xi32, #tpu.memory_space<vmem>>
          %dma_wait3A_671 = tpu.memref_squeeze %dma_wait3A_670 : memref<1x1x25x80xi32, #tpu.memory_space<vmem>> -> memref<25x80xi32, #tpu.memory_space<vmem>>
          %dma_wait3A_672 = arith.constant 0 : i32
          %dma_wait3A_673 = tpu.memref_slice %arg5[%dma_wait3A_666, %add3A_649, %dma_wait3A_672] : memref<2x4000x80xi32, #tpu.memory_space<hbm>> -> memref<1x25x80xi32, #tpu.memory_space<hbm>>
          %dma_wait3A_674 = tpu.memref_squeeze %dma_wait3A_673 : memref<1x25x80xi32, #tpu.memory_space<hbm>> -> memref<25x80xi32, #tpu.memory_space<hbm>>
          %dma_wait3A_675 = arith.constant 0 : i32
          %dma_wait3A_676 = arith.constant 0 : i32
          %dma_wait3A_677 = tpu.memref_slice %arg11[%select_n3A_665, %dma_wait3A_667, %dma_wait3A_675, %dma_wait3A_676] : memref<2x2x25x80xi32, #tpu.memory_space<vmem>> -> memref<1x1x25x80xi32, #tpu.memory_space<vmem>>
          %dma_wait3A_678 = tpu.memref_squeeze %dma_wait3A_677 : memref<1x1x25x80xi32, #tpu.memory_space<vmem>> -> memref<25x80xi32, #tpu.memory_space<vmem>>
          %dma_wait3A_679 = arith.constant 0 : i32
          %dma_wait3A_680 = tpu.memref_slice %arg5[%dma_wait3A_666, %add3A_649, %dma_wait3A_679] : memref<2x4000x80xi32, #tpu.memory_space<hbm>> -> memref<1x25x80xi32, #tpu.memory_space<hbm>>
          %dma_wait3A_681 = tpu.memref_squeeze %dma_wait3A_680 : memref<1x25x80xi32, #tpu.memory_space<hbm>> -> memref<25x80xi32, #tpu.memory_space<hbm>>
          tpu.wait_dma2 semaphore(%arg22 : memref<!tpu.dma_semaphore, #tpu.memory_space<semaphore_mem>>) src(%dma_wait3A_681 : memref<25x80xi32, #tpu.memory_space<hbm>>) dst(%dma_wait3A_678 : memref<25x80xi32, #tpu.memory_space<vmem>>)
        } else {
        }
        %lt3A_305 = arith.constant 125 : i32
        %lt3A_306 = arith.cmpi slt, %add3A_280, %lt3A_305 : i32
        %convert_element_type3A_307 = arith.extui %lt3A_306 : i1 to i32
        %cond3A_308 = arith.constant 0 : i32
        %cond3A_309 = arith.cmpi ne, %convert_element_type3A_307, %cond3A_308 : i32
        scf.if %cond3A_309 {
          %jit3A_588 = arith.constant 25 : i32
          %div3A_589 = arith.divsi %add3A_280, %jit3A_588 : i32
          %sign3A_590 = arith.constant 0 : i32
          %sign3A_591 = arith.cmpi sgt, %add3A_280, %sign3A_590 : i32
          %sign3A_592 = arith.extui %sign3A_591 : i1 to i32
          %sign3A_593 = arith.constant 0 : i32
          %sign3A_594 = arith.cmpi slt, %add3A_280, %sign3A_593 : i32
          %sign3A_595 = arith.extui %sign3A_594 : i1 to i32
          %sign3A_596 = arith.subi %sign3A_592, %sign3A_595 : i32
          %sign3A_597 = arith.constant 0 : i32
          %sign3A_598 = arith.cmpi sgt, %jit3A_588, %sign3A_597 : i32
          %sign3A_599 = arith.extui %sign3A_598 : i1 to i32
          %sign3A_600 = arith.constant 0 : i32
          %sign3A_601 = arith.cmpi slt, %jit3A_588, %sign3A_600 : i32
          %sign3A_602 = arith.extui %sign3A_601 : i1 to i32
          %sign3A_603 = arith.subi %sign3A_599, %sign3A_602 : i32
          %ne3A_604 = arith.cmpi ne, %sign3A_596, %sign3A_603 : i32
          %rem3A_605 = arith.remsi %add3A_280, %jit3A_588 : i32
          %ne3A_606 = arith.constant 0 : i32
          %ne3A_607 = arith.cmpi ne, %rem3A_605, %ne3A_606 : i32
          %and3A_608 = arith.andi %ne3A_604, %ne3A_607 : i1
          %sub3A_609 = arith.constant 1 : i32
          %sub3A_610 = arith.subi %div3A_589, %sub3A_609 : i32
          %select_n3A_611 = arith.select %and3A_608, %sub3A_610, %div3A_589 : i32
          %jit3A_612 = arith.constant 2 : i32
          %eq3A_613 = arith.constant 0 : i32
          %eq3A_614 = arith.cmpi eq, %jit3A_612, %eq3A_613 : i32
          %jit3A_615 = arith.constant 1 : i32
          %select_n3A_616 = arith.select %eq3A_614, %jit3A_615, %jit3A_612 : i32
          %rem3A_617 = arith.remsi %select_n3A_611, %select_n3A_616 : i32
          %ne3A_618 = arith.constant 0 : i32
          %ne3A_619 = arith.cmpi ne, %rem3A_617, %ne3A_618 : i32
          %lt3A_620 = arith.constant 0 : i32
          %lt3A_621 = arith.cmpi slt, %rem3A_617, %lt3A_620 : i32
          %lt3A_622 = arith.constant 0 : i32
          %lt3A_623 = arith.cmpi slt, %select_n3A_616, %lt3A_622 : i32
          %ne3A_624 = arith.xori %lt3A_621, %lt3A_623 : i1
          %and3A_625 = arith.andi %ne3A_624, %ne3A_619 : i1
          %add3A_626 = arith.addi %rem3A_617, %select_n3A_616 : i32
          %select_n3A_627 = arith.select %and3A_625, %add3A_626, %rem3A_617 : i32
          %jit3A_628 = arith.constant 25 : i32
          %eq3A_629 = arith.constant 0 : i32
          %eq3A_630 = arith.cmpi eq, %jit3A_628, %eq3A_629 : i32
          %jit3A_631 = arith.constant 1 : i32
          %select_n3A_632 = arith.select %eq3A_630, %jit3A_631, %jit3A_628 : i32
          %rem3A_633 = arith.remsi %add3A_280, %select_n3A_632 : i32
          %ne3A_634 = arith.constant 0 : i32
          %ne3A_635 = arith.cmpi ne, %rem3A_633, %ne3A_634 : i32
          %lt3A_636 = arith.constant 0 : i32
          %lt3A_637 = arith.cmpi slt, %rem3A_633, %lt3A_636 : i32
          %lt3A_638 = arith.constant 0 : i32
          %lt3A_639 = arith.cmpi slt, %select_n3A_632, %lt3A_638 : i32
          %ne3A_640 = arith.xori %lt3A_637, %lt3A_639 : i1
          %and3A_641 = arith.andi %ne3A_640, %ne3A_635 : i1
          %add3A_642 = arith.addi %rem3A_633, %select_n3A_632 : i32
          %select_n3A_643 = arith.select %and3A_641, %add3A_642, %rem3A_633 : i32
          %dma_start3A_644 = arith.constant 0 : i32
          %dma_start3A_645 = arith.constant 1 : i32
          %dma_start3A_646 = arith.constant 0 : i32
          %dma_start3A_647 = arith.constant 0 : i32
          %dma_start3A_648 = tpu.memref_slice %arg14[%dma_start3A_645, %dma_start3A_646, %dma_start3A_647] : memref<2x80x128xbf16, #tpu.memory_space<vmem>> -> memref<1x80x128xbf16, #tpu.memory_space<vmem>>
          %dma_start3A_649 = tpu.memref_squeeze %dma_start3A_648 : memref<1x80x128xbf16, #tpu.memory_space<vmem>> -> memref<80x128xbf16, #tpu.memory_space<vmem>>
          %dma_start3A_650 = arith.constant 0 : i32
          %dma_start3A_651 = tpu.memref_slice %arg11[%select_n3A_627, %dma_start3A_644, %select_n3A_643, %dma_start3A_650] : memref<2x2x25x80xi32, #tpu.memory_space<vmem>> -> memref<1x1x1x80xi32, #tpu.memory_space<vmem>>
          %dma_start3A_652 = tpu.memref_squeeze %dma_start3A_651 : memref<1x1x1x80xi32, #tpu.memory_space<vmem>> -> memref<80xi32, #tpu.memory_space<vmem>>
          %dma_start3A_653 = arith.constant 0 : i32
          %dma_start3A_654 = arith.constant 0 : i32
          %dma_start3A_655 = tpu.memref_slice %arg2[%dma_start3A_653, %dma_start3A_654] : memref<10000x128xbf16, #tpu.memory_space<hbm>> -> memref<10000x128xbf16, #tpu.memory_space<hbm>>
          tpu.enqueue_indirect_dma source(%dma_start3A_655 : memref<10000x128xbf16, #tpu.memory_space<hbm>>) target(%dma_start3A_649 : memref<80x128xbf16, #tpu.memory_space<vmem>>) offsets(%dma_start3A_652 : memref<80xi32, #tpu.memory_space<vmem>>) semaphore(%arg21 : memref<!tpu.dma_semaphore, #tpu.memory_space<semaphore_mem>>)
        } else {
        }
        %ge3A = arith.constant 2 : i32
        %ge3A_310 = arith.cmpi sge, %add3A_217, %ge3A : i32
        %convert_element_type3A_311 = arith.extui %ge3A_310 : i1 to i32
        %cond3A_312 = arith.constant 0 : i32
        %cond3A_313 = arith.cmpi ne, %convert_element_type3A_311, %cond3A_312 : i32
        scf.if %cond3A_313 {
          %dma_wait3A_588 = arith.constant 0 : i32
          %dma_wait3A_589 = arith.constant 0 : i32
          %dma_wait3A_590 = arith.constant 0 : i32
          %dma_wait3A_591 = tpu.memref_slice %arg12[%dma_wait3A_588, %dma_wait3A_590] : memref<2x80xf32, #tpu.memory_space<vmem>> -> memref<1x80xf32, #tpu.memory_space<vmem>>
          %dma_wait3A_592 = tpu.memref_squeeze %dma_wait3A_591 : memref<1x80xf32, #tpu.memory_space<vmem>> -> memref<80xf32, #tpu.memory_space<vmem>>
          %dma_wait3A_593 = arith.constant 0 : i32
          %dma_wait3A_594 = tpu.memref_slice %arg13[%dma_wait3A_589, %dma_wait3A_593] : memref<2x80xi32, #tpu.memory_space<vmem>> -> memref<1x80xi32, #tpu.memory_space<vmem>>
          %dma_wait3A_595 = tpu.memref_squeeze %dma_wait3A_594 : memref<1x80xi32, #tpu.memory_space<vmem>> -> memref<80xi32, #tpu.memory_space<vmem>>
          %dma_wait3A_596 = arith.constant 0 : i32
          %dma_wait3A_597 = tpu.memref_slice %arg19[%dma_wait3A_596] : memref<10000xf32, #tpu.memory_space<vmem_shared>> -> memref<10000xf32, #tpu.memory_space<vmem_shared>>
          tpu.wait_indirect_dma semaphore(%arg25 : memref<!tpu.dma_semaphore, #tpu.memory_space<semaphore_mem>>) src(%dma_wait3A_592 : memref<80xf32, #tpu.memory_space<vmem>>) dst(%dma_wait3A_597 : memref<10000xf32, #tpu.memory_space<vmem_shared>>)
        } else {
        }
        %get3A_314 = arith.constant 0 : i32
        %get3A_315 = arith.index_cast %select_n3A_278 : i32 to index
        %get3A_316 = arith.index_cast %get3A_314 : i32 to index
        %get3A_317 = arith.index_cast %select_n3A_262 : i32 to index
        %get3A_318 = arith.constant 0 : index
        %get3A_319 = tpu.vector_load %arg11[%get3A_315, %get3A_316, %get3A_317, %get3A_318] {strides = array<i32>} : memref<2x2x25x80xi32, #tpu.memory_space<vmem>>, vector<16xi32>,
        %get3A_320 = arith.constant 1 : i32
        %get3A_321 = arith.index_cast %select_n3A_278 : i32 to index
        %get3A_322 = arith.index_cast %get3A_320 : i32 to index
        %get3A_323 = arith.index_cast %select_n3A_262 : i32 to index
        %get3A_324 = arith.constant 0 : index
        %get3A_325 = tpu.vector_load %arg11[%get3A_321, %get3A_322, %get3A_323, %get3A_324] {strides = array<i32>} : memref<2x2x25x80xi32, #tpu.memory_space<vmem>>, vector<16xi32>,
        %gather3A = tpu.vector_load_idx %arg9[%get3A_319] : memref<10000xf32, #tpu.memory_space<vmem>>[vector<16xi32>], vector<16xf32>,
        %gather3A_326 = tpu.vector_load_idx %arg10[%get3A_325] : memref<10000xf32, #tpu.memory_space<vmem>>[vector<16xi32>], vector<16xf32>,
        %add3A_327 = arith.addf %gather3A, %gather3A_326 : vector<16xf32>
        %gt3A = arith.constant 0.000000e+00 : f32
        %gt3A_328 = vector.broadcast %gt3A : f32 to vector<16xf32>
        %gt3A_329 = arith.cmpf ogt, %add3A_327, %gt3A_328 : vector<16xf32>
        %mul3A_330 = arith.constant 0.00999999977 : f32
        %mul3A_331 = vector.broadcast %mul3A_330 : f32 to vector<16xf32>
        %mul3A_332 = arith.mulf %add3A_327, %mul3A_331 : vector<16xf32>
        %select_n3A_333 = arith.select %gt3A_329, %add3A_327, %mul3A_332 : vector<16xi1>, vector<16xf32>
        %sub3A_334 = arith.subf %select_n3A_333, %get3A_96 : vector<16xf32>
        %exp3A = math.exp %sub3A_334 : vector<16xf32>
        %swap3A = arith.constant 0 : i32
        %swap3A_335 = arith.index_cast %swap3A : i32 to index
        %swap3A_336 = arith.constant 0 : index
        %swap3A_337 = tpu.vector_load %arg12[%swap3A_335, %swap3A_336] {strides = array<i32>} : memref<2x80xf32, #tpu.memory_space<vmem>>, vector<16xf32>,
        tpu.vector_store %arg12[%swap3A_335, %swap3A_336], %exp3A {strides = array<i32>} : memref<2x80xf32, #tpu.memory_space<vmem>>, vector<16xf32>,
        %swap3A_338 = arith.constant 0 : i32
        %swap3A_339 = arith.index_cast %swap3A_338 : i32 to index
        %swap3A_340 = arith.constant 0 : index
        %swap3A_341 = tpu.vector_load %arg13[%swap3A_339, %swap3A_340] {strides = array<i32>} : memref<2x80xi32, #tpu.memory_space<vmem>>, vector<16xi32>,
        tpu.vector_store %arg13[%swap3A_339, %swap3A_340], %get3A_325 {strides = array<i32>} : memref<2x80xi32, #tpu.memory_space<vmem>>, vector<16xi32>,
        %get3A_342 = arith.constant 0 : i32
        %get3A_343 = arith.index_cast %select_n3A_278 : i32 to index
        %get3A_344 = arith.index_cast %get3A_342 : i32 to index
        %get3A_345 = arith.index_cast %select_n3A_262 : i32 to index
        %get3A_346 = arith.constant 16 : index
        %get3A_347 = tpu.vector_load %arg11[%get3A_343, %get3A_344, %get3A_345, %get3A_346] {strides = array<i32>} : memref<2x2x25x80xi32, #tpu.memory_space<vmem>>, vector<16xi32>,
        %get3A_348 = arith.constant 1 : i32
        %get3A_349 = arith.index_cast %select_n3A_278 : i32 to index
        %get3A_350 = arith.index_cast %get3A_348 : i32 to index
        %get3A_351 = arith.index_cast %select_n3A_262 : i32 to index
        %get3A_352 = arith.constant 16 : index
        %get3A_353 = tpu.vector_load %arg11[%get3A_349, %get3A_350, %get3A_351, %get3A_352] {strides = array<i32>} : memref<2x2x25x80xi32, #tpu.memory_space<vmem>>, vector<16xi32>,
        %gather3A_354 = tpu.vector_load_idx %arg9[%get3A_347] : memref<10000xf32, #tpu.memory_space<vmem>>[vector<16xi32>], vector<16xf32>,
        %gather3A_355 = tpu.vector_load_idx %arg10[%get3A_353] : memref<10000xf32, #tpu.memory_space<vmem>>[vector<16xi32>], vector<16xf32>,
        %add3A_356 = arith.addf %gather3A_354, %gather3A_355 : vector<16xf32>
        %gt3A_357 = arith.constant 0.000000e+00 : f32
        %gt3A_358 = vector.broadcast %gt3A_357 : f32 to vector<16xf32>
        %gt3A_359 = arith.cmpf ogt, %add3A_356, %gt3A_358 : vector<16xf32>
        %mul3A_360 = arith.constant 0.00999999977 : f32
        %mul3A_361 = vector.broadcast %mul3A_360 : f32 to vector<16xf32>
        %mul3A_362 = arith.mulf %add3A_356, %mul3A_361 : vector<16xf32>
        %select_n3A_363 = arith.select %gt3A_359, %add3A_356, %mul3A_362 : vector<16xi1>, vector<16xf32>
        %sub3A_364 = arith.subf %select_n3A_363, %get3A_96 : vector<16xf32>
        %exp3A_365 = math.exp %sub3A_364 : vector<16xf32>
        %swap3A_366 = arith.constant 0 : i32
        %swap3A_367 = arith.index_cast %swap3A_366 : i32 to index
        %swap3A_368 = arith.constant 16 : index
        %swap3A_369 = tpu.vector_load %arg12[%swap3A_367, %swap3A_368] {strides = array<i32>} : memref<2x80xf32, #tpu.memory_space<vmem>>, vector<16xf32>,
        tpu.vector_store %arg12[%swap3A_367, %swap3A_368], %exp3A_365 {strides = array<i32>} : memref<2x80xf32, #tpu.memory_space<vmem>>, vector<16xf32>,
        %swap3A_370 = arith.constant 0 : i32
        %swap3A_371 = arith.index_cast %swap3A_370 : i32 to index
        %swap3A_372 = arith.constant 16 : index
        %swap3A_373 = tpu.vector_load %arg13[%swap3A_371, %swap3A_372] {strides = array<i32>} : memref<2x80xi32, #tpu.memory_space<vmem>>, vector<16xi32>,
        tpu.vector_store %arg13[%swap3A_371, %swap3A_372], %get3A_353 {strides = array<i32>} : memref<2x80xi32, #tpu.memory_space<vmem>>, vector<16xi32>,
        %get3A_374 = arith.constant 0 : i32
        %get3A_375 = arith.index_cast %select_n3A_278 : i32 to index
        %get3A_376 = arith.index_cast %get3A_374 : i32 to index
        %get3A_377 = arith.index_cast %select_n3A_262 : i32 to index
        %get3A_378 = arith.constant 32 : index
        %get3A_379 = tpu.vector_load %arg11[%get3A_375, %get3A_376, %get3A_377, %get3A_378] {strides = array<i32>} : memref<2x2x25x80xi32, #tpu.memory_space<vmem>>, vector<16xi32>,
        %get3A_380 = arith.constant 1 : i32
        %get3A_381 = arith.index_cast %select_n3A_278 : i32 to index
        %get3A_382 = arith.index_cast %get3A_380 : i32 to index
        %get3A_383 = arith.index_cast %select_n3A_262 : i32 to index
        %get3A_384 = arith.constant 32 : index
        %get3A_385 = tpu.vector_load %arg11[%get3A_381, %get3A_382, %get3A_383, %get3A_384] {strides = array<i32>} : memref<2x2x25x80xi32, #tpu.memory_space<vmem>>, vector<16xi32>,
        %gather3A_386 = tpu.vector_load_idx %arg9[%get3A_379] : memref<10000xf32, #tpu.memory_space<vmem>>[vector<16xi32>], vector<16xf32>,
        %gather3A_387 = tpu.vector_load_idx %arg10[%get3A_385] : memref<10000xf32, #tpu.memory_space<vmem>>[vector<16xi32>], vector<16xf32>,
        %add3A_388 = arith.addf %gather3A_386, %gather3A_387 : vector<16xf32>
        %gt3A_389 = arith.constant 0.000000e+00 : f32
        %gt3A_390 = vector.broadcast %gt3A_389 : f32 to vector<16xf32>
        %gt3A_391 = arith.cmpf ogt, %add3A_388, %gt3A_390 : vector<16xf32>
        %mul3A_392 = arith.constant 0.00999999977 : f32
        %mul3A_393 = vector.broadcast %mul3A_392 : f32 to vector<16xf32>
        %mul3A_394 = arith.mulf %add3A_388, %mul3A_393 : vector<16xf32>
        %select_n3A_395 = arith.select %gt3A_391, %add3A_388, %mul3A_394 : vector<16xi1>, vector<16xf32>
        %sub3A_396 = arith.subf %select_n3A_395, %get3A_96 : vector<16xf32>
        %exp3A_397 = math.exp %sub3A_396 : vector<16xf32>
        %swap3A_398 = arith.constant 0 : i32
        %swap3A_399 = arith.index_cast %swap3A_398 : i32 to index
        %swap3A_400 = arith.constant 32 : index
        %swap3A_401 = tpu.vector_load %arg12[%swap3A_399, %swap3A_400] {strides = array<i32>} : memref<2x80xf32, #tpu.memory_space<vmem>>, vector<16xf32>,
        tpu.vector_store %arg12[%swap3A_399, %swap3A_400], %exp3A_397 {strides = array<i32>} : memref<2x80xf32, #tpu.memory_space<vmem>>, vector<16xf32>,
        %swap3A_402 = arith.constant 0 : i32
        %swap3A_403 = arith.index_cast %swap3A_402 : i32 to index
        %swap3A_404 = arith.constant 32 : index
        %swap3A_405 = tpu.vector_load %arg13[%swap3A_403, %swap3A_404] {strides = array<i32>} : memref<2x80xi32, #tpu.memory_space<vmem>>, vector<16xi32>,
        tpu.vector_store %arg13[%swap3A_403, %swap3A_404], %get3A_385 {strides = array<i32>} : memref<2x80xi32, #tpu.memory_space<vmem>>, vector<16xi32>,
        %get3A_406 = arith.constant 0 : i32
        %get3A_407 = arith.index_cast %select_n3A_278 : i32 to index
        %get3A_408 = arith.index_cast %get3A_406 : i32 to index
        %get3A_409 = arith.index_cast %select_n3A_262 : i32 to index
        %get3A_410 = arith.constant 48 : index
        %get3A_411 = tpu.vector_load %arg11[%get3A_407, %get3A_408, %get3A_409, %get3A_410] {strides = array<i32>} : memref<2x2x25x80xi32, #tpu.memory_space<vmem>>, vector<16xi32>,
        %get3A_412 = arith.constant 1 : i32
        %get3A_413 = arith.index_cast %select_n3A_278 : i32 to index
        %get3A_414 = arith.index_cast %get3A_412 : i32 to index
        %get3A_415 = arith.index_cast %select_n3A_262 : i32 to index
        %get3A_416 = arith.constant 48 : index
        %get3A_417 = tpu.vector_load %arg11[%get3A_413, %get3A_414, %get3A_415, %get3A_416] {strides = array<i32>} : memref<2x2x25x80xi32, #tpu.memory_space<vmem>>, vector<16xi32>,
        %gather3A_418 = tpu.vector_load_idx %arg9[%get3A_411] : memref<10000xf32, #tpu.memory_space<vmem>>[vector<16xi32>], vector<16xf32>,
        %gather3A_419 = tpu.vector_load_idx %arg10[%get3A_417] : memref<10000xf32, #tpu.memory_space<vmem>>[vector<16xi32>], vector<16xf32>,
        %add3A_420 = arith.addf %gather3A_418, %gather3A_419 : vector<16xf32>
        %gt3A_421 = arith.constant 0.000000e+00 : f32
        %gt3A_422 = vector.broadcast %gt3A_421 : f32 to vector<16xf32>
        %gt3A_423 = arith.cmpf ogt, %add3A_420, %gt3A_422 : vector<16xf32>
        %mul3A_424 = arith.constant 0.00999999977 : f32
        %mul3A_425 = vector.broadcast %mul3A_424 : f32 to vector<16xf32>
        %mul3A_426 = arith.mulf %add3A_420, %mul3A_425 : vector<16xf32>
        %select_n3A_427 = arith.select %gt3A_423, %add3A_420, %mul3A_426 : vector<16xi1>, vector<16xf32>
        %sub3A_428 = arith.subf %select_n3A_427, %get3A_96 : vector<16xf32>
        %exp3A_429 = math.exp %sub3A_428 : vector<16xf32>
        %swap3A_430 = arith.constant 0 : i32
        %swap3A_431 = arith.index_cast %swap3A_430 : i32 to index
        %swap3A_432 = arith.constant 48 : index
        %swap3A_433 = tpu.vector_load %arg12[%swap3A_431, %swap3A_432] {strides = array<i32>} : memref<2x80xf32, #tpu.memory_space<vmem>>, vector<16xf32>,
        tpu.vector_store %arg12[%swap3A_431, %swap3A_432], %exp3A_429 {strides = array<i32>} : memref<2x80xf32, #tpu.memory_space<vmem>>, vector<16xf32>,
        %swap3A_434 = arith.constant 0 : i32
        %swap3A_435 = arith.index_cast %swap3A_434 : i32 to index
        %swap3A_436 = arith.constant 48 : index
        %swap3A_437 = tpu.vector_load %arg13[%swap3A_435, %swap3A_436] {strides = array<i32>} : memref<2x80xi32, #tpu.memory_space<vmem>>, vector<16xi32>,
        tpu.vector_store %arg13[%swap3A_435, %swap3A_436], %get3A_417 {strides = array<i32>} : memref<2x80xi32, #tpu.memory_space<vmem>>, vector<16xi32>,
        %get3A_438 = arith.constant 0 : i32
        %get3A_439 = arith.index_cast %select_n3A_278 : i32 to index
        %get3A_440 = arith.index_cast %get3A_438 : i32 to index
        %get3A_441 = arith.index_cast %select_n3A_262 : i32 to index
        %get3A_442 = arith.constant 64 : index
        %get3A_443 = tpu.vector_load %arg11[%get3A_439, %get3A_440, %get3A_441, %get3A_442] {strides = array<i32>} : memref<2x2x25x80xi32, #tpu.memory_space<vmem>>, vector<16xi32>,
        %get3A_444 = arith.constant 1 : i32
        %get3A_445 = arith.index_cast %select_n3A_278 : i32 to index
        %get3A_446 = arith.index_cast %get3A_444 : i32 to index
        %get3A_447 = arith.index_cast %select_n3A_262 : i32 to index
        %get3A_448 = arith.constant 64 : index
        %get3A_449 = tpu.vector_load %arg11[%get3A_445, %get3A_446, %get3A_447, %get3A_448] {strides = array<i32>} : memref<2x2x25x80xi32, #tpu.memory_space<vmem>>, vector<16xi32>,
        %gather3A_450 = tpu.vector_load_idx %arg9[%get3A_443] : memref<10000xf32, #tpu.memory_space<vmem>>[vector<16xi32>], vector<16xf32>,
        %gather3A_451 = tpu.vector_load_idx %arg10[%get3A_449] : memref<10000xf32, #tpu.memory_space<vmem>>[vector<16xi32>], vector<16xf32>,
        %add3A_452 = arith.addf %gather3A_450, %gather3A_451 : vector<16xf32>
        %gt3A_453 = arith.constant 0.000000e+00 : f32
        %gt3A_454 = vector.broadcast %gt3A_453 : f32 to vector<16xf32>
        %gt3A_455 = arith.cmpf ogt, %add3A_452, %gt3A_454 : vector<16xf32>
        %mul3A_456 = arith.constant 0.00999999977 : f32
        %mul3A_457 = vector.broadcast %mul3A_456 : f32 to vector<16xf32>
        %mul3A_458 = arith.mulf %add3A_452, %mul3A_457 : vector<16xf32>
        %select_n3A_459 = arith.select %gt3A_455, %add3A_452, %mul3A_458 : vector<16xi1>, vector<16xf32>
        %sub3A_460 = arith.subf %select_n3A_459, %get3A_96 : vector<16xf32>
        %exp3A_461 = math.exp %sub3A_460 : vector<16xf32>
        %swap3A_462 = arith.constant 0 : i32
        %swap3A_463 = arith.index_cast %swap3A_462 : i32 to index
        %swap3A_464 = arith.constant 64 : index
        %swap3A_465 = tpu.vector_load %arg12[%swap3A_463, %swap3A_464] {strides = array<i32>} : memref<2x80xf32, #tpu.memory_space<vmem>>, vector<16xf32>,
        tpu.vector_store %arg12[%swap3A_463, %swap3A_464], %exp3A_461 {strides = array<i32>} : memref<2x80xf32, #tpu.memory_space<vmem>>, vector<16xf32>,
        %swap3A_466 = arith.constant 0 : i32
        %swap3A_467 = arith.index_cast %swap3A_466 : i32 to index
        %swap3A_468 = arith.constant 64 : index
        %swap3A_469 = tpu.vector_load %arg13[%swap3A_467, %swap3A_468] {strides = array<i32>} : memref<2x80xi32, #tpu.memory_space<vmem>>, vector<16xi32>,
        tpu.vector_store %arg13[%swap3A_467, %swap3A_468], %get3A_449 {strides = array<i32>} : memref<2x80xi32, #tpu.memory_space<vmem>>, vector<16xi32>,
        %dma_wait3A_470 = arith.constant 0 : i32
        %dma_wait3A_471 = arith.constant 0 : i32
        %dma_wait3A_472 = arith.constant 0 : i32
        %dma_wait3A_473 = arith.constant 0 : i32
        %dma_wait3A_474 = tpu.memref_slice %arg14[%dma_wait3A_471, %dma_wait3A_472, %dma_wait3A_473] : memref<2x80x128xbf16, #tpu.memory_space<vmem>> -> memref<1x80x128xbf16, #tpu.memory_space<vmem>>
        %dma_wait3A_475 = tpu.memref_squeeze %dma_wait3A_474 : memref<1x80x128xbf16, #tpu.memory_space<vmem>> -> memref<80x128xbf16, #tpu.memory_space<vmem>>
        %dma_wait3A_476 = arith.constant 0 : i32
        %dma_wait3A_477 = tpu.memref_slice %arg11[%select_n3A_278, %dma_wait3A_470, %select_n3A_262, %dma_wait3A_476] : memref<2x2x25x80xi32, #tpu.memory_space<vmem>> -> memref<1x1x1x80xi32, #tpu.memory_space<vmem>>
        %dma_wait3A_478 = tpu.memref_squeeze %dma_wait3A_477 : memref<1x1x1x80xi32, #tpu.memory_space<vmem>> -> memref<80xi32, #tpu.memory_space<vmem>>
        %dma_wait3A_479 = arith.constant 0 : i32
        %dma_wait3A_480 = arith.constant 0 : i32
        %dma_wait3A_481 = tpu.memref_slice %arg2[%dma_wait3A_479, %dma_wait3A_480] : memref<10000x128xbf16, #tpu.memory_space<hbm>> -> memref<10000x128xbf16, #tpu.memory_space<hbm>>
        tpu.wait_indirect_dma semaphore(%arg20 : memref<!tpu.dma_semaphore, #tpu.memory_space<semaphore_mem>>) src(%dma_wait3A_481 : memref<10000x128xbf16, #tpu.memory_space<hbm>>) dst(%dma_wait3A_475 : memref<80x128xbf16, #tpu.memory_space<vmem>>)
        %lt3A_482 = arith.constant 125 : i32
        %lt3A_483 = arith.cmpi slt, %add3A_280, %lt3A_482 : i32
        %jit3A_484 = arith.constant 25 : i32
        %eq3A_485 = arith.constant 0 : i32
        %eq3A_486 = arith.cmpi eq, %jit3A_484, %eq3A_485 : i32
        %jit3A_487 = arith.constant 1 : i32
        %select_n3A_488 = arith.select %eq3A_486, %jit3A_487, %jit3A_484 : i32
        %rem3A_489 = arith.remsi %add3A_280, %select_n3A_488 : i32
        %ne3A_490 = arith.constant 0 : i32
        %ne3A_491 = arith.cmpi ne, %rem3A_489, %ne3A_490 : i32
        %lt3A_492 = arith.constant 0 : i32
        %lt3A_493 = arith.cmpi slt, %rem3A_489, %lt3A_492 : i32
        %lt3A_494 = arith.constant 0 : i32
        %lt3A_495 = arith.cmpi slt, %select_n3A_488, %lt3A_494 : i32
        %ne3A_496 = arith.xori %lt3A_493, %lt3A_495 : i1
        %and3A_497 = arith.andi %ne3A_496, %ne3A_491 : i1
        %add3A_498 = arith.addi %rem3A_489, %select_n3A_488 : i32
        %select_n3A_499 = arith.select %and3A_497, %add3A_498, %rem3A_489 : i32
        %eq3A_500 = arith.constant 0 : i32
        %eq3A_501 = arith.cmpi eq, %select_n3A_499, %eq3A_500 : i32
        %and3A_502 = arith.andi %lt3A_483, %eq3A_501 : i1
        %jit3A_503 = arith.constant 25 : i32
        %div3A_504 = arith.divsi %add3A_280, %jit3A_503 : i32
        %sign3A_505 = arith.constant 0 : i32
        %sign3A_506 = arith.cmpi sgt, %add3A_280, %sign3A_505 : i32
        %sign3A_507 = arith.extui %sign3A_506 : i1 to i32
        %sign3A_508 = arith.constant 0 : i32
        %sign3A_509 = arith.cmpi slt, %add3A_280, %sign3A_508 : i32
        %sign3A_510 = arith.extui %sign3A_509 : i1 to i32
        %sign3A_511 = arith.subi %sign3A_507, %sign3A_510 : i32
        %sign3A_512 = arith.constant 0 : i32
        %sign3A_513 = arith.cmpi sgt, %jit3A_503, %sign3A_512 : i32
        %sign3A_514 = arith.extui %sign3A_513 : i1 to i32
        %sign3A_515 = arith.constant 0 : i32
        %sign3A_516 = arith.cmpi slt, %jit3A_503, %sign3A_515 : i32
        %sign3A_517 = arith.extui %sign3A_516 : i1 to i32
        %sign3A_518 = arith.subi %sign3A_514, %sign3A_517 : i32
        %ne3A_519 = arith.cmpi ne, %sign3A_511, %sign3A_518 : i32
        %rem3A_520 = arith.remsi %add3A_280, %jit3A_503 : i32
        %ne3A_521 = arith.constant 0 : i32
        %ne3A_522 = arith.cmpi ne, %rem3A_520, %ne3A_521 : i32
        %and3A_523 = arith.andi %ne3A_519, %ne3A_522 : i1
        %sub3A_524 = arith.constant 1 : i32
        %sub3A_525 = arith.subi %div3A_504, %sub3A_524 : i32
        %select_n3A_526 = arith.select %and3A_523, %sub3A_525, %div3A_504 : i32
        %add3A_527 = arith.constant 1 : i32
        %add3A_528 = arith.addi %select_n3A_526, %add3A_527 : i32
        %lt3A_529 = arith.constant 5 : i32
        %lt3A_530 = arith.cmpi slt, %add3A_528, %lt3A_529 : i32
        %and3A_531 = arith.andi %and3A_502, %lt3A_530 : i1
        %convert_element_type3A_532 = arith.extui %and3A_531 : i1 to i32
        %cond3A_533 = arith.constant 0 : i32
        %cond3A_534 = arith.cmpi ne, %convert_element_type3A_532, %cond3A_533 : i32
        scf.if %cond3A_534 {
          %jit3A_588 = arith.constant 25 : i32
          %div3A_589 = arith.divsi %add3A_280, %jit3A_588 : i32
          %sign3A_590 = arith.constant 0 : i32
          %sign3A_591 = arith.cmpi sgt, %add3A_280, %sign3A_590 : i32
          %sign3A_592 = arith.extui %sign3A_591 : i1 to i32
          %sign3A_593 = arith.constant 0 : i32
          %sign3A_594 = arith.cmpi slt, %add3A_280, %sign3A_593 : i32
          %sign3A_595 = arith.extui %sign3A_594 : i1 to i32
          %sign3A_596 = arith.subi %sign3A_592, %sign3A_595 : i32
          %sign3A_597 = arith.constant 0 : i32
          %sign3A_598 = arith.cmpi sgt, %jit3A_588, %sign3A_597 : i32
          %sign3A_599 = arith.extui %sign3A_598 : i1 to i32
          %sign3A_600 = arith.constant 0 : i32
          %sign3A_601 = arith.cmpi slt, %jit3A_588, %sign3A_600 : i32
          %sign3A_602 = arith.extui %sign3A_601 : i1 to i32
          %sign3A_603 = arith.subi %sign3A_599, %sign3A_602 : i32
          %ne3A_604 = arith.cmpi ne, %sign3A_596, %sign3A_603 : i32
          %rem3A_605 = arith.remsi %add3A_280, %jit3A_588 : i32
          %ne3A_606 = arith.constant 0 : i32
          %ne3A_607 = arith.cmpi ne, %rem3A_605, %ne3A_606 : i32
          %and3A_608 = arith.andi %ne3A_604, %ne3A_607 : i1
          %sub3A_609 = arith.constant 1 : i32
          %sub3A_610 = arith.subi %div3A_589, %sub3A_609 : i32
          %select_n3A_611 = arith.select %and3A_608, %sub3A_610, %div3A_589 : i32
          %add3A_612 = arith.constant 1 : i32
          %add3A_613 = arith.addi %select_n3A_611, %add3A_612 : i32
          %mul3A_614 = arith.constant 25 : i32
          %mul3A_615 = arith.muli %add3A_613, %mul3A_614 : i32
          %add3A_616 = arith.addi %mul3A_2, %mul3A_615 : i32
          %jit3A_617 = arith.constant 2 : i32
          %eq3A_618 = arith.constant 0 : i32
          %eq3A_619 = arith.cmpi eq, %jit3A_617, %eq3A_618 : i32
          %jit3A_620 = arith.constant 1 : i32
          %select_n3A_621 = arith.select %eq3A_619, %jit3A_620, %jit3A_617 : i32
          %rem3A_622 = arith.remsi %add3A_613, %select_n3A_621 : i32
          %ne3A_623 = arith.constant 0 : i32
          %ne3A_624 = arith.cmpi ne, %rem3A_622, %ne3A_623 : i32
          %lt3A_625 = arith.constant 0 : i32
          %lt3A_626 = arith.cmpi slt, %rem3A_622, %lt3A_625 : i32
          %lt3A_627 = arith.constant 0 : i32
          %lt3A_628 = arith.cmpi slt, %select_n3A_621, %lt3A_627 : i32
          %ne3A_629 = arith.xori %lt3A_626, %lt3A_628 : i1
          %and3A_630 = arith.andi %ne3A_629, %ne3A_624 : i1
          %add3A_631 = arith.addi %rem3A_622, %select_n3A_621 : i32
          %select_n3A_632 = arith.select %and3A_630, %add3A_631, %rem3A_622 : i32
          %dma_start3A_633 = arith.constant 0 : i32
          %dma_start3A_634 = arith.constant 0 : i32
          %dma_start3A_635 = arith.constant 0 : i32
          %dma_start3A_636 = arith.constant 0 : i32
          %dma_start3A_637 = tpu.memref_slice %arg11[%select_n3A_632, %dma_start3A_634, %dma_start3A_635, %dma_start3A_636] : memref<2x2x25x80xi32, #tpu.memory_space<vmem>> -> memref<1x1x25x80xi32, #tpu.memory_space<vmem>>
          %dma_start3A_638 = tpu.memref_squeeze %dma_start3A_637 : memref<1x1x25x80xi32, #tpu.memory_space<vmem>> -> memref<25x80xi32, #tpu.memory_space<vmem>>
          %dma_start3A_639 = arith.constant 0 : i32
          %dma_start3A_640 = tpu.memref_slice %arg5[%dma_start3A_633, %add3A_616, %dma_start3A_639] : memref<2x4000x80xi32, #tpu.memory_space<hbm>> -> memref<1x25x80xi32, #tpu.memory_space<hbm>>
          %dma_start3A_641 = tpu.memref_squeeze %dma_start3A_640 : memref<1x25x80xi32, #tpu.memory_space<hbm>> -> memref<25x80xi32, #tpu.memory_space<hbm>>
          %dma_start3A_642 = arith.constant 0 : i32
          %dma_start3A_643 = arith.constant 0 : i32
          %dma_start3A_644 = tpu.memref_slice %arg11[%select_n3A_632, %dma_start3A_634, %dma_start3A_642, %dma_start3A_643] : memref<2x2x25x80xi32, #tpu.memory_space<vmem>> -> memref<1x1x25x80xi32, #tpu.memory_space<vmem>>
          %dma_start3A_645 = tpu.memref_squeeze %dma_start3A_644 : memref<1x1x25x80xi32, #tpu.memory_space<vmem>> -> memref<25x80xi32, #tpu.memory_space<vmem>>
          %dma_start3A_646 = arith.constant 0 : i32
          %dma_start3A_647 = tpu.memref_slice %arg5[%dma_start3A_633, %add3A_616, %dma_start3A_646] : memref<2x4000x80xi32, #tpu.memory_space<hbm>> -> memref<1x25x80xi32, #tpu.memory_space<hbm>>
          %dma_start3A_648 = tpu.memref_squeeze %dma_start3A_647 : memref<1x25x80xi32, #tpu.memory_space<hbm>> -> memref<25x80xi32, #tpu.memory_space<hbm>>
          tpu.enqueue_dma source(%dma_start3A_648 : memref<25x80xi32, #tpu.memory_space<hbm>>) target(%dma_start3A_645 : memref<25x80xi32, #tpu.memory_space<vmem>>) target_semaphore(%arg22 : memref<!tpu.dma_semaphore, #tpu.memory_space<semaphore_mem>>)
          %mul3A_649 = arith.constant 25 : i32
          %mul3A_650 = arith.muli %add3A_613, %mul3A_649 : i32
          %add3A_651 = arith.addi %mul3A_2, %mul3A_650 : i32
          %jit3A_652 = arith.constant 2 : i32
          %eq3A_653 = arith.constant 0 : i32
          %eq3A_654 = arith.cmpi eq, %jit3A_652, %eq3A_653 : i32
          %jit3A_655 = arith.constant 1 : i32
          %select_n3A_656 = arith.select %eq3A_654, %jit3A_655, %jit3A_652 : i32
          %rem3A_657 = arith.remsi %add3A_613, %select_n3A_656 : i32
          %ne3A_658 = arith.constant 0 : i32
          %ne3A_659 = arith.cmpi ne, %rem3A_657, %ne3A_658 : i32
          %lt3A_660 = arith.constant 0 : i32
          %lt3A_661 = arith.cmpi slt, %rem3A_657, %lt3A_660 : i32
          %lt3A_662 = arith.constant 0 : i32
          %lt3A_663 = arith.cmpi slt, %select_n3A_656, %lt3A_662 : i32
          %ne3A_664 = arith.xori %lt3A_661, %lt3A_663 : i1
          %and3A_665 = arith.andi %ne3A_664, %ne3A_659 : i1
          %add3A_666 = arith.addi %rem3A_657, %select_n3A_656 : i32
          %select_n3A_667 = arith.select %and3A_665, %add3A_666, %rem3A_657 : i32
          %dma_start3A_668 = arith.constant 1 : i32
          %dma_start3A_669 = arith.constant 1 : i32
          %dma_start3A_670 = arith.constant 0 : i32
          %dma_start3A_671 = arith.constant 0 : i32
          %dma_start3A_672 = tpu.memref_slice %arg11[%select_n3A_667, %dma_start3A_669, %dma_start3A_670, %dma_start3A_671] : memref<2x2x25x80xi32, #tpu.memory_space<vmem>> -> memref<1x1x25x80xi32, #tpu.memory_space<vmem>>
          %dma_start3A_673 = tpu.memref_squeeze %dma_start3A_672 : memref<1x1x25x80xi32, #tpu.memory_space<vmem>> -> memref<25x80xi32, #tpu.memory_space<vmem>>
          %dma_start3A_674 = arith.constant 0 : i32
          %dma_start3A_675 = tpu.memref_slice %arg5[%dma_start3A_668, %add3A_651, %dma_start3A_674] : memref<2x4000x80xi32, #tpu.memory_space<hbm>> -> memref<1x25x80xi32, #tpu.memory_space<hbm>>
          %dma_start3A_676 = tpu.memref_squeeze %dma_start3A_675 : memref<1x25x80xi32, #tpu.memory_space<hbm>> -> memref<25x80xi32, #tpu.memory_space<hbm>>
          %dma_start3A_677 = arith.constant 0 : i32
          %dma_start3A_678 = arith.constant 0 : i32
          %dma_start3A_679 = tpu.memref_slice %arg11[%select_n3A_667, %dma_start3A_669, %dma_start3A_677, %dma_start3A_678] : memref<2x2x25x80xi32, #tpu.memory_space<vmem>> -> memref<1x1x25x80xi32, #tpu.memory_space<vmem>>
          %dma_start3A_680 = tpu.memref_squeeze %dma_start3A_679 : memref<1x1x25x80xi32, #tpu.memory_space<vmem>> -> memref<25x80xi32, #tpu.memory_space<vmem>>
          %dma_start3A_681 = arith.constant 0 : i32
          %dma_start3A_682 = tpu.memref_slice %arg5[%dma_start3A_668, %add3A_651, %dma_start3A_681] : memref<2x4000x80xi32, #tpu.memory_space<hbm>> -> memref<1x25x80xi32, #tpu.memory_space<hbm>>
          %dma_start3A_683 = tpu.memref_squeeze %dma_start3A_682 : memref<1x25x80xi32, #tpu.memory_space<hbm>> -> memref<25x80xi32, #tpu.memory_space<hbm>>
          tpu.enqueue_dma source(%dma_start3A_683 : memref<25x80xi32, #tpu.memory_space<hbm>>) target(%dma_start3A_680 : memref<25x80xi32, #tpu.memory_space<vmem>>) target_semaphore(%arg22 : memref<!tpu.dma_semaphore, #tpu.memory_space<semaphore_mem>>)
        } else {
        }
        %broadcast_in_dim3A_535 = arith.constant 0 : i32
        %broadcast_in_dim3A_536 = vector.broadcast %broadcast_in_dim3A_535 : i32 to vector<16xi32>
        %ge3A_537 = arith.constant 1 : i32
        %ge3A_538 = arith.cmpi sge, %add3A_217, %ge3A_537 : i32
        %convert_element_type3A_539 = arith.extui %ge3A_538 : i1 to i32
        %cond3A_540 = arith.constant 0 : i32
        %cond3A_541 = arith.constant 0 : i32
        %cond3A_542 = arith.cmpi ne, %convert_element_type3A_539, %cond3A_541 : i32
        scf.if %cond3A_542 {
          %dma_wait3A_588 = arith.constant 0 : i32
          %dma_wait3A_589 = arith.constant 0 : i32
          %dma_wait3A_590 = arith.constant 0 : i32
          %dma_wait3A_591 = tpu.memref_slice %arg15[%dma_wait3A_588, %dma_wait3A_589, %dma_wait3A_590] : memref<2x40x128xf32, #tpu.memory_space<vmem>> -> memref<1x40x128xf32, #tpu.memory_space<vmem>>
          %dma_wait3A_592 = tpu.memref_squeeze %dma_wait3A_591 : memref<1x40x128xf32, #tpu.memory_space<vmem>> -> memref<40x128xf32, #tpu.memory_space<vmem>>
          %dma_wait3A_593 = arith.constant 0 : i32
          %dma_wait3A_594 = tpu.memref_slice %arg13[%cond3A_540, %dma_wait3A_593] : memref<2x80xi32, #tpu.memory_space<vmem>> -> memref<1x40xi32, #tpu.memory_space<vmem>>
          %dma_wait3A_595 = tpu.memref_squeeze %dma_wait3A_594 : memref<1x40xi32, #tpu.memory_space<vmem>> -> memref<40xi32, #tpu.memory_space<vmem>>
          %dma_wait3A_596 = arith.constant 0 : i32
          %dma_wait3A_597 = arith.constant 0 : i32
          %dma_wait3A_598 = tpu.memref_slice %arg18[%dma_wait3A_596, %dma_wait3A_597] : memref<10000x128xf32, #tpu.memory_space<vmem_shared>> -> memref<10000x128xf32, #tpu.memory_space<vmem_shared>>
          tpu.wait_indirect_dma semaphore(%arg23 : memref<!tpu.dma_semaphore, #tpu.memory_space<semaphore_mem>>) src(%dma_wait3A_592 : memref<40x128xf32, #tpu.memory_space<vmem>>) dst(%dma_wait3A_598 : memref<10000x128xf32, #tpu.memory_space<vmem_shared>>)
        } else {
        }
        %parallel_loop3A = arith.constant 0 : i32
        %parallel_loop3A_543 = arith.constant 40 : i32
        %parallel_loop3A_544 = arith.constant 1 : i32
        scf.for %parallel_loop3A_588 = %parallel_loop3A to %parallel_loop3A_543 step %parallel_loop3A_544  : i32 {
          %parallel_loop3A_589 = arith.constant 0 : i32
          %parallel_loop3A_590 = arith.addi %parallel_loop3A_589, %parallel_loop3A_588 : i32
          %parallel_loop3A_591 = vector.broadcast %parallel_loop3A_590 : i32 to vector<16xi32>
          %parallel_loop3A_592 = tpu.vector_load_idx %arg12[%broadcast_in_dim3A_536, %parallel_loop3A_591] : memref<2x80xf32, #tpu.memory_space<vmem>>[vector<16xi32>, vector<16xi32>], vector<16xf32>,
          %parallel_loop3A_593 = arith.constant 0 : i32
          %parallel_loop3A_594 = arith.index_cast %parallel_loop3A_593 : i32 to index
          %parallel_loop3A_595 = arith.index_cast %parallel_loop3A_590 : i32 to index
          %parallel_loop3A_596 = arith.constant 0 : index
          %parallel_loop3A_597 = tpu.vector_load %arg14[%parallel_loop3A_594, %parallel_loop3A_595, %parallel_loop3A_596] {strides = array<i32>} : memref<2x80x128xbf16, #tpu.memory_space<vmem>>, vector<32xbf16>,
          %parallel_loop3A_598 = tpu.unpack_subelements %parallel_loop3A_597, 0 {pack_format = #tpu.pack_format<interleaved>} : vector<32xbf16> -> vector<16xf32>
          %parallel_loop3A_599 = tpu.unpack_subelements %parallel_loop3A_597, 1 {pack_format = #tpu.pack_format<interleaved>} : vector<32xbf16> -> vector<16xf32>
          %parallel_loop3A_600 = arith.constant 2 : i32
          %parallel_loop3A_601 = vector.broadcast %parallel_loop3A_600 : i32 to vector<16xi32>
          %parallel_loop3A_602 = arith.muli %parallel_loop3A_601, %iota3A : vector<16xi32>
          %parallel_loop3A_603 = arith.constant 0 : i32
          %parallel_loop3A_604 = vector.broadcast %parallel_loop3A_603 : i32 to vector<16xi32>
          %parallel_loop3A_605 = arith.addi %parallel_loop3A_604, %parallel_loop3A_602 : vector<16xi32>
          %parallel_loop3A_606 = arith.mulf %parallel_loop3A_598, %parallel_loop3A_592 : vector<16xf32>
          %parallel_loop3A_607 = arith.constant 0 : i32
          %parallel_loop3A_608 = arith.constant 0 : i32
          %parallel_loop3A_609 = tpu.memref_slice %arg15[%parallel_loop3A_607, %parallel_loop3A_588, %parallel_loop3A_608] : memref<2x40x128xf32, #tpu.memory_space<vmem>> -> memref<1x1x128xf32, #tpu.memory_space<vmem>>
          %parallel_loop3A_610 = tpu.memref_squeeze %parallel_loop3A_609 : memref<1x1x128xf32, #tpu.memory_space<vmem>> -> memref<128xf32, #tpu.memory_space<vmem>>
          tpu.vector_store_idx %parallel_loop3A_610[%parallel_loop3A_605], %parallel_loop3A_606 : memref<128xf32, #tpu.memory_space<vmem>>[vector<16xi32>], vector<16xf32>,
          %parallel_loop3A_611 = arith.constant 2 : i32
          %parallel_loop3A_612 = vector.broadcast %parallel_loop3A_611 : i32 to vector<16xi32>
          %parallel_loop3A_613 = arith.muli %parallel_loop3A_612, %iota3A : vector<16xi32>
          %parallel_loop3A_614 = arith.constant 0 : i32
          %parallel_loop3A_615 = vector.broadcast %parallel_loop3A_614 : i32 to vector<16xi32>
          %parallel_loop3A_616 = arith.addi %parallel_loop3A_615, %parallel_loop3A_613 : vector<16xi32>
          %parallel_loop3A_617 = arith.constant 1 : i32
          %parallel_loop3A_618 = vector.broadcast %parallel_loop3A_617 : i32 to vector<16xi32>
          %parallel_loop3A_619 = arith.addi %parallel_loop3A_616, %parallel_loop3A_618 : vector<16xi32>
          %parallel_loop3A_620 = arith.mulf %parallel_loop3A_599, %parallel_loop3A_592 : vector<16xf32>
          %parallel_loop3A_621 = arith.constant 0 : i32
          %parallel_loop3A_622 = arith.constant 0 : i32
          %parallel_loop3A_623 = tpu.memref_slice %arg15[%parallel_loop3A_621, %parallel_loop3A_588, %parallel_loop3A_622] : memref<2x40x128xf32, #tpu.memory_space<vmem>> -> memref<1x1x128xf32, #tpu.memory_space<vmem>>
          %parallel_loop3A_624 = tpu.memref_squeeze %parallel_loop3A_623 : memref<1x1x128xf32, #tpu.memory_space<vmem>> -> memref<128xf32, #tpu.memory_space<vmem>>
          tpu.vector_store_idx %parallel_loop3A_624[%parallel_loop3A_619], %parallel_loop3A_620 : memref<128xf32, #tpu.memory_space<vmem>>[vector<16xi32>], vector<16xf32>,
          %parallel_loop3A_625 = arith.constant 0 : i32
          %parallel_loop3A_626 = arith.index_cast %parallel_loop3A_625 : i32 to index
          %parallel_loop3A_627 = arith.index_cast %parallel_loop3A_590 : i32 to index
          %parallel_loop3A_628 = arith.constant 32 : index
          %parallel_loop3A_629 = tpu.vector_load %arg14[%parallel_loop3A_626, %parallel_loop3A_627, %parallel_loop3A_628] {strides = array<i32>} : memref<2x80x128xbf16, #tpu.memory_space<vmem>>, vector<32xbf16>,
          %parallel_loop3A_630 = tpu.unpack_subelements %parallel_loop3A_629, 0 {pack_format = #tpu.pack_format<interleaved>} : vector<32xbf16> -> vector<16xf32>
          %parallel_loop3A_631 = tpu.unpack_subelements %parallel_loop3A_629, 1 {pack_format = #tpu.pack_format<interleaved>} : vector<32xbf16> -> vector<16xf32>
          %parallel_loop3A_632 = arith.constant 2 : i32
          %parallel_loop3A_633 = vector.broadcast %parallel_loop3A_632 : i32 to vector<16xi32>
          %parallel_loop3A_634 = arith.muli %parallel_loop3A_633, %iota3A : vector<16xi32>
          %parallel_loop3A_635 = arith.constant 32 : i32
          %parallel_loop3A_636 = vector.broadcast %parallel_loop3A_635 : i32 to vector<16xi32>
          %parallel_loop3A_637 = arith.addi %parallel_loop3A_636, %parallel_loop3A_634 : vector<16xi32>
          %parallel_loop3A_638 = arith.mulf %parallel_loop3A_630, %parallel_loop3A_592 : vector<16xf32>
          %parallel_loop3A_639 = arith.constant 0 : i32
          %parallel_loop3A_640 = arith.constant 0 : i32
          %parallel_loop3A_641 = tpu.memref_slice %arg15[%parallel_loop3A_639, %parallel_loop3A_588, %parallel_loop3A_640] : memref<2x40x128xf32, #tpu.memory_space<vmem>> -> memref<1x1x128xf32, #tpu.memory_space<vmem>>
          %parallel_loop3A_642 = tpu.memref_squeeze %parallel_loop3A_641 : memref<1x1x128xf32, #tpu.memory_space<vmem>> -> memref<128xf32, #tpu.memory_space<vmem>>
          tpu.vector_store_idx %parallel_loop3A_642[%parallel_loop3A_637], %parallel_loop3A_638 : memref<128xf32, #tpu.memory_space<vmem>>[vector<16xi32>], vector<16xf32>,
          %parallel_loop3A_643 = arith.constant 2 : i32
          %parallel_loop3A_644 = vector.broadcast %parallel_loop3A_643 : i32 to vector<16xi32>
          %parallel_loop3A_645 = arith.muli %parallel_loop3A_644, %iota3A : vector<16xi32>
          %parallel_loop3A_646 = arith.constant 32 : i32
          %parallel_loop3A_647 = vector.broadcast %parallel_loop3A_646 : i32 to vector<16xi32>
          %parallel_loop3A_648 = arith.addi %parallel_loop3A_647, %parallel_loop3A_645 : vector<16xi32>
          %parallel_loop3A_649 = arith.constant 1 : i32
          %parallel_loop3A_650 = vector.broadcast %parallel_loop3A_649 : i32 to vector<16xi32>
          %parallel_loop3A_651 = arith.addi %parallel_loop3A_648, %parallel_loop3A_650 : vector<16xi32>
          %parallel_loop3A_652 = arith.mulf %parallel_loop3A_631, %parallel_loop3A_592 : vector<16xf32>
          %parallel_loop3A_653 = arith.constant 0 : i32
          %parallel_loop3A_654 = arith.constant 0 : i32
          %parallel_loop3A_655 = tpu.memref_slice %arg15[%parallel_loop3A_653, %parallel_loop3A_588, %parallel_loop3A_654] : memref<2x40x128xf32, #tpu.memory_space<vmem>> -> memref<1x1x128xf32, #tpu.memory_space<vmem>>
          %parallel_loop3A_656 = tpu.memref_squeeze %parallel_loop3A_655 : memref<1x1x128xf32, #tpu.memory_space<vmem>> -> memref<128xf32, #tpu.memory_space<vmem>>
          tpu.vector_store_idx %parallel_loop3A_656[%parallel_loop3A_651], %parallel_loop3A_652 : memref<128xf32, #tpu.memory_space<vmem>>[vector<16xi32>], vector<16xf32>,
          %parallel_loop3A_657 = arith.constant 0 : i32
          %parallel_loop3A_658 = arith.index_cast %parallel_loop3A_657 : i32 to index
          %parallel_loop3A_659 = arith.index_cast %parallel_loop3A_590 : i32 to index
          %parallel_loop3A_660 = arith.constant 64 : index
          %parallel_loop3A_661 = tpu.vector_load %arg14[%parallel_loop3A_658, %parallel_loop3A_659, %parallel_loop3A_660] {strides = array<i32>} : memref<2x80x128xbf16, #tpu.memory_space<vmem>>, vector<32xbf16>,
          %parallel_loop3A_662 = tpu.unpack_subelements %parallel_loop3A_661, 0 {pack_format = #tpu.pack_format<interleaved>} : vector<32xbf16> -> vector<16xf32>
          %parallel_loop3A_663 = tpu.unpack_subelements %parallel_loop3A_661, 1 {pack_format = #tpu.pack_format<interleaved>} : vector<32xbf16> -> vector<16xf32>
          %parallel_loop3A_664 = arith.constant 2 : i32
          %parallel_loop3A_665 = vector.broadcast %parallel_loop3A_664 : i32 to vector<16xi32>
          %parallel_loop3A_666 = arith.muli %parallel_loop3A_665, %iota3A : vector<16xi32>
          %parallel_loop3A_667 = arith.constant 64 : i32
          %parallel_loop3A_668 = vector.broadcast %parallel_loop3A_667 : i32 to vector<16xi32>
          %parallel_loop3A_669 = arith.addi %parallel_loop3A_668, %parallel_loop3A_666 : vector<16xi32>
          %parallel_loop3A_670 = arith.mulf %parallel_loop3A_662, %parallel_loop3A_592 : vector<16xf32>
          %parallel_loop3A_671 = arith.constant 0 : i32
          %parallel_loop3A_672 = arith.constant 0 : i32
          %parallel_loop3A_673 = tpu.memref_slice %arg15[%parallel_loop3A_671, %parallel_loop3A_588, %parallel_loop3A_672] : memref<2x40x128xf32, #tpu.memory_space<vmem>> -> memref<1x1x128xf32, #tpu.memory_space<vmem>>
          %parallel_loop3A_674 = tpu.memref_squeeze %parallel_loop3A_673 : memref<1x1x128xf32, #tpu.memory_space<vmem>> -> memref<128xf32, #tpu.memory_space<vmem>>
          tpu.vector_store_idx %parallel_loop3A_674[%parallel_loop3A_669], %parallel_loop3A_670 : memref<128xf32, #tpu.memory_space<vmem>>[vector<16xi32>], vector<16xf32>,
          %parallel_loop3A_675 = arith.constant 2 : i32
          %parallel_loop3A_676 = vector.broadcast %parallel_loop3A_675 : i32 to vector<16xi32>
          %parallel_loop3A_677 = arith.muli %parallel_loop3A_676, %iota3A : vector<16xi32>
          %parallel_loop3A_678 = arith.constant 64 : i32
          %parallel_loop3A_679 = vector.broadcast %parallel_loop3A_678 : i32 to vector<16xi32>
          %parallel_loop3A_680 = arith.addi %parallel_loop3A_679, %parallel_loop3A_677 : vector<16xi32>
          %parallel_loop3A_681 = arith.constant 1 : i32
          %parallel_loop3A_682 = vector.broadcast %parallel_loop3A_681 : i32 to vector<16xi32>
          %parallel_loop3A_683 = arith.addi %parallel_loop3A_680, %parallel_loop3A_682 : vector<16xi32>
          %parallel_loop3A_684 = arith.mulf %parallel_loop3A_663, %parallel_loop3A_592 : vector<16xf32>
          %parallel_loop3A_685 = arith.constant 0 : i32
          %parallel_loop3A_686 = arith.constant 0 : i32
          %parallel_loop3A_687 = tpu.memref_slice %arg15[%parallel_loop3A_685, %parallel_loop3A_588, %parallel_loop3A_686] : memref<2x40x128xf32, #tpu.memory_space<vmem>> -> memref<1x1x128xf32, #tpu.memory_space<vmem>>
          %parallel_loop3A_688 = tpu.memref_squeeze %parallel_loop3A_687 : memref<1x1x128xf32, #tpu.memory_space<vmem>> -> memref<128xf32, #tpu.memory_space<vmem>>
          tpu.vector_store_idx %parallel_loop3A_688[%parallel_loop3A_683], %parallel_loop3A_684 : memref<128xf32, #tpu.memory_space<vmem>>[vector<16xi32>], vector<16xf32>,
          %parallel_loop3A_689 = arith.constant 0 : i32
          %parallel_loop3A_690 = arith.index_cast %parallel_loop3A_689 : i32 to index
          %parallel_loop3A_691 = arith.index_cast %parallel_loop3A_590 : i32 to index
          %parallel_loop3A_692 = arith.constant 96 : index
          %parallel_loop3A_693 = tpu.vector_load %arg14[%parallel_loop3A_690, %parallel_loop3A_691, %parallel_loop3A_692] {strides = array<i32>} : memref<2x80x128xbf16, #tpu.memory_space<vmem>>, vector<32xbf16>,
          %parallel_loop3A_694 = tpu.unpack_subelements %parallel_loop3A_693, 0 {pack_format = #tpu.pack_format<interleaved>} : vector<32xbf16> -> vector<16xf32>
          %parallel_loop3A_695 = tpu.unpack_subelements %parallel_loop3A_693, 1 {pack_format = #tpu.pack_format<interleaved>} : vector<32xbf16> -> vector<16xf32>
          %parallel_loop3A_696 = arith.constant 2 : i32
          %parallel_loop3A_697 = vector.broadcast %parallel_loop3A_696 : i32 to vector<16xi32>
          %parallel_loop3A_698 = arith.muli %parallel_loop3A_697, %iota3A : vector<16xi32>
          %parallel_loop3A_699 = arith.constant 96 : i32
          %parallel_loop3A_700 = vector.broadcast %parallel_loop3A_699 : i32 to vector<16xi32>
          %parallel_loop3A_701 = arith.addi %parallel_loop3A_700, %parallel_loop3A_698 : vector<16xi32>
          %parallel_loop3A_702 = arith.mulf %parallel_loop3A_694, %parallel_loop3A_592 : vector<16xf32>
          %parallel_loop3A_703 = arith.constant 0 : i32
          %parallel_loop3A_704 = arith.constant 0 : i32
          %parallel_loop3A_705 = tpu.memref_slice %arg15[%parallel_loop3A_703, %parallel_loop3A_588, %parallel_loop3A_704] : memref<2x40x128xf32, #tpu.memory_space<vmem>> -> memref<1x1x128xf32, #tpu.memory_space<vmem>>
          %parallel_loop3A_706 = tpu.memref_squeeze %parallel_loop3A_705 : memref<1x1x128xf32, #tpu.memory_space<vmem>> -> memref<128xf32, #tpu.memory_space<vmem>>
          tpu.vector_store_idx %parallel_loop3A_706[%parallel_loop3A_701], %parallel_loop3A_702 : memref<128xf32, #tpu.memory_space<vmem>>[vector<16xi32>], vector<16xf32>,
          %parallel_loop3A_707 = arith.constant 2 : i32
          %parallel_loop3A_708 = vector.broadcast %parallel_loop3A_707 : i32 to vector<16xi32>
          %parallel_loop3A_709 = arith.muli %parallel_loop3A_708, %iota3A : vector<16xi32>
          %parallel_loop3A_710 = arith.constant 96 : i32
          %parallel_loop3A_711 = vector.broadcast %parallel_loop3A_710 : i32 to vector<16xi32>
          %parallel_loop3A_712 = arith.addi %parallel_loop3A_711, %parallel_loop3A_709 : vector<16xi32>
          %parallel_loop3A_713 = arith.constant 1 : i32
          %parallel_loop3A_714 = vector.broadcast %parallel_loop3A_713 : i32 to vector<16xi32>
          %parallel_loop3A_715 = arith.addi %parallel_loop3A_712, %parallel_loop3A_714 : vector<16xi32>
          %parallel_loop3A_716 = arith.mulf %parallel_loop3A_695, %parallel_loop3A_592 : vector<16xf32>
          %parallel_loop3A_717 = arith.constant 0 : i32
          %parallel_loop3A_718 = arith.constant 0 : i32
          %parallel_loop3A_719 = tpu.memref_slice %arg15[%parallel_loop3A_717, %parallel_loop3A_588, %parallel_loop3A_718] : memref<2x40x128xf32, #tpu.memory_space<vmem>> -> memref<1x1x128xf32, #tpu.memory_space<vmem>>
          %parallel_loop3A_720 = tpu.memref_squeeze %parallel_loop3A_719 : memref<1x1x128xf32, #tpu.memory_space<vmem>> -> memref<128xf32, #tpu.memory_space<vmem>>
          tpu.vector_store_idx %parallel_loop3A_720[%parallel_loop3A_715], %parallel_loop3A_716 : memref<128xf32, #tpu.memory_space<vmem>>[vector<16xi32>], vector<16xf32>,
        } {sc.loop_unroll_factor = 8 : i64, sc.parallel_access}
        %dma_start3A_545 = arith.constant 0 : i32
        %dma_start3A_546 = arith.constant 0 : i32
        %dma_start3A_547 = arith.constant 0 : i32
        %dma_start3A_548 = arith.constant 0 : i32
        %dma_start3A_549 = tpu.memref_slice %arg15[%dma_start3A_545, %dma_start3A_547, %dma_start3A_548] : memref<2x40x128xf32, #tpu.memory_space<vmem>> -> memref<1x40x128xf32, #tpu.memory_space<vmem>>
        %dma_start3A_550 = tpu.memref_squeeze %dma_start3A_549 : memref<1x40x128xf32, #tpu.memory_space<vmem>> -> memref<40x128xf32, #tpu.memory_space<vmem>>
        %dma_start3A_551 = arith.constant 0 : i32
        %dma_start3A_552 = tpu.memref_slice %arg13[%dma_start3A_546, %dma_start3A_551] : memref<2x80xi32, #tpu.memory_space<vmem>> -> memref<1x40xi32, #tpu.memory_space<vmem>>
        %dma_start3A_553 = tpu.memref_squeeze %dma_start3A_552 : memref<1x40xi32, #tpu.memory_space<vmem>> -> memref<40xi32, #tpu.memory_space<vmem>>
        %dma_start3A_554 = arith.constant 0 : i32
        %dma_start3A_555 = arith.constant 0 : i32
        %dma_start3A_556 = tpu.memref_slice %arg18[%dma_start3A_554, %dma_start3A_555] : memref<10000x128xf32, #tpu.memory_space<vmem_shared>> -> memref<10000x128xf32, #tpu.memory_space<vmem_shared>>
        tpu.enqueue_indirect_dma source(%dma_start3A_550 : memref<40x128xf32, #tpu.memory_space<vmem>>) target(%dma_start3A_556 : memref<10000x128xf32, #tpu.memory_space<vmem_shared>>) offsets(%dma_start3A_553 : memref<40xi32, #tpu.memory_space<vmem>>) semaphore(%arg23 : memref<!tpu.dma_semaphore, #tpu.memory_space<semaphore_mem>>) {add = true}
        %ge3A_557 = arith.constant 1 : i32
        %ge3A_558 = arith.cmpi sge, %add3A_217, %ge3A_557 : i32
        %convert_element_type3A_559 = arith.extui %ge3A_558 : i1 to i32
        %cond3A_560 = arith.constant 0 : i32
        %cond3A_561 = arith.constant 0 : i32
        %cond3A_562 = arith.cmpi ne, %convert_element_type3A_559, %cond3A_561 : i32
        scf.if %cond3A_562 {
          %dma_wait3A_588 = arith.constant 1 : i32
          %dma_wait3A_589 = arith.constant 0 : i32
          %dma_wait3A_590 = arith.constant 0 : i32
          %dma_wait3A_591 = tpu.memref_slice %arg15[%dma_wait3A_588, %dma_wait3A_589, %dma_wait3A_590] : memref<2x40x128xf32, #tpu.memory_space<vmem>> -> memref<1x40x128xf32, #tpu.memory_space<vmem>>
          %dma_wait3A_592 = tpu.memref_squeeze %dma_wait3A_591 : memref<1x40x128xf32, #tpu.memory_space<vmem>> -> memref<40x128xf32, #tpu.memory_space<vmem>>
          %dma_wait3A_593 = arith.constant 40 : i32
          %dma_wait3A_594 = tpu.memref_slice %arg13[%cond3A_560, %dma_wait3A_593] : memref<2x80xi32, #tpu.memory_space<vmem>> -> memref<1x40xi32, #tpu.memory_space<vmem>>
          %dma_wait3A_595 = tpu.memref_squeeze %dma_wait3A_594 : memref<1x40xi32, #tpu.memory_space<vmem>> -> memref<40xi32, #tpu.memory_space<vmem>>
          %dma_wait3A_596 = arith.constant 0 : i32
          %dma_wait3A_597 = arith.constant 0 : i32
          %dma_wait3A_598 = tpu.memref_slice %arg18[%dma_wait3A_596, %dma_wait3A_597] : memref<10000x128xf32, #tpu.memory_space<vmem_shared>> -> memref<10000x128xf32, #tpu.memory_space<vmem_shared>>
          tpu.wait_indirect_dma semaphore(%arg24 : memref<!tpu.dma_semaphore, #tpu.memory_space<semaphore_mem>>) src(%dma_wait3A_592 : memref<40x128xf32, #tpu.memory_space<vmem>>) dst(%dma_wait3A_598 : memref<10000x128xf32, #tpu.memory_space<vmem_shared>>)
        } else {
        }
        %parallel_loop3A_563 = arith.constant 0 : i32
        %parallel_loop3A_564 = arith.constant 40 : i32
        %parallel_loop3A_565 = arith.constant 1 : i32
        scf.for %parallel_loop3A_588 = %parallel_loop3A_563 to %parallel_loop3A_564 step %parallel_loop3A_565  : i32 {
          %parallel_loop3A_589 = arith.constant 40 : i32
          %parallel_loop3A_590 = arith.addi %parallel_loop3A_589, %parallel_loop3A_588 : i32
          %parallel_loop3A_591 = vector.broadcast %parallel_loop3A_590 : i32 to vector<16xi32>
          %parallel_loop3A_592 = tpu.vector_load_idx %arg12[%broadcast_in_dim3A_536, %parallel_loop3A_591] : memref<2x80xf32, #tpu.memory_space<vmem>>[vector<16xi32>, vector<16xi32>], vector<16xf32>,
          %parallel_loop3A_593 = arith.constant 0 : i32
          %parallel_loop3A_594 = arith.index_cast %parallel_loop3A_593 : i32 to index
          %parallel_loop3A_595 = arith.index_cast %parallel_loop3A_590 : i32 to index
          %parallel_loop3A_596 = arith.constant 0 : index
          %parallel_loop3A_597 = tpu.vector_load %arg14[%parallel_loop3A_594, %parallel_loop3A_595, %parallel_loop3A_596] {strides = array<i32>} : memref<2x80x128xbf16, #tpu.memory_space<vmem>>, vector<32xbf16>,
          %parallel_loop3A_598 = tpu.unpack_subelements %parallel_loop3A_597, 0 {pack_format = #tpu.pack_format<interleaved>} : vector<32xbf16> -> vector<16xf32>
          %parallel_loop3A_599 = tpu.unpack_subelements %parallel_loop3A_597, 1 {pack_format = #tpu.pack_format<interleaved>} : vector<32xbf16> -> vector<16xf32>
          %parallel_loop3A_600 = arith.constant 2 : i32
          %parallel_loop3A_601 = vector.broadcast %parallel_loop3A_600 : i32 to vector<16xi32>
          %parallel_loop3A_602 = arith.muli %parallel_loop3A_601, %iota3A : vector<16xi32>
          %parallel_loop3A_603 = arith.constant 0 : i32
          %parallel_loop3A_604 = vector.broadcast %parallel_loop3A_603 : i32 to vector<16xi32>
          %parallel_loop3A_605 = arith.addi %parallel_loop3A_604, %parallel_loop3A_602 : vector<16xi32>
          %parallel_loop3A_606 = arith.mulf %parallel_loop3A_598, %parallel_loop3A_592 : vector<16xf32>
          %parallel_loop3A_607 = arith.constant 1 : i32
          %parallel_loop3A_608 = arith.constant 0 : i32
          %parallel_loop3A_609 = tpu.memref_slice %arg15[%parallel_loop3A_607, %parallel_loop3A_588, %parallel_loop3A_608] : memref<2x40x128xf32, #tpu.memory_space<vmem>> -> memref<1x1x128xf32, #tpu.memory_space<vmem>>
          %parallel_loop3A_610 = tpu.memref_squeeze %parallel_loop3A_609 : memref<1x1x128xf32, #tpu.memory_space<vmem>> -> memref<128xf32, #tpu.memory_space<vmem>>
          tpu.vector_store_idx %parallel_loop3A_610[%parallel_loop3A_605], %parallel_loop3A_606 : memref<128xf32, #tpu.memory_space<vmem>>[vector<16xi32>], vector<16xf32>,
          %parallel_loop3A_611 = arith.constant 2 : i32
          %parallel_loop3A_612 = vector.broadcast %parallel_loop3A_611 : i32 to vector<16xi32>
          %parallel_loop3A_613 = arith.muli %parallel_loop3A_612, %iota3A : vector<16xi32>
          %parallel_loop3A_614 = arith.constant 0 : i32
          %parallel_loop3A_615 = vector.broadcast %parallel_loop3A_614 : i32 to vector<16xi32>
          %parallel_loop3A_616 = arith.addi %parallel_loop3A_615, %parallel_loop3A_613 : vector<16xi32>
          %parallel_loop3A_617 = arith.constant 1 : i32
          %parallel_loop3A_618 = vector.broadcast %parallel_loop3A_617 : i32 to vector<16xi32>
          %parallel_loop3A_619 = arith.addi %parallel_loop3A_616, %parallel_loop3A_618 : vector<16xi32>
          %parallel_loop3A_620 = arith.mulf %parallel_loop3A_599, %parallel_loop3A_592 : vector<16xf32>
          %parallel_loop3A_621 = arith.constant 1 : i32
          %parallel_loop3A_622 = arith.constant 0 : i32
          %parallel_loop3A_623 = tpu.memref_slice %arg15[%parallel_loop3A_621, %parallel_loop3A_588, %parallel_loop3A_622] : memref<2x40x128xf32, #tpu.memory_space<vmem>> -> memref<1x1x128xf32, #tpu.memory_space<vmem>>
          %parallel_loop3A_624 = tpu.memref_squeeze %parallel_loop3A_623 : memref<1x1x128xf32, #tpu.memory_space<vmem>> -> memref<128xf32, #tpu.memory_space<vmem>>
          tpu.vector_store_idx %parallel_loop3A_624[%parallel_loop3A_619], %parallel_loop3A_620 : memref<128xf32, #tpu.memory_space<vmem>>[vector<16xi32>], vector<16xf32>,
          %parallel_loop3A_625 = arith.constant 0 : i32
          %parallel_loop3A_626 = arith.index_cast %parallel_loop3A_625 : i32 to index
          %parallel_loop3A_627 = arith.index_cast %parallel_loop3A_590 : i32 to index
          %parallel_loop3A_628 = arith.constant 32 : index
          %parallel_loop3A_629 = tpu.vector_load %arg14[%parallel_loop3A_626, %parallel_loop3A_627, %parallel_loop3A_628] {strides = array<i32>} : memref<2x80x128xbf16, #tpu.memory_space<vmem>>, vector<32xbf16>,
          %parallel_loop3A_630 = tpu.unpack_subelements %parallel_loop3A_629, 0 {pack_format = #tpu.pack_format<interleaved>} : vector<32xbf16> -> vector<16xf32>
          %parallel_loop3A_631 = tpu.unpack_subelements %parallel_loop3A_629, 1 {pack_format = #tpu.pack_format<interleaved>} : vector<32xbf16> -> vector<16xf32>
          %parallel_loop3A_632 = arith.constant 2 : i32
          %parallel_loop3A_633 = vector.broadcast %parallel_loop3A_632 : i32 to vector<16xi32>
          %parallel_loop3A_634 = arith.muli %parallel_loop3A_633, %iota3A : vector<16xi32>
          %parallel_loop3A_635 = arith.constant 32 : i32
          %parallel_loop3A_636 = vector.broadcast %parallel_loop3A_635 : i32 to vector<16xi32>
          %parallel_loop3A_637 = arith.addi %parallel_loop3A_636, %parallel_loop3A_634 : vector<16xi32>
          %parallel_loop3A_638 = arith.mulf %parallel_loop3A_630, %parallel_loop3A_592 : vector<16xf32>
          %parallel_loop3A_639 = arith.constant 1 : i32
          %parallel_loop3A_640 = arith.constant 0 : i32
          %parallel_loop3A_641 = tpu.memref_slice %arg15[%parallel_loop3A_639, %parallel_loop3A_588, %parallel_loop3A_640] : memref<2x40x128xf32, #tpu.memory_space<vmem>> -> memref<1x1x128xf32, #tpu.memory_space<vmem>>
          %parallel_loop3A_642 = tpu.memref_squeeze %parallel_loop3A_641 : memref<1x1x128xf32, #tpu.memory_space<vmem>> -> memref<128xf32, #tpu.memory_space<vmem>>
          tpu.vector_store_idx %parallel_loop3A_642[%parallel_loop3A_637], %parallel_loop3A_638 : memref<128xf32, #tpu.memory_space<vmem>>[vector<16xi32>], vector<16xf32>,
          %parallel_loop3A_643 = arith.constant 2 : i32
          %parallel_loop3A_644 = vector.broadcast %parallel_loop3A_643 : i32 to vector<16xi32>
          %parallel_loop3A_645 = arith.muli %parallel_loop3A_644, %iota3A : vector<16xi32>
          %parallel_loop3A_646 = arith.constant 32 : i32
          %parallel_loop3A_647 = vector.broadcast %parallel_loop3A_646 : i32 to vector<16xi32>
          %parallel_loop3A_648 = arith.addi %parallel_loop3A_647, %parallel_loop3A_645 : vector<16xi32>
          %parallel_loop3A_649 = arith.constant 1 : i32
          %parallel_loop3A_650 = vector.broadcast %parallel_loop3A_649 : i32 to vector<16xi32>
          %parallel_loop3A_651 = arith.addi %parallel_loop3A_648, %parallel_loop3A_650 : vector<16xi32>
          %parallel_loop3A_652 = arith.mulf %parallel_loop3A_631, %parallel_loop3A_592 : vector<16xf32>
          %parallel_loop3A_653 = arith.constant 1 : i32
          %parallel_loop3A_654 = arith.constant 0 : i32
          %parallel_loop3A_655 = tpu.memref_slice %arg15[%parallel_loop3A_653, %parallel_loop3A_588, %parallel_loop3A_654] : memref<2x40x128xf32, #tpu.memory_space<vmem>> -> memref<1x1x128xf32, #tpu.memory_space<vmem>>
          %parallel_loop3A_656 = tpu.memref_squeeze %parallel_loop3A_655 : memref<1x1x128xf32, #tpu.memory_space<vmem>> -> memref<128xf32, #tpu.memory_space<vmem>>
          tpu.vector_store_idx %parallel_loop3A_656[%parallel_loop3A_651], %parallel_loop3A_652 : memref<128xf32, #tpu.memory_space<vmem>>[vector<16xi32>], vector<16xf32>,
          %parallel_loop3A_657 = arith.constant 0 : i32
          %parallel_loop3A_658 = arith.index_cast %parallel_loop3A_657 : i32 to index
          %parallel_loop3A_659 = arith.index_cast %parallel_loop3A_590 : i32 to index
          %parallel_loop3A_660 = arith.constant 64 : index
          %parallel_loop3A_661 = tpu.vector_load %arg14[%parallel_loop3A_658, %parallel_loop3A_659, %parallel_loop3A_660] {strides = array<i32>} : memref<2x80x128xbf16, #tpu.memory_space<vmem>>, vector<32xbf16>,
          %parallel_loop3A_662 = tpu.unpack_subelements %parallel_loop3A_661, 0 {pack_format = #tpu.pack_format<interleaved>} : vector<32xbf16> -> vector<16xf32>
          %parallel_loop3A_663 = tpu.unpack_subelements %parallel_loop3A_661, 1 {pack_format = #tpu.pack_format<interleaved>} : vector<32xbf16> -> vector<16xf32>
          %parallel_loop3A_664 = arith.constant 2 : i32
          %parallel_loop3A_665 = vector.broadcast %parallel_loop3A_664 : i32 to vector<16xi32>
          %parallel_loop3A_666 = arith.muli %parallel_loop3A_665, %iota3A : vector<16xi32>
          %parallel_loop3A_667 = arith.constant 64 : i32
          %parallel_loop3A_668 = vector.broadcast %parallel_loop3A_667 : i32 to vector<16xi32>
          %parallel_loop3A_669 = arith.addi %parallel_loop3A_668, %parallel_loop3A_666 : vector<16xi32>
          %parallel_loop3A_670 = arith.mulf %parallel_loop3A_662, %parallel_loop3A_592 : vector<16xf32>
          %parallel_loop3A_671 = arith.constant 1 : i32
          %parallel_loop3A_672 = arith.constant 0 : i32
          %parallel_loop3A_673 = tpu.memref_slice %arg15[%parallel_loop3A_671, %parallel_loop3A_588, %parallel_loop3A_672] : memref<2x40x128xf32, #tpu.memory_space<vmem>> -> memref<1x1x128xf32, #tpu.memory_space<vmem>>
          %parallel_loop3A_674 = tpu.memref_squeeze %parallel_loop3A_673 : memref<1x1x128xf32, #tpu.memory_space<vmem>> -> memref<128xf32, #tpu.memory_space<vmem>>
          tpu.vector_store_idx %parallel_loop3A_674[%parallel_loop3A_669], %parallel_loop3A_670 : memref<128xf32, #tpu.memory_space<vmem>>[vector<16xi32>], vector<16xf32>,
          %parallel_loop3A_675 = arith.constant 2 : i32
          %parallel_loop3A_676 = vector.broadcast %parallel_loop3A_675 : i32 to vector<16xi32>
          %parallel_loop3A_677 = arith.muli %parallel_loop3A_676, %iota3A : vector<16xi32>
          %parallel_loop3A_678 = arith.constant 64 : i32
          %parallel_loop3A_679 = vector.broadcast %parallel_loop3A_678 : i32 to vector<16xi32>
          %parallel_loop3A_680 = arith.addi %parallel_loop3A_679, %parallel_loop3A_677 : vector<16xi32>
          %parallel_loop3A_681 = arith.constant 1 : i32
          %parallel_loop3A_682 = vector.broadcast %parallel_loop3A_681 : i32 to vector<16xi32>
          %parallel_loop3A_683 = arith.addi %parallel_loop3A_680, %parallel_loop3A_682 : vector<16xi32>
          %parallel_loop3A_684 = arith.mulf %parallel_loop3A_663, %parallel_loop3A_592 : vector<16xf32>
          %parallel_loop3A_685 = arith.constant 1 : i32
          %parallel_loop3A_686 = arith.constant 0 : i32
          %parallel_loop3A_687 = tpu.memref_slice %arg15[%parallel_loop3A_685, %parallel_loop3A_588, %parallel_loop3A_686] : memref<2x40x128xf32, #tpu.memory_space<vmem>> -> memref<1x1x128xf32, #tpu.memory_space<vmem>>
          %parallel_loop3A_688 = tpu.memref_squeeze %parallel_loop3A_687 : memref<1x1x128xf32, #tpu.memory_space<vmem>> -> memref<128xf32, #tpu.memory_space<vmem>>
          tpu.vector_store_idx %parallel_loop3A_688[%parallel_loop3A_683], %parallel_loop3A_684 : memref<128xf32, #tpu.memory_space<vmem>>[vector<16xi32>], vector<16xf32>,
          %parallel_loop3A_689 = arith.constant 0 : i32
          %parallel_loop3A_690 = arith.index_cast %parallel_loop3A_689 : i32 to index
          %parallel_loop3A_691 = arith.index_cast %parallel_loop3A_590 : i32 to index
          %parallel_loop3A_692 = arith.constant 96 : index
          %parallel_loop3A_693 = tpu.vector_load %arg14[%parallel_loop3A_690, %parallel_loop3A_691, %parallel_loop3A_692] {strides = array<i32>} : memref<2x80x128xbf16, #tpu.memory_space<vmem>>, vector<32xbf16>,
          %parallel_loop3A_694 = tpu.unpack_subelements %parallel_loop3A_693, 0 {pack_format = #tpu.pack_format<interleaved>} : vector<32xbf16> -> vector<16xf32>
          %parallel_loop3A_695 = tpu.unpack_subelements %parallel_loop3A_693, 1 {pack_format = #tpu.pack_format<interleaved>} : vector<32xbf16> -> vector<16xf32>
          %parallel_loop3A_696 = arith.constant 2 : i32
          %parallel_loop3A_697 = vector.broadcast %parallel_loop3A_696 : i32 to vector<16xi32>
          %parallel_loop3A_698 = arith.muli %parallel_loop3A_697, %iota3A : vector<16xi32>
          %parallel_loop3A_699 = arith.constant 96 : i32
          %parallel_loop3A_700 = vector.broadcast %parallel_loop3A_699 : i32 to vector<16xi32>
          %parallel_loop3A_701 = arith.addi %parallel_loop3A_700, %parallel_loop3A_698 : vector<16xi32>
          %parallel_loop3A_702 = arith.mulf %parallel_loop3A_694, %parallel_loop3A_592 : vector<16xf32>
          %parallel_loop3A_703 = arith.constant 1 : i32
          %parallel_loop3A_704 = arith.constant 0 : i32
          %parallel_loop3A_705 = tpu.memref_slice %arg15[%parallel_loop3A_703, %parallel_loop3A_588, %parallel_loop3A_704] : memref<2x40x128xf32, #tpu.memory_space<vmem>> -> memref<1x1x128xf32, #tpu.memory_space<vmem>>
          %parallel_loop3A_706 = tpu.memref_squeeze %parallel_loop3A_705 : memref<1x1x128xf32, #tpu.memory_space<vmem>> -> memref<128xf32, #tpu.memory_space<vmem>>
          tpu.vector_store_idx %parallel_loop3A_706[%parallel_loop3A_701], %parallel_loop3A_702 : memref<128xf32, #tpu.memory_space<vmem>>[vector<16xi32>], vector<16xf32>,
          %parallel_loop3A_707 = arith.constant 2 : i32
          %parallel_loop3A_708 = vector.broadcast %parallel_loop3A_707 : i32 to vector<16xi32>
          %parallel_loop3A_709 = arith.muli %parallel_loop3A_708, %iota3A : vector<16xi32>
          %parallel_loop3A_710 = arith.constant 96 : i32
          %parallel_loop3A_711 = vector.broadcast %parallel_loop3A_710 : i32 to vector<16xi32>
          %parallel_loop3A_712 = arith.addi %parallel_loop3A_711, %parallel_loop3A_709 : vector<16xi32>
          %parallel_loop3A_713 = arith.constant 1 : i32
          %parallel_loop3A_714 = vector.broadcast %parallel_loop3A_713 : i32 to vector<16xi32>
          %parallel_loop3A_715 = arith.addi %parallel_loop3A_712, %parallel_loop3A_714 : vector<16xi32>
          %parallel_loop3A_716 = arith.mulf %parallel_loop3A_695, %parallel_loop3A_592 : vector<16xf32>
          %parallel_loop3A_717 = arith.constant 1 : i32
          %parallel_loop3A_718 = arith.constant 0 : i32
          %parallel_loop3A_719 = tpu.memref_slice %arg15[%parallel_loop3A_717, %parallel_loop3A_588, %parallel_loop3A_718] : memref<2x40x128xf32, #tpu.memory_space<vmem>> -> memref<1x1x128xf32, #tpu.memory_space<vmem>>
          %parallel_loop3A_720 = tpu.memref_squeeze %parallel_loop3A_719 : memref<1x1x128xf32, #tpu.memory_space<vmem>> -> memref<128xf32, #tpu.memory_space<vmem>>
          tpu.vector_store_idx %parallel_loop3A_720[%parallel_loop3A_715], %parallel_loop3A_716 : memref<128xf32, #tpu.memory_space<vmem>>[vector<16xi32>], vector<16xf32>,
        } {sc.loop_unroll_factor = 8 : i64, sc.parallel_access}
        %dma_start3A_566 = arith.constant 1 : i32
        %dma_start3A_567 = arith.constant 0 : i32
        %dma_start3A_568 = arith.constant 0 : i32
        %dma_start3A_569 = arith.constant 0 : i32
        %dma_start3A_570 = tpu.memref_slice %arg15[%dma_start3A_566, %dma_start3A_568, %dma_start3A_569] : memref<2x40x128xf32, #tpu.memory_space<vmem>> -> memref<1x40x128xf32, #tpu.memory_space<vmem>>
        %dma_start3A_571 = tpu.memref_squeeze %dma_start3A_570 : memref<1x40x128xf32, #tpu.memory_space<vmem>> -> memref<40x128xf32, #tpu.memory_space<vmem>>
        %dma_start3A_572 = arith.constant 40 : i32
        %dma_start3A_573 = tpu.memref_slice %arg13[%dma_start3A_567, %dma_start3A_572] : memref<2x80xi32, #tpu.memory_space<vmem>> -> memref<1x40xi32, #tpu.memory_space<vmem>>
        %dma_start3A_574 = tpu.memref_squeeze %dma_start3A_573 : memref<1x40xi32, #tpu.memory_space<vmem>> -> memref<40xi32, #tpu.memory_space<vmem>>
        %dma_start3A_575 = arith.constant 0 : i32
        %dma_start3A_576 = arith.constant 0 : i32
        %dma_start3A_577 = tpu.memref_slice %arg18[%dma_start3A_575, %dma_start3A_576] : memref<10000x128xf32, #tpu.memory_space<vmem_shared>> -> memref<10000x128xf32, #tpu.memory_space<vmem_shared>>
        tpu.enqueue_indirect_dma source(%dma_start3A_571 : memref<40x128xf32, #tpu.memory_space<vmem>>) target(%dma_start3A_577 : memref<10000x128xf32, #tpu.memory_space<vmem_shared>>) offsets(%dma_start3A_574 : memref<40xi32, #tpu.memory_space<vmem>>) semaphore(%arg24 : memref<!tpu.dma_semaphore, #tpu.memory_space<semaphore_mem>>) {add = true}
        %dma_start3A_578 = arith.constant 0 : i32
        %dma_start3A_579 = arith.constant 0 : i32
        %dma_start3A_580 = arith.constant 0 : i32
        %dma_start3A_581 = tpu.memref_slice %arg12[%dma_start3A_578, %dma_start3A_580] : memref<2x80xf32, #tpu.memory_space<vmem>> -> memref<1x80xf32, #tpu.memory_space<vmem>>
        %dma_start3A_582 = tpu.memref_squeeze %dma_start3A_581 : memref<1x80xf32, #tpu.memory_space<vmem>> -> memref<80xf32, #tpu.memory_space<vmem>>
        %dma_start3A_583 = arith.constant 0 : i32
        %dma_start3A_584 = tpu.memref_slice %arg13[%dma_start3A_579, %dma_start3A_583] : memref<2x80xi32, #tpu.memory_space<vmem>> -> memref<1x80xi32, #tpu.memory_space<vmem>>
        %dma_start3A_585 = tpu.memref_squeeze %dma_start3A_584 : memref<1x80xi32, #tpu.memory_space<vmem>> -> memref<80xi32, #tpu.memory_space<vmem>>
        %dma_start3A_586 = arith.constant 0 : i32
        %dma_start3A_587 = tpu.memref_slice %arg19[%dma_start3A_586] : memref<10000xf32, #tpu.memory_space<vmem_shared>> -> memref<10000xf32, #tpu.memory_space<vmem_shared>>
        tpu.enqueue_indirect_dma source(%dma_start3A_582 : memref<80xf32, #tpu.memory_space<vmem>>) target(%dma_start3A_587 : memref<10000xf32, #tpu.memory_space<vmem_shared>>) offsets(%dma_start3A_585 : memref<80xi32, #tpu.memory_space<vmem>>) semaphore(%arg25 : memref<!tpu.dma_semaphore, #tpu.memory_space<semaphore_mem>>) {add = true}
      } else {
      }
      %mul3A_222 = arith.constant 2 : i32
      %mul3A_223 = arith.muli %mul3A_222, %scan3A_213 : i32
      %add3A_224 = arith.constant 1 : i32
      %add3A_225 = arith.addi %mul3A_223, %add3A_224 : i32
      %lt3A_226 = arith.constant 125 : i32
      %lt3A_227 = arith.cmpi slt, %add3A_225, %lt3A_226 : i32
      %convert_element_type3A_228 = arith.extui %lt3A_227 : i1 to i32
      %cond3A_229 = arith.constant 0 : i32
      %cond3A_230 = arith.cmpi ne, %convert_element_type3A_228, %cond3A_229 : i32
      scf.if %cond3A_230 {
        %jit3A = arith.constant 25 : i32
        %div3A = arith.divsi %add3A_225, %jit3A : i32
        %sign3A = arith.constant 0 : i32
        %sign3A_231 = arith.cmpi sgt, %add3A_225, %sign3A : i32
        %sign3A_232 = arith.extui %sign3A_231 : i1 to i32
        %sign3A_233 = arith.constant 0 : i32
        %sign3A_234 = arith.cmpi slt, %add3A_225, %sign3A_233 : i32
        %sign3A_235 = arith.extui %sign3A_234 : i1 to i32
        %sign3A_236 = arith.subi %sign3A_232, %sign3A_235 : i32
        %sign3A_237 = arith.constant 0 : i32
        %sign3A_238 = arith.cmpi sgt, %jit3A, %sign3A_237 : i32
        %sign3A_239 = arith.extui %sign3A_238 : i1 to i32
        %sign3A_240 = arith.constant 0 : i32
        %sign3A_241 = arith.cmpi slt, %jit3A, %sign3A_240 : i32
        %sign3A_242 = arith.extui %sign3A_241 : i1 to i32
        %sign3A_243 = arith.subi %sign3A_239, %sign3A_242 : i32
        %ne3A = arith.cmpi ne, %sign3A_236, %sign3A_243 : i32
        %rem3A = arith.remsi %add3A_225, %jit3A : i32
        %ne3A_244 = arith.constant 0 : i32
        %ne3A_245 = arith.cmpi ne, %rem3A, %ne3A_244 : i32
        %and3A = arith.andi %ne3A, %ne3A_245 : i1
        %sub3A = arith.constant 1 : i32
        %sub3A_246 = arith.subi %div3A, %sub3A : i32
        %select_n3A = arith.select %and3A, %sub3A_246, %div3A : i32
        %jit3A_247 = arith.constant 25 : i32
        %eq3A_248 = arith.constant 0 : i32
        %eq3A_249 = arith.cmpi eq, %jit3A_247, %eq3A_248 : i32
        %jit3A_250 = arith.constant 1 : i32
        %select_n3A_251 = arith.select %eq3A_249, %jit3A_250, %jit3A_247 : i32
        %rem3A_252 = arith.remsi %add3A_225, %select_n3A_251 : i32
        %ne3A_253 = arith.constant 0 : i32
        %ne3A_254 = arith.cmpi ne, %rem3A_252, %ne3A_253 : i32
        %lt3A_255 = arith.constant 0 : i32
        %lt3A_256 = arith.cmpi slt, %rem3A_252, %lt3A_255 : i32
        %lt3A_257 = arith.constant 0 : i32
        %lt3A_258 = arith.cmpi slt, %select_n3A_251, %lt3A_257 : i32
        %ne3A_259 = arith.xori %lt3A_256, %lt3A_258 : i1
        %and3A_260 = arith.andi %ne3A_259, %ne3A_254 : i1
        %add3A_261 = arith.addi %rem3A_252, %select_n3A_251 : i32
        %select_n3A_262 = arith.select %and3A_260, %add3A_261, %rem3A_252 : i32
        %jit3A_263 = arith.constant 2 : i32
        %eq3A_264 = arith.constant 0 : i32
        %eq3A_265 = arith.cmpi eq, %jit3A_263, %eq3A_264 : i32
        %jit3A_266 = arith.constant 1 : i32
        %select_n3A_267 = arith.select %eq3A_265, %jit3A_266, %jit3A_263 : i32
        %rem3A_268 = arith.remsi %select_n3A, %select_n3A_267 : i32
        %ne3A_269 = arith.constant 0 : i32
        %ne3A_270 = arith.cmpi ne, %rem3A_268, %ne3A_269 : i32
        %lt3A_271 = arith.constant 0 : i32
        %lt3A_272 = arith.cmpi slt, %rem3A_268, %lt3A_271 : i32
        %lt3A_273 = arith.constant 0 : i32
        %lt3A_274 = arith.cmpi slt, %select_n3A_267, %lt3A_273 : i32
        %ne3A_275 = arith.xori %lt3A_272, %lt3A_274 : i1
        %and3A_276 = arith.andi %ne3A_275, %ne3A_270 : i1
        %add3A_277 = arith.addi %rem3A_268, %select_n3A_267 : i32
        %select_n3A_278 = arith.select %and3A_276, %add3A_277, %rem3A_268 : i32
        %add3A_279 = arith.constant 1 : i32
        %add3A_280 = arith.addi %add3A_225, %add3A_279 : i32
        %lt3A_281 = arith.constant 125 : i32
        %lt3A_282 = arith.cmpi slt, %add3A_280, %lt3A_281 : i32
        %jit3A_283 = arith.constant 25 : i32
        %eq3A_284 = arith.constant 0 : i32
        %eq3A_285 = arith.cmpi eq, %jit3A_283, %eq3A_284 : i32
        %jit3A_286 = arith.constant 1 : i32
        %select_n3A_287 = arith.select %eq3A_285, %jit3A_286, %jit3A_283 : i32
        %rem3A_288 = arith.remsi %add3A_280, %select_n3A_287 : i32
        %ne3A_289 = arith.constant 0 : i32
        %ne3A_290 = arith.cmpi ne, %rem3A_288, %ne3A_289 : i32
        %lt3A_291 = arith.constant 0 : i32
        %lt3A_292 = arith.cmpi slt, %rem3A_288, %lt3A_291 : i32
        %lt3A_293 = arith.constant 0 : i32
        %lt3A_294 = arith.cmpi slt, %select_n3A_287, %lt3A_293 : i32
        %ne3A_295 = arith.xori %lt3A_292, %lt3A_294 : i1
        %and3A_296 = arith.andi %ne3A_295, %ne3A_290 : i1
        %add3A_297 = arith.addi %rem3A_288, %select_n3A_287 : i32
        %select_n3A_298 = arith.select %and3A_296, %add3A_297, %rem3A_288 : i32
        %eq3A_299 = arith.constant 0 : i32
        %eq3A_300 = arith.cmpi eq, %select_n3A_298, %eq3A_299 : i32
        %and3A_301 = arith.andi %lt3A_282, %eq3A_300 : i1
        %convert_element_type3A_302 = arith.extui %and3A_301 : i1 to i32
        %cond3A_303 = arith.constant 0 : i32
        %cond3A_304 = arith.cmpi ne, %convert_element_type3A_302, %cond3A_303 : i32
        scf.if %cond3A_304 {
          %jit3A_588 = arith.constant 25 : i32
          %div3A_589 = arith.divsi %add3A_280, %jit3A_588 : i32
          %sign3A_590 = arith.constant 0 : i32
          %sign3A_591 = arith.cmpi sgt, %add3A_280, %sign3A_590 : i32
          %sign3A_592 = arith.extui %sign3A_591 : i1 to i32
          %sign3A_593 = arith.constant 0 : i32
          %sign3A_594 = arith.cmpi slt, %add3A_280, %sign3A_593 : i32
          %sign3A_595 = arith.extui %sign3A_594 : i1 to i32
          %sign3A_596 = arith.subi %sign3A_592, %sign3A_595 : i32
          %sign3A_597 = arith.constant 0 : i32
          %sign3A_598 = arith.cmpi sgt, %jit3A_588, %sign3A_597 : i32
          %sign3A_599 = arith.extui %sign3A_598 : i1 to i32
          %sign3A_600 = arith.constant 0 : i32
          %sign3A_601 = arith.cmpi slt, %jit3A_588, %sign3A_600 : i32
          %sign3A_602 = arith.extui %sign3A_601 : i1 to i32
          %sign3A_603 = arith.subi %sign3A_599, %sign3A_602 : i32
          %ne3A_604 = arith.cmpi ne, %sign3A_596, %sign3A_603 : i32
          %rem3A_605 = arith.remsi %add3A_280, %jit3A_588 : i32
          %ne3A_606 = arith.constant 0 : i32
          %ne3A_607 = arith.cmpi ne, %rem3A_605, %ne3A_606 : i32
          %and3A_608 = arith.andi %ne3A_604, %ne3A_607 : i1
          %sub3A_609 = arith.constant 1 : i32
          %sub3A_610 = arith.subi %div3A_589, %sub3A_609 : i32
          %select_n3A_611 = arith.select %and3A_608, %sub3A_610, %div3A_589 : i32
          %mul3A_612 = arith.constant 25 : i32
          %mul3A_613 = arith.muli %select_n3A_611, %mul3A_612 : i32
          %add3A_614 = arith.addi %mul3A_2, %mul3A_613 : i32
          %jit3A_615 = arith.constant 2 : i32
          %eq3A_616 = arith.constant 0 : i32
          %eq3A_617 = arith.cmpi eq, %jit3A_615, %eq3A_616 : i32
          %jit3A_618 = arith.constant 1 : i32
          %select_n3A_619 = arith.select %eq3A_617, %jit3A_618, %jit3A_615 : i32
          %rem3A_620 = arith.remsi %select_n3A_611, %select_n3A_619 : i32
          %ne3A_621 = arith.constant 0 : i32
          %ne3A_622 = arith.cmpi ne, %rem3A_620, %ne3A_621 : i32
          %lt3A_623 = arith.constant 0 : i32
          %lt3A_624 = arith.cmpi slt, %rem3A_620, %lt3A_623 : i32
          %lt3A_625 = arith.constant 0 : i32
          %lt3A_626 = arith.cmpi slt, %select_n3A_619, %lt3A_625 : i32
          %ne3A_627 = arith.xori %lt3A_624, %lt3A_626 : i1
          %and3A_628 = arith.andi %ne3A_627, %ne3A_622 : i1
          %add3A_629 = arith.addi %rem3A_620, %select_n3A_619 : i32
          %select_n3A_630 = arith.select %and3A_628, %add3A_629, %rem3A_620 : i32
          %dma_wait3A_631 = arith.constant 0 : i32
          %dma_wait3A_632 = arith.constant 0 : i32
          %dma_wait3A_633 = arith.constant 0 : i32
          %dma_wait3A_634 = arith.constant 0 : i32
          %dma_wait3A_635 = tpu.memref_slice %arg11[%select_n3A_630, %dma_wait3A_632, %dma_wait3A_633, %dma_wait3A_634] : memref<2x2x25x80xi32, #tpu.memory_space<vmem>> -> memref<1x1x25x80xi32, #tpu.memory_space<vmem>>
          %dma_wait3A_636 = tpu.memref_squeeze %dma_wait3A_635 : memref<1x1x25x80xi32, #tpu.memory_space<vmem>> -> memref<25x80xi32, #tpu.memory_space<vmem>>
          %dma_wait3A_637 = arith.constant 0 : i32
          %dma_wait3A_638 = tpu.memref_slice %arg5[%dma_wait3A_631, %add3A_614, %dma_wait3A_637] : memref<2x4000x80xi32, #tpu.memory_space<hbm>> -> memref<1x25x80xi32, #tpu.memory_space<hbm>>
          %dma_wait3A_639 = tpu.memref_squeeze %dma_wait3A_638 : memref<1x25x80xi32, #tpu.memory_space<hbm>> -> memref<25x80xi32, #tpu.memory_space<hbm>>
          %dma_wait3A_640 = arith.constant 0 : i32
          %dma_wait3A_641 = arith.constant 0 : i32
          %dma_wait3A_642 = tpu.memref_slice %arg11[%select_n3A_630, %dma_wait3A_632, %dma_wait3A_640, %dma_wait3A_641] : memref<2x2x25x80xi32, #tpu.memory_space<vmem>> -> memref<1x1x25x80xi32, #tpu.memory_space<vmem>>
          %dma_wait3A_643 = tpu.memref_squeeze %dma_wait3A_642 : memref<1x1x25x80xi32, #tpu.memory_space<vmem>> -> memref<25x80xi32, #tpu.memory_space<vmem>>
          %dma_wait3A_644 = arith.constant 0 : i32
          %dma_wait3A_645 = tpu.memref_slice %arg5[%dma_wait3A_631, %add3A_614, %dma_wait3A_644] : memref<2x4000x80xi32, #tpu.memory_space<hbm>> -> memref<1x25x80xi32, #tpu.memory_space<hbm>>
          %dma_wait3A_646 = tpu.memref_squeeze %dma_wait3A_645 : memref<1x25x80xi32, #tpu.memory_space<hbm>> -> memref<25x80xi32, #tpu.memory_space<hbm>>
          tpu.wait_dma2 semaphore(%arg22 : memref<!tpu.dma_semaphore, #tpu.memory_space<semaphore_mem>>) src(%dma_wait3A_646 : memref<25x80xi32, #tpu.memory_space<hbm>>) dst(%dma_wait3A_643 : memref<25x80xi32, #tpu.memory_space<vmem>>)
          %mul3A_647 = arith.constant 25 : i32
          %mul3A_648 = arith.muli %select_n3A_611, %mul3A_647 : i32
          %add3A_649 = arith.addi %mul3A_2, %mul3A_648 : i32
          %jit3A_650 = arith.constant 2 : i32
          %eq3A_651 = arith.constant 0 : i32
          %eq3A_652 = arith.cmpi eq, %jit3A_650, %eq3A_651 : i32
          %jit3A_653 = arith.constant 1 : i32
          %select_n3A_654 = arith.select %eq3A_652, %jit3A_653, %jit3A_650 : i32
          %rem3A_655 = arith.remsi %select_n3A_611, %select_n3A_654 : i32
          %ne3A_656 = arith.constant 0 : i32
          %ne3A_657 = arith.cmpi ne, %rem3A_655, %ne3A_656 : i32
          %lt3A_658 = arith.constant 0 : i32
          %lt3A_659 = arith.cmpi slt, %rem3A_655, %lt3A_658 : i32
          %lt3A_660 = arith.constant 0 : i32
          %lt3A_661 = arith.cmpi slt, %select_n3A_654, %lt3A_660 : i32
          %ne3A_662 = arith.xori %lt3A_659, %lt3A_661 : i1
          %and3A_663 = arith.andi %ne3A_662, %ne3A_657 : i1
          %add3A_664 = arith.addi %rem3A_655, %select_n3A_654 : i32
          %select_n3A_665 = arith.select %and3A_663, %add3A_664, %rem3A_655 : i32
          %dma_wait3A_666 = arith.constant 1 : i32
          %dma_wait3A_667 = arith.constant 1 : i32
          %dma_wait3A_668 = arith.constant 0 : i32
          %dma_wait3A_669 = arith.constant 0 : i32
          %dma_wait3A_670 = tpu.memref_slice %arg11[%select_n3A_665, %dma_wait3A_667, %dma_wait3A_668, %dma_wait3A_669] : memref<2x2x25x80xi32, #tpu.memory_space<vmem>> -> memref<1x1x25x80xi32, #tpu.memory_space<vmem>>
          %dma_wait3A_671 = tpu.memref_squeeze %dma_wait3A_670 : memref<1x1x25x80xi32, #tpu.memory_space<vmem>> -> memref<25x80xi32, #tpu.memory_space<vmem>>
          %dma_wait3A_672 = arith.constant 0 : i32
          %dma_wait3A_673 = tpu.memref_slice %arg5[%dma_wait3A_666, %add3A_649, %dma_wait3A_672] : memref<2x4000x80xi32, #tpu.memory_space<hbm>> -> memref<1x25x80xi32, #tpu.memory_space<hbm>>
          %dma_wait3A_674 = tpu.memref_squeeze %dma_wait3A_673 : memref<1x25x80xi32, #tpu.memory_space<hbm>> -> memref<25x80xi32, #tpu.memory_space<hbm>>
          %dma_wait3A_675 = arith.constant 0 : i32
          %dma_wait3A_676 = arith.constant 0 : i32
          %dma_wait3A_677 = tpu.memref_slice %arg11[%select_n3A_665, %dma_wait3A_667, %dma_wait3A_675, %dma_wait3A_676] : memref<2x2x25x80xi32, #tpu.memory_space<vmem>> -> memref<1x1x25x80xi32, #tpu.memory_space<vmem>>
          %dma_wait3A_678 = tpu.memref_squeeze %dma_wait3A_677 : memref<1x1x25x80xi32, #tpu.memory_space<vmem>> -> memref<25x80xi32, #tpu.memory_space<vmem>>
          %dma_wait3A_679 = arith.constant 0 : i32
          %dma_wait3A_680 = tpu.memref_slice %arg5[%dma_wait3A_666, %add3A_649, %dma_wait3A_679] : memref<2x4000x80xi32, #tpu.memory_space<hbm>> -> memref<1x25x80xi32, #tpu.memory_space<hbm>>
          %dma_wait3A_681 = tpu.memref_squeeze %dma_wait3A_680 : memref<1x25x80xi32, #tpu.memory_space<hbm>> -> memref<25x80xi32, #tpu.memory_space<hbm>>
          tpu.wait_dma2 semaphore(%arg22 : memref<!tpu.dma_semaphore, #tpu.memory_space<semaphore_mem>>) src(%dma_wait3A_681 : memref<25x80xi32, #tpu.memory_space<hbm>>) dst(%dma_wait3A_678 : memref<25x80xi32, #tpu.memory_space<vmem>>)
        } else {
        }
        %lt3A_305 = arith.constant 125 : i32
        %lt3A_306 = arith.cmpi slt, %add3A_280, %lt3A_305 : i32
        %convert_element_type3A_307 = arith.extui %lt3A_306 : i1 to i32
        %cond3A_308 = arith.constant 0 : i32
        %cond3A_309 = arith.cmpi ne, %convert_element_type3A_307, %cond3A_308 : i32
        scf.if %cond3A_309 {
          %jit3A_588 = arith.constant 25 : i32
          %div3A_589 = arith.divsi %add3A_280, %jit3A_588 : i32
          %sign3A_590 = arith.constant 0 : i32
          %sign3A_591 = arith.cmpi sgt, %add3A_280, %sign3A_590 : i32
          %sign3A_592 = arith.extui %sign3A_591 : i1 to i32
          %sign3A_593 = arith.constant 0 : i32
          %sign3A_594 = arith.cmpi slt, %add3A_280, %sign3A_593 : i32
          %sign3A_595 = arith.extui %sign3A_594 : i1 to i32
          %sign3A_596 = arith.subi %sign3A_592, %sign3A_595 : i32
          %sign3A_597 = arith.constant 0 : i32
          %sign3A_598 = arith.cmpi sgt, %jit3A_588, %sign3A_597 : i32
          %sign3A_599 = arith.extui %sign3A_598 : i1 to i32
          %sign3A_600 = arith.constant 0 : i32
          %sign3A_601 = arith.cmpi slt, %jit3A_588, %sign3A_600 : i32
          %sign3A_602 = arith.extui %sign3A_601 : i1 to i32
          %sign3A_603 = arith.subi %sign3A_599, %sign3A_602 : i32
          %ne3A_604 = arith.cmpi ne, %sign3A_596, %sign3A_603 : i32
          %rem3A_605 = arith.remsi %add3A_280, %jit3A_588 : i32
          %ne3A_606 = arith.constant 0 : i32
          %ne3A_607 = arith.cmpi ne, %rem3A_605, %ne3A_606 : i32
          %and3A_608 = arith.andi %ne3A_604, %ne3A_607 : i1
          %sub3A_609 = arith.constant 1 : i32
          %sub3A_610 = arith.subi %div3A_589, %sub3A_609 : i32
          %select_n3A_611 = arith.select %and3A_608, %sub3A_610, %div3A_589 : i32
          %jit3A_612 = arith.constant 2 : i32
          %eq3A_613 = arith.constant 0 : i32
          %eq3A_614 = arith.cmpi eq, %jit3A_612, %eq3A_613 : i32
          %jit3A_615 = arith.constant 1 : i32
          %select_n3A_616 = arith.select %eq3A_614, %jit3A_615, %jit3A_612 : i32
          %rem3A_617 = arith.remsi %select_n3A_611, %select_n3A_616 : i32
          %ne3A_618 = arith.constant 0 : i32
          %ne3A_619 = arith.cmpi ne, %rem3A_617, %ne3A_618 : i32
          %lt3A_620 = arith.constant 0 : i32
          %lt3A_621 = arith.cmpi slt, %rem3A_617, %lt3A_620 : i32
          %lt3A_622 = arith.constant 0 : i32
          %lt3A_623 = arith.cmpi slt, %select_n3A_616, %lt3A_622 : i32
          %ne3A_624 = arith.xori %lt3A_621, %lt3A_623 : i1
          %and3A_625 = arith.andi %ne3A_624, %ne3A_619 : i1
          %add3A_626 = arith.addi %rem3A_617, %select_n3A_616 : i32
          %select_n3A_627 = arith.select %and3A_625, %add3A_626, %rem3A_617 : i32
          %jit3A_628 = arith.constant 25 : i32
          %eq3A_629 = arith.constant 0 : i32
          %eq3A_630 = arith.cmpi eq, %jit3A_628, %eq3A_629 : i32
          %jit3A_631 = arith.constant 1 : i32
          %select_n3A_632 = arith.select %eq3A_630, %jit3A_631, %jit3A_628 : i32
          %rem3A_633 = arith.remsi %add3A_280, %select_n3A_632 : i32
          %ne3A_634 = arith.constant 0 : i32
          %ne3A_635 = arith.cmpi ne, %rem3A_633, %ne3A_634 : i32
          %lt3A_636 = arith.constant 0 : i32
          %lt3A_637 = arith.cmpi slt, %rem3A_633, %lt3A_636 : i32
          %lt3A_638 = arith.constant 0 : i32
          %lt3A_639 = arith.cmpi slt, %select_n3A_632, %lt3A_638 : i32
          %ne3A_640 = arith.xori %lt3A_637, %lt3A_639 : i1
          %and3A_641 = arith.andi %ne3A_640, %ne3A_635 : i1
          %add3A_642 = arith.addi %rem3A_633, %select_n3A_632 : i32
          %select_n3A_643 = arith.select %and3A_641, %add3A_642, %rem3A_633 : i32
          %dma_start3A_644 = arith.constant 0 : i32
          %dma_start3A_645 = arith.constant 0 : i32
          %dma_start3A_646 = arith.constant 0 : i32
          %dma_start3A_647 = arith.constant 0 : i32
          %dma_start3A_648 = tpu.memref_slice %arg14[%dma_start3A_645, %dma_start3A_646, %dma_start3A_647] : memref<2x80x128xbf16, #tpu.memory_space<vmem>> -> memref<1x80x128xbf16, #tpu.memory_space<vmem>>
          %dma_start3A_649 = tpu.memref_squeeze %dma_start3A_648 : memref<1x80x128xbf16, #tpu.memory_space<vmem>> -> memref<80x128xbf16, #tpu.memory_space<vmem>>
          %dma_start3A_650 = arith.constant 0 : i32
          %dma_start3A_651 = tpu.memref_slice %arg11[%select_n3A_627, %dma_start3A_644, %select_n3A_643, %dma_start3A_650] : memref<2x2x25x80xi32, #tpu.memory_space<vmem>> -> memref<1x1x1x80xi32, #tpu.memory_space<vmem>>
          %dma_start3A_652 = tpu.memref_squeeze %dma_start3A_651 : memref<1x1x1x80xi32, #tpu.memory_space<vmem>> -> memref<80xi32, #tpu.memory_space<vmem>>
          %dma_start3A_653 = arith.constant 0 : i32
          %dma_start3A_654 = arith.constant 0 : i32
          %dma_start3A_655 = tpu.memref_slice %arg2[%dma_start3A_653, %dma_start3A_654] : memref<10000x128xbf16, #tpu.memory_space<hbm>> -> memref<10000x128xbf16, #tpu.memory_space<hbm>>
          tpu.enqueue_indirect_dma source(%dma_start3A_655 : memref<10000x128xbf16, #tpu.memory_space<hbm>>) target(%dma_start3A_649 : memref<80x128xbf16, #tpu.memory_space<vmem>>) offsets(%dma_start3A_652 : memref<80xi32, #tpu.memory_space<vmem>>) semaphore(%arg20 : memref<!tpu.dma_semaphore, #tpu.memory_space<semaphore_mem>>)
        } else {
        }
        %ge3A = arith.constant 2 : i32
        %ge3A_310 = arith.cmpi sge, %add3A_225, %ge3A : i32
        %convert_element_type3A_311 = arith.extui %ge3A_310 : i1 to i32
        %cond3A_312 = arith.constant 0 : i32
        %cond3A_313 = arith.cmpi ne, %convert_element_type3A_311, %cond3A_312 : i32
        scf.if %cond3A_313 {
          %dma_wait3A_588 = arith.constant 1 : i32
          %dma_wait3A_589 = arith.constant 1 : i32
          %dma_wait3A_590 = arith.constant 0 : i32
          %dma_wait3A_591 = tpu.memref_slice %arg12[%dma_wait3A_588, %dma_wait3A_590] : memref<2x80xf32, #tpu.memory_space<vmem>> -> memref<1x80xf32, #tpu.memory_space<vmem>>
          %dma_wait3A_592 = tpu.memref_squeeze %dma_wait3A_591 : memref<1x80xf32, #tpu.memory_space<vmem>> -> memref<80xf32, #tpu.memory_space<vmem>>
          %dma_wait3A_593 = arith.constant 0 : i32
          %dma_wait3A_594 = tpu.memref_slice %arg13[%dma_wait3A_589, %dma_wait3A_593] : memref<2x80xi32, #tpu.memory_space<vmem>> -> memref<1x80xi32, #tpu.memory_space<vmem>>
          %dma_wait3A_595 = tpu.memref_squeeze %dma_wait3A_594 : memref<1x80xi32, #tpu.memory_space<vmem>> -> memref<80xi32, #tpu.memory_space<vmem>>
          %dma_wait3A_596 = arith.constant 0 : i32
          %dma_wait3A_597 = tpu.memref_slice %arg19[%dma_wait3A_596] : memref<10000xf32, #tpu.memory_space<vmem_shared>> -> memref<10000xf32, #tpu.memory_space<vmem_shared>>
          tpu.wait_indirect_dma semaphore(%arg26 : memref<!tpu.dma_semaphore, #tpu.memory_space<semaphore_mem>>) src(%dma_wait3A_592 : memref<80xf32, #tpu.memory_space<vmem>>) dst(%dma_wait3A_597 : memref<10000xf32, #tpu.memory_space<vmem_shared>>)
        } else {
        }
        %get3A_314 = arith.constant 0 : i32
        %get3A_315 = arith.index_cast %select_n3A_278 : i32 to index
        %get3A_316 = arith.index_cast %get3A_314 : i32 to index
        %get3A_317 = arith.index_cast %select_n3A_262 : i32 to index
        %get3A_318 = arith.constant 0 : index
        %get3A_319 = tpu.vector_load %arg11[%get3A_315, %get3A_316, %get3A_317, %get3A_318] {strides = array<i32>} : memref<2x2x25x80xi32, #tpu.memory_space<vmem>>, vector<16xi32>,
        %get3A_320 = arith.constant 1 : i32
        %get3A_321 = arith.index_cast %select_n3A_278 : i32 to index
        %get3A_322 = arith.index_cast %get3A_320 : i32 to index
        %get3A_323 = arith.index_cast %select_n3A_262 : i32 to index
        %get3A_324 = arith.constant 0 : index
        %get3A_325 = tpu.vector_load %arg11[%get3A_321, %get3A_322, %get3A_323, %get3A_324] {strides = array<i32>} : memref<2x2x25x80xi32, #tpu.memory_space<vmem>>, vector<16xi32>,
        %gather3A = tpu.vector_load_idx %arg9[%get3A_319] : memref<10000xf32, #tpu.memory_space<vmem>>[vector<16xi32>], vector<16xf32>,
        %gather3A_326 = tpu.vector_load_idx %arg10[%get3A_325] : memref<10000xf32, #tpu.memory_space<vmem>>[vector<16xi32>], vector<16xf32>,
        %add3A_327 = arith.addf %gather3A, %gather3A_326 : vector<16xf32>
        %gt3A = arith.constant 0.000000e+00 : f32
        %gt3A_328 = vector.broadcast %gt3A : f32 to vector<16xf32>
        %gt3A_329 = arith.cmpf ogt, %add3A_327, %gt3A_328 : vector<16xf32>
        %mul3A_330 = arith.constant 0.00999999977 : f32
        %mul3A_331 = vector.broadcast %mul3A_330 : f32 to vector<16xf32>
        %mul3A_332 = arith.mulf %add3A_327, %mul3A_331 : vector<16xf32>
        %select_n3A_333 = arith.select %gt3A_329, %add3A_327, %mul3A_332 : vector<16xi1>, vector<16xf32>
        %sub3A_334 = arith.subf %select_n3A_333, %get3A_96 : vector<16xf32>
        %exp3A = math.exp %sub3A_334 : vector<16xf32>
        %swap3A = arith.constant 1 : i32
        %swap3A_335 = arith.index_cast %swap3A : i32 to index
        %swap3A_336 = arith.constant 0 : index
        %swap3A_337 = tpu.vector_load %arg12[%swap3A_335, %swap3A_336] {strides = array<i32>} : memref<2x80xf32, #tpu.memory_space<vmem>>, vector<16xf32>,
        tpu.vector_store %arg12[%swap3A_335, %swap3A_336], %exp3A {strides = array<i32>} : memref<2x80xf32, #tpu.memory_space<vmem>>, vector<16xf32>,
        %swap3A_338 = arith.constant 1 : i32
        %swap3A_339 = arith.index_cast %swap3A_338 : i32 to index
        %swap3A_340 = arith.constant 0 : index
        %swap3A_341 = tpu.vector_load %arg13[%swap3A_339, %swap3A_340] {strides = array<i32>} : memref<2x80xi32, #tpu.memory_space<vmem>>, vector<16xi32>,
        tpu.vector_store %arg13[%swap3A_339, %swap3A_340], %get3A_325 {strides = array<i32>} : memref<2x80xi32, #tpu.memory_space<vmem>>, vector<16xi32>,
        %get3A_342 = arith.constant 0 : i32
        %get3A_343 = arith.index_cast %select_n3A_278 : i32 to index
        %get3A_344 = arith.index_cast %get3A_342 : i32 to index
        %get3A_345 = arith.index_cast %select_n3A_262 : i32 to index
        %get3A_346 = arith.constant 16 : index
        %get3A_347 = tpu.vector_load %arg11[%get3A_343, %get3A_344, %get3A_345, %get3A_346] {strides = array<i32>} : memref<2x2x25x80xi32, #tpu.memory_space<vmem>>, vector<16xi32>,
        %get3A_348 = arith.constant 1 : i32
        %get3A_349 = arith.index_cast %select_n3A_278 : i32 to index
        %get3A_350 = arith.index_cast %get3A_348 : i32 to index
        %get3A_351 = arith.index_cast %select_n3A_262 : i32 to index
        %get3A_352 = arith.constant 16 : index
        %get3A_353 = tpu.vector_load %arg11[%get3A_349, %get3A_350, %get3A_351, %get3A_352] {strides = array<i32>} : memref<2x2x25x80xi32, #tpu.memory_space<vmem>>, vector<16xi32>,
        %gather3A_354 = tpu.vector_load_idx %arg9[%get3A_347] : memref<10000xf32, #tpu.memory_space<vmem>>[vector<16xi32>], vector<16xf32>,
        %gather3A_355 = tpu.vector_load_idx %arg10[%get3A_353] : memref<10000xf32, #tpu.memory_space<vmem>>[vector<16xi32>], vector<16xf32>,
        %add3A_356 = arith.addf %gather3A_354, %gather3A_355 : vector<16xf32>
        %gt3A_357 = arith.constant 0.000000e+00 : f32
        %gt3A_358 = vector.broadcast %gt3A_357 : f32 to vector<16xf32>
        %gt3A_359 = arith.cmpf ogt, %add3A_356, %gt3A_358 : vector<16xf32>
        %mul3A_360 = arith.constant 0.00999999977 : f32
        %mul3A_361 = vector.broadcast %mul3A_360 : f32 to vector<16xf32>
        %mul3A_362 = arith.mulf %add3A_356, %mul3A_361 : vector<16xf32>
        %select_n3A_363 = arith.select %gt3A_359, %add3A_356, %mul3A_362 : vector<16xi1>, vector<16xf32>
        %sub3A_364 = arith.subf %select_n3A_363, %get3A_96 : vector<16xf32>
        %exp3A_365 = math.exp %sub3A_364 : vector<16xf32>
        %swap3A_366 = arith.constant 1 : i32
        %swap3A_367 = arith.index_cast %swap3A_366 : i32 to index
        %swap3A_368 = arith.constant 16 : index
        %swap3A_369 = tpu.vector_load %arg12[%swap3A_367, %swap3A_368] {strides = array<i32>} : memref<2x80xf32, #tpu.memory_space<vmem>>, vector<16xf32>,
        tpu.vector_store %arg12[%swap3A_367, %swap3A_368], %exp3A_365 {strides = array<i32>} : memref<2x80xf32, #tpu.memory_space<vmem>>, vector<16xf32>,
        %swap3A_370 = arith.constant 1 : i32
        %swap3A_371 = arith.index_cast %swap3A_370 : i32 to index
        %swap3A_372 = arith.constant 16 : index
        %swap3A_373 = tpu.vector_load %arg13[%swap3A_371, %swap3A_372] {strides = array<i32>} : memref<2x80xi32, #tpu.memory_space<vmem>>, vector<16xi32>,
        tpu.vector_store %arg13[%swap3A_371, %swap3A_372], %get3A_353 {strides = array<i32>} : memref<2x80xi32, #tpu.memory_space<vmem>>, vector<16xi32>,
        %get3A_374 = arith.constant 0 : i32
        %get3A_375 = arith.index_cast %select_n3A_278 : i32 to index
        %get3A_376 = arith.index_cast %get3A_374 : i32 to index
        %get3A_377 = arith.index_cast %select_n3A_262 : i32 to index
        %get3A_378 = arith.constant 32 : index
        %get3A_379 = tpu.vector_load %arg11[%get3A_375, %get3A_376, %get3A_377, %get3A_378] {strides = array<i32>} : memref<2x2x25x80xi32, #tpu.memory_space<vmem>>, vector<16xi32>,
        %get3A_380 = arith.constant 1 : i32
        %get3A_381 = arith.index_cast %select_n3A_278 : i32 to index
        %get3A_382 = arith.index_cast %get3A_380 : i32 to index
        %get3A_383 = arith.index_cast %select_n3A_262 : i32 to index
        %get3A_384 = arith.constant 32 : index
        %get3A_385 = tpu.vector_load %arg11[%get3A_381, %get3A_382, %get3A_383, %get3A_384] {strides = array<i32>} : memref<2x2x25x80xi32, #tpu.memory_space<vmem>>, vector<16xi32>,
        %gather3A_386 = tpu.vector_load_idx %arg9[%get3A_379] : memref<10000xf32, #tpu.memory_space<vmem>>[vector<16xi32>], vector<16xf32>,
        %gather3A_387 = tpu.vector_load_idx %arg10[%get3A_385] : memref<10000xf32, #tpu.memory_space<vmem>>[vector<16xi32>], vector<16xf32>,
        %add3A_388 = arith.addf %gather3A_386, %gather3A_387 : vector<16xf32>
        %gt3A_389 = arith.constant 0.000000e+00 : f32
        %gt3A_390 = vector.broadcast %gt3A_389 : f32 to vector<16xf32>
        %gt3A_391 = arith.cmpf ogt, %add3A_388, %gt3A_390 : vector<16xf32>
        %mul3A_392 = arith.constant 0.00999999977 : f32
        %mul3A_393 = vector.broadcast %mul3A_392 : f32 to vector<16xf32>
        %mul3A_394 = arith.mulf %add3A_388, %mul3A_393 : vector<16xf32>
        %select_n3A_395 = arith.select %gt3A_391, %add3A_388, %mul3A_394 : vector<16xi1>, vector<16xf32>
        %sub3A_396 = arith.subf %select_n3A_395, %get3A_96 : vector<16xf32>
        %exp3A_397 = math.exp %sub3A_396 : vector<16xf32>
        %swap3A_398 = arith.constant 1 : i32
        %swap3A_399 = arith.index_cast %swap3A_398 : i32 to index
        %swap3A_400 = arith.constant 32 : index
        %swap3A_401 = tpu.vector_load %arg12[%swap3A_399, %swap3A_400] {strides = array<i32>} : memref<2x80xf32, #tpu.memory_space<vmem>>, vector<16xf32>,
        tpu.vector_store %arg12[%swap3A_399, %swap3A_400], %exp3A_397 {strides = array<i32>} : memref<2x80xf32, #tpu.memory_space<vmem>>, vector<16xf32>,
        %swap3A_402 = arith.constant 1 : i32
        %swap3A_403 = arith.index_cast %swap3A_402 : i32 to index
        %swap3A_404 = arith.constant 32 : index
        %swap3A_405 = tpu.vector_load %arg13[%swap3A_403, %swap3A_404] {strides = array<i32>} : memref<2x80xi32, #tpu.memory_space<vmem>>, vector<16xi32>,
        tpu.vector_store %arg13[%swap3A_403, %swap3A_404], %get3A_385 {strides = array<i32>} : memref<2x80xi32, #tpu.memory_space<vmem>>, vector<16xi32>,
        %get3A_406 = arith.constant 0 : i32
        %get3A_407 = arith.index_cast %select_n3A_278 : i32 to index
        %get3A_408 = arith.index_cast %get3A_406 : i32 to index
        %get3A_409 = arith.index_cast %select_n3A_262 : i32 to index
        %get3A_410 = arith.constant 48 : index
        %get3A_411 = tpu.vector_load %arg11[%get3A_407, %get3A_408, %get3A_409, %get3A_410] {strides = array<i32>} : memref<2x2x25x80xi32, #tpu.memory_space<vmem>>, vector<16xi32>,
        %get3A_412 = arith.constant 1 : i32
        %get3A_413 = arith.index_cast %select_n3A_278 : i32 to index
        %get3A_414 = arith.index_cast %get3A_412 : i32 to index
        %get3A_415 = arith.index_cast %select_n3A_262 : i32 to index
        %get3A_416 = arith.constant 48 : index
        %get3A_417 = tpu.vector_load %arg11[%get3A_413, %get3A_414, %get3A_415, %get3A_416] {strides = array<i32>} : memref<2x2x25x80xi32, #tpu.memory_space<vmem>>, vector<16xi32>,
        %gather3A_418 = tpu.vector_load_idx %arg9[%get3A_411] : memref<10000xf32, #tpu.memory_space<vmem>>[vector<16xi32>], vector<16xf32>,
        %gather3A_419 = tpu.vector_load_idx %arg10[%get3A_417] : memref<10000xf32, #tpu.memory_space<vmem>>[vector<16xi32>], vector<16xf32>,
        %add3A_420 = arith.addf %gather3A_418, %gather3A_419 : vector<16xf32>
        %gt3A_421 = arith.constant 0.000000e+00 : f32
        %gt3A_422 = vector.broadcast %gt3A_421 : f32 to vector<16xf32>
        %gt3A_423 = arith.cmpf ogt, %add3A_420, %gt3A_422 : vector<16xf32>
        %mul3A_424 = arith.constant 0.00999999977 : f32
        %mul3A_425 = vector.broadcast %mul3A_424 : f32 to vector<16xf32>
        %mul3A_426 = arith.mulf %add3A_420, %mul3A_425 : vector<16xf32>
        %select_n3A_427 = arith.select %gt3A_423, %add3A_420, %mul3A_426 : vector<16xi1>, vector<16xf32>
        %sub3A_428 = arith.subf %select_n3A_427, %get3A_96 : vector<16xf32>
        %exp3A_429 = math.exp %sub3A_428 : vector<16xf32>
        %swap3A_430 = arith.constant 1 : i32
        %swap3A_431 = arith.index_cast %swap3A_430 : i32 to index
        %swap3A_432 = arith.constant 48 : index
        %swap3A_433 = tpu.vector_load %arg12[%swap3A_431, %swap3A_432] {strides = array<i32>} : memref<2x80xf32, #tpu.memory_space<vmem>>, vector<16xf32>,
        tpu.vector_store %arg12[%swap3A_431, %swap3A_432], %exp3A_429 {strides = array<i32>} : memref<2x80xf32, #tpu.memory_space<vmem>>, vector<16xf32>,
        %swap3A_434 = arith.constant 1 : i32
        %swap3A_435 = arith.index_cast %swap3A_434 : i32 to index
        %swap3A_436 = arith.constant 48 : index
        %swap3A_437 = tpu.vector_load %arg13[%swap3A_435, %swap3A_436] {strides = array<i32>} : memref<2x80xi32, #tpu.memory_space<vmem>>, vector<16xi32>,
        tpu.vector_store %arg13[%swap3A_435, %swap3A_436], %get3A_417 {strides = array<i32>} : memref<2x80xi32, #tpu.memory_space<vmem>>, vector<16xi32>,
        %get3A_438 = arith.constant 0 : i32
        %get3A_439 = arith.index_cast %select_n3A_278 : i32 to index
        %get3A_440 = arith.index_cast %get3A_438 : i32 to index
        %get3A_441 = arith.index_cast %select_n3A_262 : i32 to index
        %get3A_442 = arith.constant 64 : index
        %get3A_443 = tpu.vector_load %arg11[%get3A_439, %get3A_440, %get3A_441, %get3A_442] {strides = array<i32>} : memref<2x2x25x80xi32, #tpu.memory_space<vmem>>, vector<16xi32>,
        %get3A_444 = arith.constant 1 : i32
        %get3A_445 = arith.index_cast %select_n3A_278 : i32 to index
        %get3A_446 = arith.index_cast %get3A_444 : i32 to index
        %get3A_447 = arith.index_cast %select_n3A_262 : i32 to index
        %get3A_448 = arith.constant 64 : index
        %get3A_449 = tpu.vector_load %arg11[%get3A_445, %get3A_446, %get3A_447, %get3A_448] {strides = array<i32>} : memref<2x2x25x80xi32, #tpu.memory_space<vmem>>, vector<16xi32>,
        %gather3A_450 = tpu.vector_load_idx %arg9[%get3A_443] : memref<10000xf32, #tpu.memory_space<vmem>>[vector<16xi32>], vector<16xf32>,
        %gather3A_451 = tpu.vector_load_idx %arg10[%get3A_449] : memref<10000xf32, #tpu.memory_space<vmem>>[vector<16xi32>], vector<16xf32>,
        %add3A_452 = arith.addf %gather3A_450, %gather3A_451 : vector<16xf32>
        %gt3A_453 = arith.constant 0.000000e+00 : f32
        %gt3A_454 = vector.broadcast %gt3A_453 : f32 to vector<16xf32>
        %gt3A_455 = arith.cmpf ogt, %add3A_452, %gt3A_454 : vector<16xf32>
        %mul3A_456 = arith.constant 0.00999999977 : f32
        %mul3A_457 = vector.broadcast %mul3A_456 : f32 to vector<16xf32>
        %mul3A_458 = arith.mulf %add3A_452, %mul3A_457 : vector<16xf32>
        %select_n3A_459 = arith.select %gt3A_455, %add3A_452, %mul3A_458 : vector<16xi1>, vector<16xf32>
        %sub3A_460 = arith.subf %select_n3A_459, %get3A_96 : vector<16xf32>
        %exp3A_461 = math.exp %sub3A_460 : vector<16xf32>
        %swap3A_462 = arith.constant 1 : i32
        %swap3A_463 = arith.index_cast %swap3A_462 : i32 to index
        %swap3A_464 = arith.constant 64 : index
        %swap3A_465 = tpu.vector_load %arg12[%swap3A_463, %swap3A_464] {strides = array<i32>} : memref<2x80xf32, #tpu.memory_space<vmem>>, vector<16xf32>,
        tpu.vector_store %arg12[%swap3A_463, %swap3A_464], %exp3A_461 {strides = array<i32>} : memref<2x80xf32, #tpu.memory_space<vmem>>, vector<16xf32>,
        %swap3A_466 = arith.constant 1 : i32
        %swap3A_467 = arith.index_cast %swap3A_466 : i32 to index
        %swap3A_468 = arith.constant 64 : index
        %swap3A_469 = tpu.vector_load %arg13[%swap3A_467, %swap3A_468] {strides = array<i32>} : memref<2x80xi32, #tpu.memory_space<vmem>>, vector<16xi32>,
        tpu.vector_store %arg13[%swap3A_467, %swap3A_468], %get3A_449 {strides = array<i32>} : memref<2x80xi32, #tpu.memory_space<vmem>>, vector<16xi32>,
        %dma_wait3A_470 = arith.constant 0 : i32
        %dma_wait3A_471 = arith.constant 1 : i32
        %dma_wait3A_472 = arith.constant 0 : i32
        %dma_wait3A_473 = arith.constant 0 : i32
        %dma_wait3A_474 = tpu.memref_slice %arg14[%dma_wait3A_471, %dma_wait3A_472, %dma_wait3A_473] : memref<2x80x128xbf16, #tpu.memory_space<vmem>> -> memref<1x80x128xbf16, #tpu.memory_space<vmem>>
        %dma_wait3A_475 = tpu.memref_squeeze %dma_wait3A_474 : memref<1x80x128xbf16, #tpu.memory_space<vmem>> -> memref<80x128xbf16, #tpu.memory_space<vmem>>
        %dma_wait3A_476 = arith.constant 0 : i32
        %dma_wait3A_477 = tpu.memref_slice %arg11[%select_n3A_278, %dma_wait3A_470, %select_n3A_262, %dma_wait3A_476] : memref<2x2x25x80xi32, #tpu.memory_space<vmem>> -> memref<1x1x1x80xi32, #tpu.memory_space<vmem>>
        %dma_wait3A_478 = tpu.memref_squeeze %dma_wait3A_477 : memref<1x1x1x80xi32, #tpu.memory_space<vmem>> -> memref<80xi32, #tpu.memory_space<vmem>>
        %dma_wait3A_479 = arith.constant 0 : i32
        %dma_wait3A_480 = arith.constant 0 : i32
        %dma_wait3A_481 = tpu.memref_slice %arg2[%dma_wait3A_479, %dma_wait3A_480] : memref<10000x128xbf16, #tpu.memory_space<hbm>> -> memref<10000x128xbf16, #tpu.memory_space<hbm>>
        tpu.wait_indirect_dma semaphore(%arg21 : memref<!tpu.dma_semaphore, #tpu.memory_space<semaphore_mem>>) src(%dma_wait3A_481 : memref<10000x128xbf16, #tpu.memory_space<hbm>>) dst(%dma_wait3A_475 : memref<80x128xbf16, #tpu.memory_space<vmem>>)
        %lt3A_482 = arith.constant 125 : i32
        %lt3A_483 = arith.cmpi slt, %add3A_280, %lt3A_482 : i32
        %jit3A_484 = arith.constant 25 : i32
        %eq3A_485 = arith.constant 0 : i32
        %eq3A_486 = arith.cmpi eq, %jit3A_484, %eq3A_485 : i32
        %jit3A_487 = arith.constant 1 : i32
        %select_n3A_488 = arith.select %eq3A_486, %jit3A_487, %jit3A_484 : i32
        %rem3A_489 = arith.remsi %add3A_280, %select_n3A_488 : i32
        %ne3A_490 = arith.constant 0 : i32
        %ne3A_491 = arith.cmpi ne, %rem3A_489, %ne3A_490 : i32
        %lt3A_492 = arith.constant 0 : i32
        %lt3A_493 = arith.cmpi slt, %rem3A_489, %lt3A_492 : i32
        %lt3A_494 = arith.constant 0 : i32
        %lt3A_495 = arith.cmpi slt, %select_n3A_488, %lt3A_494 : i32
        %ne3A_496 = arith.xori %lt3A_493, %lt3A_495 : i1
        %and3A_497 = arith.andi %ne3A_496, %ne3A_491 : i1
        %add3A_498 = arith.addi %rem3A_489, %select_n3A_488 : i32
        %select_n3A_499 = arith.select %and3A_497, %add3A_498, %rem3A_489 : i32
        %eq3A_500 = arith.constant 0 : i32
        %eq3A_501 = arith.cmpi eq, %select_n3A_499, %eq3A_500 : i32
        %and3A_502 = arith.andi %lt3A_483, %eq3A_501 : i1
        %jit3A_503 = arith.constant 25 : i32
        %div3A_504 = arith.divsi %add3A_280, %jit3A_503 : i32
        %sign3A_505 = arith.constant 0 : i32
        %sign3A_506 = arith.cmpi sgt, %add3A_280, %sign3A_505 : i32
        %sign3A_507 = arith.extui %sign3A_506 : i1 to i32
        %sign3A_508 = arith.constant 0 : i32
        %sign3A_509 = arith.cmpi slt, %add3A_280, %sign3A_508 : i32
        %sign3A_510 = arith.extui %sign3A_509 : i1 to i32
        %sign3A_511 = arith.subi %sign3A_507, %sign3A_510 : i32
        %sign3A_512 = arith.constant 0 : i32
        %sign3A_513 = arith.cmpi sgt, %jit3A_503, %sign3A_512 : i32
        %sign3A_514 = arith.extui %sign3A_513 : i1 to i32
        %sign3A_515 = arith.constant 0 : i32
        %sign3A_516 = arith.cmpi slt, %jit3A_503, %sign3A_515 : i32
        %sign3A_517 = arith.extui %sign3A_516 : i1 to i32
        %sign3A_518 = arith.subi %sign3A_514, %sign3A_517 : i32
        %ne3A_519 = arith.cmpi ne, %sign3A_511, %sign3A_518 : i32
        %rem3A_520 = arith.remsi %add3A_280, %jit3A_503 : i32
        %ne3A_521 = arith.constant 0 : i32
        %ne3A_522 = arith.cmpi ne, %rem3A_520, %ne3A_521 : i32
        %and3A_523 = arith.andi %ne3A_519, %ne3A_522 : i1
        %sub3A_524 = arith.constant 1 : i32
        %sub3A_525 = arith.subi %div3A_504, %sub3A_524 : i32
        %select_n3A_526 = arith.select %and3A_523, %sub3A_525, %div3A_504 : i32
        %add3A_527 = arith.constant 1 : i32
        %add3A_528 = arith.addi %select_n3A_526, %add3A_527 : i32
        %lt3A_529 = arith.constant 5 : i32
        %lt3A_530 = arith.cmpi slt, %add3A_528, %lt3A_529 : i32
        %and3A_531 = arith.andi %and3A_502, %lt3A_530 : i1
        %convert_element_type3A_532 = arith.extui %and3A_531 : i1 to i32
        %cond3A_533 = arith.constant 0 : i32
        %cond3A_534 = arith.cmpi ne, %convert_element_type3A_532, %cond3A_533 : i32
        scf.if %cond3A_534 {
          %jit3A_588 = arith.constant 25 : i32
          %div3A_589 = arith.divsi %add3A_280, %jit3A_588 : i32
          %sign3A_590 = arith.constant 0 : i32
          %sign3A_591 = arith.cmpi sgt, %add3A_280, %sign3A_590 : i32
          %sign3A_592 = arith.extui %sign3A_591 : i1 to i32
          %sign3A_593 = arith.constant 0 : i32
          %sign3A_594 = arith.cmpi slt, %add3A_280, %sign3A_593 : i32
          %sign3A_595 = arith.extui %sign3A_594 : i1 to i32
          %sign3A_596 = arith.subi %sign3A_592, %sign3A_595 : i32
          %sign3A_597 = arith.constant 0 : i32
          %sign3A_598 = arith.cmpi sgt, %jit3A_588, %sign3A_597 : i32
          %sign3A_599 = arith.extui %sign3A_598 : i1 to i32
          %sign3A_600 = arith.constant 0 : i32
          %sign3A_601 = arith.cmpi slt, %jit3A_588, %sign3A_600 : i32
          %sign3A_602 = arith.extui %sign3A_601 : i1 to i32
          %sign3A_603 = arith.subi %sign3A_599, %sign3A_602 : i32
          %ne3A_604 = arith.cmpi ne, %sign3A_596, %sign3A_603 : i32
          %rem3A_605 = arith.remsi %add3A_280, %jit3A_588 : i32
          %ne3A_606 = arith.constant 0 : i32
          %ne3A_607 = arith.cmpi ne, %rem3A_605, %ne3A_606 : i32
          %and3A_608 = arith.andi %ne3A_604, %ne3A_607 : i1
          %sub3A_609 = arith.constant 1 : i32
          %sub3A_610 = arith.subi %div3A_589, %sub3A_609 : i32
          %select_n3A_611 = arith.select %and3A_608, %sub3A_610, %div3A_589 : i32
          %add3A_612 = arith.constant 1 : i32
          %add3A_613 = arith.addi %select_n3A_611, %add3A_612 : i32
          %mul3A_614 = arith.constant 25 : i32
          %mul3A_615 = arith.muli %add3A_613, %mul3A_614 : i32
          %add3A_616 = arith.addi %mul3A_2, %mul3A_615 : i32
          %jit3A_617 = arith.constant 2 : i32
          %eq3A_618 = arith.constant 0 : i32
          %eq3A_619 = arith.cmpi eq, %jit3A_617, %eq3A_618 : i32
          %jit3A_620 = arith.constant 1 : i32
          %select_n3A_621 = arith.select %eq3A_619, %jit3A_620, %jit3A_617 : i32
          %rem3A_622 = arith.remsi %add3A_613, %select_n3A_621 : i32
          %ne3A_623 = arith.constant 0 : i32
          %ne3A_624 = arith.cmpi ne, %rem3A_622, %ne3A_623 : i32
          %lt3A_625 = arith.constant 0 : i32
          %lt3A_626 = arith.cmpi slt, %rem3A_622, %lt3A_625 : i32
          %lt3A_627 = arith.constant 0 : i32
          %lt3A_628 = arith.cmpi slt, %select_n3A_621, %lt3A_627 : i32
          %ne3A_629 = arith.xori %lt3A_626, %lt3A_628 : i1
          %and3A_630 = arith.andi %ne3A_629, %ne3A_624 : i1
          %add3A_631 = arith.addi %rem3A_622, %select_n3A_621 : i32
          %select_n3A_632 = arith.select %and3A_630, %add3A_631, %rem3A_622 : i32
          %dma_start3A_633 = arith.constant 0 : i32
          %dma_start3A_634 = arith.constant 0 : i32
          %dma_start3A_635 = arith.constant 0 : i32
          %dma_start3A_636 = arith.constant 0 : i32
          %dma_start3A_637 = tpu.memref_slice %arg11[%select_n3A_632, %dma_start3A_634, %dma_start3A_635, %dma_start3A_636] : memref<2x2x25x80xi32, #tpu.memory_space<vmem>> -> memref<1x1x25x80xi32, #tpu.memory_space<vmem>>
          %dma_start3A_638 = tpu.memref_squeeze %dma_start3A_637 : memref<1x1x25x80xi32, #tpu.memory_space<vmem>> -> memref<25x80xi32, #tpu.memory_space<vmem>>
          %dma_start3A_639 = arith.constant 0 : i32
          %dma_start3A_640 = tpu.memref_slice %arg5[%dma_start3A_633, %add3A_616, %dma_start3A_639] : memref<2x4000x80xi32, #tpu.memory_space<hbm>> -> memref<1x25x80xi32, #tpu.memory_space<hbm>>
          %dma_start3A_641 = tpu.memref_squeeze %dma_start3A_640 : memref<1x25x80xi32, #tpu.memory_space<hbm>> -> memref<25x80xi32, #tpu.memory_space<hbm>>
          %dma_start3A_642 = arith.constant 0 : i32
          %dma_start3A_643 = arith.constant 0 : i32
          %dma_start3A_644 = tpu.memref_slice %arg11[%select_n3A_632, %dma_start3A_634, %dma_start3A_642, %dma_start3A_643] : memref<2x2x25x80xi32, #tpu.memory_space<vmem>> -> memref<1x1x25x80xi32, #tpu.memory_space<vmem>>
          %dma_start3A_645 = tpu.memref_squeeze %dma_start3A_644 : memref<1x1x25x80xi32, #tpu.memory_space<vmem>> -> memref<25x80xi32, #tpu.memory_space<vmem>>
          %dma_start3A_646 = arith.constant 0 : i32
          %dma_start3A_647 = tpu.memref_slice %arg5[%dma_start3A_633, %add3A_616, %dma_start3A_646] : memref<2x4000x80xi32, #tpu.memory_space<hbm>> -> memref<1x25x80xi32, #tpu.memory_space<hbm>>
          %dma_start3A_648 = tpu.memref_squeeze %dma_start3A_647 : memref<1x25x80xi32, #tpu.memory_space<hbm>> -> memref<25x80xi32, #tpu.memory_space<hbm>>
          tpu.enqueue_dma source(%dma_start3A_648 : memref<25x80xi32, #tpu.memory_space<hbm>>) target(%dma_start3A_645 : memref<25x80xi32, #tpu.memory_space<vmem>>) target_semaphore(%arg22 : memref<!tpu.dma_semaphore, #tpu.memory_space<semaphore_mem>>)
          %mul3A_649 = arith.constant 25 : i32
          %mul3A_650 = arith.muli %add3A_613, %mul3A_649 : i32
          %add3A_651 = arith.addi %mul3A_2, %mul3A_650 : i32
          %jit3A_652 = arith.constant 2 : i32
          %eq3A_653 = arith.constant 0 : i32
          %eq3A_654 = arith.cmpi eq, %jit3A_652, %eq3A_653 : i32
          %jit3A_655 = arith.constant 1 : i32
          %select_n3A_656 = arith.select %eq3A_654, %jit3A_655, %jit3A_652 : i32
          %rem3A_657 = arith.remsi %add3A_613, %select_n3A_656 : i32
          %ne3A_658 = arith.constant 0 : i32
          %ne3A_659 = arith.cmpi ne, %rem3A_657, %ne3A_658 : i32
          %lt3A_660 = arith.constant 0 : i32
          %lt3A_661 = arith.cmpi slt, %rem3A_657, %lt3A_660 : i32
          %lt3A_662 = arith.constant 0 : i32
          %lt3A_663 = arith.cmpi slt, %select_n3A_656, %lt3A_662 : i32
          %ne3A_664 = arith.xori %lt3A_661, %lt3A_663 : i1
          %and3A_665 = arith.andi %ne3A_664, %ne3A_659 : i1
          %add3A_666 = arith.addi %rem3A_657, %select_n3A_656 : i32
          %select_n3A_667 = arith.select %and3A_665, %add3A_666, %rem3A_657 : i32
          %dma_start3A_668 = arith.constant 1 : i32
          %dma_start3A_669 = arith.constant 1 : i32
          %dma_start3A_670 = arith.constant 0 : i32
          %dma_start3A_671 = arith.constant 0 : i32
          %dma_start3A_672 = tpu.memref_slice %arg11[%select_n3A_667, %dma_start3A_669, %dma_start3A_670, %dma_start3A_671] : memref<2x2x25x80xi32, #tpu.memory_space<vmem>> -> memref<1x1x25x80xi32, #tpu.memory_space<vmem>>
          %dma_start3A_673 = tpu.memref_squeeze %dma_start3A_672 : memref<1x1x25x80xi32, #tpu.memory_space<vmem>> -> memref<25x80xi32, #tpu.memory_space<vmem>>
          %dma_start3A_674 = arith.constant 0 : i32
          %dma_start3A_675 = tpu.memref_slice %arg5[%dma_start3A_668, %add3A_651, %dma_start3A_674] : memref<2x4000x80xi32, #tpu.memory_space<hbm>> -> memref<1x25x80xi32, #tpu.memory_space<hbm>>
          %dma_start3A_676 = tpu.memref_squeeze %dma_start3A_675 : memref<1x25x80xi32, #tpu.memory_space<hbm>> -> memref<25x80xi32, #tpu.memory_space<hbm>>
          %dma_start3A_677 = arith.constant 0 : i32
          %dma_start3A_678 = arith.constant 0 : i32
          %dma_start3A_679 = tpu.memref_slice %arg11[%select_n3A_667, %dma_start3A_669, %dma_start3A_677, %dma_start3A_678] : memref<2x2x25x80xi32, #tpu.memory_space<vmem>> -> memref<1x1x25x80xi32, #tpu.memory_space<vmem>>
          %dma_start3A_680 = tpu.memref_squeeze %dma_start3A_679 : memref<1x1x25x80xi32, #tpu.memory_space<vmem>> -> memref<25x80xi32, #tpu.memory_space<vmem>>
          %dma_start3A_681 = arith.constant 0 : i32
          %dma_start3A_682 = tpu.memref_slice %arg5[%dma_start3A_668, %add3A_651, %dma_start3A_681] : memref<2x4000x80xi32, #tpu.memory_space<hbm>> -> memref<1x25x80xi32, #tpu.memory_space<hbm>>
          %dma_start3A_683 = tpu.memref_squeeze %dma_start3A_682 : memref<1x25x80xi32, #tpu.memory_space<hbm>> -> memref<25x80xi32, #tpu.memory_space<hbm>>
          tpu.enqueue_dma source(%dma_start3A_683 : memref<25x80xi32, #tpu.memory_space<hbm>>) target(%dma_start3A_680 : memref<25x80xi32, #tpu.memory_space<vmem>>) target_semaphore(%arg22 : memref<!tpu.dma_semaphore, #tpu.memory_space<semaphore_mem>>)
        } else {
        }
        %broadcast_in_dim3A_535 = arith.constant 1 : i32
        %broadcast_in_dim3A_536 = vector.broadcast %broadcast_in_dim3A_535 : i32 to vector<16xi32>
        %ge3A_537 = arith.constant 1 : i32
        %ge3A_538 = arith.cmpi sge, %add3A_225, %ge3A_537 : i32
        %convert_element_type3A_539 = arith.extui %ge3A_538 : i1 to i32
        %cond3A_540 = arith.constant 1 : i32
        %cond3A_541 = arith.constant 0 : i32
        %cond3A_542 = arith.cmpi ne, %convert_element_type3A_539, %cond3A_541 : i32
        scf.if %cond3A_542 {
          %dma_wait3A_588 = arith.constant 0 : i32
          %dma_wait3A_589 = arith.constant 0 : i32
          %dma_wait3A_590 = arith.constant 0 : i32
          %dma_wait3A_591 = tpu.memref_slice %arg15[%dma_wait3A_588, %dma_wait3A_589, %dma_wait3A_590] : memref<2x40x128xf32, #tpu.memory_space<vmem>> -> memref<1x40x128xf32, #tpu.memory_space<vmem>>
          %dma_wait3A_592 = tpu.memref_squeeze %dma_wait3A_591 : memref<1x40x128xf32, #tpu.memory_space<vmem>> -> memref<40x128xf32, #tpu.memory_space<vmem>>
          %dma_wait3A_593 = arith.constant 0 : i32
          %dma_wait3A_594 = tpu.memref_slice %arg13[%cond3A_540, %dma_wait3A_593] : memref<2x80xi32, #tpu.memory_space<vmem>> -> memref<1x40xi32, #tpu.memory_space<vmem>>
          %dma_wait3A_595 = tpu.memref_squeeze %dma_wait3A_594 : memref<1x40xi32, #tpu.memory_space<vmem>> -> memref<40xi32, #tpu.memory_space<vmem>>
          %dma_wait3A_596 = arith.constant 0 : i32
          %dma_wait3A_597 = arith.constant 0 : i32
          %dma_wait3A_598 = tpu.memref_slice %arg18[%dma_wait3A_596, %dma_wait3A_597] : memref<10000x128xf32, #tpu.memory_space<vmem_shared>> -> memref<10000x128xf32, #tpu.memory_space<vmem_shared>>
          tpu.wait_indirect_dma semaphore(%arg23 : memref<!tpu.dma_semaphore, #tpu.memory_space<semaphore_mem>>) src(%dma_wait3A_592 : memref<40x128xf32, #tpu.memory_space<vmem>>) dst(%dma_wait3A_598 : memref<10000x128xf32, #tpu.memory_space<vmem_shared>>)
        } else {
        }
        %parallel_loop3A = arith.constant 0 : i32
        %parallel_loop3A_543 = arith.constant 40 : i32
        %parallel_loop3A_544 = arith.constant 1 : i32
        scf.for %parallel_loop3A_588 = %parallel_loop3A to %parallel_loop3A_543 step %parallel_loop3A_544  : i32 {
          %parallel_loop3A_589 = arith.constant 0 : i32
          %parallel_loop3A_590 = arith.addi %parallel_loop3A_589, %parallel_loop3A_588 : i32
          %parallel_loop3A_591 = vector.broadcast %parallel_loop3A_590 : i32 to vector<16xi32>
          %parallel_loop3A_592 = tpu.vector_load_idx %arg12[%broadcast_in_dim3A_536, %parallel_loop3A_591] : memref<2x80xf32, #tpu.memory_space<vmem>>[vector<16xi32>, vector<16xi32>], vector<16xf32>,
          %parallel_loop3A_593 = arith.constant 1 : i32
          %parallel_loop3A_594 = arith.index_cast %parallel_loop3A_593 : i32 to index
          %parallel_loop3A_595 = arith.index_cast %parallel_loop3A_590 : i32 to index
          %parallel_loop3A_596 = arith.constant 0 : index
          %parallel_loop3A_597 = tpu.vector_load %arg14[%parallel_loop3A_594, %parallel_loop3A_595, %parallel_loop3A_596] {strides = array<i32>} : memref<2x80x128xbf16, #tpu.memory_space<vmem>>, vector<32xbf16>,
          %parallel_loop3A_598 = tpu.unpack_subelements %parallel_loop3A_597, 0 {pack_format = #tpu.pack_format<interleaved>} : vector<32xbf16> -> vector<16xf32>
          %parallel_loop3A_599 = tpu.unpack_subelements %parallel_loop3A_597, 1 {pack_format = #tpu.pack_format<interleaved>} : vector<32xbf16> -> vector<16xf32>
          %parallel_loop3A_600 = arith.constant 2 : i32
          %parallel_loop3A_601 = vector.broadcast %parallel_loop3A_600 : i32 to vector<16xi32>
          %parallel_loop3A_602 = arith.muli %parallel_loop3A_601, %iota3A : vector<16xi32>
          %parallel_loop3A_603 = arith.constant 0 : i32
          %parallel_loop3A_604 = vector.broadcast %parallel_loop3A_603 : i32 to vector<16xi32>
          %parallel_loop3A_605 = arith.addi %parallel_loop3A_604, %parallel_loop3A_602 : vector<16xi32>
          %parallel_loop3A_606 = arith.mulf %parallel_loop3A_598, %parallel_loop3A_592 : vector<16xf32>
          %parallel_loop3A_607 = arith.constant 0 : i32
          %parallel_loop3A_608 = arith.constant 0 : i32
          %parallel_loop3A_609 = tpu.memref_slice %arg15[%parallel_loop3A_607, %parallel_loop3A_588, %parallel_loop3A_608] : memref<2x40x128xf32, #tpu.memory_space<vmem>> -> memref<1x1x128xf32, #tpu.memory_space<vmem>>
          %parallel_loop3A_610 = tpu.memref_squeeze %parallel_loop3A_609 : memref<1x1x128xf32, #tpu.memory_space<vmem>> -> memref<128xf32, #tpu.memory_space<vmem>>
          tpu.vector_store_idx %parallel_loop3A_610[%parallel_loop3A_605], %parallel_loop3A_606 : memref<128xf32, #tpu.memory_space<vmem>>[vector<16xi32>], vector<16xf32>,
          %parallel_loop3A_611 = arith.constant 2 : i32
          %parallel_loop3A_612 = vector.broadcast %parallel_loop3A_611 : i32 to vector<16xi32>
          %parallel_loop3A_613 = arith.muli %parallel_loop3A_612, %iota3A : vector<16xi32>
          %parallel_loop3A_614 = arith.constant 0 : i32
          %parallel_loop3A_615 = vector.broadcast %parallel_loop3A_614 : i32 to vector<16xi32>
          %parallel_loop3A_616 = arith.addi %parallel_loop3A_615, %parallel_loop3A_613 : vector<16xi32>
          %parallel_loop3A_617 = arith.constant 1 : i32
          %parallel_loop3A_618 = vector.broadcast %parallel_loop3A_617 : i32 to vector<16xi32>
          %parallel_loop3A_619 = arith.addi %parallel_loop3A_616, %parallel_loop3A_618 : vector<16xi32>
          %parallel_loop3A_620 = arith.mulf %parallel_loop3A_599, %parallel_loop3A_592 : vector<16xf32>
          %parallel_loop3A_621 = arith.constant 0 : i32
          %parallel_loop3A_622 = arith.constant 0 : i32
          %parallel_loop3A_623 = tpu.memref_slice %arg15[%parallel_loop3A_621, %parallel_loop3A_588, %parallel_loop3A_622] : memref<2x40x128xf32, #tpu.memory_space<vmem>> -> memref<1x1x128xf32, #tpu.memory_space<vmem>>
          %parallel_loop3A_624 = tpu.memref_squeeze %parallel_loop3A_623 : memref<1x1x128xf32, #tpu.memory_space<vmem>> -> memref<128xf32, #tpu.memory_space<vmem>>
          tpu.vector_store_idx %parallel_loop3A_624[%parallel_loop3A_619], %parallel_loop3A_620 : memref<128xf32, #tpu.memory_space<vmem>>[vector<16xi32>], vector<16xf32>,
          %parallel_loop3A_625 = arith.constant 1 : i32
          %parallel_loop3A_626 = arith.index_cast %parallel_loop3A_625 : i32 to index
          %parallel_loop3A_627 = arith.index_cast %parallel_loop3A_590 : i32 to index
          %parallel_loop3A_628 = arith.constant 32 : index
          %parallel_loop3A_629 = tpu.vector_load %arg14[%parallel_loop3A_626, %parallel_loop3A_627, %parallel_loop3A_628] {strides = array<i32>} : memref<2x80x128xbf16, #tpu.memory_space<vmem>>, vector<32xbf16>,
          %parallel_loop3A_630 = tpu.unpack_subelements %parallel_loop3A_629, 0 {pack_format = #tpu.pack_format<interleaved>} : vector<32xbf16> -> vector<16xf32>
          %parallel_loop3A_631 = tpu.unpack_subelements %parallel_loop3A_629, 1 {pack_format = #tpu.pack_format<interleaved>} : vector<32xbf16> -> vector<16xf32>
          %parallel_loop3A_632 = arith.constant 2 : i32
          %parallel_loop3A_633 = vector.broadcast %parallel_loop3A_632 : i32 to vector<16xi32>
          %parallel_loop3A_634 = arith.muli %parallel_loop3A_633, %iota3A : vector<16xi32>
          %parallel_loop3A_635 = arith.constant 32 : i32
          %parallel_loop3A_636 = vector.broadcast %parallel_loop3A_635 : i32 to vector<16xi32>
          %parallel_loop3A_637 = arith.addi %parallel_loop3A_636, %parallel_loop3A_634 : vector<16xi32>
          %parallel_loop3A_638 = arith.mulf %parallel_loop3A_630, %parallel_loop3A_592 : vector<16xf32>
          %parallel_loop3A_639 = arith.constant 0 : i32
          %parallel_loop3A_640 = arith.constant 0 : i32
          %parallel_loop3A_641 = tpu.memref_slice %arg15[%parallel_loop3A_639, %parallel_loop3A_588, %parallel_loop3A_640] : memref<2x40x128xf32, #tpu.memory_space<vmem>> -> memref<1x1x128xf32, #tpu.memory_space<vmem>>
          %parallel_loop3A_642 = tpu.memref_squeeze %parallel_loop3A_641 : memref<1x1x128xf32, #tpu.memory_space<vmem>> -> memref<128xf32, #tpu.memory_space<vmem>>
          tpu.vector_store_idx %parallel_loop3A_642[%parallel_loop3A_637], %parallel_loop3A_638 : memref<128xf32, #tpu.memory_space<vmem>>[vector<16xi32>], vector<16xf32>,
          %parallel_loop3A_643 = arith.constant 2 : i32
          %parallel_loop3A_644 = vector.broadcast %parallel_loop3A_643 : i32 to vector<16xi32>
          %parallel_loop3A_645 = arith.muli %parallel_loop3A_644, %iota3A : vector<16xi32>
          %parallel_loop3A_646 = arith.constant 32 : i32
          %parallel_loop3A_647 = vector.broadcast %parallel_loop3A_646 : i32 to vector<16xi32>
          %parallel_loop3A_648 = arith.addi %parallel_loop3A_647, %parallel_loop3A_645 : vector<16xi32>
          %parallel_loop3A_649 = arith.constant 1 : i32
          %parallel_loop3A_650 = vector.broadcast %parallel_loop3A_649 : i32 to vector<16xi32>
          %parallel_loop3A_651 = arith.addi %parallel_loop3A_648, %parallel_loop3A_650 : vector<16xi32>
          %parallel_loop3A_652 = arith.mulf %parallel_loop3A_631, %parallel_loop3A_592 : vector<16xf32>
          %parallel_loop3A_653 = arith.constant 0 : i32
          %parallel_loop3A_654 = arith.constant 0 : i32
          %parallel_loop3A_655 = tpu.memref_slice %arg15[%parallel_loop3A_653, %parallel_loop3A_588, %parallel_loop3A_654] : memref<2x40x128xf32, #tpu.memory_space<vmem>> -> memref<1x1x128xf32, #tpu.memory_space<vmem>>
          %parallel_loop3A_656 = tpu.memref_squeeze %parallel_loop3A_655 : memref<1x1x128xf32, #tpu.memory_space<vmem>> -> memref<128xf32, #tpu.memory_space<vmem>>
          tpu.vector_store_idx %parallel_loop3A_656[%parallel_loop3A_651], %parallel_loop3A_652 : memref<128xf32, #tpu.memory_space<vmem>>[vector<16xi32>], vector<16xf32>,
          %parallel_loop3A_657 = arith.constant 1 : i32
          %parallel_loop3A_658 = arith.index_cast %parallel_loop3A_657 : i32 to index
          %parallel_loop3A_659 = arith.index_cast %parallel_loop3A_590 : i32 to index
          %parallel_loop3A_660 = arith.constant 64 : index
          %parallel_loop3A_661 = tpu.vector_load %arg14[%parallel_loop3A_658, %parallel_loop3A_659, %parallel_loop3A_660] {strides = array<i32>} : memref<2x80x128xbf16, #tpu.memory_space<vmem>>, vector<32xbf16>,
          %parallel_loop3A_662 = tpu.unpack_subelements %parallel_loop3A_661, 0 {pack_format = #tpu.pack_format<interleaved>} : vector<32xbf16> -> vector<16xf32>
          %parallel_loop3A_663 = tpu.unpack_subelements %parallel_loop3A_661, 1 {pack_format = #tpu.pack_format<interleaved>} : vector<32xbf16> -> vector<16xf32>
          %parallel_loop3A_664 = arith.constant 2 : i32
          %parallel_loop3A_665 = vector.broadcast %parallel_loop3A_664 : i32 to vector<16xi32>
          %parallel_loop3A_666 = arith.muli %parallel_loop3A_665, %iota3A : vector<16xi32>
          %parallel_loop3A_667 = arith.constant 64 : i32
          %parallel_loop3A_668 = vector.broadcast %parallel_loop3A_667 : i32 to vector<16xi32>
          %parallel_loop3A_669 = arith.addi %parallel_loop3A_668, %parallel_loop3A_666 : vector<16xi32>
          %parallel_loop3A_670 = arith.mulf %parallel_loop3A_662, %parallel_loop3A_592 : vector<16xf32>
          %parallel_loop3A_671 = arith.constant 0 : i32
          %parallel_loop3A_672 = arith.constant 0 : i32
          %parallel_loop3A_673 = tpu.memref_slice %arg15[%parallel_loop3A_671, %parallel_loop3A_588, %parallel_loop3A_672] : memref<2x40x128xf32, #tpu.memory_space<vmem>> -> memref<1x1x128xf32, #tpu.memory_space<vmem>>
          %parallel_loop3A_674 = tpu.memref_squeeze %parallel_loop3A_673 : memref<1x1x128xf32, #tpu.memory_space<vmem>> -> memref<128xf32, #tpu.memory_space<vmem>>
          tpu.vector_store_idx %parallel_loop3A_674[%parallel_loop3A_669], %parallel_loop3A_670 : memref<128xf32, #tpu.memory_space<vmem>>[vector<16xi32>], vector<16xf32>,
          %parallel_loop3A_675 = arith.constant 2 : i32
          %parallel_loop3A_676 = vector.broadcast %parallel_loop3A_675 : i32 to vector<16xi32>
          %parallel_loop3A_677 = arith.muli %parallel_loop3A_676, %iota3A : vector<16xi32>
          %parallel_loop3A_678 = arith.constant 64 : i32
          %parallel_loop3A_679 = vector.broadcast %parallel_loop3A_678 : i32 to vector<16xi32>
          %parallel_loop3A_680 = arith.addi %parallel_loop3A_679, %parallel_loop3A_677 : vector<16xi32>
          %parallel_loop3A_681 = arith.constant 1 : i32
          %parallel_loop3A_682 = vector.broadcast %parallel_loop3A_681 : i32 to vector<16xi32>
          %parallel_loop3A_683 = arith.addi %parallel_loop3A_680, %parallel_loop3A_682 : vector<16xi32>
          %parallel_loop3A_684 = arith.mulf %parallel_loop3A_663, %parallel_loop3A_592 : vector<16xf32>
          %parallel_loop3A_685 = arith.constant 0 : i32
          %parallel_loop3A_686 = arith.constant 0 : i32
          %parallel_loop3A_687 = tpu.memref_slice %arg15[%parallel_loop3A_685, %parallel_loop3A_588, %parallel_loop3A_686] : memref<2x40x128xf32, #tpu.memory_space<vmem>> -> memref<1x1x128xf32, #tpu.memory_space<vmem>>
          %parallel_loop3A_688 = tpu.memref_squeeze %parallel_loop3A_687 : memref<1x1x128xf32, #tpu.memory_space<vmem>> -> memref<128xf32, #tpu.memory_space<vmem>>
          tpu.vector_store_idx %parallel_loop3A_688[%parallel_loop3A_683], %parallel_loop3A_684 : memref<128xf32, #tpu.memory_space<vmem>>[vector<16xi32>], vector<16xf32>,
          %parallel_loop3A_689 = arith.constant 1 : i32
          %parallel_loop3A_690 = arith.index_cast %parallel_loop3A_689 : i32 to index
          %parallel_loop3A_691 = arith.index_cast %parallel_loop3A_590 : i32 to index
          %parallel_loop3A_692 = arith.constant 96 : index
          %parallel_loop3A_693 = tpu.vector_load %arg14[%parallel_loop3A_690, %parallel_loop3A_691, %parallel_loop3A_692] {strides = array<i32>} : memref<2x80x128xbf16, #tpu.memory_space<vmem>>, vector<32xbf16>,
          %parallel_loop3A_694 = tpu.unpack_subelements %parallel_loop3A_693, 0 {pack_format = #tpu.pack_format<interleaved>} : vector<32xbf16> -> vector<16xf32>
          %parallel_loop3A_695 = tpu.unpack_subelements %parallel_loop3A_693, 1 {pack_format = #tpu.pack_format<interleaved>} : vector<32xbf16> -> vector<16xf32>
          %parallel_loop3A_696 = arith.constant 2 : i32
          %parallel_loop3A_697 = vector.broadcast %parallel_loop3A_696 : i32 to vector<16xi32>
          %parallel_loop3A_698 = arith.muli %parallel_loop3A_697, %iota3A : vector<16xi32>
          %parallel_loop3A_699 = arith.constant 96 : i32
          %parallel_loop3A_700 = vector.broadcast %parallel_loop3A_699 : i32 to vector<16xi32>
          %parallel_loop3A_701 = arith.addi %parallel_loop3A_700, %parallel_loop3A_698 : vector<16xi32>
          %parallel_loop3A_702 = arith.mulf %parallel_loop3A_694, %parallel_loop3A_592 : vector<16xf32>
          %parallel_loop3A_703 = arith.constant 0 : i32
          %parallel_loop3A_704 = arith.constant 0 : i32
          %parallel_loop3A_705 = tpu.memref_slice %arg15[%parallel_loop3A_703, %parallel_loop3A_588, %parallel_loop3A_704] : memref<2x40x128xf32, #tpu.memory_space<vmem>> -> memref<1x1x128xf32, #tpu.memory_space<vmem>>
          %parallel_loop3A_706 = tpu.memref_squeeze %parallel_loop3A_705 : memref<1x1x128xf32, #tpu.memory_space<vmem>> -> memref<128xf32, #tpu.memory_space<vmem>>
          tpu.vector_store_idx %parallel_loop3A_706[%parallel_loop3A_701], %parallel_loop3A_702 : memref<128xf32, #tpu.memory_space<vmem>>[vector<16xi32>], vector<16xf32>,
          %parallel_loop3A_707 = arith.constant 2 : i32
          %parallel_loop3A_708 = vector.broadcast %parallel_loop3A_707 : i32 to vector<16xi32>
          %parallel_loop3A_709 = arith.muli %parallel_loop3A_708, %iota3A : vector<16xi32>
          %parallel_loop3A_710 = arith.constant 96 : i32
          %parallel_loop3A_711 = vector.broadcast %parallel_loop3A_710 : i32 to vector<16xi32>
          %parallel_loop3A_712 = arith.addi %parallel_loop3A_711, %parallel_loop3A_709 : vector<16xi32>
          %parallel_loop3A_713 = arith.constant 1 : i32
          %parallel_loop3A_714 = vector.broadcast %parallel_loop3A_713 : i32 to vector<16xi32>
          %parallel_loop3A_715 = arith.addi %parallel_loop3A_712, %parallel_loop3A_714 : vector<16xi32>
          %parallel_loop3A_716 = arith.mulf %parallel_loop3A_695, %parallel_loop3A_592 : vector<16xf32>
          %parallel_loop3A_717 = arith.constant 0 : i32
          %parallel_loop3A_718 = arith.constant 0 : i32
          %parallel_loop3A_719 = tpu.memref_slice %arg15[%parallel_loop3A_717, %parallel_loop3A_588, %parallel_loop3A_718] : memref<2x40x128xf32, #tpu.memory_space<vmem>> -> memref<1x1x128xf32, #tpu.memory_space<vmem>>
          %parallel_loop3A_720 = tpu.memref_squeeze %parallel_loop3A_719 : memref<1x1x128xf32, #tpu.memory_space<vmem>> -> memref<128xf32, #tpu.memory_space<vmem>>
          tpu.vector_store_idx %parallel_loop3A_720[%parallel_loop3A_715], %parallel_loop3A_716 : memref<128xf32, #tpu.memory_space<vmem>>[vector<16xi32>], vector<16xf32>,
        } {sc.loop_unroll_factor = 8 : i64, sc.parallel_access}
        %dma_start3A_545 = arith.constant 0 : i32
        %dma_start3A_546 = arith.constant 1 : i32
        %dma_start3A_547 = arith.constant 0 : i32
        %dma_start3A_548 = arith.constant 0 : i32
        %dma_start3A_549 = tpu.memref_slice %arg15[%dma_start3A_545, %dma_start3A_547, %dma_start3A_548] : memref<2x40x128xf32, #tpu.memory_space<vmem>> -> memref<1x40x128xf32, #tpu.memory_space<vmem>>
        %dma_start3A_550 = tpu.memref_squeeze %dma_start3A_549 : memref<1x40x128xf32, #tpu.memory_space<vmem>> -> memref<40x128xf32, #tpu.memory_space<vmem>>
        %dma_start3A_551 = arith.constant 0 : i32
        %dma_start3A_552 = tpu.memref_slice %arg13[%dma_start3A_546, %dma_start3A_551] : memref<2x80xi32, #tpu.memory_space<vmem>> -> memref<1x40xi32, #tpu.memory_space<vmem>>
        %dma_start3A_553 = tpu.memref_squeeze %dma_start3A_552 : memref<1x40xi32, #tpu.memory_space<vmem>> -> memref<40xi32, #tpu.memory_space<vmem>>
        %dma_start3A_554 = arith.constant 0 : i32
        %dma_start3A_555 = arith.constant 0 : i32
        %dma_start3A_556 = tpu.memref_slice %arg18[%dma_start3A_554, %dma_start3A_555] : memref<10000x128xf32, #tpu.memory_space<vmem_shared>> -> memref<10000x128xf32, #tpu.memory_space<vmem_shared>>
        tpu.enqueue_indirect_dma source(%dma_start3A_550 : memref<40x128xf32, #tpu.memory_space<vmem>>) target(%dma_start3A_556 : memref<10000x128xf32, #tpu.memory_space<vmem_shared>>) offsets(%dma_start3A_553 : memref<40xi32, #tpu.memory_space<vmem>>) semaphore(%arg23 : memref<!tpu.dma_semaphore, #tpu.memory_space<semaphore_mem>>) {add = true}
        %ge3A_557 = arith.constant 1 : i32
        %ge3A_558 = arith.cmpi sge, %add3A_225, %ge3A_557 : i32
        %convert_element_type3A_559 = arith.extui %ge3A_558 : i1 to i32
        %cond3A_560 = arith.constant 1 : i32
        %cond3A_561 = arith.constant 0 : i32
        %cond3A_562 = arith.cmpi ne, %convert_element_type3A_559, %cond3A_561 : i32
        scf.if %cond3A_562 {
          %dma_wait3A_588 = arith.constant 1 : i32
          %dma_wait3A_589 = arith.constant 0 : i32
          %dma_wait3A_590 = arith.constant 0 : i32
          %dma_wait3A_591 = tpu.memref_slice %arg15[%dma_wait3A_588, %dma_wait3A_589, %dma_wait3A_590] : memref<2x40x128xf32, #tpu.memory_space<vmem>> -> memref<1x40x128xf32, #tpu.memory_space<vmem>>
          %dma_wait3A_592 = tpu.memref_squeeze %dma_wait3A_591 : memref<1x40x128xf32, #tpu.memory_space<vmem>> -> memref<40x128xf32, #tpu.memory_space<vmem>>
          %dma_wait3A_593 = arith.constant 40 : i32
          %dma_wait3A_594 = tpu.memref_slice %arg13[%cond3A_560, %dma_wait3A_593] : memref<2x80xi32, #tpu.memory_space<vmem>> -> memref<1x40xi32, #tpu.memory_space<vmem>>
          %dma_wait3A_595 = tpu.memref_squeeze %dma_wait3A_594 : memref<1x40xi32, #tpu.memory_space<vmem>> -> memref<40xi32, #tpu.memory_space<vmem>>
          %dma_wait3A_596 = arith.constant 0 : i32
          %dma_wait3A_597 = arith.constant 0 : i32
          %dma_wait3A_598 = tpu.memref_slice %arg18[%dma_wait3A_596, %dma_wait3A_597] : memref<10000x128xf32, #tpu.memory_space<vmem_shared>> -> memref<10000x128xf32, #tpu.memory_space<vmem_shared>>
          tpu.wait_indirect_dma semaphore(%arg24 : memref<!tpu.dma_semaphore, #tpu.memory_space<semaphore_mem>>) src(%dma_wait3A_592 : memref<40x128xf32, #tpu.memory_space<vmem>>) dst(%dma_wait3A_598 : memref<10000x128xf32, #tpu.memory_space<vmem_shared>>)
        } else {
        }
        %parallel_loop3A_563 = arith.constant 0 : i32
        %parallel_loop3A_564 = arith.constant 40 : i32
        %parallel_loop3A_565 = arith.constant 1 : i32
        scf.for %parallel_loop3A_588 = %parallel_loop3A_563 to %parallel_loop3A_564 step %parallel_loop3A_565  : i32 {
          %parallel_loop3A_589 = arith.constant 40 : i32
          %parallel_loop3A_590 = arith.addi %parallel_loop3A_589, %parallel_loop3A_588 : i32
          %parallel_loop3A_591 = vector.broadcast %parallel_loop3A_590 : i32 to vector<16xi32>
          %parallel_loop3A_592 = tpu.vector_load_idx %arg12[%broadcast_in_dim3A_536, %parallel_loop3A_591] : memref<2x80xf32, #tpu.memory_space<vmem>>[vector<16xi32>, vector<16xi32>], vector<16xf32>,
          %parallel_loop3A_593 = arith.constant 1 : i32
          %parallel_loop3A_594 = arith.index_cast %parallel_loop3A_593 : i32 to index
          %parallel_loop3A_595 = arith.index_cast %parallel_loop3A_590 : i32 to index
          %parallel_loop3A_596 = arith.constant 0 : index
          %parallel_loop3A_597 = tpu.vector_load %arg14[%parallel_loop3A_594, %parallel_loop3A_595, %parallel_loop3A_596] {strides = array<i32>} : memref<2x80x128xbf16, #tpu.memory_space<vmem>>, vector<32xbf16>,
          %parallel_loop3A_598 = tpu.unpack_subelements %parallel_loop3A_597, 0 {pack_format = #tpu.pack_format<interleaved>} : vector<32xbf16> -> vector<16xf32>
          %parallel_loop3A_599 = tpu.unpack_subelements %parallel_loop3A_597, 1 {pack_format = #tpu.pack_format<interleaved>} : vector<32xbf16> -> vector<16xf32>
          %parallel_loop3A_600 = arith.constant 2 : i32
          %parallel_loop3A_601 = vector.broadcast %parallel_loop3A_600 : i32 to vector<16xi32>
          %parallel_loop3A_602 = arith.muli %parallel_loop3A_601, %iota3A : vector<16xi32>
          %parallel_loop3A_603 = arith.constant 0 : i32
          %parallel_loop3A_604 = vector.broadcast %parallel_loop3A_603 : i32 to vector<16xi32>
          %parallel_loop3A_605 = arith.addi %parallel_loop3A_604, %parallel_loop3A_602 : vector<16xi32>
          %parallel_loop3A_606 = arith.mulf %parallel_loop3A_598, %parallel_loop3A_592 : vector<16xf32>
          %parallel_loop3A_607 = arith.constant 1 : i32
          %parallel_loop3A_608 = arith.constant 0 : i32
          %parallel_loop3A_609 = tpu.memref_slice %arg15[%parallel_loop3A_607, %parallel_loop3A_588, %parallel_loop3A_608] : memref<2x40x128xf32, #tpu.memory_space<vmem>> -> memref<1x1x128xf32, #tpu.memory_space<vmem>>
          %parallel_loop3A_610 = tpu.memref_squeeze %parallel_loop3A_609 : memref<1x1x128xf32, #tpu.memory_space<vmem>> -> memref<128xf32, #tpu.memory_space<vmem>>
          tpu.vector_store_idx %parallel_loop3A_610[%parallel_loop3A_605], %parallel_loop3A_606 : memref<128xf32, #tpu.memory_space<vmem>>[vector<16xi32>], vector<16xf32>,
          %parallel_loop3A_611 = arith.constant 2 : i32
          %parallel_loop3A_612 = vector.broadcast %parallel_loop3A_611 : i32 to vector<16xi32>
          %parallel_loop3A_613 = arith.muli %parallel_loop3A_612, %iota3A : vector<16xi32>
          %parallel_loop3A_614 = arith.constant 0 : i32
          %parallel_loop3A_615 = vector.broadcast %parallel_loop3A_614 : i32 to vector<16xi32>
          %parallel_loop3A_616 = arith.addi %parallel_loop3A_615, %parallel_loop3A_613 : vector<16xi32>
          %parallel_loop3A_617 = arith.constant 1 : i32
          %parallel_loop3A_618 = vector.broadcast %parallel_loop3A_617 : i32 to vector<16xi32>
          %parallel_loop3A_619 = arith.addi %parallel_loop3A_616, %parallel_loop3A_618 : vector<16xi32>
          %parallel_loop3A_620 = arith.mulf %parallel_loop3A_599, %parallel_loop3A_592 : vector<16xf32>
          %parallel_loop3A_621 = arith.constant 1 : i32
          %parallel_loop3A_622 = arith.constant 0 : i32
          %parallel_loop3A_623 = tpu.memref_slice %arg15[%parallel_loop3A_621, %parallel_loop3A_588, %parallel_loop3A_622] : memref<2x40x128xf32, #tpu.memory_space<vmem>> -> memref<1x1x128xf32, #tpu.memory_space<vmem>>
          %parallel_loop3A_624 = tpu.memref_squeeze %parallel_loop3A_623 : memref<1x1x128xf32, #tpu.memory_space<vmem>> -> memref<128xf32, #tpu.memory_space<vmem>>
          tpu.vector_store_idx %parallel_loop3A_624[%parallel_loop3A_619], %parallel_loop3A_620 : memref<128xf32, #tpu.memory_space<vmem>>[vector<16xi32>], vector<16xf32>,
          %parallel_loop3A_625 = arith.constant 1 : i32
          %parallel_loop3A_626 = arith.index_cast %parallel_loop3A_625 : i32 to index
          %parallel_loop3A_627 = arith.index_cast %parallel_loop3A_590 : i32 to index
          %parallel_loop3A_628 = arith.constant 32 : index
          %parallel_loop3A_629 = tpu.vector_load %arg14[%parallel_loop3A_626, %parallel_loop3A_627, %parallel_loop3A_628] {strides = array<i32>} : memref<2x80x128xbf16, #tpu.memory_space<vmem>>, vector<32xbf16>,
          %parallel_loop3A_630 = tpu.unpack_subelements %parallel_loop3A_629, 0 {pack_format = #tpu.pack_format<interleaved>} : vector<32xbf16> -> vector<16xf32>
          %parallel_loop3A_631 = tpu.unpack_subelements %parallel_loop3A_629, 1 {pack_format = #tpu.pack_format<interleaved>} : vector<32xbf16> -> vector<16xf32>
          %parallel_loop3A_632 = arith.constant 2 : i32
          %parallel_loop3A_633 = vector.broadcast %parallel_loop3A_632 : i32 to vector<16xi32>
          %parallel_loop3A_634 = arith.muli %parallel_loop3A_633, %iota3A : vector<16xi32>
          %parallel_loop3A_635 = arith.constant 32 : i32
          %parallel_loop3A_636 = vector.broadcast %parallel_loop3A_635 : i32 to vector<16xi32>
          %parallel_loop3A_637 = arith.addi %parallel_loop3A_636, %parallel_loop3A_634 : vector<16xi32>
          %parallel_loop3A_638 = arith.mulf %parallel_loop3A_630, %parallel_loop3A_592 : vector<16xf32>
          %parallel_loop3A_639 = arith.constant 1 : i32
          %parallel_loop3A_640 = arith.constant 0 : i32
          %parallel_loop3A_641 = tpu.memref_slice %arg15[%parallel_loop3A_639, %parallel_loop3A_588, %parallel_loop3A_640] : memref<2x40x128xf32, #tpu.memory_space<vmem>> -> memref<1x1x128xf32, #tpu.memory_space<vmem>>
          %parallel_loop3A_642 = tpu.memref_squeeze %parallel_loop3A_641 : memref<1x1x128xf32, #tpu.memory_space<vmem>> -> memref<128xf32, #tpu.memory_space<vmem>>
          tpu.vector_store_idx %parallel_loop3A_642[%parallel_loop3A_637], %parallel_loop3A_638 : memref<128xf32, #tpu.memory_space<vmem>>[vector<16xi32>], vector<16xf32>,
          %parallel_loop3A_643 = arith.constant 2 : i32
          %parallel_loop3A_644 = vector.broadcast %parallel_loop3A_643 : i32 to vector<16xi32>
          %parallel_loop3A_645 = arith.muli %parallel_loop3A_644, %iota3A : vector<16xi32>
          %parallel_loop3A_646 = arith.constant 32 : i32
          %parallel_loop3A_647 = vector.broadcast %parallel_loop3A_646 : i32 to vector<16xi32>
          %parallel_loop3A_648 = arith.addi %parallel_loop3A_647, %parallel_loop3A_645 : vector<16xi32>
          %parallel_loop3A_649 = arith.constant 1 : i32
          %parallel_loop3A_650 = vector.broadcast %parallel_loop3A_649 : i32 to vector<16xi32>
          %parallel_loop3A_651 = arith.addi %parallel_loop3A_648, %parallel_loop3A_650 : vector<16xi32>
          %parallel_loop3A_652 = arith.mulf %parallel_loop3A_631, %parallel_loop3A_592 : vector<16xf32>
          %parallel_loop3A_653 = arith.constant 1 : i32
          %parallel_loop3A_654 = arith.constant 0 : i32
          %parallel_loop3A_655 = tpu.memref_slice %arg15[%parallel_loop3A_653, %parallel_loop3A_588, %parallel_loop3A_654] : memref<2x40x128xf32, #tpu.memory_space<vmem>> -> memref<1x1x128xf32, #tpu.memory_space<vmem>>
          %parallel_loop3A_656 = tpu.memref_squeeze %parallel_loop3A_655 : memref<1x1x128xf32, #tpu.memory_space<vmem>> -> memref<128xf32, #tpu.memory_space<vmem>>
          tpu.vector_store_idx %parallel_loop3A_656[%parallel_loop3A_651], %parallel_loop3A_652 : memref<128xf32, #tpu.memory_space<vmem>>[vector<16xi32>], vector<16xf32>,
          %parallel_loop3A_657 = arith.constant 1 : i32
          %parallel_loop3A_658 = arith.index_cast %parallel_loop3A_657 : i32 to index
          %parallel_loop3A_659 = arith.index_cast %parallel_loop3A_590 : i32 to index
          %parallel_loop3A_660 = arith.constant 64 : index
          %parallel_loop3A_661 = tpu.vector_load %arg14[%parallel_loop3A_658, %parallel_loop3A_659, %parallel_loop3A_660] {strides = array<i32>} : memref<2x80x128xbf16, #tpu.memory_space<vmem>>, vector<32xbf16>,
          %parallel_loop3A_662 = tpu.unpack_subelements %parallel_loop3A_661, 0 {pack_format = #tpu.pack_format<interleaved>} : vector<32xbf16> -> vector<16xf32>
          %parallel_loop3A_663 = tpu.unpack_subelements %parallel_loop3A_661, 1 {pack_format = #tpu.pack_format<interleaved>} : vector<32xbf16> -> vector<16xf32>
          %parallel_loop3A_664 = arith.constant 2 : i32
          %parallel_loop3A_665 = vector.broadcast %parallel_loop3A_664 : i32 to vector<16xi32>
          %parallel_loop3A_666 = arith.muli %parallel_loop3A_665, %iota3A : vector<16xi32>
          %parallel_loop3A_667 = arith.constant 64 : i32
          %parallel_loop3A_668 = vector.broadcast %parallel_loop3A_667 : i32 to vector<16xi32>
          %parallel_loop3A_669 = arith.addi %parallel_loop3A_668, %parallel_loop3A_666 : vector<16xi32>
          %parallel_loop3A_670 = arith.mulf %parallel_loop3A_662, %parallel_loop3A_592 : vector<16xf32>
          %parallel_loop3A_671 = arith.constant 1 : i32
          %parallel_loop3A_672 = arith.constant 0 : i32
          %parallel_loop3A_673 = tpu.memref_slice %arg15[%parallel_loop3A_671, %parallel_loop3A_588, %parallel_loop3A_672] : memref<2x40x128xf32, #tpu.memory_space<vmem>> -> memref<1x1x128xf32, #tpu.memory_space<vmem>>
          %parallel_loop3A_674 = tpu.memref_squeeze %parallel_loop3A_673 : memref<1x1x128xf32, #tpu.memory_space<vmem>> -> memref<128xf32, #tpu.memory_space<vmem>>
          tpu.vector_store_idx %parallel_loop3A_674[%parallel_loop3A_669], %parallel_loop3A_670 : memref<128xf32, #tpu.memory_space<vmem>>[vector<16xi32>], vector<16xf32>,
          %parallel_loop3A_675 = arith.constant 2 : i32
          %parallel_loop3A_676 = vector.broadcast %parallel_loop3A_675 : i32 to vector<16xi32>
          %parallel_loop3A_677 = arith.muli %parallel_loop3A_676, %iota3A : vector<16xi32>
          %parallel_loop3A_678 = arith.constant 64 : i32
          %parallel_loop3A_679 = vector.broadcast %parallel_loop3A_678 : i32 to vector<16xi32>
          %parallel_loop3A_680 = arith.addi %parallel_loop3A_679, %parallel_loop3A_677 : vector<16xi32>
          %parallel_loop3A_681 = arith.constant 1 : i32
          %parallel_loop3A_682 = vector.broadcast %parallel_loop3A_681 : i32 to vector<16xi32>
          %parallel_loop3A_683 = arith.addi %parallel_loop3A_680, %parallel_loop3A_682 : vector<16xi32>
          %parallel_loop3A_684 = arith.mulf %parallel_loop3A_663, %parallel_loop3A_592 : vector<16xf32>
          %parallel_loop3A_685 = arith.constant 1 : i32
          %parallel_loop3A_686 = arith.constant 0 : i32
          %parallel_loop3A_687 = tpu.memref_slice %arg15[%parallel_loop3A_685, %parallel_loop3A_588, %parallel_loop3A_686] : memref<2x40x128xf32, #tpu.memory_space<vmem>> -> memref<1x1x128xf32, #tpu.memory_space<vmem>>
          %parallel_loop3A_688 = tpu.memref_squeeze %parallel_loop3A_687 : memref<1x1x128xf32, #tpu.memory_space<vmem>> -> memref<128xf32, #tpu.memory_space<vmem>>
          tpu.vector_store_idx %parallel_loop3A_688[%parallel_loop3A_683], %parallel_loop3A_684 : memref<128xf32, #tpu.memory_space<vmem>>[vector<16xi32>], vector<16xf32>,
          %parallel_loop3A_689 = arith.constant 1 : i32
          %parallel_loop3A_690 = arith.index_cast %parallel_loop3A_689 : i32 to index
          %parallel_loop3A_691 = arith.index_cast %parallel_loop3A_590 : i32 to index
          %parallel_loop3A_692 = arith.constant 96 : index
          %parallel_loop3A_693 = tpu.vector_load %arg14[%parallel_loop3A_690, %parallel_loop3A_691, %parallel_loop3A_692] {strides = array<i32>} : memref<2x80x128xbf16, #tpu.memory_space<vmem>>, vector<32xbf16>,
          %parallel_loop3A_694 = tpu.unpack_subelements %parallel_loop3A_693, 0 {pack_format = #tpu.pack_format<interleaved>} : vector<32xbf16> -> vector<16xf32>
          %parallel_loop3A_695 = tpu.unpack_subelements %parallel_loop3A_693, 1 {pack_format = #tpu.pack_format<interleaved>} : vector<32xbf16> -> vector<16xf32>
          %parallel_loop3A_696 = arith.constant 2 : i32
          %parallel_loop3A_697 = vector.broadcast %parallel_loop3A_696 : i32 to vector<16xi32>
          %parallel_loop3A_698 = arith.muli %parallel_loop3A_697, %iota3A : vector<16xi32>
          %parallel_loop3A_699 = arith.constant 96 : i32
          %parallel_loop3A_700 = vector.broadcast %parallel_loop3A_699 : i32 to vector<16xi32>
          %parallel_loop3A_701 = arith.addi %parallel_loop3A_700, %parallel_loop3A_698 : vector<16xi32>
          %parallel_loop3A_702 = arith.mulf %parallel_loop3A_694, %parallel_loop3A_592 : vector<16xf32>
          %parallel_loop3A_703 = arith.constant 1 : i32
          %parallel_loop3A_704 = arith.constant 0 : i32
          %parallel_loop3A_705 = tpu.memref_slice %arg15[%parallel_loop3A_703, %parallel_loop3A_588, %parallel_loop3A_704] : memref<2x40x128xf32, #tpu.memory_space<vmem>> -> memref<1x1x128xf32, #tpu.memory_space<vmem>>
          %parallel_loop3A_706 = tpu.memref_squeeze %parallel_loop3A_705 : memref<1x1x128xf32, #tpu.memory_space<vmem>> -> memref<128xf32, #tpu.memory_space<vmem>>
          tpu.vector_store_idx %parallel_loop3A_706[%parallel_loop3A_701], %parallel_loop3A_702 : memref<128xf32, #tpu.memory_space<vmem>>[vector<16xi32>], vector<16xf32>,
          %parallel_loop3A_707 = arith.constant 2 : i32
          %parallel_loop3A_708 = vector.broadcast %parallel_loop3A_707 : i32 to vector<16xi32>
          %parallel_loop3A_709 = arith.muli %parallel_loop3A_708, %iota3A : vector<16xi32>
          %parallel_loop3A_710 = arith.constant 96 : i32
          %parallel_loop3A_711 = vector.broadcast %parallel_loop3A_710 : i32 to vector<16xi32>
          %parallel_loop3A_712 = arith.addi %parallel_loop3A_711, %parallel_loop3A_709 : vector<16xi32>
          %parallel_loop3A_713 = arith.constant 1 : i32
          %parallel_loop3A_714 = vector.broadcast %parallel_loop3A_713 : i32 to vector<16xi32>
          %parallel_loop3A_715 = arith.addi %parallel_loop3A_712, %parallel_loop3A_714 : vector<16xi32>
          %parallel_loop3A_716 = arith.mulf %parallel_loop3A_695, %parallel_loop3A_592 : vector<16xf32>
          %parallel_loop3A_717 = arith.constant 1 : i32
          %parallel_loop3A_718 = arith.constant 0 : i32
          %parallel_loop3A_719 = tpu.memref_slice %arg15[%parallel_loop3A_717, %parallel_loop3A_588, %parallel_loop3A_718] : memref<2x40x128xf32, #tpu.memory_space<vmem>> -> memref<1x1x128xf32, #tpu.memory_space<vmem>>
          %parallel_loop3A_720 = tpu.memref_squeeze %parallel_loop3A_719 : memref<1x1x128xf32, #tpu.memory_space<vmem>> -> memref<128xf32, #tpu.memory_space<vmem>>
          tpu.vector_store_idx %parallel_loop3A_720[%parallel_loop3A_715], %parallel_loop3A_716 : memref<128xf32, #tpu.memory_space<vmem>>[vector<16xi32>], vector<16xf32>,
        } {sc.loop_unroll_factor = 8 : i64, sc.parallel_access}
        %dma_start3A_566 = arith.constant 1 : i32
        %dma_start3A_567 = arith.constant 1 : i32
        %dma_start3A_568 = arith.constant 0 : i32
        %dma_start3A_569 = arith.constant 0 : i32
        %dma_start3A_570 = tpu.memref_slice %arg15[%dma_start3A_566, %dma_start3A_568, %dma_start3A_569] : memref<2x40x128xf32, #tpu.memory_space<vmem>> -> memref<1x40x128xf32, #tpu.memory_space<vmem>>
        %dma_start3A_571 = tpu.memref_squeeze %dma_start3A_570 : memref<1x40x128xf32, #tpu.memory_space<vmem>> -> memref<40x128xf32, #tpu.memory_space<vmem>>
        %dma_start3A_572 = arith.constant 40 : i32
        %dma_start3A_573 = tpu.memref_slice %arg13[%dma_start3A_567, %dma_start3A_572] : memref<2x80xi32, #tpu.memory_space<vmem>> -> memref<1x40xi32, #tpu.memory_space<vmem>>
        %dma_start3A_574 = tpu.memref_squeeze %dma_start3A_573 : memref<1x40xi32, #tpu.memory_space<vmem>> -> memref<40xi32, #tpu.memory_space<vmem>>
        %dma_start3A_575 = arith.constant 0 : i32
        %dma_start3A_576 = arith.constant 0 : i32
        %dma_start3A_577 = tpu.memref_slice %arg18[%dma_start3A_575, %dma_start3A_576] : memref<10000x128xf32, #tpu.memory_space<vmem_shared>> -> memref<10000x128xf32, #tpu.memory_space<vmem_shared>>
        tpu.enqueue_indirect_dma source(%dma_start3A_571 : memref<40x128xf32, #tpu.memory_space<vmem>>) target(%dma_start3A_577 : memref<10000x128xf32, #tpu.memory_space<vmem_shared>>) offsets(%dma_start3A_574 : memref<40xi32, #tpu.memory_space<vmem>>) semaphore(%arg24 : memref<!tpu.dma_semaphore, #tpu.memory_space<semaphore_mem>>) {add = true}
        %dma_start3A_578 = arith.constant 1 : i32
        %dma_start3A_579 = arith.constant 1 : i32
        %dma_start3A_580 = arith.constant 0 : i32
        %dma_start3A_581 = tpu.memref_slice %arg12[%dma_start3A_578, %dma_start3A_580] : memref<2x80xf32, #tpu.memory_space<vmem>> -> memref<1x80xf32, #tpu.memory_space<vmem>>
        %dma_start3A_582 = tpu.memref_squeeze %dma_start3A_581 : memref<1x80xf32, #tpu.memory_space<vmem>> -> memref<80xf32, #tpu.memory_space<vmem>>
        %dma_start3A_583 = arith.constant 0 : i32
        %dma_start3A_584 = tpu.memref_slice %arg13[%dma_start3A_579, %dma_start3A_583] : memref<2x80xi32, #tpu.memory_space<vmem>> -> memref<1x80xi32, #tpu.memory_space<vmem>>
        %dma_start3A_585 = tpu.memref_squeeze %dma_start3A_584 : memref<1x80xi32, #tpu.memory_space<vmem>> -> memref<80xi32, #tpu.memory_space<vmem>>
        %dma_start3A_586 = arith.constant 0 : i32
        %dma_start3A_587 = tpu.memref_slice %arg19[%dma_start3A_586] : memref<10000xf32, #tpu.memory_space<vmem_shared>> -> memref<10000xf32, #tpu.memory_space<vmem_shared>>
        tpu.enqueue_indirect_dma source(%dma_start3A_582 : memref<80xf32, #tpu.memory_space<vmem>>) target(%dma_start3A_587 : memref<10000xf32, #tpu.memory_space<vmem_shared>>) offsets(%dma_start3A_585 : memref<80xi32, #tpu.memory_space<vmem>>) semaphore(%arg26 : memref<!tpu.dma_semaphore, #tpu.memory_space<semaphore_mem>>) {add = true}
      } else {
      }
    }
    %scan3A_159 = arith.constant 63 : i32
    %dma_wait3A = arith.constant 0 : i32
    %dma_wait3A_160 = arith.constant 0 : i32
    %dma_wait3A_161 = arith.constant 0 : i32
    %dma_wait3A_162 = arith.constant 0 : i32
    %dma_wait3A_163 = tpu.memref_slice %arg15[%dma_wait3A, %dma_wait3A_161, %dma_wait3A_162] : memref<2x40x128xf32, #tpu.memory_space<vmem>> -> memref<1x40x128xf32, #tpu.memory_space<vmem>>
    %dma_wait3A_164 = tpu.memref_squeeze %dma_wait3A_163 : memref<1x40x128xf32, #tpu.memory_space<vmem>> -> memref<40x128xf32, #tpu.memory_space<vmem>>
    %dma_wait3A_165 = arith.constant 0 : i32
    %dma_wait3A_166 = tpu.memref_slice %arg13[%dma_wait3A_160, %dma_wait3A_165] : memref<2x80xi32, #tpu.memory_space<vmem>> -> memref<1x40xi32, #tpu.memory_space<vmem>>
    %dma_wait3A_167 = tpu.memref_squeeze %dma_wait3A_166 : memref<1x40xi32, #tpu.memory_space<vmem>> -> memref<40xi32, #tpu.memory_space<vmem>>
    %dma_wait3A_168 = arith.constant 0 : i32
    %dma_wait3A_169 = arith.constant 0 : i32
    %dma_wait3A_170 = tpu.memref_slice %arg18[%dma_wait3A_168, %dma_wait3A_169] : memref<10000x128xf32, #tpu.memory_space<vmem_shared>> -> memref<10000x128xf32, #tpu.memory_space<vmem_shared>>
    tpu.wait_indirect_dma semaphore(%arg23 : memref<!tpu.dma_semaphore, #tpu.memory_space<semaphore_mem>>) src(%dma_wait3A_164 : memref<40x128xf32, #tpu.memory_space<vmem>>) dst(%dma_wait3A_170 : memref<10000x128xf32, #tpu.memory_space<vmem_shared>>)
    %dma_wait3A_171 = arith.constant 1 : i32
    %dma_wait3A_172 = arith.constant 0 : i32
    %dma_wait3A_173 = arith.constant 0 : i32
    %dma_wait3A_174 = arith.constant 0 : i32
    %dma_wait3A_175 = tpu.memref_slice %arg15[%dma_wait3A_171, %dma_wait3A_173, %dma_wait3A_174] : memref<2x40x128xf32, #tpu.memory_space<vmem>> -> memref<1x40x128xf32, #tpu.memory_space<vmem>>
    %dma_wait3A_176 = tpu.memref_squeeze %dma_wait3A_175 : memref<1x40x128xf32, #tpu.memory_space<vmem>> -> memref<40x128xf32, #tpu.memory_space<vmem>>
    %dma_wait3A_177 = arith.constant 40 : i32
    %dma_wait3A_178 = tpu.memref_slice %arg13[%dma_wait3A_172, %dma_wait3A_177] : memref<2x80xi32, #tpu.memory_space<vmem>> -> memref<1x40xi32, #tpu.memory_space<vmem>>
    %dma_wait3A_179 = tpu.memref_squeeze %dma_wait3A_178 : memref<1x40xi32, #tpu.memory_space<vmem>> -> memref<40xi32, #tpu.memory_space<vmem>>
    %dma_wait3A_180 = arith.constant 0 : i32
    %dma_wait3A_181 = arith.constant 0 : i32
    %dma_wait3A_182 = tpu.memref_slice %arg18[%dma_wait3A_180, %dma_wait3A_181] : memref<10000x128xf32, #tpu.memory_space<vmem_shared>> -> memref<10000x128xf32, #tpu.memory_space<vmem_shared>>
    tpu.wait_indirect_dma semaphore(%arg24 : memref<!tpu.dma_semaphore, #tpu.memory_space<semaphore_mem>>) src(%dma_wait3A_176 : memref<40x128xf32, #tpu.memory_space<vmem>>) dst(%dma_wait3A_182 : memref<10000x128xf32, #tpu.memory_space<vmem_shared>>)
    %dma_wait3A_183 = arith.constant 0 : i32
    %dma_wait3A_184 = arith.constant 0 : i32
    %dma_wait3A_185 = arith.constant 0 : i32
    %dma_wait3A_186 = tpu.memref_slice %arg12[%dma_wait3A_183, %dma_wait3A_185] : memref<2x80xf32, #tpu.memory_space<vmem>> -> memref<1x80xf32, #tpu.memory_space<vmem>>
    %dma_wait3A_187 = tpu.memref_squeeze %dma_wait3A_186 : memref<1x80xf32, #tpu.memory_space<vmem>> -> memref<80xf32, #tpu.memory_space<vmem>>
    %dma_wait3A_188 = arith.constant 0 : i32
    %dma_wait3A_189 = tpu.memref_slice %arg13[%dma_wait3A_184, %dma_wait3A_188] : memref<2x80xi32, #tpu.memory_space<vmem>> -> memref<1x80xi32, #tpu.memory_space<vmem>>
    %dma_wait3A_190 = tpu.memref_squeeze %dma_wait3A_189 : memref<1x80xi32, #tpu.memory_space<vmem>> -> memref<80xi32, #tpu.memory_space<vmem>>
    %dma_wait3A_191 = arith.constant 0 : i32
    %dma_wait3A_192 = tpu.memref_slice %arg19[%dma_wait3A_191] : memref<10000xf32, #tpu.memory_space<vmem_shared>> -> memref<10000xf32, #tpu.memory_space<vmem_shared>>
    tpu.wait_indirect_dma semaphore(%arg25 : memref<!tpu.dma_semaphore, #tpu.memory_space<semaphore_mem>>) src(%dma_wait3A_187 : memref<80xf32, #tpu.memory_space<vmem>>) dst(%dma_wait3A_192 : memref<10000xf32, #tpu.memory_space<vmem_shared>>)
    %dma_wait3A_193 = arith.constant 1 : i32
    %dma_wait3A_194 = arith.constant 1 : i32
    %dma_wait3A_195 = arith.constant 0 : i32
    %dma_wait3A_196 = tpu.memref_slice %arg12[%dma_wait3A_193, %dma_wait3A_195] : memref<2x80xf32, #tpu.memory_space<vmem>> -> memref<1x80xf32, #tpu.memory_space<vmem>>
    %dma_wait3A_197 = tpu.memref_squeeze %dma_wait3A_196 : memref<1x80xf32, #tpu.memory_space<vmem>> -> memref<80xf32, #tpu.memory_space<vmem>>
    %dma_wait3A_198 = arith.constant 0 : i32
    %dma_wait3A_199 = tpu.memref_slice %arg13[%dma_wait3A_194, %dma_wait3A_198] : memref<2x80xi32, #tpu.memory_space<vmem>> -> memref<1x80xi32, #tpu.memory_space<vmem>>
    %dma_wait3A_200 = tpu.memref_squeeze %dma_wait3A_199 : memref<1x80xi32, #tpu.memory_space<vmem>> -> memref<80xi32, #tpu.memory_space<vmem>>
    %dma_wait3A_201 = arith.constant 0 : i32
    %dma_wait3A_202 = tpu.memref_slice %arg19[%dma_wait3A_201] : memref<10000xf32, #tpu.memory_space<vmem_shared>> -> memref<10000xf32, #tpu.memory_space<vmem_shared>>
    tpu.wait_indirect_dma semaphore(%arg26 : memref<!tpu.dma_semaphore, #tpu.memory_space<semaphore_mem>>) src(%dma_wait3A_197 : memref<80xf32, #tpu.memory_space<vmem>>) dst(%dma_wait3A_202 : memref<10000xf32, #tpu.memory_space<vmem_shared>>)
    %barrier3A_203 = arith.constant 0 : index
    tpu.barrier barrier_id(%barrier3A_203)
    %mul3A_204 = arith.constant 625 : i32
    %mul3A_205 = arith.muli %arg1, %mul3A_204 : i32
    %mul3A_206 = arith.constant 625 : i32
    %mul3A_207 = arith.muli %arg1, %mul3A_206 : i32
    "tpu.region"() ({
      %run_scoped3A_213 = tpu.sem_alloc : memref<!tpu.dma_semaphore, #tpu.memory_space<semaphore_mem>>
      %dma_start3A_214 = arith.constant 0 : i32
      %dma_start3A_215 = tpu.memref_slice %arg7[%arg0, %mul3A_207, %dma_start3A_214] : memref<2x10000x128xf32, #tpu.memory_space<hbm>> -> memref<1x625x128xf32, #tpu.memory_space<hbm>>
      %dma_start3A_216 = tpu.memref_squeeze %dma_start3A_215 : memref<1x625x128xf32, #tpu.memory_space<hbm>> -> memref<625x128xf32, #tpu.memory_space<hbm>>
      %dma_start3A_217 = arith.constant 0 : i32
      %dma_start3A_218 = tpu.memref_slice %arg18[%mul3A_205, %dma_start3A_217] : memref<10000x128xf32, #tpu.memory_space<vmem_shared>> -> memref<625x128xf32, #tpu.memory_space<vmem_shared>>
      tpu.enqueue_dma source(%dma_start3A_218 : memref<625x128xf32, #tpu.memory_space<vmem_shared>>) target(%dma_start3A_216 : memref<625x128xf32, #tpu.memory_space<hbm>>) target_semaphore(%run_scoped3A_213 : memref<!tpu.dma_semaphore, #tpu.memory_space<semaphore_mem>>)
      %dma_wait3A_219 = arith.constant 0 : i32
      %dma_wait3A_220 = tpu.memref_slice %arg7[%arg0, %mul3A_207, %dma_wait3A_219] : memref<2x10000x128xf32, #tpu.memory_space<hbm>> -> memref<1x625x128xf32, #tpu.memory_space<hbm>>
      %dma_wait3A_221 = tpu.memref_squeeze %dma_wait3A_220 : memref<1x625x128xf32, #tpu.memory_space<hbm>> -> memref<625x128xf32, #tpu.memory_space<hbm>>
      %dma_wait3A_222 = arith.constant 0 : i32
      %dma_wait3A_223 = tpu.memref_slice %arg18[%mul3A_205, %dma_wait3A_222] : memref<10000x128xf32, #tpu.memory_space<vmem_shared>> -> memref<625x128xf32, #tpu.memory_space<vmem_shared>>
      tpu.wait_dma2 semaphore(%run_scoped3A_213 : memref<!tpu.dma_semaphore, #tpu.memory_space<semaphore_mem>>) src(%dma_wait3A_223 : memref<625x128xf32, #tpu.memory_space<vmem_shared>>) dst(%dma_wait3A_221 : memref<625x128xf32, #tpu.memory_space<hbm>>)
      tpu.yield
    }) : () -> ()
    %eq3A_208 = arith.constant 0 : i32
    %eq3A_209 = arith.cmpi eq, %arg1, %eq3A_208 : i32
    %convert_element_type3A_210 = arith.extui %eq3A_209 : i1 to i32
    %cond3A_211 = arith.constant 0 : i32
    %cond3A_212 = arith.cmpi ne, %convert_element_type3A_210, %cond3A_211 : i32
    scf.if %cond3A_212 {
      "tpu.region"() ({
        %run_scoped3A_213 = tpu.sem_alloc : memref<!tpu.dma_semaphore, #tpu.memory_space<semaphore_mem>>
        %dma_start3A_214 = arith.constant 0 : i32
        %dma_start3A_215 = tpu.memref_slice %arg8[%arg0, %dma_start3A_214] : memref<2x10000xf32, #tpu.memory_space<hbm>> -> memref<1x10000xf32, #tpu.memory_space<hbm>>
        %dma_start3A_216 = tpu.memref_squeeze %dma_start3A_215 : memref<1x10000xf32, #tpu.memory_space<hbm>> -> memref<10000xf32, #tpu.memory_space<hbm>>
        tpu.enqueue_dma source(%arg19 : memref<10000xf32, #tpu.memory_space<vmem_shared>>) target(%dma_start3A_216 : memref<10000xf32, #tpu.memory_space<hbm>>) target_semaphore(%run_scoped3A_213 : memref<!tpu.dma_semaphore, #tpu.memory_space<semaphore_mem>>)
        %dma_wait3A_217 = arith.constant 0 : i32
        %dma_wait3A_218 = tpu.memref_slice %arg8[%arg0, %dma_wait3A_217] : memref<2x10000xf32, #tpu.memory_space<hbm>> -> memref<1x10000xf32, #tpu.memory_space<hbm>>
        %dma_wait3A_219 = tpu.memref_squeeze %dma_wait3A_218 : memref<1x10000xf32, #tpu.memory_space<hbm>> -> memref<10000xf32, #tpu.memory_space<hbm>>
        tpu.wait_dma2 semaphore(%run_scoped3A_213 : memref<!tpu.dma_semaphore, #tpu.memory_space<semaphore_mem>>) src(%arg19 : memref<10000xf32, #tpu.memory_space<vmem_shared>>) dst(%dma_wait3A_219 : memref<10000xf32, #tpu.memory_space<hbm>>)
        tpu.yield
      }) : () -> ()
    } else {
    }
    return
  }
}

module attributes {stable_mosaic.version = 14 : i64} {
  func.func @_tc_pre_body(%arg0: i32, %arg1: memref<10000x128xf32, #tpu.memory_space<vmem>>, %arg2: memref<128x128xf32, #tpu.memory_space<vmem>>, %arg3: memref<128x2xf32, #tpu.memory_space<vmem>>, %arg4: memref<10000x128xbf16, #tpu.memory_space<vmem>>, %arg5: memref<10000x1xf32, #tpu.memory_space<vmem>>, %arg6: memref<10000x1xf32, #tpu.memory_space<vmem>>, %arg7: memref<1x2xf32, #tpu.memory_space<vmem>>, %arg8: memref<1x16xf32, #tpu.memory_space<vmem>>) attributes {dimension_semantics = [#tpu.dimension_semantics<arbitrary>], iteration_bounds = array<i64: 1>, scalar_prefetch = 0 : i64, scratch_operands = 0 : i64, tpu.core_type = #tpu.core_type<tc>, window_params = [{transform_indices = @transform_0, window_bounds = array<i64: 10000, 128>}, {pipeline_mode = #tpu.pipeline_mode<synchronous>, transform_indices = @transform_1, window_bounds = array<i64: 128, 128>}, {pipeline_mode = #tpu.pipeline_mode<synchronous>, transform_indices = @transform_2, window_bounds = array<i64: 128, 2>}, {transform_indices = @transform_3, window_bounds = array<i64: 10000, 128>}, {transform_indices = @transform_4, window_bounds = array<i64: 10000, 1>}, {transform_indices = @transform_5, window_bounds = array<i64: 10000, 1>}, {pipeline_mode = #tpu.pipeline_mode<synchronous>, transform_indices = @transform_6, window_bounds = array<i64: 1, 2>}, {pipeline_mode = #tpu.pipeline_mode<synchronous>, transform_indices = @transform_7, window_bounds = array<i64: 1, 16>}]} {
    %get3A = arith.constant 0 : index
    %get3A_0 = arith.constant 0 : index
    %get3A_1 = vector.load %arg1[%get3A, %get3A_0] : memref<10000x128xf32, #tpu.memory_space<vmem>>, vector<10000x128xf32>
    %get3A_2 = arith.constant 0 : index
    %get3A_3 = arith.constant 0 : index
    %get3A_4 = vector.load %arg2[%get3A_2, %get3A_3] : memref<128x128xf32, #tpu.memory_space<vmem>>, vector<128x128xf32>
    %dot_general3A = arith.constant dense<0.000000e+00> : vector<10000x128xf32>
    %dot_general3A_5 = tpu.matmul %get3A_1, %get3A_4, %dot_general3A {dimension_numbers = #tpu.dot_dimension_numbers<[1], [0], [0], [1], [0, 0, 1, 1], [], []>, transpose_lhs_hint = false} : vector<10000x128xf32>, vector<128x128xf32>, vector<10000x128xf32> -> vector<10000x128xf32>
    %convert_element_type3A = arith.truncf %dot_general3A_5 : vector<10000x128xf32> to vector<10000x128xbf16>
    %swap3A = arith.constant 0 : index
    %swap3A_6 = arith.constant 0 : index
    %swap3A_7 = vector.load %arg4[%swap3A, %swap3A_6] : memref<10000x128xbf16, #tpu.memory_space<vmem>>, vector<10000x128xbf16>
    tpu.vector_store %arg4[%swap3A, %swap3A_6], %convert_element_type3A {strides = array<i32>} : memref<10000x128xbf16, #tpu.memory_space<vmem>>, vector<10000x128xbf16>,
    %get3A_8 = arith.constant 0 : index
    %get3A_9 = arith.constant 0 : index
    %get3A_10 = vector.load %arg3[%get3A_8, %get3A_9] : memref<128x2xf32, #tpu.memory_space<vmem>>, vector<128x2xf32>
    %dot_general3A_11 = arith.constant dense<0.000000e+00> : vector<10000x2xf32>
    %dot_general3A_12 = tpu.matmul %dot_general3A_5, %get3A_10, %dot_general3A_11 {dimension_numbers = #tpu.dot_dimension_numbers<[1], [0], [0], [1], [0, 0, 1, 1], [], []>, transpose_lhs_hint = false} : vector<10000x128xf32>, vector<128x2xf32>, vector<10000x2xf32> -> vector<10000x2xf32>
    %slice3A = vector.extract_strided_slice %dot_general3A_12 {offsets = [0, 0], sizes = [10000, 1], strides = [1, 1]} : vector<10000x2xf32> to vector<10000x1xf32>
    %swap3A_13 = arith.constant 0 : index
    %swap3A_14 = arith.constant 0 : index
    %swap3A_15 = vector.load %arg5[%swap3A_13, %swap3A_14] : memref<10000x1xf32, #tpu.memory_space<vmem>>, vector<10000x1xf32>
    tpu.vector_store %arg5[%swap3A_13, %swap3A_14], %slice3A {strides = array<i32>} : memref<10000x1xf32, #tpu.memory_space<vmem>>, vector<10000x1xf32>,
    %slice3A_16 = vector.extract_strided_slice %dot_general3A_12 {offsets = [0, 1], sizes = [10000, 1], strides = [1, 1]} : vector<10000x2xf32> to vector<10000x1xf32>
    %swap3A_17 = arith.constant 0 : index
    %swap3A_18 = arith.constant 0 : index
    %swap3A_19 = vector.load %arg6[%swap3A_17, %swap3A_18] : memref<10000x1xf32, #tpu.memory_space<vmem>>, vector<10000x1xf32>
    tpu.vector_store %arg6[%swap3A_17, %swap3A_18], %slice3A_16 {strides = array<i32>} : memref<10000x1xf32, #tpu.memory_space<vmem>>, vector<10000x1xf32>,
    %reduce_max3A = arith.constant dense<0xFF800000> : vector<2xf32>
    %reduce_max3A_20 = vector.multi_reduction <maximumf>, %dot_general3A_12, %reduce_max3A [0] : vector<10000x2xf32> to vector<2xf32>
    %broadcast_in_dim3A = vector.shape_cast %reduce_max3A_20 : vector<2xf32> to vector<1x2xf32>
    %eq3A = arith.constant 0 : i32
    %eq3A_21 = arith.cmpi eq, %arg0, %eq3A : i32
    %convert_element_type3A_22 = arith.extui %eq3A_21 : i1 to i32
    %cond3A = arith.constant 0 : i32
    %cond3A_23 = arith.cmpi ne, %convert_element_type3A_22, %cond3A : i32
    scf.if %cond3A_23 {
      %swap3A_43 = arith.constant 0 : index
      %swap3A_44 = arith.constant 0 : index
      %swap3A_45 = vector.load %arg7[%swap3A_43, %swap3A_44] : memref<1x2xf32, #tpu.memory_space<vmem>>, vector<1x2xf32>
      tpu.vector_store %arg7[%swap3A_43, %swap3A_44], %broadcast_in_dim3A {strides = array<i32>} : memref<1x2xf32, #tpu.memory_space<vmem>>, vector<1x2xf32>,
    } else {
    }
    %gt3A = arith.constant 0 : i32
    %gt3A_24 = arith.cmpi sgt, %arg0, %gt3A : i32
    %convert_element_type3A_25 = arith.extui %gt3A_24 : i1 to i32
    %cond3A_26 = arith.constant 0 : i32
    %cond3A_27 = arith.cmpi ne, %convert_element_type3A_25, %cond3A_26 : i32
    scf.if %cond3A_27 {
      %get3A_43 = arith.constant 0 : index
      %get3A_44 = arith.constant 0 : index
      %get3A_45 = vector.load %arg7[%get3A_43, %get3A_44] : memref<1x2xf32, #tpu.memory_space<vmem>>, vector<1x2xf32>
      %max3A = arith.maximumf %get3A_45, %broadcast_in_dim3A : vector<1x2xf32>
      %swap3A_46 = arith.constant 0 : index
      %swap3A_47 = arith.constant 0 : index
      %swap3A_48 = vector.load %arg7[%swap3A_46, %swap3A_47] : memref<1x2xf32, #tpu.memory_space<vmem>>, vector<1x2xf32>
      tpu.vector_store %arg7[%swap3A_46, %swap3A_47], %max3A {strides = array<i32>} : memref<1x2xf32, #tpu.memory_space<vmem>>, vector<1x2xf32>,
    } else {
    }
    %get3A_28 = arith.constant 0 : index
    %get3A_29 = arith.constant 0 : index
    %get3A_30 = vector.load %arg7[%get3A_28, %get3A_29] : memref<1x2xf32, #tpu.memory_space<vmem>>, vector<1x1xf32>
    %get3A_31 = vector.extract %get3A_30[0, 0] : f32 from vector<1x1xf32>
    %get3A_32 = arith.constant 0 : index
    %get3A_33 = arith.constant 1 : index
    %get3A_34 = vector.load %arg7[%get3A_32, %get3A_33] : memref<1x2xf32, #tpu.memory_space<vmem>>, vector<1x1xf32>
    %get3A_35 = vector.extract %get3A_34[0, 0] : f32 from vector<1x1xf32>
    %add3A = arith.addf %get3A_31, %get3A_35 : f32
    %gt3A_36 = arith.constant 0.000000e+00 : f32
    %gt3A_37 = arith.cmpf ogt, %add3A, %gt3A_36 : f32
    %mul3A = arith.constant 0.00999999977 : f32
    %mul3A_38 = arith.mulf %add3A, %mul3A : f32
    %select_n3A = arith.select %gt3A_37, %add3A, %mul3A_38 : f32
    %broadcast_in_dim3A_39 = vector.broadcast %select_n3A : f32 to vector<1x16xf32>
    %swap3A_40 = arith.constant 0 : index
    %swap3A_41 = arith.constant 0 : index
    %swap3A_42 = vector.load %arg8[%swap3A_40, %swap3A_41] : memref<1x16xf32, #tpu.memory_space<vmem>>, vector<1x16xf32>
    tpu.vector_store %arg8[%swap3A_40, %swap3A_41], %broadcast_in_dim3A_39 {strides = array<i32>} : memref<1x16xf32, #tpu.memory_space<vmem>>, vector<1x16xf32>,
    return
  }
  func.func @transform_0(%arg0: i32) -> (i32, i32) {
    %c0_i32 = arith.constant 0 : i32
    %c0_i32_0 = arith.constant 0 : i32
    return %arg0, %c0_i32 : i32, i32
  }
  func.func @transform_1(%arg0: i32) -> (i32, i32) {
    %c0_i32 = arith.constant 0 : i32
    %c0_i32_0 = arith.constant 0 : i32
    %c0_i32_1 = arith.constant 0 : i32
    return %c0_i32, %c0_i32_0 : i32, i32
  }
  func.func @transform_2(%arg0: i32) -> (i32, i32) {
    %c0_i32 = arith.constant 0 : i32
    %c0_i32_0 = arith.constant 0 : i32
    %c0_i32_1 = arith.constant 0 : i32
    return %c0_i32, %c0_i32_0 : i32, i32
  }
  func.func @transform_3(%arg0: i32) -> (i32, i32) {
    %c0_i32 = arith.constant 0 : i32
    %c0_i32_0 = arith.constant 0 : i32
    return %arg0, %c0_i32 : i32, i32
  }
  func.func @transform_4(%arg0: i32) -> (i32, i32) {
    %c0_i32 = arith.constant 0 : i32
    %c0_i32_0 = arith.constant 0 : i32
    return %arg0, %c0_i32 : i32, i32
  }
  func.func @transform_5(%arg0: i32) -> (i32, i32) {
    %c0_i32 = arith.constant 0 : i32
    %c0_i32_0 = arith.constant 0 : i32
    return %arg0, %c0_i32 : i32, i32
  }
  func.func @transform_6(%arg0: i32) -> (i32, i32) {
    %c0_i32 = arith.constant 0 : i32
    %c0_i32_0 = arith.constant 0 : i32
    %c0_i32_1 = arith.constant 0 : i32
    return %c0_i32, %c0_i32_0 : i32, i32
  }
  func.func @transform_7(%arg0: i32) -> (i32, i32) {
    %c0_i32 = arith.constant 0 : i32
    %c0_i32_0 = arith.constant 0 : i32
    %c0_i32_1 = arith.constant 0 : i32
    return %c0_i32, %c0_i32_0 : i32, i32
  }
}

module attributes {stable_mosaic.version = 14 : i64} {
  func.func @_tc_post_body(%arg0: i32, %arg1: memref<2x10000x128xf32, #tpu.memory_space<vmem>>, %arg2: memref<2x10000x1xf32, #tpu.memory_space<vmem>>, %arg3: memref<10000x128xf32, #tpu.memory_space<vmem>>) attributes {dimension_semantics = [#tpu.dimension_semantics<arbitrary>], iteration_bounds = array<i64: 1>, scalar_prefetch = 0 : i64, scratch_operands = 0 : i64, tpu.core_type = #tpu.core_type<tc>, window_params = [{transform_indices = @transform_0, window_bounds = array<i64: 2, 10000, 128>}, {transform_indices = @transform_1, window_bounds = array<i64: 2, 10000, 1>}, {transform_indices = @transform_2, window_bounds = array<i64: 10000, 128>}]} {
    %get3A = arith.constant 0 : index
    %get3A_0 = arith.constant 0 : index
    %get3A_1 = arith.constant 0 : index
    %get3A_2 = vector.load %arg1[%get3A, %get3A_0, %get3A_1] : memref<2x10000x128xf32, #tpu.memory_space<vmem>>, vector<1x10000x128xf32>
    %get3A_3 = vector.shape_cast %get3A_2 : vector<1x10000x128xf32> to vector<10000x128xf32>
    %get3A_4 = arith.constant 1 : index
    %get3A_5 = arith.constant 0 : index
    %get3A_6 = arith.constant 0 : index
    %get3A_7 = vector.load %arg1[%get3A_4, %get3A_5, %get3A_6] : memref<2x10000x128xf32, #tpu.memory_space<vmem>>, vector<1x10000x128xf32>
    %get3A_8 = vector.shape_cast %get3A_7 : vector<1x10000x128xf32> to vector<10000x128xf32>
    %add3A = arith.addf %get3A_3, %get3A_8 : vector<10000x128xf32>
    %get3A_9 = arith.constant 0 : index
    %get3A_10 = arith.constant 0 : index
    %get3A_11 = arith.constant 0 : index
    %get3A_12 = vector.load %arg2[%get3A_9, %get3A_10, %get3A_11] : memref<2x10000x1xf32, #tpu.memory_space<vmem>>, vector<1x10000x1xf32>
    %get3A_13 = vector.shape_cast %get3A_12 : vector<1x10000x1xf32> to vector<10000x1xf32>
    %get3A_14 = arith.constant 1 : index
    %get3A_15 = arith.constant 0 : index
    %get3A_16 = arith.constant 0 : index
    %get3A_17 = vector.load %arg2[%get3A_14, %get3A_15, %get3A_16] : memref<2x10000x1xf32, #tpu.memory_space<vmem>>, vector<1x10000x1xf32>
    %get3A_18 = vector.shape_cast %get3A_17 : vector<1x10000x1xf32> to vector<10000x1xf32>
    %add3A_19 = arith.addf %get3A_13, %get3A_18 : vector<10000x1xf32>
    %gt3A = arith.constant 0.000000e+00 : f32
    %gt3A_20 = vector.broadcast %gt3A : f32 to vector<10000x1xf32>
    %gt3A_21 = arith.cmpf ogt, %add3A_19, %gt3A_20 : vector<10000x1xf32>
    %div3A = vector.broadcast %add3A_19 : vector<10000x1xf32> to vector<10000x128xf32>
    %div3A_22 = arith.divf %add3A, %div3A : vector<10000x128xf32>
    %jit3A = arith.constant 0.000000e+00 : f32
    %broadcast_in_dim3A = vector.shape_cast %gt3A_21 : vector<10000x1xi1> to vector<10000x1xi1>
    %broadcast_in_dim3A_23 = vector.broadcast %broadcast_in_dim3A : vector<10000x1xi1> to vector<10000x128xi1>
    %broadcast_in_dim3A_24 = vector.broadcast %jit3A : f32 to vector<10000x128xf32>
    %select_n3A = arith.select %broadcast_in_dim3A_23, %div3A_22, %broadcast_in_dim3A_24 : vector<10000x128xi1>, vector<10000x128xf32>
    %swap3A = arith.constant 0 : index
    %swap3A_25 = arith.constant 0 : index
    %swap3A_26 = vector.load %arg3[%swap3A, %swap3A_25] : memref<10000x128xf32, #tpu.memory_space<vmem>>, vector<10000x128xf32>
    tpu.vector_store %arg3[%swap3A, %swap3A_25], %select_n3A {strides = array<i32>} : memref<10000x128xf32, #tpu.memory_space<vmem>>, vector<10000x128xf32>,
    return
  }
  func.func @transform_0(%arg0: i32) -> (i32, i32, i32) {
    %c0_i32 = arith.constant 0 : i32
    %c0_i32_0 = arith.constant 0 : i32
    %c0_i32_1 = arith.constant 0 : i32
    return %c0_i32, %arg0, %c0_i32_0 : i32, i32, i32
  }
  func.func @transform_1(%arg0: i32) -> (i32, i32, i32) {
    %c0_i32 = arith.constant 0 : i32
    %c0_i32_0 = arith.constant 0 : i32
    %c0_i32_1 = arith.constant 0 : i32
    return %c0_i32, %arg0, %c0_i32_0 : i32, i32, i32
  }
  func.func @transform_2(%arg0: i32) -> (i32, i32) {
    %c0_i32 = arith.constant 0 : i32
    %c0_i32_0 = arith.constant 0 : i32
    return %arg0, %c0_i32 : i32, i32
  }
}

</mosaic_0001>

<sc_bundles>
// kernel: kernel.5.cloned.1.call-start
scs
__scs_entry_jumppad:
0x0: {  	(pc) =	sbr.rel $0x88, $3  }
0x1: {  	(tag) =	ssettag $0x0;
	lr =	simm.s32 $0x1  }
0x2: {  	[smem:$0x3F9D] =	sst lr;
	_ =	strace $0xD0000000  }
0x3: {  	_ = 	snop  }
0x4: {  	_ = 	snop  }
0x5: {  	_ = 	snop  }
0x6: {  	_ = 	snop  }
0x7: {  	_ = 	snop  }
__scs_overlays_trampoline_lowered:
0x8: {  	[smem:$0x3FAC] =	sst s0  }
0x9: {  	[smem:$0x3FAD] =	sst s1  }
0xa: {  	[smem:$0x3FAE] =	sst s2  }
0xb: {  	[smem:$0x3FAF] =	sst s3  }
0xc: {  	[smem:$0x3FB0] =	sst s4  }
0xd: {  	[smem:$0x3FB1] =	sst s5  }
0xe: {  	[smem:$0x3FB2] =	sst s6  }
0xf: {  	[smem:$0x3FB3] =	sst s7  }
0x10: {  	[smem:$0x3FB4] =	sst s8  }
0x11: {  	[smem:$0x3FB5] =	sst s9;
	s0 =	simm.s32 @!p0 $0x0  }
0x12: {  	s1 =	sld [smem:$0x3F9B];
	s0 =	simm.s32 @p0 $0x1  }
0x13: {  	[smem:$0x3FB6] =	sst s0;
	s0 =	simm.s32 @!p1 $0x0  }
0x14: {  	s2 =	sld [smem:$0x3F9A];
	s0 =	simm.s32 @p1 $0x1  }
0x15: {  	[smem:$0x3FB7] =	sst s0;
	s0 =	simm.s32 @!p2 $0x0  }
0x16: {  	s3 =	sld [smem:$0x3FDB];
	s0 =	simm.s32 @p2 $0x1  }
0x17: {  	s4 =	simm.s32 $0x1BF5;
	[smem:$0x3FB9] =	sst s0  }
0x18: {  	s0 =	sld [smem:$0x3F9C];
	_ =	swait.ge [sflag:s4], $0x0  }
0x19: {  	s7 =	sld [smem:$0x3F9D]  }
0x1a: {  	s8 =	sadd.s32 $0xFFFFE003, lr  }
0x1b: {  	s9 =	sadd.s32 $0xFFFFFEF7, lr;
	s5 =	simm.s32 $0xFFFFFFFF;
	p2 =	slt.u32 s8, $0xFFFFF086  }
0x1c: {  	p1 =	slt.u32 s9, $0xF7A;
	s5 =	simm.s32 @!p2 $0x0  }
0x1d: {  	s5 =	simm.s32 @p1 $0x1;
	p0 =	seq.s32 s7, s2  }
0x1e: {  	s7 =	smul.u32 @!p0 $0xF7A, s2;
	p2 =	seq.s32 @!p0 s5, $0x0  }
0x1f: {  	s9 =	smul.u32 $0xF7A, s1;
	s8 =	simm.s32 @!p0 $0x1BF5;
	p2 =	por !p2, p0  }
0x20: {  	[sflag:s8] =	ssyncset.s32 @!p0 $0xFFFFF086;
	s6 =	sadd.s32 @!p0 s3, s7;
	s7 =	simm.s32 @!p0 $0x108  }
0x21: {  	s3 =	sadd.s32 s3, s9;
	s6 =	sadd.s32 @!p0 $0x88, s6;
	s7 =	simm.s32 @p2 $0x1082  }
0x22: {  	[simem:s7], [sflag:s8] =	dma.local @!p0 [hbm:s6], $0xF7A  }
0x23: {  	s9 =	sor.u32 $0xD0000000, s2;
	s6 =	simm.s32 $0x108;
	_ =	swait.ge @!p0 [sflag:s8], $0x0  }
0x24: {  	s3 =	sadd.s32 $0x88, s3;
	s6 =	simm.s32 @!p1 $0x1082;
	[sflag:s4] =	ssyncset.s32 $0xFFFFF086  }
0x25: {  	[simem:s6], [sflag:s4] =	dma.local [hbm:s3], $0xF7A  }
0x26: {  	[smem:$0x3F9D] =	sst s1;
	(tag) =	ssettag s2;
	_ =	strace s9  }
0x27: {  	s1 =	sld [smem:$0x3FAD]  }
0x28: {  	s2 =	sld [smem:$0x3FAE]  }
0x29: {  	s4 =	sld [smem:$0x3FB0]  }
0x2a: {  	p0 =	seq.s32 s5, $0x0;
	s5 =	sld [smem:$0x3FB1]  }
0x2b: {  	s6 =	sld [smem:$0x3FB2]  }
0x2c: {  	s7 =	sld [smem:$0x3FB3]  }
0x2d: {  	s3 =	simm.s32 $0x108;
	s8 =	sld [smem:$0x3FB4]  }
0x2e: {  	s3 =	simm.s32 @!p0 $0x1082;
	s9 =	sld [smem:$0x3FB5]  }
0x2f: {  	lr =	sadd.s32 s0, s3;
	s0 =	sld [smem:$0x3FAC]  }
0x30: {  	s3 =	sld [smem:$0x3FAF]  }
0x31: {  	[smem:$0x3FB8] =	sst s10  }
0x32: {  	s10 =	sld [smem:$0x3FB6];
	_ =	sdelay $0x3  }
0x33: {  	p0 =	seq.s32 s10, $0x1;
	s10 =	sld [smem:$0x3FB8];
	_ =	sdelay $0x3  }
0x34: {  	[smem:$0x3FB8] =	sst s10  }
0x35: {  	s10 =	sld [smem:$0x3FB7];
	_ =	sdelay $0x3  }
0x36: {  	p1 =	seq.s32 s10, $0x1;
	s10 =	sld [smem:$0x3FB8];
	_ =	sdelay $0x3  }
0x37: {  	[smem:$0x3FB8] =	sst s10  }
0x38: {  	s10 =	sld [smem:$0x3FB9]  }
0x39: {  	_ = 	snop;
	(pc) =	sbr.ind lr, $3  }
0x3a: {  	_ = 	snop  }
0x3b: {  	_ = 	snop  }
0x3c: {  	p2 =	seq.s32 s10, $0x1;
	s10 =	sld [smem:$0x3FB8]  }
0x3d: {  	_ =	shalt  }
0x3e: {  	_ =	shalt  }
0x3f: {  	_ =	shalt  }
0x40: {  	_ =	shalt  }
0x41: {  	_ =	shalt  }
0x42: {  	_ =	shalt  }
0x43: {  	_ =	shalt  }
0x44: {  	_ =	shalt  }
0x45: {  	_ =	shalt  }
0x46: {  	_ =	shalt  }
0x47: {  	_ =	shalt  }
0x48: {  	_ =	shalt  }
0x49: {  	_ =	shalt  }
0x4a: {  	_ =	shalt  }
0x4b: {  	_ =	shalt  }
0x4c: {  	_ =	shalt  }
0x4d: {  	_ =	shalt  }
0x4e: {  	_ =	shalt  }
0x4f: {  	_ =	shalt  }
0x50: {  	_ =	shalt  }
0x51: {  	_ =	shalt  }
0x52: {  	_ =	shalt  }
0x53: {  	_ =	shalt  }
0x54: {  	_ =	shalt  }
0x55: {  	_ =	shalt  }
0x56: {  	_ =	shalt  }
0x57: {  	_ =	shalt  }
0x58: {  	_ =	shalt  }
0x59: {  	_ =	shalt  }
0x5a: {  	_ =	shalt  }
0x5b: {  	_ =	shalt  }
0x5c: {  	_ =	shalt  }
0x5d: {  	_ =	shalt  }
0x5e: {  	_ =	shalt  }
0x5f: {  	_ =	shalt  }
0x60: {  	_ =	shalt  }
0x61: {  	_ =	shalt  }
0x62: {  	_ =	shalt  }
0x63: {  	_ =	shalt  }
0x64: {  	_ =	shalt  }
0x65: {  	_ =	shalt  }
0x66: {  	_ =	shalt  }
0x67: {  	_ =	shalt  }
0x68: {  	_ =	shalt  }
0x69: {  	_ =	shalt  }
0x6a: {  	_ =	shalt  }
0x6b: {  	_ =	shalt  }
0x6c: {  	_ =	shalt  }
0x6d: {  	_ =	shalt  }
0x6e: {  	_ =	shalt  }
0x6f: {  	_ =	shalt  }
0x70: {  	_ =	shalt  }
0x71: {  	_ =	shalt  }
0x72: {  	_ =	shalt  }
0x73: {  	_ =	shalt  }
0x74: {  	_ =	shalt  }
0x75: {  	_ =	shalt  }
0x76: {  	_ =	shalt  }
0x77: {  	_ =	shalt  }
0x78: {  	_ =	shalt  }
0x79: {  	_ =	shalt  }
0x7a: {  	_ =	shalt  }
0x7b: {  	_ =	shalt  }
0x7c: {  	_ =	shalt  }
0x7d: {  	_ =	shalt  }
0x7e: {  	_ =	shalt  }
0x7f: {  	_ =	shalt  }
0x80: {  	_ =	shalt  }
0x81: {  	_ =	shalt  }
0x82: {  	_ =	shalt  }
0x83: {  	_ =	shalt  }
0x84: {  	_ =	shalt  }
0x85: {  	_ =	shalt  }
0x86: {  	_ =	shalt  }
0x87: {  	_ =	shalt  }
.Lfunc_end0:
.L_simem_size_0:
called_computation_lowered:
.L_overlay_start_0:
0x88: {  	s2 =	sld [smem:$0x3FD9]  }
0x89: {  	s3 =	sld [smem:$0x3FFE];
	_ =	sdelay $0x1  }
0x8a: {  	s1 =	srdreg.scid  }
0x8b: {  	s0 =	sand.u32 $0x1, s1  }
0x8c: {  	s17 =	sshll.u32 s0, $0xA;
	s2 =	sadd.s32 s3, s2  }
0x8d: {  	s2 =	sadd.s32 s2, s17  }
0x8e: {  	[smem:$0x3FC4] =	sst s2  }
0x8f: {  	_ = 	snop  }
0x90: {  	s2 =	sld [smem:$0x3FD0];
	(tm) =	ssettm $0x1  }
0x91: {  	s18 =	sld [smem:$0x3FFB];
	_ =	sdelay $0x3  }
0x92: {  	_ =	strace s18  }
0x93: {  	s3 =	sld [smem:$0x3FFC];
	_ =	sdelay $0x3  }
0x94: {  	_ =	strace s3  }
0x95: {  	s3 =	sld [smem:$0x3FFD];
	_ =	sdelay $0x3  }
0x96: {  	_ =	strace s3  }
0x97: {  	_ =	strace $0x8FFFFFFF  }
0x98: {  	s19 =	sld [smem:$0x3FDB];
	_ =	sdelay $0x1  }
0x99: {  	s4 =	simm.s32 $_scs_section_size  }
0x9a: {  	s5 =	simm.s32 $_size__tile_overlayer_lowered;
	s6 =	simm.s32 $_tile_overlayer_lowered  }
0x9b: {  	s22 =	simm.s32 $0x1BFF;
	s21 =	sshll.u32 s6, $0x1;
	s3 =	sadd.s32 s4, s19  }
0x9c: {  	s7 =	simm.s32 $0x0;
	s20 =	sshll.u32 s5, $0x1;
	s5 =	sadd.s32 s21, s3  }
0x9d: {  	[timem:s7], [sflag:s22] =	dma.local [hbm:s5], s20  }
0x9e: {  	_ =	swait.ge [sflag:s22], s20  }
0x9f: {  	s4 =	ssub.s32 $0x0, s20;
	[sflag:s22] =	ssyncset.done $0x0  }
0xa0: {  	[sflag:s22] =	ssyncadd.s32 s4;
	_ =	sdelay $0x1  }
0xa1: {  	s23 =	simm.s32 $0x1B8B  }
0xa2: {  	_ =	swait.ge [sflag:s23], $0x1  }
0xa3: {  	[sflag:s23] =	ssyncset.done $0x0  }
0xa4: {  	s25 =	simm.s32 $0x1B8E;
	s24 =	sld [smem:$0x3FFE];
	[sflag:s23] =	ssyncadd.s32 $0xFFFFFFFF  }
0xa5: {  	s26 =	simm.s32 $execute0_lowered;
	[smem:$0x3FD2] =	sst s25  }
0xa6: {  	s5 =	sshll.u32 s26, $0x1;
	_ =	strace $0x80000046;
	[dreg:$0x1] =	wrdreg $0xFFFFFFFF  }
0xa7: {  	s28 =	simm.s32 $_size_execute0_lowered;
	s3 =	sadd.s32 s3, s5;
	[dreg:$0x0] =	wrdreg $0x0  }
0xa8: {  	s5 =	sshll.u32 s28, $0x1;
	[dreg:$0x2] =	wrdreg s3  }
0xa9: {  	[dreg:$0x3] =	wrdreg s5  }
0xaa: {  	[dreg:$0x4] =	wrdreg $0xC0  }
0xab: {  	_ =	task [dreg:s7], $0x5FFFF  }
0xac: {  	[dreg:$0x1] =	wrdreg $0xFFFFFFFF  }
0xad: {  	[dreg:$0x0] =	wrdreg $0x60  }
0xae: {  	[dreg:$0x2] =	wrdreg s2  }
0xaf: {  	[dreg:$0x3] =	wrdreg s24  }
0xb0: {  	[dreg:$0x4] =	wrdreg $0xC2B00  }
0xb1: {  	[dreg:$0x5] =	wrdreg $0x1FB300  }
0xb2: {  	[dreg:$0x6] =	wrdreg $0x9  }
0xb3: {  	_ =	task.clear_ibuf [dreg:s7], $0x7FFFF;
	_ =	strace $0x90000046  }
0xb4: {  	s29 =	simm.s32 $0x9;
	_ =	strace $0x80000048  }
0xb5: {  	_ =	swait.ge [sflag:s29], $0x1  }
0xb6: {  	[sflag:s29] =	ssyncadd.s32 $0xFFFFFFFF  }
0xb7: {  	_ =	strace $0x90000048  }
0xb8: {  	_ =	sfence  }
0xb9: {  	s30 =	sld [smem:$0x0];
	_ =	sdelay $0x2  }
0xba: {  	s31 =	sshll.u32 s1, $0xD;
	s1 =	sshrl.u32 s1, $0x2  }
0xbb: {  	s3 =	sand.u32 $0x4000, s31;
	s1 =	sadd.s32 s1, s30  }
0xbc: {  	s0 =	sor.u32 s3, s0;
	s1 =	sshll.u32 s1, $0x11  }
0xbd: {  	s0 =	sor.u32 s1, s0  }
0xbe: {  	s0 =	sadd.s32 $0x8F2B, s0  }
0xbf: {  	[sflag:s0] =	ssyncadd.remote.s32 $0x1  }
0xc0: {  	_ =	sfence.sel $0xFFFF  }
0xc1: {  	[dreg:$0x0] =	wrdreg $0xFFFFFFFF;
	(pc) =	sbr.abs _section_cstart, $3  }
0xc2: {  	[dreg:$0x1] =	wrdreg $0xFFFFFFFF  }
0xc3: {  	_ =	task.clear_ibuf [dreg:s7], $0x2FFFF;
	_ =	strace $0x9FFFFFFF  }
0xc4: {  	(tm) =	ssettm $0x7FFFFFFF  }
0xc5: {  	_ =	shalt  }
tec
execute0_lowered:
.L_overlay_start_1:
0x0: {  	(tag) =	ssettag $0x1  }
0x1: {  	s1 =	rddreg [dreg:$0x0]  }
0x2: {  	s0 =	rddreg [dreg:$0x1]  }
0x3: {  	s2 =	rddreg [dreg:$0x2]  }
0x4: {  	s3 =	rddreg [dreg:$0x3]  }
0x5: {  	s4 =	srdreg.scid;
	s12 =	stileid.u32;
	s5 =	simm.s32 $0x0  }
0x6: {  	s4 =	sand.u32 $0x1, s4;
	s6 =	smul.u32 $0x13880, s12;
	[smem:$0x7FF] =	sst s5  }
0x7: {  	s8 =	sadd.s32 $0x14400, s0;
	s25 =	sadd.s32 $0x14A00, s0;
	s10 =	sadd.s32 $0x14200, s0  }
0x8: {  	s7 =	smul.u32 $0x138800, s4;
	_ =	strace $0x80000047;
	[dreg:$0x5] =	wrdreg s8  }
0x9: {  	s26 =	smul.u32 $0x4E200, s12;
	[dreg:$0x6] =	wrdreg s25;
	s8 =	sadd.s32 $0x800, s0  }
0xa: {  	s9 =	smul.u32 $0x4E2, s4;
	s28 =	ssub.s32 $0x2, s4;
	s7 =	sadd.s32 s6, s7  }
0xb: {  	[dreg:$0x7] =	wrdreg s10;
	s11 =	sshrl.u32 s28, $0x1;
	s7 =	sshrl.u32 s7, $0x3  }
0xc: {  	s10 =	sshrl.u32 s26, $0x2;
	s14 =	sadd.s32 s6, s2;
	s7 =	sadd.s32 s7, s0  }
0xd: {  	s0 =	sadd.s32 s9, s0;
	s9 =	ssub.s32 s28, s11;
	s11 =	sadd.s32 s10, s2  }
0xe: {  	[dreg:$0x8] =	wrdreg s14;
	s13 =	sadd.s32 $0x1400, s11  }
0xf: {  	s15 =	sadd.s32 $0x2800, s11;
	[dreg:$0x9] =	wrdreg s13  }
0x10: {  	s16 =	sadd.s32 $0x3C00, s11;
	[dreg:$0xa] =	wrdreg s15  }
0x11: {  	s17 =	sadd.s32 $0x5000, s11;
	[dreg:$0xb] =	wrdreg s16  }
0x12: {  	s18 =	sadd.s32 $0x6400, s11;
	[dreg:$0xc] =	wrdreg s17  }
0x13: {  	s19 =	sadd.s32 $0x7800, s11;
	[dreg:$0xd] =	wrdreg s18  }
0x14: {  	s20 =	sadd.s32 $0x8C00, s11;
	[dreg:$0xe] =	wrdreg s19  }
0x15: {  	s21 =	sadd.s32 $0xA000, s11;
	[dreg:$0xf] =	wrdreg s20  }
0x16: {  	s22 =	sadd.s32 $0xB400, s11;
	[dreg:$0x10] =	wrdreg s21  }
0x17: {  	s23 =	sadd.s32 $0xC800, s11;
	[dreg:$0x11] =	wrdreg s22  }
0x18: {  	s24 =	sadd.s32 $0xDC00, s11;
	[dreg:$0x12] =	wrdreg s23  }
0x19: {  	s25 =	sadd.s32 $0xF000, s11;
	[dreg:$0x13] =	wrdreg s24  }
0x1a: {  	s26 =	sadd.s32 $0x10400, s11;
	[dreg:$0x14] =	wrdreg s25  }
0x1b: {  	s28 =	sadd.s32 $0x11800, s11;
	[dreg:$0x15] =	wrdreg s26  }
0x1c: {  	s11 =	sadd.s32 $0x12C00, s11;
	[dreg:$0x16] =	wrdreg s28  }
0x1d: {  	s29 =	simm.s32 $0x6D60;
	s0 =	sadd.s32 $0x15000, s0;
	[dreg:$0x17] =	wrdreg s11  }
0x1e: {  	s30 =	simm.s32 $0x28;
	s13 =	sadd.s32 $0x15A00, s7;
	[dreg:$0x1a] =	wrdreg s0  }
0x1f: {  	s31 =	simm.s32 $0x6E00;
	s15 =	smax.u32 s9, $0x1;
	[dreg:$0x19] =	wrdreg s13  }
0x20: {  	p0 =	sne.s32 s12, $0x0;
	s16 =	sadd.s32 $0x3E8, s3;
	[dreg:$0x1b] =	wrdreg s15  }
0x21: {  	s4 =	sshll.u32 s4, $0x4;
	s17 =	sadd.s32 $0x7D0, s3;
	[dreg:$0x1c] =	wrdreg s16  }
0x22: {  	s4 =	sor.u32 s12, s4;
	s18 =	sadd.s32 $0xBB8, s3;
	[dreg:$0x1d] =	wrdreg s17  }
0x23: {  	s12 =	simm.s32 $0x5;
	s19 =	sadd.s32 $0xFA0, s3;
	[dreg:$0x1e] =	wrdreg s18  }
0x24: {  	s10 =	smul.u32 $0x7D, s4;
	s20 =	sadd.s32 $0x1388, s3;
	[dreg:$0x1f] =	wrdreg s19  }
0x25: {  	s4 =	smul.u32 $0x2710, s4;
	s21 =	sadd.s32 $0x1770, s3;
	[smem:$0x7F6] =	sst s20  }
0x26: {  	s6 =	simm.s32 $0x2;
	s22 =	sadd.s32 $0x1B58, s3;
	[smem:$0x7F7] =	sst s21  }
0x27: {  	v0 =	vlaneseq.u32;
	s4 =	sshrl.u32 s4, $0x3;
	s23 =	sadd.s32 $0x1F40, s3;
	[smem:$0x7F8] =	sst s22  }
0x28: {  	v0 =	vmul.u32 $0x2, v0;
	s24 =	sadd.s32 $0x2328, s3;
	s7 =	simm.s32 $0x4;
	[smem:$0x7F9] =	sst s23  }
0x29: {  	s11 =	simm.s32 $0x0;
	s4 =	sadd.s32 s8, s4;
	[smem:$0x7FA] =	sst s24  }
.Ltmp0:
0x2a: {  	v5 =	vor.u32 $0x21, v0;
	v7 =	vor.u32 $0x41, v0;
	s19 =	simm.s32 $0x8;
	s20 =	simm.s32 $0x2710;
	(pc) =	sbr.rel .LBB2_1-.Ltmp0, $4  }
0x2b: {  	v4 =	vor.u32 $0x20, v0;
	v8 =	vor.u32 $0x60, v0;
	s21 =	simm.s32 $0x96A0;
	s25 =	sadd.s32 $0xFA, s4;
	[dreg:$0x18] =	wrdreg s4  }
0x2c: {  	v9 =	vor.u32 $0x61, v0;
	s22 =	simm.s32 $0x50;
	s26 =	sadd.s32 $0x9C40, s4;
	[smem:$0x7FB] =	sst s25  }
0x2d: {  	v2 =	vimm.s32 $0x0;
	vm0 =	vcmask $0x300;
	v1 =	vimm.f32 $0.0e+00;
	s24 =	simm.s32 $0x3;
	s28 =	sadd.s32 $0x9D3A, s4;
	[smem:$0x7FC] =	sst s26  }
0x2e: {  	v2 =	vsel vm0, $0x3, v2;
	v3 =	vor.u32 $0x1, v0;
	v6 =	vor.u32 $0x40, v0;
	s4 =	simm.s32 $0xAAA0;
	[smem:$0x7FD] =	sst s28;
	s26 =	simm.s32 $0x1  }
.LBB2_21:
0x2f: {  	_ =	swait.ge [sflag:s7], $0x1400  }
0x30: {  	[sflag:s7] =	ssyncset.done $0x0  }
0x31: {  	[sflag:s7] =	ssyncadd.s32 $0xFFFFEC00  }
0x32: {  	_ =	swait.ge [sflag:s12], $0x1400  }
0x33: {  	[sflag:s12] =	ssyncset.done $0x0  }
0x34: {  	s0 =	simm.s32 $0x6;
	[sflag:s12] =	ssyncadd.s32 $0xFFFFEC00  }
0x35: {  	_ =	swait.ge [sflag:s0], $0x50  }
0x36: {  	[sflag:s0] =	ssyncset.done $0x0  }
0x37: {  	s18 =	simm.s32 $0x7;
	[sflag:s0] =	ssyncadd.s32 $0xFFFFFFB0  }
0x38: {  	_ =	swait.ge [sflag:s18], $0x50  }
0x39: {  	[sflag:s18] =	ssyncset.done $0x0  }
0x3a: {  	[sflag:s18] =	ssyncadd.s32 $0xFFFFFFB0  }
0x3b: {  	s23 =	stileid.u32;
	[bflag:$0x0] =	sbarrier.arrive $0xFFFF  }
0x3c: {  	s0 =	sshll.u32 s23, $0x6;
	s14 =	rddreg [dreg:$0x8]  }
0x3d: {  	s0 =	sor.u32 $0x1C08, s0;
	s11 =	rddreg [dreg:$0x19];
	s9 =	sshrl.u32 s14, $0x3  }
0x3e: {  	[hbm:s11], [sflag:s0] =	dma.local [spmem:s9], $0x2710  }
0x3f: {  	_ =	swait.ge [sflag:s19], $0x2710  }
0x40: {  	[sflag:s19] =	ssyncset.done $0x0  }
0x41: {  	s9 =	sshrl.u32 @!p0 s3, $0x3;
	s11 =	rddreg [dreg:$0x1a];
	[sflag:s19] =	ssyncadd.s32 $0xFFFFD8F0  }
0x42: {  	[hbm:s11], [sflag:s0] =	dma.local @!p0 [spmem:s9], $0x4E2  }
0x43: {  	s0 =	simm.s32 @!p0 $0x8  }
0x44: {  	_ =	swait.ge @!p0 [sflag:s0], $0x4E2  }
0x45: {  	s25 =	sld [smem:$0x7F5];
	_ =	sdelay $0x2  }
0x46: {  	s28 =	rddreg [dreg:$0x1b];
	s11 =	sadd.s32 $0x1, s25  }
0x47: {  	p1 =	sne.s32 s11, s28  }
.Ltmp1:
0x48: {  	_ = 	snop;
	(pc) =	sbr.rel @!p1 .LBB2_22-.Ltmp1, $3  }
0x49: {  	_ =	sdelay $0x1  }
0x4a: {  	[sflag:s0] =	ssyncset.done @!p0 $0x0  }
0x4b: {  	[sflag:s0] =	ssyncadd.s32 @!p0 $0xFFFFFB1E  }
.LBB2_1:
0x4c: {  	[smem:$0x7F5] =	sst s11  }
0x4d: {  	s0 =	rddreg [dreg:$0x5]  }
0x4e: {  	[tilespmem:s5], [sflag:$0x8] =	stream.linear.gather [hbm4b:s0+s5], $0x2710, $0x38;
	[tilespmem:$0x1FDA8] =	vst v63  }
0x4f: {  	_ =	swait.ge [sflag:s19], $0x2710  }
0x50: {  	[sflag:s19] =	ssyncset.done $0x0  }
0x51: {  	s25 =	rddreg [dreg:$0x6];
	[sflag:s19] =	ssyncadd.s32 $0xFFFFD8F0  }
0x52: {  	[tilespmem:s20], [sflag:$0x8] =	stream.linear.gather [hbm4b:s25+s5], $0x2710, $0x38;
	[tilespmem:$0x1FDA8] =	vst v63  }
0x53: {  	_ =	swait.ge [sflag:s19], $0x2710  }
0x54: {  	[sflag:s19] =	ssyncset.done $0x0  }
0x55: {  	s9 =	simm.s32 $0xC2A0;
	s28 =	rddreg [dreg:$0x7];
	[sflag:s19] =	ssyncadd.s32 $0xFFFFD8F0  }
0x56: {  	[tilespmem:s9], [sflag:$0x8] =	stream.linear.gather [hbm4b:s28+s5], $0x10, $0x38;
	[tilespmem:$0x1FDA8] =	vst v63  }
0x57: {  	_ =	swait.ge [sflag:s19], $0x10  }
0x58: {  	[sflag:s19] =	ssyncset.done $0x0  }
0x59: {  	s11 =	simm.s32 $0x40;
	s13 =	simm.s32 $0x300;
	[sflag:s19] =	ssyncadd.s32 $0xFFFFFFF0  }
.LBB2_2:
0x5a: {  	p1 =	sne.s32 s13, $0x4F00;
	[tilespmem:s11+$0xAAD0] =	vst v1  }
0x5b: {  	[tilespmem:s11+$0x9660] =	vst v1  }
0x5c: {  	[tilespmem:s11+$0x9670] =	vst v1  }
0x5d: {  	[tilespmem:s11+$0x9680] =	vst v1  }
0x5e: {  	[tilespmem:s11+$0x9690] =	vst v1  }
0x5f: {  	[tilespmem:s11+$0x96A0] =	vst v1  }
0x60: {  	[tilespmem:s11+$0x96B0] =	vst v1  }
0x61: {  	[tilespmem:s11+$0x96C0] =	vst v1  }
0x62: {  	[tilespmem:s11+$0x96D0] =	vst v1  }
0x63: {  	[tilespmem:s11+$0xAA60] =	vst v1  }
0x64: {  	[tilespmem:s11+$0xAA70] =	vst v1  }
.Ltmp2:
0x65: {  	[tilespmem:s11+$0xAA80] =	vst v1;
	(pc) =	sbr.rel @p1 .LBB2_2-.Ltmp2, $4  }
0x66: {  	[tilespmem:s11+$0xAA90] =	vst v1  }
0x67: {  	[tilespmem:s11+$0xAAA0] =	vst v1  }
0x68: {  	[tilespmem:s11+$0xAAB0] =	vst v1  }
0x69: {  	[tilespmem:s11+$0xAAC0] =	vst v1;
	s11 =	sshra.s32 s13, $0x2;
	s13 =	sadd.s32 $0x200, s13  }
0x6a: {  	[tilespmem:s11+$0xAAD0] =	vst v1  }
0x6b: {  	[tilespmem:s11+$0x9660] =	vst v1  }
0x6c: {  	[tilespmem:s11+$0x9670] =	vst v1  }
0x6d: {  	[tilespmem:s11+$0x9680] =	vst v1  }
0x6e: {  	[tilespmem:s11+$0x9690] =	vst v1  }
0x6f: {  	[tilespmem:s11+$0x96A0] =	vst v1  }
0x70: {  	[tilespmem:s11+$0x96B0] =	vst v1  }
0x71: {  	[tilespmem:s11+$0x96C0] =	vst v1  }
0x72: {  	[tilespmem:s11+$0x96D0] =	vst v1  }
0x73: {  	[tilespmem:s11+$0xAA60] =	vst v1  }
0x74: {  	[tilespmem:s11+$0xAA70] =	vst v1  }
0x75: {  	[tilespmem:s11+$0xAA80] =	vst v1  }
0x76: {  	[tilespmem:s11+$0xAA90] =	vst v1  }
0x77: {  	[tilespmem:s11+$0xAAA0] =	vst v1  }
0x78: {  	[tilespmem:s11+$0xAAB0] =	vst v1  }
0x79: {  	[tilespmem:s11+$0xAAC0] =	vst v1;
	s11 =	simm.s32 $0x40;
	s13 =	simm.s32 $0x0  }
.LBB2_4:
0x7a: {  	p1 =	sne.s32 s11, $0xFC0;
	[tilespmem:s13+$0xBEA0] =	vst v1;
	s13 =	smov.u32 s11;
	s11 =	sadd.s32 $0x40, s11  }
.Ltmp3:
0x7b: {  	(pc) =	sbr.rel @p1 .LBB2_4-.Ltmp3, $2  }
0x7c: {  	_ =	sdelay $0x2  }
0x7d: {  	s13 =	sshra.s32 s13, $0x2  }
0x7e: {  	[tilespmem:s13+$0xBEA0] =	vst v1  }
0x7f: {  	[spmem:s14] =	stream.linear.scatter [tilespmem:s21], [sflag:$0x8], $0x1400, $0x38;
	[tilespmem:$0x1FDA8] =	vst v63  }
0x80: {  	_ =	swait.ge [sflag:s19], $0x1400  }
0x81: {  	[sflag:s19] =	ssyncset.done $0x0  }
0x82: {  	s0 =	rddreg [dreg:$0x9];
	[sflag:s19] =	ssyncadd.s32 $0xFFFFEC00  }
0x83: {  	[spmem:s0] =	stream.linear.scatter [tilespmem:s21], [sflag:$0x8], $0x1400, $0x38;
	[tilespmem:$0x1FDA8] =	vst v63  }
0x84: {  	_ =	swait.ge [sflag:s19], $0x1400  }
0x85: {  	[sflag:s19] =	ssyncset.done $0x0  }
0x86: {  	s28 =	rddreg [dreg:$0xa];
	[sflag:s19] =	ssyncadd.s32 $0xFFFFEC00  }
0x87: {  	[spmem:s28] =	stream.linear.scatter [tilespmem:s21], [sflag:$0x8], $0x1400, $0x38;
	[tilespmem:$0x1FDA8] =	vst v63  }
0x88: {  	_ =	swait.ge [sflag:s19], $0x1400  }
0x89: {  	[sflag:s19] =	ssyncset.done $0x0  }
0x8a: {  	s9 =	rddreg [dreg:$0xb];
	[sflag:s19] =	ssyncadd.s32 $0xFFFFEC00  }
0x8b: {  	[spmem:s9] =	stream.linear.scatter [tilespmem:s21], [sflag:$0x8], $0x1400, $0x38;
	[tilespmem:$0x1FDA8] =	vst v63  }
0x8c: {  	_ =	swait.ge [sflag:s19], $0x1400  }
0x8d: {  	[sflag:s19] =	ssyncset.done $0x0  }
0x8e: {  	s11 =	rddreg [dreg:$0xc];
	[sflag:s19] =	ssyncadd.s32 $0xFFFFEC00  }
0x8f: {  	[spmem:s11] =	stream.linear.scatter [tilespmem:s21], [sflag:$0x8], $0x1400, $0x38;
	[tilespmem:$0x1FDA8] =	vst v63  }
0x90: {  	_ =	swait.ge [sflag:s19], $0x1400  }
0x91: {  	[sflag:s19] =	ssyncset.done $0x0  }
0x92: {  	s13 =	rddreg [dreg:$0xd];
	[sflag:s19] =	ssyncadd.s32 $0xFFFFEC00  }
0x93: {  	[spmem:s13] =	stream.linear.scatter [tilespmem:s21], [sflag:$0x8], $0x1400, $0x38;
	[tilespmem:$0x1FDA8] =	vst v63  }
0x94: {  	_ =	swait.ge [sflag:s19], $0x1400  }
0x95: {  	[sflag:s19] =	ssyncset.done $0x0  }
0x96: {  	s14 =	rddreg [dreg:$0xe];
	[sflag:s19] =	ssyncadd.s32 $0xFFFFEC00  }
0x97: {  	[spmem:s14] =	stream.linear.scatter [tilespmem:s21], [sflag:$0x8], $0x1400, $0x38;
	[tilespmem:$0x1FDA8] =	vst v63  }
0x98: {  	_ =	swait.ge [sflag:s19], $0x1400  }
0x99: {  	[sflag:s19] =	ssyncset.done $0x0  }
0x9a: {  	s15 =	rddreg [dreg:$0xf];
	[sflag:s19] =	ssyncadd.s32 $0xFFFFEC00  }
0x9b: {  	[spmem:s15] =	stream.linear.scatter [tilespmem:s21], [sflag:$0x8], $0x1400, $0x38;
	[tilespmem:$0x1FDA8] =	vst v63  }
0x9c: {  	_ =	swait.ge [sflag:s19], $0x1400  }
0x9d: {  	[sflag:s19] =	ssyncset.done $0x0  }
0x9e: {  	s16 =	rddreg [dreg:$0x10];
	[sflag:s19] =	ssyncadd.s32 $0xFFFFEC00  }
0x9f: {  	[spmem:s16] =	stream.linear.scatter [tilespmem:s21], [sflag:$0x8], $0x1400, $0x38;
	[tilespmem:$0x1FDA8] =	vst v63  }
0xa0: {  	_ =	swait.ge [sflag:s19], $0x1400  }
0xa1: {  	[sflag:s19] =	ssyncset.done $0x0  }
0xa2: {  	s17 =	rddreg [dreg:$0x11];
	[sflag:s19] =	ssyncadd.s32 $0xFFFFEC00  }
0xa3: {  	[spmem:s17] =	stream.linear.scatter [tilespmem:s21], [sflag:$0x8], $0x1400, $0x38;
	[tilespmem:$0x1FDA8] =	vst v63  }
0xa4: {  	_ =	swait.ge [sflag:s19], $0x1400  }
0xa5: {  	[sflag:s19] =	ssyncset.done $0x0  }
0xa6: {  	s18 =	rddreg [dreg:$0x12];
	[sflag:s19] =	ssyncadd.s32 $0xFFFFEC00  }
0xa7: {  	[spmem:s18] =	stream.linear.scatter [tilespmem:s21], [sflag:$0x8], $0x1400, $0x38;
	[tilespmem:$0x1FDA8] =	vst v63  }
0xa8: {  	_ =	swait.ge [sflag:s19], $0x1400  }
0xa9: {  	[sflag:s19] =	ssyncset.done $0x0  }
0xaa: {  	s23 =	rddreg [dreg:$0x13];
	[sflag:s19] =	ssyncadd.s32 $0xFFFFEC00  }
0xab: {  	[spmem:s23] =	stream.linear.scatter [tilespmem:s21], [sflag:$0x8], $0x1400, $0x38;
	[tilespmem:$0x1FDA8] =	vst v63  }
0xac: {  	_ =	swait.ge [sflag:s19], $0x1400  }
0xad: {  	[sflag:s19] =	ssyncset.done $0x0  }
0xae: {  	s25 =	rddreg [dreg:$0x14];
	[sflag:s19] =	ssyncadd.s32 $0xFFFFEC00  }
0xaf: {  	[spmem:s25] =	stream.linear.scatter [tilespmem:s21], [sflag:$0x8], $0x1400, $0x38;
	[tilespmem:$0x1FDA8] =	vst v63  }
0xb0: {  	_ =	swait.ge [sflag:s19], $0x1400  }
0xb1: {  	[sflag:s19] =	ssyncset.done $0x0  }
0xb2: {  	s28 =	rddreg [dreg:$0x15];
	[sflag:s19] =	ssyncadd.s32 $0xFFFFEC00  }
0xb3: {  	[spmem:s28] =	stream.linear.scatter [tilespmem:s21], [sflag:$0x8], $0x1400, $0x38;
	[tilespmem:$0x1FDA8] =	vst v63  }
0xb4: {  	_ =	swait.ge [sflag:s19], $0x1400  }
0xb5: {  	[sflag:s19] =	ssyncset.done $0x0  }
0xb6: {  	s9 =	rddreg [dreg:$0x16];
	[sflag:s19] =	ssyncadd.s32 $0xFFFFEC00  }
0xb7: {  	[spmem:s9] =	stream.linear.scatter [tilespmem:s21], [sflag:$0x8], $0x1400, $0x38;
	[tilespmem:$0x1FDA8] =	vst v63  }
0xb8: {  	_ =	swait.ge [sflag:s19], $0x1400  }
0xb9: {  	[sflag:s19] =	ssyncset.done $0x0  }
0xba: {  	s11 =	rddreg [dreg:$0x17];
	[sflag:s19] =	ssyncadd.s32 $0xFFFFEC00  }
0xbb: {  	[spmem:s11] =	stream.linear.scatter [tilespmem:s21], [sflag:$0x8], $0xC80, $0x38;
	[tilespmem:$0x1FDA8] =	vst v63  }
0xbc: {  	_ =	swait.ge [sflag:s19], $0xC80  }
0xbd: {  	[sflag:s19] =	ssyncset.done $0x0  }
0xbe: {  	s13 =	simm.s32 @!p0 $0x8;
	s11 =	simm.s32 @!p0 $0xBEA0;
	[sflag:s19] =	ssyncadd.s32 $0xFFFFF380  }
0xbf: {  	[spmem:s3] =	stream.linear.scatter @!p0 [tilespmem:s11], [sflag:$0x8], $0x3E8, $0x38;
	[tilespmem:$0x1FDA8] =	vst v63  }
0xc0: {  	_ =	swait.ge @!p0 [sflag:s13], $0x3E8  }
0xc1: {  	[sflag:s13] =	ssyncset.done @!p0 $0x0  }
0xc2: {  	s0 =	rddreg [dreg:$0x1c];
	[sflag:s13] =	ssyncadd.s32 @!p0 $0xFFFFFC18  }
0xc3: {  	[spmem:s0] =	stream.linear.scatter @!p0 [tilespmem:s11], [sflag:$0x8], $0x3E8, $0x38;
	[tilespmem:$0x1FDA8] =	vst v63  }
0xc4: {  	_ =	swait.ge @!p0 [sflag:s13], $0x3E8  }
0xc5: {  	[sflag:s13] =	ssyncset.done @!p0 $0x0  }
0xc6: {  	s0 =	rddreg [dreg:$0x1d];
	[sflag:s13] =	ssyncadd.s32 @!p0 $0xFFFFFC18  }
0xc7: {  	[spmem:s0] =	stream.linear.scatter @!p0 [tilespmem:s11], [sflag:$0x8], $0x3E8, $0x38;
	[tilespmem:$0x1FDA8] =	vst v63  }
0xc8: {  	_ =	swait.ge @!p0 [sflag:s13], $0x3E8  }
0xc9: {  	[sflag:s13] =	ssyncset.done @!p0 $0x0  }
0xca: {  	s0 =	rddreg [dreg:$0x1e];
	[sflag:s13] =	ssyncadd.s32 @!p0 $0xFFFFFC18  }
0xcb: {  	[spmem:s0] =	stream.linear.scatter @!p0 [tilespmem:s11], [sflag:$0x8], $0x3E8, $0x38;
	[tilespmem:$0x1FDA8] =	vst v63  }
0xcc: {  	_ =	swait.ge @!p0 [sflag:s13], $0x3E8  }
0xcd: {  	[sflag:s13] =	ssyncset.done @!p0 $0x0  }
0xce: {  	s0 =	rddreg [dreg:$0x1f];
	[sflag:s13] =	ssyncadd.s32 @!p0 $0xFFFFFC18  }
0xcf: {  	[spmem:s0] =	stream.linear.scatter @!p0 [tilespmem:s11], [sflag:$0x8], $0x3E8, $0x38;
	[tilespmem:$0x1FDA8] =	vst v63  }
0xd0: {  	_ =	swait.ge @!p0 [sflag:s13], $0x3E8  }
0xd1: {  	s0 =	sld [smem:$0x7F6]  }
0xd2: {  	[sflag:s13] =	ssyncset.done @!p0 $0x0  }
0xd3: {  	[sflag:s13] =	ssyncadd.s32 @!p0 $0xFFFFFC18  }
0xd4: {  	[spmem:s0] =	stream.linear.scatter @!p0 [tilespmem:s11], [sflag:$0x8], $0x3E8, $0x38;
	[tilespmem:$0x1FDA8] =	vst v63  }
0xd5: {  	_ =	swait.ge @!p0 [sflag:s13], $0x3E8  }
0xd6: {  	s0 =	sld [smem:$0x7F7]  }
0xd7: {  	[sflag:s13] =	ssyncset.done @!p0 $0x0  }
0xd8: {  	[sflag:s13] =	ssyncadd.s32 @!p0 $0xFFFFFC18  }
0xd9: {  	[spmem:s0] =	stream.linear.scatter @!p0 [tilespmem:s11], [sflag:$0x8], $0x3E8, $0x38;
	[tilespmem:$0x1FDA8] =	vst v63  }
0xda: {  	_ =	swait.ge @!p0 [sflag:s13], $0x3E8  }
0xdb: {  	s0 =	sld [smem:$0x7F8]  }
0xdc: {  	[sflag:s13] =	ssyncset.done @!p0 $0x0  }
0xdd: {  	[sflag:s13] =	ssyncadd.s32 @!p0 $0xFFFFFC18  }
0xde: {  	[spmem:s0] =	stream.linear.scatter @!p0 [tilespmem:s11], [sflag:$0x8], $0x3E8, $0x38;
	[tilespmem:$0x1FDA8] =	vst v63  }
0xdf: {  	_ =	swait.ge @!p0 [sflag:s13], $0x3E8  }
0xe0: {  	s0 =	sld [smem:$0x7F9]  }
0xe1: {  	[sflag:s13] =	ssyncset.done @!p0 $0x0  }
0xe2: {  	[sflag:s13] =	ssyncadd.s32 @!p0 $0xFFFFFC18  }
0xe3: {  	[spmem:s0] =	stream.linear.scatter @!p0 [tilespmem:s11], [sflag:$0x8], $0x3E8, $0x38;
	[tilespmem:$0x1FDA8] =	vst v63  }
0xe4: {  	_ =	swait.ge @!p0 [sflag:s13], $0x3E8  }
0xe5: {  	s0 =	sld [smem:$0x7FA]  }
0xe6: {  	[sflag:s13] =	ssyncset.done @!p0 $0x0  }
0xe7: {  	[sflag:s13] =	ssyncadd.s32 @!p0 $0xFFFFFC18  }
0xe8: {  	[spmem:s0] =	stream.linear.scatter @!p0 [tilespmem:s11], [sflag:$0x8], $0x3E8, $0x38;
	[tilespmem:$0x1FDA8] =	vst v63  }
0xe9: {  	_ =	swait.ge @!p0 [sflag:s13], $0x3E8  }
0xea: {  	s18 =	simm.s32 $0x0;
	[sflag:s13] =	ssyncset.done @!p0 $0x0  }
0xeb: {  	s9 =	simm.s32 $0x4E20;
	[sflag:s13] =	ssyncadd.s32 @!p0 $0xFFFFFC18;
	s13 =	rddreg [dreg:$0x18]  }
0xec: {  	v10 =	vld [tilespmem:$0xC2A0];
	[tilespmem:s9], [sflag:$0x8] =	stream.linear.gather [hbm4b:s13+s18], $0x7D0, $0x38  }
0xed: {  	_ =	swait.ge [sflag:s19], $0x7D0  }
0xee: {  	s14 =	sld [smem:$0x7FB]  }
0xef: {  	[sflag:s19] =	ssyncset.done $0x0  }
0xf0: {  	s15 =	simm.s32 $0x5DC0;
	s16 =	sld [smem:$0x7FC];
	[sflag:s19] =	ssyncadd.s32 $0xFFFFF830  }
0xf1: {  	[tilespmem:s15], [sflag:$0x3] =	stream.linear.gather [hbm4b:s14+s18], $0x7D0, $0x38;
	[tilespmem:$0x1FDA8] =	vst v63  }
0xf2: {  	s17 =	simm.s32 $0x55F0  }
0xf3: {  	[tilespmem:s17], [sflag:$0x8] =	stream.linear.gather [hbm4b:s16+s18], $0x7D0, $0x38;
	[tilespmem:$0x1FDA8] =	vst v63  }
0xf4: {  	_ =	swait.ge [sflag:s19], $0x7D0  }
0xf5: {  	s23 =	sld [smem:$0x7FD]  }
0xf6: {  	[sflag:s19] =	ssyncset.done $0x0  }
0xf7: {  	s25 =	simm.s32 $0x6590;
	[sflag:s19] =	ssyncadd.s32 $0xFFFFF830  }
0xf8: {  	[tilespmem:s25], [sflag:$0x3] =	stream.linear.gather [hbm4b:s23+s18], $0x7D0, $0x38;
	[tilespmem:$0x1FDA8] =	vst v63  }
.Ltmp4:
0xf9: {  	_ = 	snop;
	(pc) =	sbr.rel .LBB2_6-.Ltmp4, $3  }
0xfa: {  	s28 =	simm.s32 $0x6EA0  }
0xfb: {  	[tilespmem:s28], [sflag:$0x1] =	stream.indirect.gather [hbm4b:s1+s22], $0x40, s9, s22, $0xb8;
	[tilespmem:$0x1FDA8] =	vst v63  }
0xfc: {  	[bflag:$0x0] =	sbarrier.arrive $0xFFFF;
	_ =	sdelay $0x1  }
.LBB2_20:
0xfd: {  	s18 =	sadd.s32 $0x1, s18  }
0xfe: {  	p1 =	sne.s32 s18, $0x3F  }
.Ltmp5:
0xff: {  	_ = 	snop;
	(pc) =	sbr.rel @!p1 .LBB2_21-.Ltmp5, $1  }
0x100: {  	_ =	sdelay $0x3  }
.LBB2_6:
0x101: {  	s16 =	sshllo.u32 s18, $0x1  }
0x102: {  	s11 =	smul.u32 $0x29, s16;
	_ =	sdelay $0x1  }
0x103: {  	s11 =	sshrl.u32 s11, $0xA  }
0x104: {  	s15 =	sand.u32 $0x3F, s11  }
0x105: {  	s11 =	smul.u32 $0x19, s15;
	_ =	sdelay $0x1  }
0x106: {  	s11 =	ssub.s32 s16, s11  }
0x107: {  	s28 =	sand.u32 $0xFF, s11  }
0x108: {  	p1 =	slt.u32 s16, $0x7D;
	p2 =	seq.s32 s28, $0x0  }
0x109: {  	p1 =	por !p1, !p2  }
0x10a: {  	p2 =	por !p1, !p1  }
.Ltmp6:
0x10b: {  	_ = 	snop;
	(pc) =	sbr.rel @!p2 .LBB2_8-.Ltmp6, $1  }
0x10c: {  	_ =	sdelay $0x3  }
0x10d: {  	_ =	swait.ge [sflag:s24], $0x7D0  }
.Ltmp7:
0x10e: {  	[sflag:s24] =	ssyncset.done $0x0;
	(pc) =	sbr.rel .LBB2_9-.Ltmp7, $4  }
0x10f: {  	[sflag:s24] =	ssyncadd.s32 $0xFFFFF830  }
0x110: {  	_ =	swait.ge [sflag:s24], $0x7D0  }
0x111: {  	[sflag:s24] =	ssyncset.done $0x0  }
0x112: {  	[sflag:s24] =	ssyncadd.s32 $0xFFFFF830  }
.LBB2_8:
0x113: {  	p1 =	sgt.u32 s16, $0x7C  }
.Ltmp8:
0x114: {  	_ = 	snop;
	(pc) =	sbr.rel @p1 .LBB2_10-.Ltmp8, $1  }
0x115: {  	_ =	sdelay $0x3  }
.LBB2_9:
0x116: {  	s11 =	sand.u32 $0x1, s15;
	s13 =	smul.u32 $0x140, s28  }
0x117: {  	p1 =	seq.s32 s11, $0x1;
	s11 =	simm.s32 $0xFA0  }
0x118: {  	s11 =	simm.s32 @!p1 $0x0;
	s13 =	sshrl.u32 s13, $0x2  }
0x119: {  	s11 =	sadd.s32 s13, s11  }
0x11a: {  	s0 =	simm.s32 $0x82A0;
	s11 =	sadd.s32 $0x4E20, s11  }
0x11b: {  	[tilespmem:s0], [sflag:$0x2] =	stream.indirect.gather [hbm4b:s1+s22], $0x40, s11, s22, $0xb8;
	[tilespmem:$0x1FDA8] =	vst v63  }
.LBB2_10:
0x11c: {  	s11 =	smul.u32 $0x52, s18;
	_ =	sdelay $0x1  }
0x11d: {  	s13 =	sshrl.u32 s11, $0xA  }
0x11e: {  	s11 =	sand.u32 $0x3F, s13  }
0x11f: {  	s14 =	smul.u32 $0x19, s11  }
0x120: {  	s11 =	sshll.u32 s18, $0x1  }
0x121: {  	p1 =	seq.s32 s18, $0x0;
	s13 =	sand.u32 $0x1, s13;
	s14 =	ssub.s32 s11, s14  }
0x122: {  	p3 =	seq.s32 s13, $0x1;
	s13 =	simm.s32 @!p1 $0x6;
	s14 =	sand.u32 $0xFF, s14  }
0x123: {  	s17 =	simm.s32 $0xFA0;
	_ =	swait.ge @!p1 [sflag:s13], $0x50;
	s14 =	smul.u32 $0x50, s14  }
0x124: {  	s17 =	simm.s32 @!p3 $0x0;
	[sflag:s13] =	ssyncset.done @!p1 $0x0  }
0x125: {  	[sflag:s13] =	ssyncadd.s32 @!p1 $0xFFFFFFB0;
	s25 =	sadd.s32 s14, s17  }
0x126: {  	v11 =	vld [tilespmem:s25+$0x4E20]  }
0x127: {  	v12 =	vld [tilespmem:s25+$0x55F0];
	_ =	sdelay $0x6  }
0x128: {  	v11 =	vld.idx.msk [tilespmem:v11+s5+$0x0], $0xffff  }
0x129: {  	v13 =	vld.idx.msk [tilespmem:v12+s20+$0x0], $0xffff;
	_ =	sdelay $0x4  }
0x12a: {  	v11 =	vadd.f32 v13, v11;
	_ =	sdelay $0x1  }
0x12b: {  	v13 =	vmul.f32 $9.999999770e-03, v11  }
0x12c: {  	vm0 =	vgt.f32 v11, $0.0e+00  }
0x12d: {  	v11 =	vsel vm0, v11, v13  }
0x12e: {  	v11 =	vsub.f32 v11, v10;
	_ =	sdelay $0x1  }
0x12f: {  	v11 =	vmul.f32 $1.442695020e+00, v11;
	_ =	sdelay $0x1  }
0x130: {  	(erf) = vpow2.f32 v11;
	_ =	sdelay $0x8  }
0x131: {  	[tilespmem:$0x6E00] =	vst v12;
	v11 =	vpop (erf)  }
0x132: {  	[tilespmem:$0x6D60] =	vst v11  }
0x133: {  	v11 =	vld [tilespmem:s25+$0x4E30]  }
0x134: {  	v12 =	vld [tilespmem:s25+$0x5600];
	_ =	sdelay $0x6  }
0x135: {  	v11 =	vld.idx.msk [tilespmem:v11+s5+$0x0], $0xffff  }
0x136: {  	v13 =	vld.idx.msk [tilespmem:v12+s20+$0x0], $0xffff;
	_ =	sdelay $0x4  }
0x137: {  	v11 =	vadd.f32 v13, v11;
	_ =	sdelay $0x1  }
0x138: {  	v13 =	vmul.f32 $9.999999770e-03, v11  }
0x139: {  	vm12 =	vgt.f32 v11, $0.0e+00  }
0x13a: {  	v11 =	vsel vm12, v11, v13  }
0x13b: {  	v11 =	vsub.f32 v11, v10;
	_ =	sdelay $0x1  }
0x13c: {  	v11 =	vmul.f32 $1.442695020e+00, v11;
	_ =	sdelay $0x1  }
0x13d: {  	(erf) = vpow2.f32 v11;
	_ =	sdelay $0x8  }
0x13e: {  	[tilespmem:$0x6E10] =	vst v12;
	v11 =	vpop (erf)  }
0x13f: {  	[tilespmem:$0x6D70] =	vst v11  }
0x140: {  	v11 =	vld [tilespmem:s25+$0x4E40]  }
0x141: {  	v12 =	vld [tilespmem:s25+$0x5610];
	_ =	sdelay $0x6  }
0x142: {  	v11 =	vld.idx.msk [tilespmem:v11+s5+$0x0], $0xffff  }
0x143: {  	v13 =	vld.idx.msk [tilespmem:v12+s20+$0x0], $0xffff;
	_ =	sdelay $0x4  }
0x144: {  	v11 =	vadd.f32 v13, v11;
	_ =	sdelay $0x1  }
0x145: {  	v13 =	vmul.f32 $9.999999770e-03, v11  }
0x146: {  	vm13 =	vgt.f32 v11, $0.0e+00  }
0x147: {  	v11 =	vsel vm13, v11, v13  }
0x148: {  	v11 =	vsub.f32 v11, v10;
	_ =	sdelay $0x1  }
0x149: {  	v11 =	vmul.f32 $1.442695020e+00, v11;
	_ =	sdelay $0x1  }
0x14a: {  	(erf) = vpow2.f32 v11;
	_ =	sdelay $0x8  }
0x14b: {  	[tilespmem:$0x6E20] =	vst v12;
	v11 =	vpop (erf)  }
0x14c: {  	[tilespmem:$0x6D80] =	vst v11  }
0x14d: {  	v11 =	vld [tilespmem:s25+$0x4E50]  }
0x14e: {  	v12 =	vld [tilespmem:s25+$0x5620];
	_ =	sdelay $0x6  }
0x14f: {  	v11 =	vld.idx.msk [tilespmem:v11+s5+$0x0], $0xffff  }
0x150: {  	v13 =	vld.idx.msk [tilespmem:v12+s20+$0x0], $0xffff;
	_ =	sdelay $0x4  }
0x151: {  	v11 =	vadd.f32 v13, v11;
	_ =	sdelay $0x1  }
0x152: {  	v13 =	vmul.f32 $9.999999770e-03, v11  }
0x153: {  	vm14 =	vgt.f32 v11, $0.0e+00  }
0x154: {  	v11 =	vsel vm14, v11, v13  }
0x155: {  	v11 =	vsub.f32 v11, v10;
	_ =	sdelay $0x1  }
0x156: {  	v11 =	vmul.f32 $1.442695020e+00, v11;
	_ =	sdelay $0x1  }
0x157: {  	(erf) = vpow2.f32 v11;
	_ =	sdelay $0x8  }
0x158: {  	[tilespmem:$0x6E30] =	vst v12;
	v11 =	vpop (erf)  }
0x159: {  	[tilespmem:$0x6D90] =	vst v11  }
0x15a: {  	v11 =	vld [tilespmem:s25+$0x4E60]  }
0x15b: {  	v12 =	vld [tilespmem:s25+$0x5630];
	_ =	sdelay $0x6  }
0x15c: {  	v11 =	vld.idx.msk [tilespmem:v11+s5+$0x0], $0xffff  }
0x15d: {  	v13 =	vld.idx.msk [tilespmem:v12+s20+$0x0], $0xffff;
	_ =	sdelay $0x4  }
0x15e: {  	v11 =	vadd.f32 v13, v11;
	_ =	sdelay $0x1  }
0x15f: {  	v13 =	vmul.f32 $9.999999770e-03, v11  }
0x160: {  	vm15 =	vgt.f32 v11, $0.0e+00  }
0x161: {  	v11 =	vsel vm15, v11, v13  }
0x162: {  	v11 =	vsub.f32 v11, v10;
	_ =	sdelay $0x1  }
0x163: {  	v11 =	vmul.f32 $1.442695020e+00, v11;
	_ =	sdelay $0x1  }
0x164: {  	(erf) = vpow2.f32 v11;
	_ =	sdelay $0x3  }
0x165: {  	p6 =	sgt.u32 s18, $0x31;
	p2 =	por !p2, !p2  }
0x166: {  	p2 =	por p6, p2  }
0x167: {  	s13 =	sadd.s32 @!p2 $0x1, s15  }
0x168: {  	s14 =	smul.u32 @!p2 $0x19, s13  }
0x169: {  	s13 =	sand.u32 @!p2 $0x1, s13  }
0x16a: {  	s23 =	simm.s32 $0x7;
	p3 =	seq.s32 @!p2 s13, $0x1;
	s14 =	sadd.s32 @!p2 s10, s14;
	[tilespmem:$0x6E40] =	vst v12;
	v11 =	vpop (erf)  }
0x16b: {  	p3 =	por !p3, p2;
	s13 =	smul.u32 @!p2 $0x50, s14;
	s14 =	simm.s32 @!p2 $0xFA0;
	[tilespmem:$0x6DA0] =	vst v11  }
0x16c: {  	s0 =	simm.s32 $0x1;
	s14 =	simm.s32 @p3 $0x0;
	_ =	swait.ge [sflag:s26], $0x1400  }
0x16d: {  	s17 =	sadd.s32 @!p2 $0x4E20, s14;
	s13 =	sshrl.u32 @!p2 s13, $0x3;
	v11 =	vmov s23;
	[sflag:s26] =	ssyncset.done $0x0  }
0x16e: {  	s13 =	sadd.s32 @!p2 s8, s13;
	s25 =	simm.s32 @!p2 $0x0;
	v12 =	vmov s0;
	v11 =	vshrl.u32 v11, $0x3;
	[sflag:s26] =	ssyncadd.s32 $0xFFFFEC00  }
0x16f: {  	v12 =	vshrl.u32 v12, $0x3;
	v11 =	vshll.u32 v11, v2;
	[tilespmem:s17], [sflag:$0x3] =	stream.linear.gather @!p2 [hbm4b:s13+s25], $0x7D0, $0x38;
	[tilespmem:$0x1FDA8] =	vst v63  }
0x170: {  	s9 =	simm.s32 $0x2;
	s14 =	sadd.s32 @!p2 $0x55F0, s14;
	v12 =	vshll.u32 v12, v2;
	v11 =	vadd.s32 $0x7, v11;
	s13 =	sadd.s32 @!p2 $0x9C40, s13  }
0x171: {  	v12 =	vadd.s32 $0x1, v12;
	v13 =	vmov s9;
	v11 =	vbroadcast v11, $0x0;
	[tilespmem:s14], [sflag:$0x3] =	stream.linear.gather @!p2 [hbm4b:s13+s25], $0x7D0, $0x38;
	[tilespmem:$0x1FDA8] =	vst v63  }
0x172: {  	v12 =	vbroadcast v12, $0x0;
	v13 =	vshrl.u32 v13, $0x3;
	s14 =	simm.s32 @!p1 $0x4  }
0x173: {  	v13 =	vshll.u32 v13, v2;
	s23 =	simm.s32 $0x3;
	_ =	swait.ge @!p1 [sflag:s14], $0x1400  }
0x174: {  	v13 =	vadd.s32 $0x2, v13;
	v14 =	vmov s23;
	[sflag:s14] =	ssyncset.done @!p1 $0x0  }
0x175: {  	v13 =	vbroadcast v13, $0x0;
	v14 =	vshrl.u32 v14, $0x3;
	s25 =	simm.s32 $0x4;
	s13 =	simm.s32 $0x6FA0;
	[sflag:s14] =	ssyncadd.s32 @!p1 $0xFFFFEC00  }
0x176: {  	v14 =	vshll.u32 v14, v2;
	v15 =	vmov s25;
	v19 =	vld [tilespmem:s13+$0xC0]  }
0x177: {  	v14 =	vadd.s32 $0x3, v14;
	v15 =	vshrl.u32 v15, $0x3;
	v18 =	vld.idx.msk [tilespmem:v11+s29+$0x0], $0xffff  }
0x178: {  	s0 =	simm.s32 $0x5;
	v14 =	vbroadcast v14, $0x0;
	v15 =	vshll.u32 v15, v2;
	v17 =	vld.idx.msk [tilespmem:v12+s29+$0x0], $0xffff  }
0x179: {  	s9 =	simm.s32 $0x6;
	v15 =	vadd.s32 $0x4, v15;
	v12 =	vmov s0;
	v20 =	vld [tilespmem:s13+$0xFFFFFF40]  }
0x17a: {  	v11 =	vbroadcast v15, $0x0;
	v15 =	vmov s9;
	v12 =	vshrl.u32 v12, $0x3  }
0x17b: {  	v16 =	vld.idx.msk [tilespmem:v13+s29+$0x0], $0xffff;
	v13 =	vshrl.u32 v15, $0x3;
	v12 =	vshll.u32 v12, v2  }
0x17c: {  	v21 =	vld [tilespmem:s13+$0xFFFFFF80];
	v13 =	vshll.u32 v13, v2;
	v12 =	vadd.s32 $0x5, v12  }
0x17d: {  	v23 =	vld [tilespmem:s13+$0xFFFFFFC0];
	v12 =	vbroadcast v12, $0x0;
	v13 =	vadd.s32 $0x6, v13;
	v22 =	vunpack.i.l.bf16.f32 v19  }
0x17e: {  	s23 =	simm.s32 $0x0;
	v15 =	vld.idx.msk [tilespmem:v14+s29+$0x0], $0xffff;
	v14 =	vunpack.i.u.bf16.f32 v19;
	v24 =	vunpack.i.l.bf16.f32 v20;
	v19 =	vmul.f32 v22, v18  }
0x17f: {  	s17 =	simm.s32 $0x9A20;
	v20 =	vunpack.i.u.bf16.f32 v20;
	v22 =	vmov s23;
	v14 =	vmul.f32 v14, v18  }
0x180: {  	v24 =	vmul.f32 v24, v17;
	v20 =	vmul.f32 v20, v17;
	v22 =	vshrl.u32 v22, $0x3;
	[tilespmem:v0+s17+$0x0] =	vst.idx.msk $0xffff, v19;
	v19 =	vld [tilespmem:s13+$0x0]  }
0x181: {  	v13 =	vbroadcast v13, $0x0;
	v11 =	vld.idx.msk [tilespmem:v11+s29+$0x0], $0xffff;
	[tilespmem:v3+s17+$0x0] =	vst.idx.msk $0xffff, v14;
	v14 =	vshll.u32 v22, v2;
	v22 =	vunpack.i.l.bf16.f32 v21  }
0x182: {  	[tilespmem:v0+s17+$0xFFFFFD00] =	vst.idx.msk $0xffff, v24;
	v25 =	vld [tilespmem:s13+$0xD0];
	v26 =	vbroadcast v14, $0x0;
	v14 =	vunpack.i.u.bf16.f32 v21;
	v21 =	vmul.f32 v22, v16  }
0x183: {  	v24 =	vunpack.i.l.bf16.f32 v23;
	[tilespmem:v3+s17+$0xFFFFFD00] =	vst.idx.msk $0xffff, v20;
	v20 =	vmul.f32 v14, v16  }
0x184: {  	v27 =	vld [tilespmem:s13+$0x40];
	v23 =	vunpack.i.u.bf16.f32 v23;
	[tilespmem:v0+s17+$0xFFFFFD80] =	vst.idx.msk $0xffff, v21;
	v21 =	vmul.f32 v24, v15  }
0x185: {  	v23 =	vmul.f32 v23, v15;
	v14 =	vld.idx.msk [tilespmem:v12+s29+$0x0], $0xffff;
	v12 =	vunpack.i.l.bf16.f32 v19;
	[tilespmem:v3+s17+$0xFFFFFD80] =	vst.idx.msk $0xffff, v20  }
0x186: {  	v20 =	vld [tilespmem:s13+$0x80];
	v19 =	vunpack.i.u.bf16.f32 v19;
	v24 =	vmul.f32 v12, v11;
	[tilespmem:v0+s17+$0xFFFFFE00] =	vst.idx.msk $0xffff, v21  }
0x187: {  	v13 =	vld.idx.msk [tilespmem:v13+s29+$0x0], $0xffff;
	v19 =	vmul.f32 v19, v11;
	v12 =	vunpack.i.l.bf16.f32 v25;
	[tilespmem:v3+s17+$0xFFFFFE00] =	vst.idx.msk $0xffff, v23  }
0x188: {  	v22 =	vld [tilespmem:s13+$0xFFFFFF00];
	v21 =	vunpack.i.u.bf16.f32 v25;
	v23 =	vmul.f32 v12, v18;
	[tilespmem:v0+s17+$0xFFFFFE80] =	vst.idx.msk $0xffff, v24  }
0x189: {  	v12 =	vld.idx.msk [tilespmem:v26+s29+$0x0], $0xffff;
	v21 =	vmul.f32 v21, v18;
	v24 =	vunpack.i.l.bf16.f32 v27;
	[tilespmem:v3+s17+$0xFFFFFE80] =	vst.idx.msk $0xffff, v19  }
0x18a: {  	v25 =	vld [tilespmem:s13+$0xFFFFFF50];
	v24 =	vmul.f32 v24, v14;
	[tilespmem:v4+s17+$0x0] =	vst.idx.msk $0xffff, v23;
	v23 =	vunpack.i.u.bf16.f32 v27  }
0x18b: {  	[tilespmem:v5+s17+$0x0] =	vst.idx.msk $0xffff, v21;
	v21 =	vunpack.i.l.bf16.f32 v20;
	v23 =	vmul.f32 v23, v14  }
0x18c: {  	v20 =	vunpack.i.u.bf16.f32 v20;
	[tilespmem:v0+s17+$0xFFFFFF00] =	vst.idx.msk $0xffff, v24;
	v19 =	vld [tilespmem:s13+$0xE0];
	v21 =	vmul.f32 v21, v13  }
0x18d: {  	v26 =	vld [tilespmem:s13+$0xFFFFFF90];
	v24 =	vunpack.i.l.bf16.f32 v22;
	v20 =	vmul.f32 v20, v13;
	[tilespmem:v3+s17+$0xFFFFFF00] =	vst.idx.msk $0xffff, v23  }
0x18e: {  	v22 =	vunpack.i.u.bf16.f32 v22;
	v23 =	vmul.f32 v24, v12;
	[tilespmem:v0+s17+$0xFFFFFF80] =	vst.idx.msk $0xffff, v21  }
0x18f: {  	v27 =	vld [tilespmem:s13+$0xFFFFFFD0];
	v21 =	vmul.f32 v22, v12;
	v22 =	vunpack.i.l.bf16.f32 v25;
	[tilespmem:v3+s17+$0xFFFFFF80] =	vst.idx.msk $0xffff, v20  }
0x190: {  	v24 =	vunpack.i.u.bf16.f32 v25;
	v20 =	vmul.f32 v22, v17;
	[tilespmem:v0+s17+$0xFFFFFC80] =	vst.idx.msk $0xffff, v23  }
0x191: {  	v24 =	vmul.f32 v24, v17;
	v25 =	vld [tilespmem:s13+$0x10];
	[tilespmem:v3+s17+$0xFFFFFC80] =	vst.idx.msk $0xffff, v21;
	v23 =	vunpack.i.l.bf16.f32 v19  }
0x192: {  	v28 =	vld [tilespmem:s13+$0x50];
	v22 =	vunpack.i.u.bf16.f32 v26;
	v26 =	vunpack.i.l.bf16.f32 v26;
	[tilespmem:v4+s17+$0xFFFFFD00] =	vst.idx.msk $0xffff, v20;
	v21 =	vmul.f32 v23, v18  }
0x193: {  	v29 =	vld [tilespmem:s13+$0x90];
	v19 =	vunpack.i.u.bf16.f32 v19;
	v23 =	vmul.f32 v26, v16;
	[tilespmem:v5+s17+$0xFFFFFD00] =	vst.idx.msk $0xffff, v24  }
0x194: {  	v26 =	vunpack.i.l.bf16.f32 v27;
	v19 =	vmul.f32 v19, v18;
	[tilespmem:v6+s17+$0x0] =	vst.idx.msk $0xffff, v21  }
0x195: {  	v20 =	vmul.f32 v22, v16;
	v22 =	vunpack.i.u.bf16.f32 v27;
	v26 =	vmul.f32 v26, v15;
	[tilespmem:v4+s17+$0xFFFFFD80] =	vst.idx.msk $0xffff, v23  }
0x196: {  	v27 =	vld [tilespmem:s13+$0xFFFFFF10];
	v21 =	vmul.f32 v22, v15;
	v22 =	vunpack.i.u.bf16.f32 v25;
	v25 =	vunpack.i.l.bf16.f32 v25;
	[tilespmem:v7+s17+$0x0] =	vst.idx.msk $0xffff, v19  }
0x197: {  	v19 =	vmul.f32 v22, v11;
	v22 =	vmul.f32 v25, v11;
	[tilespmem:v5+s17+$0xFFFFFD80] =	vst.idx.msk $0xffff, v20  }
0x198: {  	v25 =	vunpack.i.l.bf16.f32 v28;
	v28 =	vunpack.i.u.bf16.f32 v28;
	v30 =	vunpack.i.l.bf16.f32 v29;
	[tilespmem:v4+s17+$0xFFFFFE00] =	vst.idx.msk $0xffff, v26  }
0x199: {  	s25 =	simm.s32 $0x9;
	v31 =	vld [tilespmem:s13+$0xFFFFFF60];
	v25 =	vmul.f32 v25, v14;
	v23 =	vmul.f32 v28, v14;
	v28 =	vunpack.i.u.bf16.f32 v29;
	[tilespmem:v5+s17+$0xFFFFFE00] =	vst.idx.msk $0xffff, v21  }
0x19a: {  	v24 =	vld [tilespmem:s13+$0xF0];
	v29 =	vmul.f32 v30, v13;
	v21 =	vmov s25;
	v20 =	vmul.f32 v28, v13;
	[tilespmem:v4+s17+$0xFFFFFE80] =	vst.idx.msk $0xffff, v22  }
0x19b: {  	s0 =	simm.s32 $0xA;
	v28 =	vunpack.i.u.bf16.f32 v27;
	v27 =	vunpack.i.l.bf16.f32 v27;
	v21 =	vshrl.u32 v21, $0x3;
	[tilespmem:v5+s17+$0xFFFFFE80] =	vst.idx.msk $0xffff, v19  }
0x19c: {  	v30 =	vld [tilespmem:s13+$0xFFFFFFA0];
	v26 =	vmul.f32 v27, v12;
	v27 =	vmul.f32 v28, v12;
	v28 =	vmov s0;
	[tilespmem:v4+s17+$0xFFFFFF00] =	vst.idx.msk $0xffff, v25  }
0x19d: {  	v32 =	vld [tilespmem:s13+$0xFFFFFFE0];
	[tilespmem:v4+s17+$0xFFFFFF80] =	vst.idx.msk $0xffff, v29;
	v21 =	vshll.u32 v21, v2;
	v28 =	vshrl.u32 v28, $0x3  }
0x19e: {  	v33 =	vunpack.i.u.bf16.f32 v31;
	[tilespmem:v5+s17+$0xFFFFFF00] =	vst.idx.msk $0xffff, v23;
	v21 =	vadd.s32 $0x1, v21;
	v28 =	vshll.u32 v28, v2  }
0x19f: {  	[tilespmem:v5+s17+$0xFFFFFF80] =	vst.idx.msk $0xffff, v20;
	v21 =	vbroadcast v21, $0x0;
	v22 =	vunpack.i.l.bf16.f32 v24;
	v19 =	vunpack.i.u.bf16.f32 v24  }
0x1a0: {  	v58 =	vld [tilespmem:s13+$0x20];
	[tilespmem:v4+s17+$0xFFFFFC80] =	vst.idx.msk $0xffff, v26;
	v24 =	vunpack.i.l.bf16.f32 v31;
	v31 =	vmul.f32 v33, v17;
	v22 =	vmul.f32 v22, v18  }
0x1a1: {  	v59 =	vld [tilespmem:s13+$0x60];
	v25 =	vunpack.i.l.bf16.f32 v30;
	[tilespmem:v5+s17+$0xFFFFFC80] =	vst.idx.msk $0xffff, v27;
	v18 =	vmul.f32 v19, v18;
	v19 =	vmul.f32 v24, v17  }
0x1a2: {  	s9 =	simm.s32 $0xB;
	v24 =	vunpack.i.u.bf16.f32 v30;
	v25 =	vmul.f32 v25, v16;
	v30 =	vunpack.i.u.bf16.f32 v32;
	[tilespmem:v8+s17+$0x0] =	vst.idx.msk $0xffff, v22  }
0x1a3: {  	v32 =	vunpack.i.l.bf16.f32 v32;
	v24 =	vmul.f32 v24, v16;
	v22 =	vmov s9;
	[tilespmem:v6+s17+$0xFFFFFD00] =	vst.idx.msk $0xffff, v19  }
0x1a4: {  	s23 =	simm.s32 $0xC;
	v23 =	vmul.f32 v32, v15;
	v30 =	vmul.f32 v30, v15;
	[tilespmem:v6+s17+$0xFFFFFD80] =	vst.idx.msk $0xffff, v25;
	v20 =	vshrl.u32 v22, $0x3;
	v22 =	vld [tilespmem:s13+$0xA0]  }
0x1a5: {  	v29 =	vunpack.i.u.bf16.f32 v58;
	v33 =	vunpack.i.l.bf16.f32 v58;
	[tilespmem:v9+s17+$0x0] =	vst.idx.msk $0xffff, v18;
	v18 =	vmov s23  }
0x1a6: {  	v34 =	vld [tilespmem:s13+$0xFFFFFF20];
	v26 =	vmul.f32 v33, v11;
	v29 =	vmul.f32 v29, v11;
	[tilespmem:v7+s17+$0xFFFFFD00] =	vst.idx.msk $0xffff, v31;
	v19 =	vunpack.i.l.bf16.f32 v59  }
0x1a7: {  	[tilespmem:v7+s17+$0xFFFFFD80] =	vst.idx.msk $0xffff, v24;
	v18 =	vshrl.u32 v18, $0x3;
	v27 =	vshll.u32 v20, v2;
	v20 =	vadd.s32 $0x2, v28;
	v28 =	vld [tilespmem:s13+$0xFFFFFF70]  }
0x1a8: {  	v25 =	vmul.f32 v19, v14;
	v24 =	vld [tilespmem:s13+$0xFFFFFFB0];
	v60 =	vshll.u32 v18, v2;
	v18 =	vunpack.i.u.bf16.f32 v59  }
0x1a9: {  	[tilespmem:v6+s17+$0xFFFFFE00] =	vst.idx.msk $0xffff, v23;
	v20 =	vbroadcast v20, $0x0;
	v31 =	vmul.f32 v18, v14;
	v19 =	vunpack.i.l.bf16.f32 v22  }
0x1aa: {  	[tilespmem:v7+s17+$0xFFFFFE00] =	vst.idx.msk $0xffff, v30;
	v18 =	vunpack.i.u.bf16.f32 v22;
	v22 =	vadd.s32 $0x3, v27;
	v27 =	vmul.f32 v19, v13  }
0x1ab: {  	[tilespmem:v6+s17+$0xFFFFFE80] =	vst.idx.msk $0xffff, v26;
	v23 =	vadd.s32 $0x4, v60;
	v61 =	vmul.f32 v18, v13;
	v18 =	vbroadcast v22, $0x0  }
0x1ac: {  	v63 =	vld [tilespmem:s13+$0xFFFFFFF0];
	[tilespmem:v7+s17+$0xFFFFFE80] =	vst.idx.msk $0xffff, v29;
	v19 =	vunpack.i.u.bf16.f32 v34;
	v22 =	vunpack.i.l.bf16.f32 v34;
	v26 =	vunpack.i.l.bf16.f32 v28  }
0x1ad: {  	[tilespmem:v6+s17+$0xFFFFFF00] =	vst.idx.msk $0xffff, v25;
	v25 =	vunpack.i.u.bf16.f32 v24;
	v24 =	vunpack.i.l.bf16.f32 v24;
	v62 =	vmul.f32 v22, v12  }
0x1ae: {  	s25 =	simm.s32 $0xF;
	v30 =	vld [tilespmem:s13+$0x30];
	v22 =	vmul.f32 v19, v12;
	v19 =	vbroadcast v23, $0x0;
	v23 =	vunpack.i.u.bf16.f32 v28  }
0x1af: {  	[tilespmem:v7+s17+$0xFFFFFF00] =	vst.idx.msk $0xffff, v31;
	v28 =	vmul.f32 v26, v17;
	v23 =	vmul.f32 v23, v17;
	v17 =	vmov s25  }
0x1b0: {  	v29 =	vmul.f32 v24, v16;
	v26 =	vmul.f32 v25, v16;
	v25 =	vld [tilespmem:s13+$0x70];
	[tilespmem:v6+s17+$0xFFFFFF80] =	vst.idx.msk $0xffff, v27;
	v17 =	vshrl.u32 v17, $0x3  }
0x1b1: {  	v24 =	vunpack.i.u.bf16.f32 v63;
	v27 =	vunpack.i.l.bf16.f32 v63;
	[tilespmem:v7+s17+$0xFFFFFF80] =	vst.idx.msk $0xffff, v61;
	v16 =	vshll.u32 v17, v2  }
0x1b2: {  	s14 =	simm.s32 $0x9A20;
	s23 =	simm.s32 $0x8;
	s25 =	simm.s32 $0x10;
	v24 =	vmul.f32 v24, v15;
	[tilespmem:v6+s17+$0xFFFFFC80] =	vst.idx.msk $0xffff, v62;
	v31 =	vmul.f32 v27, v15;
	v27 =	vld [tilespmem:s13+$0xB0];
	v17 =	vadd.s32 $0x7, v16  }
.LBB2_11:
0x1b3: {  	p2 =	slt.u32 s25, $0x20;
	v16 =	vld.idx.msk [tilespmem:v21+s29+$0x0], $0xffff;
	s0 =	sadd.s32 $0x5, s23;
	v21 =	vbroadcast v17, $0x0;
	[tilespmem:v7+s17+$0xFFFFFC80] =	vst.idx.msk $0xffff, v22;
	v15 =	vunpack.i.u.bf16.f32 v30;
	v17 =	vunpack.i.l.bf16.f32 v30  }
0x1b4: {  	v22 =	vmov s0;
	v30 =	vld [tilespmem:s13+$0xFFFFFF30];
	[tilespmem:v8+s17+$0xFFFFFD00] =	vst.idx.msk $0xffff, v28;
	v28 =	vmul.f32 v17, v11;
	v32 =	vmul.f32 v15, v11  }
0x1b5: {  	s0 =	sadd.s32 $0x6, s23;
	v17 =	vld.idx.msk [tilespmem:v20+s29+$0x0], $0xffff;
	v20 =	vshrl.u32 v22, $0x3;
	[tilespmem:v9+s17+$0xFFFFFD00] =	vst.idx.msk $0xffff, v23;
	v11 =	vunpack.i.u.bf16.f32 v25;
	v22 =	vunpack.i.l.bf16.f32 v25  }
0x1b6: {  	v15 =	vld.idx.msk [tilespmem:v18+s29+$0x0], $0xffff;
	v18 =	vmov s0;
	[tilespmem:v8+s17+$0xFFFFFD80] =	vst.idx.msk $0xffff, v29;
	v22 =	vmul.f32 v22, v14;
	v14 =	vmul.f32 v11, v14  }
0x1b7: {  	s13 =	sadd.s32 $0x200, s13;
	v11 =	vld.idx.msk [tilespmem:v19+s29+$0x0], $0xffff;
	v19 =	vshll.u32 v20, v2;
	[tilespmem:v9+s17+$0xFFFFFD80] =	vst.idx.msk $0xffff, v26;
	v20 =	vunpack.i.u.bf16.f32 v27;
	v23 =	vunpack.i.l.bf16.f32 v27  }
0x1b8: {  	v18 =	vshrl.u32 v18, $0x3;
	v25 =	vld [tilespmem:s13+$0xC0];
	[tilespmem:v8+s17+$0xFFFFFE00] =	vst.idx.msk $0xffff, v31;
	v23 =	vmul.f32 v23, v13;
	v13 =	vmul.f32 v20, v13  }
0x1b9: {  	v20 =	vshll.u32 v18, v2;
	v18 =	vld.idx.msk [tilespmem:v21+s29+$0x0], $0xffff;
	v21 =	vunpack.i.u.bf16.f32 v30;
	v26 =	vunpack.i.l.bf16.f32 v30;
	[tilespmem:v9+s17+$0xFFFFFE00] =	vst.idx.msk $0xffff, v24  }
0x1ba: {  	v19 =	vadd.s32 $0x5, v19;
	v24 =	vld [tilespmem:s13+$0xFFFFFF00];
	v26 =	vmul.f32 v26, v12;
	v12 =	vmul.f32 v21, v12;
	[tilespmem:v8+s17+$0xFFFFFE80] =	vst.idx.msk $0xffff, v28  }
0x1bb: {  	v19 =	vbroadcast v19, $0x0;
	v20 =	vadd.s32 $0x6, v20;
	v21 =	vmov s23;
	s23 =	smov.u32 s25;
	v27 =	vld [tilespmem:s13+$0xFFFFFF40];
	[tilespmem:v9+s17+$0xFFFFFE80] =	vst.idx.msk $0xffff, v32  }
0x1bc: {  	v20 =	vbroadcast v20, $0x0;
	v21 =	vshrl.u32 v21, $0x3;
	v28 =	vld [tilespmem:s13+$0xFFFFFF80];
	[tilespmem:v8+s17+$0xFFFFFF00] =	vst.idx.msk $0xffff, v22  }
0x1bd: {  	v21 =	vshll.u32 v21, v2;
	v22 =	vld [tilespmem:s13+$0xFFFFFFC0];
	[tilespmem:v9+s17+$0xFFFFFF00] =	vst.idx.msk $0xffff, v14  }
0x1be: {  	v21 =	vbroadcast v21, $0x0;
	v14 =	vunpack.i.l.bf16.f32 v25;
	v29 =	vld [tilespmem:s13+$0x0];
	[tilespmem:v8+s17+$0xFFFFFF80] =	vst.idx.msk $0xffff, v23  }
0x1bf: {  	v25 =	vunpack.i.u.bf16.f32 v25;
	v31 =	vmul.f32 v14, v18;
	v23 =	vunpack.i.u.bf16.f32 v24;
	v30 =	vld [tilespmem:s13+$0x40];
	[tilespmem:v9+s17+$0xFFFFFF80] =	vst.idx.msk $0xffff, v13  }
0x1c0: {  	v25 =	vmul.f32 v25, v18;
	v24 =	vunpack.i.l.bf16.f32 v24;
	s17 =	sadd.s32 $0x400, s17;
	v32 =	vunpack.i.u.bf16.f32 v27;
	v33 =	vld [tilespmem:s13+$0x80];
	[tilespmem:v8+s14+$0xFFFFFC80] =	vst.idx.msk $0xffff, v26  }
0x1c1: {  	v13 =	vunpack.i.l.bf16.f32 v27;
	v26 =	vunpack.i.u.bf16.f32 v28;
	v27 =	vunpack.i.l.bf16.f32 v28;
	v14 =	vld.idx.msk [tilespmem:v19+s29+$0x0], $0xffff;
	[tilespmem:v0+s17+$0x0] =	vst.idx.msk $0xffff, v31  }
0x1c2: {  	v19 =	vmul.f32 v13, v16;
	v28 =	vunpack.i.u.bf16.f32 v22;
	v22 =	vunpack.i.l.bf16.f32 v22;
	v13 =	vld.idx.msk [tilespmem:v20+s29+$0x0], $0xffff;
	[tilespmem:v3+s17+$0x0] =	vst.idx.msk $0xffff, v25  }
0x1c3: {  	v20 =	vmul.f32 v32, v16;
	v25 =	vunpack.i.u.bf16.f32 v29;
	v29 =	vunpack.i.l.bf16.f32 v29;
	v31 =	vld [tilespmem:s13+$0xD0];
	[tilespmem:v9+s14+$0xFFFFFC80] =	vst.idx.msk $0xffff, v12;
	s14 =	smov.u32 s17  }
0x1c4: {  	[tilespmem:v0+s17+$0xFFFFFD00] =	vst.idx.msk $0xffff, v19;
	v19 =	vmul.f32 v27, v17;
	v27 =	vunpack.i.u.bf16.f32 v30;
	v30 =	vunpack.i.l.bf16.f32 v30  }
0x1c5: {  	v12 =	vld.idx.msk [tilespmem:v21+s29+$0x0], $0xffff;
	[tilespmem:v3+s17+$0xFFFFFD00] =	vst.idx.msk $0xffff, v20;
	v20 =	vmul.f32 v26, v17;
	v21 =	vunpack.i.u.bf16.f32 v33;
	v26 =	vunpack.i.l.bf16.f32 v33  }
0x1c6: {  	v32 =	vld [tilespmem:s13+$0xFFFFFF50];
	[tilespmem:v0+s17+$0xFFFFFD80] =	vst.idx.msk $0xffff, v19;
	v19 =	vmul.f32 v22, v15;
	v22 =	vmul.f32 v28, v15  }
0x1c7: {  	v25 =	vmul.f32 v25, v11;
	[tilespmem:v3+s17+$0xFFFFFD80] =	vst.idx.msk $0xffff, v20;
	v20 =	vmul.f32 v29, v11  }
0x1c8: {  	v27 =	vmul.f32 v27, v14;
	v28 =	vld [tilespmem:s13+$0xFFFFFF90];
	[tilespmem:v0+s17+$0xFFFFFE00] =	vst.idx.msk $0xffff, v19;
	v19 =	vmul.f32 v30, v14;
	v29 =	vunpack.i.l.bf16.f32 v31  }
0x1c9: {  	[tilespmem:v3+s17+$0xFFFFFE00] =	vst.idx.msk $0xffff, v22;
	v22 =	vmul.f32 v26, v13;
	v26 =	vunpack.i.u.bf16.f32 v31;
	v29 =	vmul.f32 v29, v18  }
0x1ca: {  	v30 =	vld [tilespmem:s13+$0xFFFFFFD0];
	[tilespmem:v0+s17+$0xFFFFFE80] =	vst.idx.msk $0xffff, v20;
	v20 =	vmul.f32 v21, v13;
	v21 =	vmul.f32 v26, v18  }
0x1cb: {  	v24 =	vmul.f32 v24, v12;
	v23 =	vmul.f32 v23, v12;
	v26 =	vunpack.i.u.bf16.f32 v32;
	[tilespmem:v4+s17+$0x0] =	vst.idx.msk $0xffff, v29  }
0x1cc: {  	v29 =	vunpack.i.l.bf16.f32 v32;
	v26 =	vmul.f32 v26, v16;
	[tilespmem:v5+s17+$0x0] =	vst.idx.msk $0xffff, v21  }
0x1cd: {  	v21 =	vmul.f32 v29, v16;
	v29 =	vunpack.i.u.bf16.f32 v28;
	v28 =	vunpack.i.l.bf16.f32 v28;
	[tilespmem:v3+s17+$0xFFFFFE80] =	vst.idx.msk $0xffff, v25;
	v25 =	vld [tilespmem:s13+$0xE0]  }
0x1ce: {  	v28 =	vmul.f32 v28, v17;
	v29 =	vmul.f32 v29, v17;
	v31 =	vld [tilespmem:s13+$0x10];
	[tilespmem:v0+s17+$0xFFFFFF00] =	vst.idx.msk $0xffff, v19  }
0x1cf: {  	v19 =	vunpack.i.u.bf16.f32 v30;
	v30 =	vunpack.i.l.bf16.f32 v30;
	[tilespmem:v3+s17+$0xFFFFFF00] =	vst.idx.msk $0xffff, v27  }
0x1d0: {  	v27 =	vmul.f32 v30, v15;
	v19 =	vmul.f32 v19, v15;
	v30 =	vld [tilespmem:s13+$0x50];
	[tilespmem:v0+s17+$0xFFFFFF80] =	vst.idx.msk $0xffff, v22  }
0x1d1: {  	[tilespmem:v3+s17+$0xFFFFFF80] =	vst.idx.msk $0xffff, v20  }
0x1d2: {  	[tilespmem:v0+s17+$0xFFFFFC80] =	vst.idx.msk $0xffff, v24;
	v20 =	vld [tilespmem:s13+$0x90];
	v22 =	vunpack.i.l.bf16.f32 v25  }
0x1d3: {  	v24 =	vunpack.i.u.bf16.f32 v25;
	[tilespmem:v3+s17+$0xFFFFFC80] =	vst.idx.msk $0xffff, v23;
	v23 =	vunpack.i.u.bf16.f32 v31;
	v22 =	vmul.f32 v22, v18  }
0x1d4: {  	v24 =	vmul.f32 v24, v18;
	v25 =	vld [tilespmem:s13+$0xFFFFFF10];
	[tilespmem:v4+s17+$0xFFFFFD00] =	vst.idx.msk $0xffff, v21;
	v21 =	vunpack.i.l.bf16.f32 v31;
	v23 =	vmul.f32 v23, v11  }
0x1d5: {  	v21 =	vmul.f32 v21, v11;
	v31 =	vunpack.i.u.bf16.f32 v30;
	v30 =	vunpack.i.l.bf16.f32 v30;
	[tilespmem:v6+s17+$0x0] =	vst.idx.msk $0xffff, v22  }
0x1d6: {  	v22 =	vmul.f32 v30, v14;
	v30 =	vmul.f32 v31, v14;
	[tilespmem:v7+s17+$0x0] =	vst.idx.msk $0xffff, v24  }
0x1d7: {  	[tilespmem:v5+s17+$0xFFFFFD00] =	vst.idx.msk $0xffff, v26;
	v24 =	vunpack.i.u.bf16.f32 v20;
	v20 =	vunpack.i.l.bf16.f32 v20;
	v26 =	vld [tilespmem:s13+$0xF0]  }
0x1d8: {  	v31 =	vld [tilespmem:s13+$0xFFFFFF60];
	[tilespmem:v4+s17+$0xFFFFFD80] =	vst.idx.msk $0xffff, v28;
	v20 =	vmul.f32 v20, v13;
	v24 =	vmul.f32 v24, v13  }
0x1d9: {  	v28 =	vunpack.i.u.bf16.f32 v25;
	v25 =	vunpack.i.l.bf16.f32 v25;
	[tilespmem:v5+s17+$0xFFFFFD80] =	vst.idx.msk $0xffff, v29  }
0x1da: {  	v25 =	vmul.f32 v25, v12;
	v28 =	vmul.f32 v28, v12;
	v29 =	vld [tilespmem:s13+$0xFFFFFFA0];
	[tilespmem:v4+s17+$0xFFFFFE00] =	vst.idx.msk $0xffff, v27  }
0x1db: {  	s9 =	sadd.s32 $0x2, s25;
	s0 =	sadd.s32 $0x1, s25;
	[tilespmem:v5+s17+$0xFFFFFE00] =	vst.idx.msk $0xffff, v19  }
0x1dc: {  	v27 =	vmov s9;
	v19 =	vmov s0;
	v32 =	vld [tilespmem:s13+$0xFFFFFFE0];
	[tilespmem:v4+s17+$0xFFFFFE80] =	vst.idx.msk $0xffff, v21;
	v21 =	vunpack.i.l.bf16.f32 v26  }
0x1dd: {  	v33 =	vunpack.i.u.bf16.f32 v31;
	[tilespmem:v5+s17+$0xFFFFFE80] =	vst.idx.msk $0xffff, v23;
	v23 =	vunpack.i.u.bf16.f32 v26;
	v21 =	vmul.f32 v21, v18  }
0x1de: {  	v26 =	vunpack.i.l.bf16.f32 v31;
	v31 =	vmul.f32 v33, v16;
	v33 =	vld [tilespmem:s13+$0x20];
	[tilespmem:v4+s17+$0xFFFFFF00] =	vst.idx.msk $0xffff, v22;
	v18 =	vmul.f32 v23, v18  }
0x1df: {  	s0 =	sadd.s32 $0x3, s25;
	v22 =	vmul.f32 v26, v16;
	v23 =	vunpack.i.u.bf16.f32 v29;
	v26 =	vunpack.i.l.bf16.f32 v29;
	[tilespmem:v8+s17+$0x0] =	vst.idx.msk $0xffff, v21  }
0x1e0: {  	v21 =	vmov s0;
	s0 =	sadd.s32 $0x4, s25;
	v26 =	vmul.f32 v26, v17;
	v23 =	vmul.f32 v23, v17;
	[tilespmem:v9+s17+$0x0] =	vst.idx.msk $0xffff, v18  }
0x1e1: {  	v18 =	vmov s0;
	v29 =	vunpack.i.u.bf16.f32 v32;
	v32 =	vunpack.i.l.bf16.f32 v32;
	[tilespmem:v5+s17+$0xFFFFFF00] =	vst.idx.msk $0xffff, v30  }
0x1e2: {  	v19 =	vshrl.u32 v19, $0x3;
	v30 =	vmul.f32 v32, v15;
	v29 =	vmul.f32 v29, v15;
	v32 =	vld [tilespmem:s13+$0x60];
	[tilespmem:v4+s17+$0xFFFFFF80] =	vst.idx.msk $0xffff, v20  }
0x1e3: {  	v20 =	vshrl.u32 v27, $0x3;
	v27 =	vunpack.i.u.bf16.f32 v33;
	v33 =	vunpack.i.l.bf16.f32 v33;
	[tilespmem:v5+s17+$0xFFFFFF80] =	vst.idx.msk $0xffff, v24  }
0x1e4: {  	v21 =	vshrl.u32 v21, $0x3;
	[tilespmem:v4+s17+$0xFFFFFC80] =	vst.idx.msk $0xffff, v25;
	v24 =	vmul.f32 v33, v11;
	v25 =	vmul.f32 v27, v11;
	v27 =	vld [tilespmem:s13+$0xA0]  }
0x1e5: {  	v19 =	vshll.u32 v19, v2;
	v18 =	vshrl.u32 v18, $0x3;
	v20 =	vshll.u32 v20, v2;
	[tilespmem:v5+s17+$0xFFFFFC80] =	vst.idx.msk $0xffff, v28  }
0x1e6: {  	v19 =	vadd.s32 $0x1, v19;
	v33 =	vshll.u32 v18, v2;
	v28 =	vshll.u32 v21, v2;
	v34 =	vld [tilespmem:s13+$0xFFFFFF20];
	[tilespmem:v6+s17+$0xFFFFFD00] =	vst.idx.msk $0xffff, v22  }
0x1e7: {  	v21 =	vbroadcast v19, $0x0;
	[tilespmem:v7+s17+$0xFFFFFD00] =	vst.idx.msk $0xffff, v31;
	v18 =	vunpack.i.u.bf16.f32 v32;
	v19 =	vunpack.i.l.bf16.f32 v32  }
0x1e8: {  	v20 =	vadd.s32 $0x2, v20;
	v31 =	vld [tilespmem:s13+$0xFFFFFF70];
	[tilespmem:v6+s17+$0xFFFFFD80] =	vst.idx.msk $0xffff, v26;
	v26 =	vmul.f32 v19, v14;
	v32 =	vmul.f32 v18, v14  }
0x1e9: {  	v20 =	vbroadcast v20, $0x0;
	[tilespmem:v7+s17+$0xFFFFFD80] =	vst.idx.msk $0xffff, v23;
	v18 =	vunpack.i.u.bf16.f32 v27;
	v19 =	vunpack.i.l.bf16.f32 v27  }
0x1ea: {  	v22 =	vadd.s32 $0x3, v28;
	v27 =	vld [tilespmem:s13+$0xFFFFFFB0];
	[tilespmem:v6+s17+$0xFFFFFE00] =	vst.idx.msk $0xffff, v30;
	v35 =	vmul.f32 v19, v13;
	v36 =	vmul.f32 v18, v13  }
0x1eb: {  	v18 =	vbroadcast v22, $0x0;
	v19 =	vunpack.i.u.bf16.f32 v34;
	v22 =	vunpack.i.l.bf16.f32 v34;
	[tilespmem:v7+s17+$0xFFFFFE00] =	vst.idx.msk $0xffff, v29  }
0x1ec: {  	v23 =	vadd.s32 $0x4, v33;
	v33 =	vmul.f32 v22, v12;
	v22 =	vmul.f32 v19, v12;
	v34 =	vld [tilespmem:s13+$0xFFFFFFF0];
	[tilespmem:v6+s17+$0xFFFFFE80] =	vst.idx.msk $0xffff, v24  }
0x1ed: {  	v19 =	vbroadcast v23, $0x0;
	v23 =	vunpack.i.u.bf16.f32 v31;
	v24 =	vunpack.i.l.bf16.f32 v31;
	[tilespmem:v7+s17+$0xFFFFFE80] =	vst.idx.msk $0xffff, v25  }
.Ltmp9:
0x1ee: {  	s0 =	sadd.s32 $0x7, s25;
	v28 =	vmul.f32 v24, v16;
	v23 =	vmul.f32 v23, v16;
	v30 =	vld [tilespmem:s13+$0x30];
	[tilespmem:v6+s17+$0xFFFFFF00] =	vst.idx.msk $0xffff, v26;
	(pc) =	sbr.rel @p2 .LBB2_11-.Ltmp9, $4  }
0x1ef: {  	v16 =	vmov s0;
	v24 =	vunpack.i.u.bf16.f32 v27;
	v25 =	vunpack.i.l.bf16.f32 v27;
	[tilespmem:v7+s17+$0xFFFFFF00] =	vst.idx.msk $0xffff, v32  }
0x1f0: {  	v16 =	vshrl.u32 v16, $0x3;
	v29 =	vmul.f32 v25, v17;
	v26 =	vmul.f32 v24, v17;
	v25 =	vld [tilespmem:s13+$0x70];
	[tilespmem:v6+s17+$0xFFFFFF80] =	vst.idx.msk $0xffff, v35  }
0x1f1: {  	v16 =	vshll.u32 v16, v2;
	v24 =	vunpack.i.u.bf16.f32 v34;
	v27 =	vunpack.i.l.bf16.f32 v34;
	[tilespmem:v7+s17+$0xFFFFFF80] =	vst.idx.msk $0xffff, v36  }
0x1f2: {  	s25 =	sadd.s32 $0x8, s25;
	v17 =	vadd.s32 $0x7, v16;
	[tilespmem:v6+s17+$0xFFFFFC80] =	vst.idx.msk $0xffff, v33;
	v31 =	vmul.f32 v27, v15;
	v24 =	vmul.f32 v24, v15;
	v27 =	vld [tilespmem:s13+$0xB0]  }
0x1f3: {  	_ =	sdelay $0x3  }
0x1f4: {  	[tilespmem:v7+s17+$0xFFFFFC80] =	vst.idx.msk $0xffff, v22  }
0x1f5: {  	v17 =	vbroadcast v17, $0x0;
	[tilespmem:v8+s17+$0xFFFFFD00] =	vst.idx.msk $0xffff, v28  }
0x1f6: {  	[tilespmem:v8+s17+$0xFFFFFD80] =	vst.idx.msk $0xffff, v29  }
0x1f7: {  	v15 =	vld.idx.msk [tilespmem:v21+s29+$0x0], $0xffff;
	[tilespmem:v9+s17+$0xFFFFFD00] =	vst.idx.msk $0xffff, v23  }
0x1f8: {  	s0 =	sadd.s32 $0x5, s23;
	v16 =	vunpack.i.l.bf16.f32 v30;
	v21 =	vld [tilespmem:s13+$0xFFFFFF30];
	[tilespmem:v9+s17+$0xFFFFFD80] =	vst.idx.msk $0xffff, v26  }
0x1f9: {  	v22 =	vunpack.i.u.bf16.f32 v30;
	s25 =	sadd.s32 $0x200, s13;
	v23 =	vmov s0;
	v26 =	vmul.f32 v16, v11;
	v16 =	vld.idx.msk [tilespmem:v20+s29+$0x0], $0xffff;
	[tilespmem:v8+s17+$0xFFFFFE00] =	vst.idx.msk $0xffff, v31  }
0x1fa: {  	s9 =	sadd.s32 $0x6, s23;
	v11 =	vmul.f32 v22, v11;
	v22 =	vshrl.u32 v23, $0x3;
	v20 =	vunpack.i.l.bf16.f32 v25;
	v23 =	vld [tilespmem:s25+$0xC0];
	[tilespmem:v9+s17+$0xFFFFFE00] =	vst.idx.msk $0xffff, v24  }
0x1fb: {  	v24 =	vunpack.i.u.bf16.f32 v25;
	v25 =	vmov s9;
	v28 =	vmul.f32 v20, v14;
	[tilespmem:v8+s17+$0xFFFFFE80] =	vst.idx.msk $0xffff, v26;
	v20 =	vld.idx.msk [tilespmem:v17+s29+$0x0], $0xffff  }
0x1fc: {  	v14 =	vmul.f32 v24, v14;
	[tilespmem:v9+s17+$0xFFFFFE80] =	vst.idx.msk $0xffff, v11;
	v17 =	vshll.u32 v22, v2;
	v22 =	vunpack.i.l.bf16.f32 v27  }
0x1fd: {  	v24 =	vshrl.u32 v25, $0x3;
	v25 =	vld [tilespmem:s25+$0xFFFFFF40];
	v11 =	vunpack.i.u.bf16.f32 v27;
	[tilespmem:v8+s17+$0xFFFFFF00] =	vst.idx.msk $0xffff, v28;
	v22 =	vmul.f32 v22, v13  }
0x1fe: {  	v24 =	vshll.u32 v24, v2;
	[tilespmem:v9+s17+$0xFFFFFF00] =	vst.idx.msk $0xffff, v14;
	v13 =	vmul.f32 v11, v13;
	v11 =	vunpack.i.l.bf16.f32 v21  }
0x1ff: {  	v26 =	vld [tilespmem:s25+$0xFFFFFF80];
	v14 =	vunpack.i.u.bf16.f32 v21;
	v27 =	vunpack.i.l.bf16.f32 v23;
	v21 =	vmul.f32 v11, v12;
	[tilespmem:v8+s17+$0xFFFFFF80] =	vst.idx.msk $0xffff, v22  }
0x200: {  	v17 =	vadd.s32 $0x5, v17;
	v11 =	vld.idx.msk [tilespmem:v18+s29+$0x0], $0xffff;
	v18 =	vunpack.i.u.bf16.f32 v23;
	[tilespmem:v9+s17+$0xFFFFFF80] =	vst.idx.msk $0xffff, v13;
	v22 =	vmul.f32 v27, v20  }
0x201: {  	v23 =	vld [tilespmem:s25+$0xFFFFFFC0];
	v13 =	vmul.f32 v14, v12;
	v14 =	vmov s23;
	[tilespmem:v8+s14+$0xFFFFFC80] =	vst.idx.msk $0xffff, v21;
	s23 =	sadd.s32 $0x400, s17;
	v18 =	vmul.f32 v18, v20  }
0x202: {  	v17 =	vbroadcast v17, $0x0;
	v12 =	vld.idx.msk [tilespmem:v19+s29+$0x0], $0xffff;
	v19 =	vadd.s32 $0x6, v24;
	v21 =	vunpack.i.l.bf16.f32 v25;
	[tilespmem:v0+s23+$0x0] =	vst.idx.msk $0xffff, v22  }
0x203: {  	v24 =	vunpack.i.u.bf16.f32 v25;
	v14 =	vshrl.u32 v14, $0x3;
	v21 =	vmul.f32 v21, v15;
	v22 =	vld [tilespmem:s25+$0x0];
	[tilespmem:v3+s23+$0x0] =	vst.idx.msk $0xffff, v18  }
0x204: {  	v24 =	vmul.f32 v24, v15;
	[tilespmem:v9+s14+$0xFFFFFC80] =	vst.idx.msk $0xffff, v13;
	v18 =	vbroadcast v19, $0x0;
	v19 =	vunpack.i.l.bf16.f32 v26;
	v25 =	vld [tilespmem:s25+$0xD0]  }
0x205: {  	v13 =	vshll.u32 v14, v2;
	v14 =	vunpack.i.u.bf16.f32 v26;
	[tilespmem:v0+s23+$0xFFFFFD00] =	vst.idx.msk $0xffff, v21;
	v19 =	vmul.f32 v19, v16  }
0x206: {  	v21 =	vbroadcast v13, $0x0;
	v13 =	vunpack.i.l.bf16.f32 v23;
	v14 =	vmul.f32 v14, v16;
	[tilespmem:v3+s23+$0xFFFFFD00] =	vst.idx.msk $0xffff, v24  }
0x207: {  	v23 =	vunpack.i.u.bf16.f32 v23;
	v24 =	vld [tilespmem:s25+$0x40];
	[tilespmem:v0+s23+$0xFFFFFD80] =	vst.idx.msk $0xffff, v19;
	v19 =	vmul.f32 v13, v11  }
0x208: {  	v23 =	vmul.f32 v23, v11;
	v13 =	vld.idx.msk [tilespmem:v17+s29+$0x0], $0xffff;
	v17 =	vunpack.i.l.bf16.f32 v22;
	[tilespmem:v3+s23+$0xFFFFFD80] =	vst.idx.msk $0xffff, v14  }
0x209: {  	v26 =	vld [tilespmem:s25+$0x80];
	v17 =	vmul.f32 v17, v12;
	[tilespmem:v0+s23+$0xFFFFFE00] =	vst.idx.msk $0xffff, v19;
	v19 =	vunpack.i.l.bf16.f32 v25  }
0x20a: {  	v14 =	vld.idx.msk [tilespmem:v18+s29+$0x0], $0xffff;
	[tilespmem:v3+s23+$0xFFFFFE00] =	vst.idx.msk $0xffff, v23;
	v18 =	vunpack.i.u.bf16.f32 v25;
	v19 =	vmul.f32 v19, v20  }
0x20b: {  	v22 =	vunpack.i.u.bf16.f32 v22;
	v23 =	vld [tilespmem:s25+$0xFFFFFF00];
	[tilespmem:v0+s23+$0xFFFFFE80] =	vst.idx.msk $0xffff, v17;
	v18 =	vmul.f32 v18, v20  }
0x20c: {  	v25 =	vunpack.i.l.bf16.f32 v24;
	v17 =	vld.idx.msk [tilespmem:v21+s29+$0x0], $0xffff;
	v21 =	vmul.f32 v22, v12;
	[tilespmem:v4+s23+$0x0] =	vst.idx.msk $0xffff, v19  }
0x20d: {  	v22 =	vld [tilespmem:s25+$0xFFFFFF50];
	v19 =	vunpack.i.u.bf16.f32 v24;
	v24 =	vmul.f32 v25, v13;
	[tilespmem:v5+s23+$0x0] =	vst.idx.msk $0xffff, v18  }
0x20e: {  	[tilespmem:v3+s23+$0xFFFFFE80] =	vst.idx.msk $0xffff, v21;
	v18 =	vunpack.i.l.bf16.f32 v26;
	v19 =	vmul.f32 v19, v13;
	v21 =	vld [tilespmem:s25+$0xE0]  }
0x20f: {  	v25 =	vunpack.i.u.bf16.f32 v26;
	v18 =	vmul.f32 v18, v14;
	[tilespmem:v0+s23+$0xFFFFFF00] =	vst.idx.msk $0xffff, v24  }
0x210: {  	v24 =	vunpack.i.l.bf16.f32 v23;
	v25 =	vmul.f32 v25, v14;
	[tilespmem:v3+s23+$0xFFFFFF00] =	vst.idx.msk $0xffff, v19  }
0x211: {  	v19 =	vunpack.i.u.bf16.f32 v23;
	v23 =	vld [tilespmem:s25+$0xFFFFFF90];
	v24 =	vmul.f32 v24, v17;
	[tilespmem:v0+s23+$0xFFFFFF80] =	vst.idx.msk $0xffff, v18  }
0x212: {  	v18 =	vmul.f32 v19, v17;
	v19 =	vunpack.i.l.bf16.f32 v22;
	[tilespmem:v3+s23+$0xFFFFFF80] =	vst.idx.msk $0xffff, v25  }
0x213: {  	v25 =	vld [tilespmem:s25+$0xFFFFFFD0];
	v19 =	vmul.f32 v19, v15;
	[tilespmem:v0+s23+$0xFFFFFC80] =	vst.idx.msk $0xffff, v24;
	v24 =	vunpack.i.l.bf16.f32 v21  }
0x214: {  	[tilespmem:v3+s23+$0xFFFFFC80] =	vst.idx.msk $0xffff, v18;
	v18 =	vunpack.i.u.bf16.f32 v21;
	v21 =	vmul.f32 v24, v20  }
0x215: {  	v22 =	vunpack.i.u.bf16.f32 v22;
	[tilespmem:v4+s23+$0xFFFFFD00] =	vst.idx.msk $0xffff, v19;
	v24 =	vld [tilespmem:s25+$0x10];
	v18 =	vmul.f32 v18, v20  }
0x216: {  	v19 =	vmul.f32 v22, v15;
	v22 =	vunpack.i.l.bf16.f32 v23;
	[tilespmem:v6+s23+$0x0] =	vst.idx.msk $0xffff, v21  }
0x217: {  	v22 =	vmul.f32 v22, v16;
	v21 =	vunpack.i.u.bf16.f32 v23;
	v23 =	vld [tilespmem:s25+$0x50];
	[tilespmem:v7+s23+$0x0] =	vst.idx.msk $0xffff, v18  }
0x218: {  	[tilespmem:v5+s23+$0xFFFFFD00] =	vst.idx.msk $0xffff, v19;
	v18 =	vmul.f32 v21, v16;
	v21 =	vunpack.i.l.bf16.f32 v25;
	v19 =	vld [tilespmem:s25+$0xF0]  }
0x219: {  	v25 =	vunpack.i.u.bf16.f32 v25;
	[tilespmem:v4+s23+$0xFFFFFD80] =	vst.idx.msk $0xffff, v22;
	v21 =	vmul.f32 v21, v11  }
0x21a: {  	v22 =	vmul.f32 v25, v11;
	v25 =	vunpack.i.l.bf16.f32 v24;
	[tilespmem:v5+s23+$0xFFFFFD80] =	vst.idx.msk $0xffff, v18  }
0x21b: {  	v18 =	vld [tilespmem:s25+$0x90];
	v24 =	vunpack.i.u.bf16.f32 v24;
	v25 =	vmul.f32 v25, v12;
	[tilespmem:v4+s23+$0xFFFFFE00] =	vst.idx.msk $0xffff, v21  }
0x21c: {  	v21 =	vmul.f32 v24, v12;
	v24 =	vunpack.i.l.bf16.f32 v23;
	[tilespmem:v5+s23+$0xFFFFFE00] =	vst.idx.msk $0xffff, v22  }
0x21d: {  	v22 =	vld [tilespmem:s25+$0xFFFFFF10];
	v24 =	vmul.f32 v24, v13;
	[tilespmem:v4+s23+$0xFFFFFE80] =	vst.idx.msk $0xffff, v25;
	v25 =	vunpack.i.l.bf16.f32 v19  }
0x21e: {  	v23 =	vunpack.i.u.bf16.f32 v23;
	[tilespmem:v5+s23+$0xFFFFFE80] =	vst.idx.msk $0xffff, v21;
	v19 =	vunpack.i.u.bf16.f32 v19;
	v21 =	vmul.f32 v25, v20  }
0x21f: {  	v25 =	vld [tilespmem:s25+$0xFFFFFF60];
	[tilespmem:v4+s23+$0xFFFFFF00] =	vst.idx.msk $0xffff, v24;
	v19 =	vmul.f32 v19, v20;
	v20 =	vmul.f32 v23, v13  }
0x220: {  	v23 =	vunpack.i.l.bf16.f32 v18;
	[tilespmem:v8+s23+$0x0] =	vst.idx.msk $0xffff, v21  }
0x221: {  	v18 =	vunpack.i.u.bf16.f32 v18;
	v21 =	vmul.f32 v23, v14;
	v23 =	vld [tilespmem:s25+$0xFFFFFFA0];
	[tilespmem:v5+s23+$0xFFFFFF00] =	vst.idx.msk $0xffff, v20  }
0x222: {  	v18 =	vmul.f32 v18, v14;
	[tilespmem:v9+s23+$0x0] =	vst.idx.msk $0xffff, v19;
	v19 =	vunpack.i.l.bf16.f32 v22  }
0x223: {  	v20 =	vunpack.i.u.bf16.f32 v22;
	v22 =	vld [tilespmem:s25+$0xFFFFFFE0];
	v19 =	vmul.f32 v19, v17;
	[tilespmem:v4+s23+$0xFFFFFF80] =	vst.idx.msk $0xffff, v21  }
0x224: {  	v20 =	vmul.f32 v20, v17;
	v21 =	vunpack.i.l.bf16.f32 v25;
	[tilespmem:v5+s23+$0xFFFFFF80] =	vst.idx.msk $0xffff, v18  }
0x225: {  	v24 =	vld [tilespmem:s25+$0x20];
	v18 =	vunpack.i.u.bf16.f32 v25;
	v21 =	vmul.f32 v21, v15;
	[tilespmem:v4+s23+$0xFFFFFC80] =	vst.idx.msk $0xffff, v19  }
0x226: {  	v18 =	vmul.f32 v18, v15;
	v19 =	vunpack.i.l.bf16.f32 v23;
	[tilespmem:v5+s23+$0xFFFFFC80] =	vst.idx.msk $0xffff, v20  }
0x227: {  	v20 =	vunpack.i.u.bf16.f32 v23;
	v23 =	vld [tilespmem:s25+$0x60];
	v19 =	vmul.f32 v19, v16;
	[tilespmem:v6+s23+$0xFFFFFD00] =	vst.idx.msk $0xffff, v21  }
0x228: {  	v20 =	vmul.f32 v20, v16;
	v21 =	vunpack.i.l.bf16.f32 v22;
	[tilespmem:v7+s23+$0xFFFFFD00] =	vst.idx.msk $0xffff, v18  }
0x229: {  	v18 =	vunpack.i.u.bf16.f32 v22;
	v21 =	vmul.f32 v21, v11;
	v22 =	vld [tilespmem:s25+$0xA0];
	[tilespmem:v6+s23+$0xFFFFFD80] =	vst.idx.msk $0xffff, v19  }
0x22a: {  	v18 =	vmul.f32 v18, v11;
	v19 =	vunpack.i.l.bf16.f32 v24;
	[tilespmem:v7+s23+$0xFFFFFD80] =	vst.idx.msk $0xffff, v20  }
0x22b: {  	v20 =	vunpack.i.u.bf16.f32 v24;
	v19 =	vmul.f32 v19, v12;
	v24 =	vld [tilespmem:s25+$0xFFFFFF20];
	[tilespmem:v6+s23+$0xFFFFFE00] =	vst.idx.msk $0xffff, v21  }
0x22c: {  	v20 =	vmul.f32 v20, v12;
	v21 =	vunpack.i.l.bf16.f32 v23;
	[tilespmem:v7+s23+$0xFFFFFE00] =	vst.idx.msk $0xffff, v18  }
0x22d: {  	v18 =	vunpack.i.u.bf16.f32 v23;
	v23 =	vld [tilespmem:s25+$0xFFFFFF70];
	v21 =	vmul.f32 v21, v13;
	[tilespmem:v6+s23+$0xFFFFFE80] =	vst.idx.msk $0xffff, v19  }
0x22e: {  	v18 =	vmul.f32 v18, v13;
	v19 =	vunpack.i.l.bf16.f32 v22;
	[tilespmem:v7+s23+$0xFFFFFE80] =	vst.idx.msk $0xffff, v20  }
0x22f: {  	v20 =	vunpack.i.u.bf16.f32 v22;
	v22 =	vld [tilespmem:s25+$0xFFFFFFB0];
	v19 =	vmul.f32 v19, v14;
	[tilespmem:v6+s23+$0xFFFFFF00] =	vst.idx.msk $0xffff, v21  }
0x230: {  	v20 =	vmul.f32 v20, v14;
	v21 =	vunpack.i.l.bf16.f32 v24;
	[tilespmem:v7+s23+$0xFFFFFF00] =	vst.idx.msk $0xffff, v18  }
0x231: {  	v18 =	vunpack.i.u.bf16.f32 v24;
	v24 =	vld [tilespmem:s25+$0xFFFFFFF0];
	v21 =	vmul.f32 v21, v17;
	[tilespmem:v6+s23+$0xFFFFFF80] =	vst.idx.msk $0xffff, v19  }
0x232: {  	v18 =	vmul.f32 v18, v17;
	v19 =	vunpack.i.l.bf16.f32 v23;
	[tilespmem:v7+s23+$0xFFFFFF80] =	vst.idx.msk $0xffff, v20  }
0x233: {  	v20 =	vunpack.i.u.bf16.f32 v23;
	v19 =	vmul.f32 v19, v15;
	v23 =	vld [tilespmem:s25+$0x30];
	[tilespmem:v6+s23+$0xFFFFFC80] =	vst.idx.msk $0xffff, v21  }
0x234: {  	v15 =	vmul.f32 v20, v15;
	v20 =	vunpack.i.l.bf16.f32 v22;
	[tilespmem:v7+s23+$0xFFFFFC80] =	vst.idx.msk $0xffff, v18  }
0x235: {  	v21 =	vld [tilespmem:s25+$0x70];
	v18 =	vunpack.i.u.bf16.f32 v22;
	v20 =	vmul.f32 v20, v16;
	[tilespmem:v8+s23+$0xFFFFFD00] =	vst.idx.msk $0xffff, v19  }
0x236: {  	v16 =	vmul.f32 v18, v16;
	v18 =	vunpack.i.l.bf16.f32 v24;
	[tilespmem:v9+s23+$0xFFFFFD00] =	vst.idx.msk $0xffff, v15  }
0x237: {  	v19 =	vld [tilespmem:s25+$0xB0];
	v15 =	vunpack.i.u.bf16.f32 v24;
	v18 =	vmul.f32 v18, v11;
	[tilespmem:v8+s23+$0xFFFFFD80] =	vst.idx.msk $0xffff, v20  }
0x238: {  	v11 =	vmul.f32 v15, v11;
	v15 =	vunpack.i.l.bf16.f32 v23;
	[tilespmem:v9+s23+$0xFFFFFD80] =	vst.idx.msk $0xffff, v16  }
0x239: {  	v20 =	vld [tilespmem:s25+$0xFFFFFF30];
	v16 =	vunpack.i.u.bf16.f32 v23;
	v15 =	vmul.f32 v15, v12;
	[tilespmem:v8+s23+$0xFFFFFE00] =	vst.idx.msk $0xffff, v18  }
0x23a: {  	v12 =	vmul.f32 v16, v12;
	v16 =	vunpack.i.l.bf16.f32 v21;
	[tilespmem:v9+s23+$0xFFFFFE00] =	vst.idx.msk $0xffff, v11  }
0x23b: {  	v11 =	vunpack.i.u.bf16.f32 v21;
	v16 =	vmul.f32 v16, v13;
	[tilespmem:v8+s23+$0xFFFFFE80] =	vst.idx.msk $0xffff, v15  }
0x23c: {  	v11 =	vmul.f32 v11, v13;
	v13 =	vunpack.i.l.bf16.f32 v19;
	[tilespmem:v9+s23+$0xFFFFFE80] =	vst.idx.msk $0xffff, v12  }
0x23d: {  	v12 =	vunpack.i.u.bf16.f32 v19;
	v13 =	vmul.f32 v13, v14;
	[tilespmem:v8+s23+$0xFFFFFF00] =	vst.idx.msk $0xffff, v16  }
0x23e: {  	v12 =	vmul.f32 v12, v14;
	v14 =	vunpack.i.l.bf16.f32 v20;
	[tilespmem:v9+s23+$0xFFFFFF00] =	vst.idx.msk $0xffff, v11  }
0x23f: {  	v11 =	vunpack.i.u.bf16.f32 v20;
	v14 =	vmul.f32 v14, v17;
	[tilespmem:v8+s23+$0xFFFFFF80] =	vst.idx.msk $0xffff, v13  }
0x240: {  	s9 =	simm.s32 $0x29;
	s25 =	simm.s32 $0x2F;
	v11 =	vmul.f32 v11, v17;
	[tilespmem:v9+s23+$0xFFFFFF80] =	vst.idx.msk $0xffff, v12  }
0x241: {  	s13 =	simm.s32 $0x2B;
	v13 =	vmov s9;
	v12 =	vmov s25;
	[tilespmem:v8+s23+$0xFFFFFC80] =	vst.idx.msk $0xffff, v14  }
0x242: {  	s9 =	simm.s32 $0x2A;
	v12 =	vshrl.u32 v12, $0x3;
	v14 =	vmov s13;
	[tilespmem:v9+s23+$0xFFFFFC80] =	vst.idx.msk $0xffff, v11;
	v11 =	vshrl.u32 v13, $0x3  }
0x243: {  	v12 =	vshll.u32 v12, v2;
	v13 =	vmov s9;
	s9 =	simm.s32 @!p1 $0x5;
	v14 =	vshrl.u32 v14, $0x3  }
0x244: {  	[spmem:s2] =	stream.indirect.scatter.add.f32 [tilespmem:s21], [sflag:$0x4], $0x80, s31, s30, $0xb8;
	v11 =	vshll.u32 v11, v2;
	v12 =	vadd.s32 $0x7, v12;
	v13 =	vshrl.u32 v13, $0x3;
	[tilespmem:$0x1FDA8] =	vst v63  }
0x245: {  	v11 =	vadd.s32 $0x1, v11;
	v12 =	vbroadcast v12, $0x0;
	v13 =	vshll.u32 v13, v2;
	_ =	swait.ge @!p1 [sflag:s9], $0x1400  }
0x246: {  	s14 =	simm.s32 $0x2C;
	v14 =	vshll.u32 v14, v2;
	v11 =	vbroadcast v11, $0x0;
	v13 =	vadd.s32 $0x2, v13;
	[sflag:s9] =	ssyncset.done @!p1 $0x0  }
0x247: {  	v15 =	vmov s14;
	s13 =	simm.s32 $0x7A90;
	v14 =	vadd.s32 $0x3, v14;
	v16 =	vbroadcast v13, $0x0;
	[sflag:s9] =	ssyncadd.s32 @!p1 $0xFFFFEC00  }
0x248: {  	v13 =	vshrl.u32 v15, $0x3;
	v15 =	vbroadcast v14, $0x0;
	v17 =	vld [tilespmem:s13+$0xFFFFFFD0]  }
0x249: {  	v20 =	vld [tilespmem:s13+$0xFFFFFE50]  }
0x24a: {  	v13 =	vshll.u32 v13, v2;
	v21 =	vld [tilespmem:s13+$0xFFFFFE90]  }
0x24b: {  	s17 =	simm.s32 $0x2D;
	s23 =	simm.s32 $0x2E;
	v13 =	vadd.s32 $0x4, v13;
	v18 =	vld.idx.msk [tilespmem:v12+s29+$0x0], $0xffff  }
0x24c: {  	v19 =	vbroadcast v13, $0x0;
	v12 =	vmov s23;
	v13 =	vld.idx.msk [tilespmem:v11+s29+$0x0], $0xffff;
	v11 =	vmov s17  }
0x24d: {  	s25 =	simm.s32 $0x28;
	v12 =	vshrl.u32 v12, $0x3;
	v11 =	vshrl.u32 v11, $0x3;
	v14 =	vld.idx.msk [tilespmem:v16+s29+$0x0], $0xffff  }
0x24e: {  	v16 =	vshll.u32 v12, v2;
	v22 =	vunpack.i.l.bf16.f32 v17;
	v12 =	vld.idx.msk [tilespmem:v15+s29+$0x0], $0xffff;
	v15 =	vmov s25  }
0x24f: {  	v24 =	vld [tilespmem:s13+$0xFFFFFED0];
	v17 =	vunpack.i.u.bf16.f32 v17;
	v11 =	vshll.u32 v11, v2;
	v16 =	vadd.s32 $0x6, v16  }
0x250: {  	v15 =	vshrl.u32 v15, $0x3;
	v11 =	vadd.s32 $0x5, v11;
	v22 =	vmul.f32 v22, v18  }
0x251: {  	s17 =	simm.s32 $0xAE20;
	v16 =	vbroadcast v16, $0x0;
	v15 =	vshll.u32 v15, v2;
	v17 =	vmul.f32 v17, v18  }
0x252: {  	v23 =	vbroadcast v11, $0x0;
	v11 =	vld.idx.msk [tilespmem:v19+s29+$0x0], $0xffff;
	v19 =	vunpack.i.l.bf16.f32 v20;
	v20 =	vunpack.i.u.bf16.f32 v20;
	[tilespmem:v0+s17+$0x0] =	vst.idx.msk $0xffff, v22  }
0x253: {  	v25 =	vbroadcast v15, $0x0;
	v15 =	vunpack.i.l.bf16.f32 v21;
	v19 =	vmul.f32 v19, v13;
	v22 =	vld [tilespmem:s13+$0xFFFFFF10];
	[tilespmem:v3+s17+$0x0] =	vst.idx.msk $0xffff, v17  }
0x254: {  	v27 =	vunpack.i.l.bf16.f32 v24;
	v15 =	vmul.f32 v15, v14;
	v17 =	vmul.f32 v20, v13;
	v20 =	vld [tilespmem:s13+$0xFFFFFFE0]  }
0x255: {  	v28 =	vld [tilespmem:s13+$0xFFFFFF90];
	v27 =	vmul.f32 v27, v12;
	[tilespmem:v0+s17+$0xFFFFFD00] =	vst.idx.msk $0xffff, v19  }
0x256: {  	v21 =	vunpack.i.u.bf16.f32 v21;
	v19 =	vld [tilespmem:s13+$0xFFFFFF50];
	[tilespmem:v0+s17+$0xFFFFFD80] =	vst.idx.msk $0xffff, v15  }
0x257: {  	v24 =	vunpack.i.u.bf16.f32 v24;
	v21 =	vmul.f32 v21, v14;
	[tilespmem:v0+s17+$0xFFFFFE00] =	vst.idx.msk $0xffff, v27;
	v15 =	vld.idx.msk [tilespmem:v16+s29+$0x0], $0xffff  }
0x258: {  	v24 =	vmul.f32 v24, v12;
	[tilespmem:v3+s17+$0xFFFFFD00] =	vst.idx.msk $0xffff, v17;
	v17 =	vld.idx.msk [tilespmem:v23+s29+$0x0], $0xffff;
	v23 =	vunpack.i.l.bf16.f32 v22  }
0x259: {  	v26 =	vld [tilespmem:s13+$0xFFFFFE10];
	[tilespmem:v3+s17+$0xFFFFFD80] =	vst.idx.msk $0xffff, v21;
	v21 =	vmul.f32 v23, v11;
	v23 =	vunpack.i.l.bf16.f32 v20  }
0x25a: {  	[tilespmem:v3+s17+$0xFFFFFE00] =	vst.idx.msk $0xffff, v24;
	v16 =	vld.idx.msk [tilespmem:v25+s29+$0x0], $0xffff;
	v20 =	vunpack.i.u.bf16.f32 v20;
	v23 =	vmul.f32 v23, v18  }
0x25b: {  	v24 =	vld [tilespmem:s13+$0xFFFFFE60];
	v22 =	vunpack.i.u.bf16.f32 v22;
	[tilespmem:v0+s17+$0xFFFFFE80] =	vst.idx.msk $0xffff, v21;
	v20 =	vmul.f32 v20, v18  }
0x25c: {  	v25 =	vunpack.i.l.bf16.f32 v28;
	v22 =	vmul.f32 v22, v11;
	[tilespmem:v4+s17+$0x0] =	vst.idx.msk $0xffff, v23  }
0x25d: {  	v21 =	vunpack.i.l.bf16.f32 v19;
	v25 =	vmul.f32 v25, v15;
	v23 =	vld [tilespmem:s13+$0xFFFFFEA0];
	[tilespmem:v5+s17+$0x0] =	vst.idx.msk $0xffff, v20  }
0x25e: {  	v27 =	vunpack.i.u.bf16.f32 v28;
	v19 =	vunpack.i.u.bf16.f32 v19;
	v21 =	vmul.f32 v21, v17;
	[tilespmem:v3+s17+$0xFFFFFE80] =	vst.idx.msk $0xffff, v22;
	v22 =	vld [tilespmem:s13+$0xFFFFFFF0]  }
0x25f: {  	v28 =	vld [tilespmem:s13+$0xFFFFFEE0];
	v19 =	vmul.f32 v19, v17;
	[tilespmem:v0+s17+$0xFFFFFF80] =	vst.idx.msk $0xffff, v25;
	v20 =	vunpack.i.u.bf16.f32 v26;
	v26 =	vunpack.i.l.bf16.f32 v26  }
0x260: {  	[tilespmem:v0+s17+$0xFFFFFF00] =	vst.idx.msk $0xffff, v21;
	v21 =	vmul.f32 v27, v15;
	v27 =	vunpack.i.u.bf16.f32 v24;
	v26 =	vmul.f32 v26, v16  }
0x261: {  	[tilespmem:v3+s17+$0xFFFFFF00] =	vst.idx.msk $0xffff, v19;
	v19 =	vmul.f32 v20, v16;
	v20 =	vunpack.i.l.bf16.f32 v24;
	v24 =	vmul.f32 v27, v13;
	v27 =	vld [tilespmem:s13+$0xFFFFFF20]  }
0x262: {  	v20 =	vmul.f32 v20, v13;
	v29 =	vld [tilespmem:s13+$0xFFFFFF60];
	[tilespmem:v3+s17+$0xFFFFFF80] =	vst.idx.msk $0xffff, v21;
	v25 =	vunpack.i.u.bf16.f32 v23;
	v23 =	vunpack.i.l.bf16.f32 v23  }
0x263: {  	[tilespmem:v0+s17+$0xFFFFFC80] =	vst.idx.msk $0xffff, v26;
	v21 =	vmul.f32 v23, v14;
	v31 =	vmul.f32 v25, v14;
	v23 =	vld [tilespmem:s13+$0xFFFFFFA0];
	v25 =	vunpack.i.l.bf16.f32 v22  }
0x264: {  	v26 =	vunpack.i.l.bf16.f32 v28;
	[tilespmem:v3+s17+$0xFFFFFC80] =	vst.idx.msk $0xffff, v19;
	v19 =	vunpack.i.u.bf16.f32 v22;
	v25 =	vmul.f32 v25, v18  }
0x265: {  	v32 =	vmul.f32 v26, v12;
	[tilespmem:v4+s17+$0xFFFFFD00] =	vst.idx.msk $0xffff, v20;
	v33 =	vld [tilespmem:s13+$0xFFFFFE20];
	v22 =	vunpack.i.u.bf16.f32 v28;
	v19 =	vmul.f32 v19, v18  }
0x266: {  	v20 =	vunpack.i.u.bf16.f32 v27;
	v26 =	vunpack.i.l.bf16.f32 v27;
	v22 =	vmul.f32 v22, v12;
	[tilespmem:v6+s17+$0x0] =	vst.idx.msk $0xffff, v25  }
0x267: {  	v27 =	vmul.f32 v26, v11;
	v25 =	vmul.f32 v20, v11;
	v20 =	vunpack.i.l.bf16.f32 v29;
	[tilespmem:v7+s17+$0x0] =	vst.idx.msk $0xffff, v19  }
0x268: {  	[tilespmem:v5+s17+$0xFFFFFD00] =	vst.idx.msk $0xffff, v24;
	v19 =	vunpack.i.u.bf16.f32 v29;
	v26 =	vmul.f32 v20, v17;
	v24 =	vunpack.i.l.bf16.f32 v23;
	v30 =	vld [tilespmem:s13+$0x0]  }
0x269: {  	v28 =	vld [tilespmem:s13+$0xFFFFFE70];
	[tilespmem:v4+s17+$0xFFFFFD80] =	vst.idx.msk $0xffff, v21;
	v20 =	vmul.f32 v19, v17;
	v19 =	vunpack.i.u.bf16.f32 v23;
	v23 =	vmul.f32 v24, v15  }
0x26a: {  	[tilespmem:v5+s17+$0xFFFFFD80] =	vst.idx.msk $0xffff, v31;
	v24 =	vunpack.i.l.bf16.f32 v33;
	v21 =	vmul.f32 v19, v15;
	v19 =	vunpack.i.u.bf16.f32 v33  }
0x26b: {  	s14 =	simm.s32 $0xAE20;
	s23 =	simm.s32 $0x0;
	[tilespmem:v4+s17+$0xFFFFFE00] =	vst.idx.msk $0xffff, v32;
	v29 =	vld [tilespmem:s13+$0xFFFFFEB0];
	v24 =	vmul.f32 v24, v16;
	v19 =	vmul.f32 v19, v16  }
.LBB2_13:
0x26c: {  	s0 =	sadd.s32 $0x31, s23;
	s9 =	sadd.s32 $0x32, s23;
	[tilespmem:v5+s17+$0xFFFFFE00] =	vst.idx.msk $0xffff, v22;
	s25 =	smov.u32 s23  }
0x26d: {  	v22 =	vmov s0;
	v31 =	vmov s9;
	v32 =	vld [tilespmem:s13+$0xFFFFFEF0];
	[tilespmem:v4+s17+$0xFFFFFE80] =	vst.idx.msk $0xffff, v27;
	v27 =	vunpack.i.l.bf16.f32 v30  }
0x26e: {  	v33 =	vunpack.i.u.bf16.f32 v28;
	[tilespmem:v5+s17+$0xFFFFFE80] =	vst.idx.msk $0xffff, v25;
	v25 =	vunpack.i.u.bf16.f32 v30;
	v27 =	vmul.f32 v27, v18  }
0x26f: {  	v28 =	vunpack.i.l.bf16.f32 v28;
	v30 =	vmul.f32 v33, v13;
	v33 =	vld [tilespmem:s13+$0xFFFFFF30];
	[tilespmem:v4+s17+$0xFFFFFF00] =	vst.idx.msk $0xffff, v26;
	v18 =	vmul.f32 v25, v18  }
0x270: {  	s0 =	sadd.s32 $0x33, s23;
	v25 =	vmul.f32 v28, v13;
	v26 =	vunpack.i.u.bf16.f32 v29;
	v28 =	vunpack.i.l.bf16.f32 v29;
	[tilespmem:v8+s17+$0x0] =	vst.idx.msk $0xffff, v27  }
0x271: {  	v27 =	vmov s0;
	s0 =	sadd.s32 $0x34, s23;
	v28 =	vmul.f32 v28, v14;
	v26 =	vmul.f32 v26, v14;
	[tilespmem:v9+s17+$0x0] =	vst.idx.msk $0xffff, v18  }
0x272: {  	v18 =	vmov s0;
	v29 =	vunpack.i.u.bf16.f32 v32;
	v32 =	vunpack.i.l.bf16.f32 v32;
	[tilespmem:v5+s17+$0xFFFFFF00] =	vst.idx.msk $0xffff, v20  }
0x273: {  	v20 =	vshrl.u32 v22, $0x3;
	v22 =	vmul.f32 v32, v12;
	v29 =	vmul.f32 v29, v12;
	v32 =	vld [tilespmem:s13+$0xFFFFFF70];
	[tilespmem:v4+s17+$0xFFFFFF80] =	vst.idx.msk $0xffff, v23  }
0x274: {  	v23 =	vshrl.u32 v31, $0x3;
	v31 =	vunpack.i.u.bf16.f32 v33;
	v33 =	vunpack.i.l.bf16.f32 v33;
	[tilespmem:v5+s17+$0xFFFFFF80] =	vst.idx.msk $0xffff, v21  }
0x275: {  	v21 =	vshrl.u32 v27, $0x3;
	[tilespmem:v4+s17+$0xFFFFFC80] =	vst.idx.msk $0xffff, v24;
	v24 =	vmul.f32 v33, v11;
	v27 =	vmul.f32 v31, v11;
	v31 =	vld [tilespmem:s13+$0xFFFFFFB0]  }
0x276: {  	v18 =	vshrl.u32 v18, $0x3;
	v20 =	vshll.u32 v20, v2;
	v23 =	vshll.u32 v23, v2;
	[tilespmem:v5+s17+$0xFFFFFC80] =	vst.idx.msk $0xffff, v19  }
0x277: {  	v18 =	vshll.u32 v18, v2;
	v19 =	vadd.s32 $0x1, v20;
	v20 =	vshll.u32 v21, v2;
	v21 =	vld [tilespmem:s13+$0xFFFFFE30];
	[tilespmem:v6+s17+$0xFFFFFD00] =	vst.idx.msk $0xffff, v25  }
0x278: {  	v19 =	vbroadcast v19, $0x0;
	[tilespmem:v7+s17+$0xFFFFFD00] =	vst.idx.msk $0xffff, v30;
	v25 =	vunpack.i.u.bf16.f32 v32;
	v30 =	vunpack.i.l.bf16.f32 v32  }
0x279: {  	v23 =	vadd.s32 $0x2, v23;
	v32 =	vld [tilespmem:s13+$0xFFFFFE80];
	[tilespmem:v6+s17+$0xFFFFFD80] =	vst.idx.msk $0xffff, v28;
	v28 =	vmul.f32 v30, v17;
	v25 =	vmul.f32 v25, v17  }
0x27a: {  	v23 =	vbroadcast v23, $0x0;
	[tilespmem:v7+s17+$0xFFFFFD80] =	vst.idx.msk $0xffff, v26;
	v26 =	vunpack.i.u.bf16.f32 v31;
	v30 =	vunpack.i.l.bf16.f32 v31  }
0x27b: {  	v20 =	vadd.s32 $0x3, v20;
	v31 =	vld [tilespmem:s13+$0xFFFFFEC0];
	[tilespmem:v6+s17+$0xFFFFFE00] =	vst.idx.msk $0xffff, v22;
	v22 =	vmul.f32 v30, v15;
	v26 =	vmul.f32 v26, v15  }
0x27c: {  	v20 =	vbroadcast v20, $0x0;
	v30 =	vunpack.i.u.bf16.f32 v21;
	v21 =	vunpack.i.l.bf16.f32 v21;
	[tilespmem:v7+s17+$0xFFFFFE00] =	vst.idx.msk $0xffff, v29  }
0x27d: {  	v18 =	vadd.s32 $0x4, v18;
	v21 =	vmul.f32 v21, v16;
	v29 =	vmul.f32 v30, v16;
	v30 =	vld [tilespmem:s13+$0xFFFFFF00];
	[tilespmem:v6+s17+$0xFFFFFE80] =	vst.idx.msk $0xffff, v24  }
0x27e: {  	v18 =	vbroadcast v18, $0x0;
	v24 =	vunpack.i.u.bf16.f32 v32;
	v32 =	vunpack.i.l.bf16.f32 v32;
	[tilespmem:v7+s17+$0xFFFFFE80] =	vst.idx.msk $0xffff, v27  }
0x27f: {  	s0 =	sadd.s32 $0x37, s23;
	v27 =	vmul.f32 v32, v13;
	v24 =	vmul.f32 v24, v13;
	v32 =	vld [tilespmem:s13+$0xFFFFFF40];
	[tilespmem:v6+s17+$0xFFFFFF00] =	vst.idx.msk $0xffff, v28  }
0x280: {  	v13 =	vmov s0;
	v28 =	vunpack.i.u.bf16.f32 v31;
	v31 =	vunpack.i.l.bf16.f32 v31;
	[tilespmem:v7+s17+$0xFFFFFF00] =	vst.idx.msk $0xffff, v25  }
0x281: {  	v13 =	vshrl.u32 v13, $0x3;
	v25 =	vmul.f32 v31, v14;
	v28 =	vmul.f32 v28, v14;
	v31 =	vld [tilespmem:s13+$0xFFFFFF80];
	[tilespmem:v6+s17+$0xFFFFFF80] =	vst.idx.msk $0xffff, v22  }
0x282: {  	v13 =	vshll.u32 v13, v2;
	v14 =	vunpack.i.u.bf16.f32 v30;
	v22 =	vunpack.i.l.bf16.f32 v30;
	[tilespmem:v7+s17+$0xFFFFFF80] =	vst.idx.msk $0xffff, v26  }
0x283: {  	s23 =	sadd.s32 $0x8, s23;
	v26 =	vadd.s32 $0x7, v13;
	[tilespmem:v6+s17+$0xFFFFFC80] =	vst.idx.msk $0xffff, v21;
	v21 =	vmul.f32 v22, v12;
	v22 =	vmul.f32 v14, v12;
	v30 =	vld [tilespmem:s13+$0xFFFFFFC0]  }
0x284: {  	p2 =	slt.u32 s23, $0x20;
	s0 =	sadd.s32 $0x35, s25;
	v13 =	vld.idx.msk [tilespmem:v19+s29+$0x0], $0xffff;
	v19 =	vbroadcast v26, $0x0;
	[tilespmem:v7+s17+$0xFFFFFC80] =	vst.idx.msk $0xffff, v29;
	v12 =	vunpack.i.u.bf16.f32 v32;
	v14 =	vunpack.i.l.bf16.f32 v32  }
0x285: {  	v26 =	vmov s0;
	v29 =	vld [tilespmem:s13+$0xFFFFFE40];
	[tilespmem:v8+s17+$0xFFFFFD00] =	vst.idx.msk $0xffff, v27;
	v27 =	vmul.f32 v14, v11;
	v32 =	vmul.f32 v12, v11  }
0x286: {  	s0 =	sadd.s32 $0x36, s25;
	v14 =	vld.idx.msk [tilespmem:v23+s29+$0x0], $0xffff;
	v23 =	vshrl.u32 v26, $0x3;
	[tilespmem:v9+s17+$0xFFFFFD00] =	vst.idx.msk $0xffff, v24;
	v11 =	vunpack.i.u.bf16.f32 v31;
	v24 =	vunpack.i.l.bf16.f32 v31  }
0x287: {  	v12 =	vld.idx.msk [tilespmem:v20+s29+$0x0], $0xffff;
	v20 =	vmov s0;
	[tilespmem:v8+s17+$0xFFFFFD80] =	vst.idx.msk $0xffff, v25;
	v24 =	vmul.f32 v24, v17;
	v17 =	vmul.f32 v11, v17  }
0x288: {  	s13 =	sadd.s32 $0x200, s13;
	v23 =	vshll.u32 v23, v2;
	v11 =	vld.idx.msk [tilespmem:v18+s29+$0x0], $0xffff;
	[tilespmem:v9+s17+$0xFFFFFD80] =	vst.idx.msk $0xffff, v28;
	v18 =	vunpack.i.u.bf16.f32 v30;
	v25 =	vunpack.i.l.bf16.f32 v30  }
0x289: {  	v20 =	vshrl.u32 v20, $0x3;
	v26 =	vld [tilespmem:s13+$0xFFFFFFD0];
	[tilespmem:v8+s17+$0xFFFFFE00] =	vst.idx.msk $0xffff, v21;
	v21 =	vmul.f32 v25, v15;
	v15 =	vmul.f32 v18, v15  }
0x28a: {  	v20 =	vshll.u32 v20, v2;
	v18 =	vld.idx.msk [tilespmem:v19+s29+$0x0], $0xffff;
	v19 =	vunpack.i.u.bf16.f32 v29;
	v25 =	vunpack.i.l.bf16.f32 v29;
	[tilespmem:v9+s17+$0xFFFFFE00] =	vst.idx.msk $0xffff, v22  }
0x28b: {  	s0 =	sadd.s32 $0x30, s25;
	v23 =	vadd.s32 $0x5, v23;
	v22 =	vld [tilespmem:s13+$0xFFFFFE10];
	v25 =	vmul.f32 v25, v16;
	v16 =	vmul.f32 v19, v16;
	[tilespmem:v8+s17+$0xFFFFFE80] =	vst.idx.msk $0xffff, v27  }
0x28c: {  	v23 =	vbroadcast v23, $0x0;
	v20 =	vadd.s32 $0x6, v20;
	v19 =	vmov s0;
	v27 =	vld [tilespmem:s13+$0xFFFFFE50];
	[tilespmem:v9+s17+$0xFFFFFE80] =	vst.idx.msk $0xffff, v32  }
0x28d: {  	v20 =	vbroadcast v20, $0x0;
	v19 =	vshrl.u32 v19, $0x3;
	v28 =	vld [tilespmem:s13+$0xFFFFFE90];
	[tilespmem:v8+s17+$0xFFFFFF00] =	vst.idx.msk $0xffff, v24  }
0x28e: {  	v19 =	vshll.u32 v19, v2;
	v24 =	vld [tilespmem:s13+$0xFFFFFED0];
	[tilespmem:v9+s17+$0xFFFFFF00] =	vst.idx.msk $0xffff, v17  }
0x28f: {  	v19 =	vbroadcast v19, $0x0;
	v17 =	vunpack.i.l.bf16.f32 v26;
	v29 =	vld [tilespmem:s13+$0xFFFFFF10];
	[tilespmem:v8+s17+$0xFFFFFF80] =	vst.idx.msk $0xffff, v21  }
0x290: {  	v26 =	vunpack.i.u.bf16.f32 v26;
	v31 =	vmul.f32 v17, v18;
	v21 =	vunpack.i.u.bf16.f32 v22;
	v30 =	vld [tilespmem:s13+$0xFFFFFF50];
	[tilespmem:v9+s17+$0xFFFFFF80] =	vst.idx.msk $0xffff, v15  }
0x291: {  	v26 =	vmul.f32 v26, v18;
	v22 =	vunpack.i.l.bf16.f32 v22;
	s17 =	sadd.s32 $0x400, s17;
	v32 =	vunpack.i.u.bf16.f32 v27;
	v33 =	vld [tilespmem:s13+$0xFFFFFF90];
	[tilespmem:v8+s14+$0xFFFFFC80] =	vst.idx.msk $0xffff, v25  }
0x292: {  	v15 =	vunpack.i.l.bf16.f32 v27;
	v25 =	vunpack.i.u.bf16.f32 v28;
	v27 =	vunpack.i.l.bf16.f32 v28;
	v17 =	vld.idx.msk [tilespmem:v23+s29+$0x0], $0xffff;
	[tilespmem:v0+s17+$0x0] =	vst.idx.msk $0xffff, v31  }
0x293: {  	v23 =	vmul.f32 v15, v13;
	v28 =	vunpack.i.u.bf16.f32 v24;
	v24 =	vunpack.i.l.bf16.f32 v24;
	v15 =	vld.idx.msk [tilespmem:v20+s29+$0x0], $0xffff;
	[tilespmem:v3+s17+$0x0] =	vst.idx.msk $0xffff, v26  }
0x294: {  	v20 =	vmul.f32 v32, v13;
	v26 =	vunpack.i.u.bf16.f32 v29;
	v29 =	vunpack.i.l.bf16.f32 v29;
	v31 =	vld [tilespmem:s13+$0xFFFFFFE0];
	[tilespmem:v9+s14+$0xFFFFFC80] =	vst.idx.msk $0xffff, v16;
	s14 =	smov.u32 s17  }
0x295: {  	[tilespmem:v0+s17+$0xFFFFFD00] =	vst.idx.msk $0xffff, v23;
	v23 =	vmul.f32 v27, v14;
	v27 =	vunpack.i.u.bf16.f32 v30;
	v30 =	vunpack.i.l.bf16.f32 v30  }
0x296: {  	v16 =	vld.idx.msk [tilespmem:v19+s29+$0x0], $0xffff;
	[tilespmem:v3+s17+$0xFFFFFD00] =	vst.idx.msk $0xffff, v20;
	v19 =	vmul.f32 v25, v14;
	v20 =	vunpack.i.u.bf16.f32 v33;
	v25 =	vunpack.i.l.bf16.f32 v33  }
0x297: {  	v32 =	vld [tilespmem:s13+$0xFFFFFE60];
	[tilespmem:v0+s17+$0xFFFFFD80] =	vst.idx.msk $0xffff, v23;
	v23 =	vmul.f32 v24, v12;
	v24 =	vmul.f32 v28, v12  }
0x298: {  	v26 =	vmul.f32 v26, v11;
	[tilespmem:v3+s17+$0xFFFFFD80] =	vst.idx.msk $0xffff, v19;
	v19 =	vmul.f32 v29, v11  }
0x299: {  	v27 =	vmul.f32 v27, v17;
	v28 =	vld [tilespmem:s13+$0xFFFFFEA0];
	[tilespmem:v0+s17+$0xFFFFFE00] =	vst.idx.msk $0xffff, v23;
	v23 =	vmul.f32 v30, v17;
	v29 =	vunpack.i.l.bf16.f32 v31  }
0x29a: {  	[tilespmem:v3+s17+$0xFFFFFE00] =	vst.idx.msk $0xffff, v24;
	v24 =	vmul.f32 v25, v15;
	v25 =	vunpack.i.u.bf16.f32 v31;
	v29 =	vmul.f32 v29, v18  }
0x29b: {  	v30 =	vld [tilespmem:s13+$0xFFFFFEE0];
	[tilespmem:v0+s17+$0xFFFFFE80] =	vst.idx.msk $0xffff, v19;
	v19 =	vmul.f32 v20, v15;
	v20 =	vmul.f32 v25, v18  }
0x29c: {  	v25 =	vmul.f32 v22, v16;
	v21 =	vmul.f32 v21, v16;
	v22 =	vunpack.i.u.bf16.f32 v32;
	[tilespmem:v4+s17+$0x0] =	vst.idx.msk $0xffff, v29  }
0x29d: {  	v29 =	vunpack.i.l.bf16.f32 v32;
	v31 =	vmul.f32 v22, v13;
	[tilespmem:v5+s17+$0x0] =	vst.idx.msk $0xffff, v20  }
0x29e: {  	v20 =	vmul.f32 v29, v13;
	v22 =	vunpack.i.u.bf16.f32 v28;
	v28 =	vunpack.i.l.bf16.f32 v28;
	[tilespmem:v3+s17+$0xFFFFFE80] =	vst.idx.msk $0xffff, v26;
	v26 =	vld [tilespmem:s13+$0xFFFFFFF0]  }
0x29f: {  	v29 =	vmul.f32 v28, v14;
	v32 =	vmul.f32 v22, v14;
	v28 =	vld [tilespmem:s13+$0xFFFFFF20];
	[tilespmem:v0+s17+$0xFFFFFF00] =	vst.idx.msk $0xffff, v23  }
0x2a0: {  	v22 =	vunpack.i.u.bf16.f32 v30;
	v23 =	vunpack.i.l.bf16.f32 v30;
	[tilespmem:v3+s17+$0xFFFFFF00] =	vst.idx.msk $0xffff, v27  }
0x2a1: {  	v33 =	vmul.f32 v23, v12;
	v22 =	vmul.f32 v22, v12;
	v23 =	vld [tilespmem:s13+$0xFFFFFF60];
	[tilespmem:v0+s17+$0xFFFFFF80] =	vst.idx.msk $0xffff, v24  }
0x2a2: {  	[tilespmem:v3+s17+$0xFFFFFF80] =	vst.idx.msk $0xffff, v19  }
0x2a3: {  	[tilespmem:v0+s17+$0xFFFFFC80] =	vst.idx.msk $0xffff, v25;
	v19 =	vld [tilespmem:s13+$0xFFFFFFA0];
	v24 =	vunpack.i.l.bf16.f32 v26  }
0x2a4: {  	v26 =	vunpack.i.u.bf16.f32 v26;
	[tilespmem:v3+s17+$0xFFFFFC80] =	vst.idx.msk $0xffff, v21;
	v21 =	vunpack.i.u.bf16.f32 v28;
	v24 =	vmul.f32 v24, v18  }
0x2a5: {  	v34 =	vld [tilespmem:s13+$0xFFFFFE20];
	[tilespmem:v4+s17+$0xFFFFFD00] =	vst.idx.msk $0xffff, v20;
	v20 =	vunpack.i.l.bf16.f32 v28;
	v25 =	vmul.f32 v21, v11;
	v21 =	vmul.f32 v26, v18  }
0x2a6: {  	v27 =	vmul.f32 v20, v11;
	v20 =	vunpack.i.u.bf16.f32 v23;
	v23 =	vunpack.i.l.bf16.f32 v23;
	[tilespmem:v6+s17+$0x0] =	vst.idx.msk $0xffff, v24  }
.Ltmp10:
0x2a7: {  	v26 =	vmul.f32 v23, v17;
	v20 =	vmul.f32 v20, v17;
	[tilespmem:v7+s17+$0x0] =	vst.idx.msk $0xffff, v21;
	(pc) =	sbr.rel @p2 .LBB2_13-.Ltmp10, $4  }
0x2a8: {  	[tilespmem:v5+s17+$0xFFFFFD00] =	vst.idx.msk $0xffff, v31;
	v21 =	vunpack.i.u.bf16.f32 v19;
	v19 =	vunpack.i.l.bf16.f32 v19;
	v30 =	vld [tilespmem:s13+$0x0]  }
0x2a9: {  	v28 =	vld [tilespmem:s13+$0xFFFFFE70];
	[tilespmem:v4+s17+$0xFFFFFD80] =	vst.idx.msk $0xffff, v29;
	v23 =	vmul.f32 v19, v15;
	v21 =	vmul.f32 v21, v15  }
0x2aa: {  	v19 =	vunpack.i.u.bf16.f32 v34;
	v24 =	vunpack.i.l.bf16.f32 v34;
	[tilespmem:v5+s17+$0xFFFFFD80] =	vst.idx.msk $0xffff, v32  }
0x2ab: {  	v24 =	vmul.f32 v24, v16;
	v19 =	vmul.f32 v19, v16;
	v29 =	vld [tilespmem:s13+$0xFFFFFEB0];
	[tilespmem:v4+s17+$0xFFFFFE00] =	vst.idx.msk $0xffff, v33  }
0x2ac: {  	_ =	sdelay $0x3  }
0x2ad: {  	[tilespmem:v5+s17+$0xFFFFFE00] =	vst.idx.msk $0xffff, v22  }
0x2ae: {  	[tilespmem:v4+s17+$0xFFFFFE80] =	vst.idx.msk $0xffff, v27  }
0x2af: {  	[tilespmem:v4+s17+$0xFFFFFF00] =	vst.idx.msk $0xffff, v26  }
0x2b0: {  	[tilespmem:v4+s17+$0xFFFFFF80] =	vst.idx.msk $0xffff, v23  }
0x2b1: {  	[tilespmem:v5+s17+$0xFFFFFE80] =	vst.idx.msk $0xffff, v25  }
0x2b2: {  	[tilespmem:v5+s17+$0xFFFFFF00] =	vst.idx.msk $0xffff, v20  }
0x2b3: {  	v55 =	vunpack.i.l.bf16.f32 v30;
	[tilespmem:v5+s17+$0xFFFFFF80] =	vst.idx.msk $0xffff, v21  }
0x2b4: {  	v56 =	vunpack.i.u.bf16.f32 v30;
	v58 =	vld [tilespmem:s13+$0xFFFFFEF0];
	[tilespmem:v4+s17+$0xFFFFFC80] =	vst.idx.msk $0xffff, v24;
	v22 =	vmul.f32 v55, v18  }
0x2b5: {  	v57 =	vmul.f32 v56, v18;
	v59 =	vunpack.i.l.bf16.f32 v28;
	[tilespmem:v5+s17+$0xFFFFFC80] =	vst.idx.msk $0xffff, v19  }
0x2b6: {  	v60 =	vunpack.i.u.bf16.f32 v28;
	v61 =	vld [tilespmem:s13+$0xFFFFFF30];
	v20 =	vmul.f32 v59, v13;
	[tilespmem:v8+s17+$0x0] =	vst.idx.msk $0xffff, v22  }
0x2b7: {  	v30 =	vld [tilespmem:s13+$0xFFFFFFB0];
	v21 =	vmul.f32 v60, v13;
	v62 =	vunpack.i.l.bf16.f32 v29;
	[tilespmem:v9+s17+$0x0] =	vst.idx.msk $0xffff, v57  }
0x2b8: {  	v63 =	vunpack.i.u.bf16.f32 v29;
	v23 =	vmul.f32 v62, v14;
	[tilespmem:v6+s17+$0xFFFFFD00] =	vst.idx.msk $0xffff, v20  }
0x2b9: {  	v28 =	vld [tilespmem:s13+$0xFFFFFF70];
	v19 =	vmul.f32 v63, v14;
	v29 =	vunpack.i.l.bf16.f32 v58;
	[tilespmem:v7+s17+$0xFFFFFD00] =	vst.idx.msk $0xffff, v21  }
0x2ba: {  	v18 =	vunpack.i.u.bf16.f32 v58;
	v20 =	vmul.f32 v29, v12;
	[tilespmem:v6+s17+$0xFFFFFD80] =	vst.idx.msk $0xffff, v23  }
0x2bb: {  	v18 =	vmul.f32 v18, v12;
	v31 =	vunpack.i.l.bf16.f32 v61;
	[tilespmem:v7+s17+$0xFFFFFD80] =	vst.idx.msk $0xffff, v19  }
0x2bc: {  	v34 =	vld [tilespmem:s13+$0xFFFFFE30];
	v38 =	vunpack.i.l.bf16.f32 v30;
	v33 =	vmul.f32 v31, v11;
	[tilespmem:v6+s17+$0xFFFFFE00] =	vst.idx.msk $0xffff, v20  }
0x2bd: {  	v32 =	vunpack.i.u.bf16.f32 v61;
	v22 =	vmul.f32 v38, v15;
	[tilespmem:v7+s17+$0xFFFFFE00] =	vst.idx.msk $0xffff, v18  }
0x2be: {  	v35 =	vunpack.i.l.bf16.f32 v28;
	v37 =	vld [tilespmem:s13+$0xFFFFFE80];
	v19 =	vmul.f32 v32, v11;
	[tilespmem:v6+s17+$0xFFFFFE80] =	vst.idx.msk $0xffff, v33  }
0x2bf: {  	v36 =	vunpack.i.u.bf16.f32 v28;
	v20 =	vmul.f32 v35, v17;
	[tilespmem:v6+s17+$0xFFFFFF80] =	vst.idx.msk $0xffff, v22  }
0x2c0: {  	v39 =	vunpack.i.u.bf16.f32 v30;
	v40 =	vld [tilespmem:s13+$0xFFFFFEC0];
	v18 =	vmul.f32 v36, v17;
	[tilespmem:v7+s17+$0xFFFFFE80] =	vst.idx.msk $0xffff, v19  }
0x2c1: {  	v41 =	vunpack.i.l.bf16.f32 v34;
	[tilespmem:v6+s17+$0xFFFFFF00] =	vst.idx.msk $0xffff, v20;
	v19 =	vmul.f32 v39, v15  }
0x2c2: {  	v42 =	vunpack.i.u.bf16.f32 v34;
	v20 =	vmul.f32 v41, v16;
	v43 =	vld [tilespmem:s13+$0xFFFFFF00];
	[tilespmem:v7+s17+$0xFFFFFF00] =	vst.idx.msk $0xffff, v18  }
0x2c3: {  	v18 =	vmul.f32 v42, v16;
	v44 =	vunpack.i.l.bf16.f32 v37;
	[tilespmem:v7+s17+$0xFFFFFF80] =	vst.idx.msk $0xffff, v19  }
0x2c4: {  	v45 =	vunpack.i.u.bf16.f32 v37;
	v46 =	vld [tilespmem:s13+$0xFFFFFF40];
	v22 =	vmul.f32 v44, v13;
	[tilespmem:v6+s17+$0xFFFFFC80] =	vst.idx.msk $0xffff, v20  }
0x2c5: {  	v47 =	vmul.f32 v45, v13;
	v48 =	vunpack.i.l.bf16.f32 v40;
	[tilespmem:v7+s17+$0xFFFFFC80] =	vst.idx.msk $0xffff, v18  }
0x2c6: {  	v50 =	vld [tilespmem:s13+$0xFFFFFF80];
	v49 =	vunpack.i.u.bf16.f32 v40;
	v19 =	vmul.f32 v48, v14;
	[tilespmem:v8+s17+$0xFFFFFD00] =	vst.idx.msk $0xffff, v22  }
0x2c7: {  	v51 =	vmul.f32 v49, v14;
	v52 =	vunpack.i.l.bf16.f32 v43;
	[tilespmem:v9+s17+$0xFFFFFD00] =	vst.idx.msk $0xffff, v47  }
0x2c8: {  	v54 =	vld [tilespmem:s13+$0xFFFFFFC0];
	v53 =	vunpack.i.u.bf16.f32 v43;
	v18 =	vmul.f32 v52, v12;
	[tilespmem:v8+s17+$0xFFFFFD80] =	vst.idx.msk $0xffff, v19  }
0x2c9: {  	v58 =	vld [tilespmem:s13+$0xFFFFFE40];
	v55 =	vmul.f32 v53, v12;
	v56 =	vunpack.i.l.bf16.f32 v46;
	[tilespmem:v9+s17+$0xFFFFFD80] =	vst.idx.msk $0xffff, v51  }
0x2ca: {  	v57 =	vunpack.i.u.bf16.f32 v46;
	v13 =	vmul.f32 v56, v11;
	[tilespmem:v8+s17+$0xFFFFFE00] =	vst.idx.msk $0xffff, v18  }
0x2cb: {  	v11 =	vmul.f32 v57, v11;
	v59 =	vunpack.i.l.bf16.f32 v50;
	[tilespmem:v9+s17+$0xFFFFFE00] =	vst.idx.msk $0xffff, v55  }
0x2cc: {  	v60 =	vunpack.i.u.bf16.f32 v50;
	v14 =	vmul.f32 v59, v17;
	[tilespmem:v8+s17+$0xFFFFFE80] =	vst.idx.msk $0xffff, v13  }
0x2cd: {  	v12 =	vmul.f32 v60, v17;
	v61 =	vunpack.i.l.bf16.f32 v54;
	[tilespmem:v9+s17+$0xFFFFFE80] =	vst.idx.msk $0xffff, v11  }
0x2ce: {  	v13 =	vmul.f32 v61, v15;
	v62 =	vunpack.i.l.bf16.f32 v58;
	[tilespmem:v8+s17+$0xFFFFFF00] =	vst.idx.msk $0xffff, v14  }
0x2cf: {  	v11 =	vunpack.i.u.bf16.f32 v54;
	v14 =	vmul.f32 v62, v16;
	[tilespmem:v9+s17+$0xFFFFFF00] =	vst.idx.msk $0xffff, v12  }
0x2d0: {  	v63 =	vunpack.i.u.bf16.f32 v58;
	v11 =	vmul.f32 v11, v15;
	[tilespmem:v8+s17+$0xFFFFFF80] =	vst.idx.msk $0xffff, v13  }
0x2d1: {  	p2 =	sgt.u32 s16, $0x7C;
	v12 =	vmul.f32 v63, v16;
	[tilespmem:v8+s14+$0xFFFFFC80] =	vst.idx.msk $0xffff, v14  }
.Ltmp11:
0x2d2: {  	[tilespmem:v9+s17+$0xFFFFFF80] =	vst.idx.msk $0xffff, v11;
	(pc) =	sbr.rel @p2 .LBB2_20-.Ltmp11, $4  }
0x2d3: {  	s0 =	simm.s32 $0x6E28;
	[tilespmem:v9+s14+$0xFFFFFC80] =	vst.idx.msk $0xffff, v12  }
0x2d4: {  	[spmem:s2] =	stream.indirect.scatter.add.f32 [tilespmem:s4], [sflag:$0x5], $0x80, s0, s30, $0xb8;
	[tilespmem:$0x1FDA8] =	vst v63  }
0x2d5: {  	_ = 	snop  }
0x2d6: {  	[spmem:s3] =	stream.indirect.scatter.add.f32 [tilespmem:s29], [sflag:$0x6], $0x1, s31, s22, $0xb8;
	[tilespmem:$0x1FDA8] =	vst v63  }
0x2d7: {  	s0 =	sadd.s32 $0x2, s11  }
0x2d8: {  	s9 =	sand.u32 $0xFF, s0  }
0x2d9: {  	s9 =	smul.u32 $0x29, s9;
	_ =	sdelay $0x1  }
0x2da: {  	s11 =	sshrl.u32 s9, $0xA  }
0x2db: {  	s9 =	smul.u32 $0x19, s11;
	_ =	sdelay $0x1  }
0x2dc: {  	s13 =	ssub.s32 s0, s9  }
0x2dd: {  	s0 =	sand.u32 $0xFF, s13  }
0x2de: {  	p2 =	sne.s32 s0, $0x0  }
0x2df: {  	s9 =	simm.s32 @!p2 $0x3  }
0x2e0: {  	_ =	swait.ge @!p2 [sflag:s9], $0x7D0  }
0x2e1: {  	s14 =	sand.u32 $0x1, s11;
	s0 =	smul.u32 $0x140, s0;
	[sflag:s9] =	ssyncset.done @!p2 $0x0  }
0x2e2: {  	p3 =	seq.s32 s14, $0x1;
	s14 =	simm.s32 $0xFA0;
	[sflag:s9] =	ssyncadd.s32 @!p2 $0xFFFFF830  }
0x2e3: {  	s14 =	simm.s32 @!p3 $0x0;
	s0 =	sshrl.u32 s0, $0x2;
	_ =	swait.ge @!p2 [sflag:s9], $0x7D0  }
0x2e4: {  	s0 =	sadd.s32 s0, s14;
	[sflag:s9] =	ssyncset.done @!p2 $0x0  }
0x2e5: {  	s25 =	simm.s32 $0x6EA0;
	s0 =	sadd.s32 $0x4E20, s0;
	[sflag:s9] =	ssyncadd.s32 @!p2 $0xFFFFF830  }
0x2e6: {  	[tilespmem:s25], [sflag:$0x1] =	stream.indirect.gather [hbm4b:s1+s22], $0x40, s0, s22, $0xb8;
	[tilespmem:$0x1FDA8] =	vst v63  }
0x2e7: {  	s23 =	sand.u32 $0x1, s15;
	s15 =	smul.u32 $0x50, s28;
	s0 =	simm.s32 @!p1 $0x7  }
0x2e8: {  	p2 =	seq.s32 s23, $0x1;
	s9 =	simm.s32 $0xFA0;
	_ =	swait.ge @!p1 [sflag:s0], $0x50  }
0x2e9: {  	s9 =	simm.s32 @!p2 $0x0;
	[sflag:s0] =	ssyncset.done @!p1 $0x0  }
0x2ea: {  	s16 =	sadd.s32 s15, s9;
	[sflag:s0] =	ssyncadd.s32 @!p1 $0xFFFFFFB0  }
0x2eb: {  	v11 =	vld [tilespmem:s16+$0x4E20]  }
0x2ec: {  	v12 =	vld [tilespmem:s16+$0x55F0];
	_ =	sdelay $0x6  }
0x2ed: {  	v11 =	vld.idx.msk [tilespmem:v11+s5+$0x0], $0xffff  }
0x2ee: {  	v13 =	vld.idx.msk [tilespmem:v12+s20+$0x0], $0xffff;
	_ =	sdelay $0x4  }
0x2ef: {  	v11 =	vadd.f32 v13, v11;
	_ =	sdelay $0x1  }
0x2f0: {  	v13 =	vmul.f32 $9.999999770e-03, v11  }
0x2f1: {  	vm0 =	vgt.f32 v11, $0.0e+00  }
0x2f2: {  	v11 =	vsel vm0, v11, v13  }
0x2f3: {  	v11 =	vsub.f32 v11, v10;
	_ =	sdelay $0x1  }
0x2f4: {  	v11 =	vmul.f32 $1.442695020e+00, v11;
	_ =	sdelay $0x1  }
0x2f5: {  	(erf) = vpow2.f32 v11;
	_ =	sdelay $0x8  }
0x2f6: {  	[tilespmem:$0x6E50] =	vst v12;
	v11 =	vpop (erf)  }
0x2f7: {  	[tilespmem:$0x6DB0] =	vst v11  }
0x2f8: {  	v11 =	vld [tilespmem:s16+$0x4E30]  }
0x2f9: {  	v12 =	vld [tilespmem:s16+$0x5600];
	_ =	sdelay $0x6  }
0x2fa: {  	v11 =	vld.idx.msk [tilespmem:v11+s5+$0x0], $0xffff  }
0x2fb: {  	v13 =	vld.idx.msk [tilespmem:v12+s20+$0x0], $0xffff;
	_ =	sdelay $0x4  }
0x2fc: {  	v11 =	vadd.f32 v13, v11;
	_ =	sdelay $0x1  }
0x2fd: {  	v13 =	vmul.f32 $9.999999770e-03, v11  }
0x2fe: {  	vm12 =	vgt.f32 v11, $0.0e+00  }
0x2ff: {  	v11 =	vsel vm12, v11, v13  }
0x300: {  	v11 =	vsub.f32 v11, v10;
	_ =	sdelay $0x1  }
0x301: {  	v11 =	vmul.f32 $1.442695020e+00, v11;
	_ =	sdelay $0x1  }
0x302: {  	(erf) = vpow2.f32 v11;
	_ =	sdelay $0x8  }
0x303: {  	[tilespmem:$0x6E60] =	vst v12;
	v11 =	vpop (erf)  }
0x304: {  	[tilespmem:$0x6DC0] =	vst v11  }
0x305: {  	v11 =	vld [tilespmem:s16+$0x4E40]  }
0x306: {  	v12 =	vld [tilespmem:s16+$0x5610];
	_ =	sdelay $0x6  }
0x307: {  	v11 =	vld.idx.msk [tilespmem:v11+s5+$0x0], $0xffff  }
0x308: {  	v13 =	vld.idx.msk [tilespmem:v12+s20+$0x0], $0xffff;
	_ =	sdelay $0x4  }
0x309: {  	v11 =	vadd.f32 v13, v11;
	_ =	sdelay $0x1  }
0x30a: {  	v13 =	vmul.f32 $9.999999770e-03, v11  }
0x30b: {  	vm13 =	vgt.f32 v11, $0.0e+00  }
0x30c: {  	v11 =	vsel vm13, v11, v13  }
0x30d: {  	v11 =	vsub.f32 v11, v10;
	_ =	sdelay $0x1  }
0x30e: {  	v11 =	vmul.f32 $1.442695020e+00, v11;
	_ =	sdelay $0x1  }
0x30f: {  	(erf) = vpow2.f32 v11;
	_ =	sdelay $0x8  }
0x310: {  	[tilespmem:$0x6E70] =	vst v12;
	v11 =	vpop (erf)  }
0x311: {  	[tilespmem:$0x6DD0] =	vst v11  }
0x312: {  	v11 =	vld [tilespmem:s16+$0x4E50]  }
0x313: {  	v12 =	vld [tilespmem:s16+$0x5620];
	_ =	sdelay $0x6  }
0x314: {  	v11 =	vld.idx.msk [tilespmem:v11+s5+$0x0], $0xffff  }
0x315: {  	v13 =	vld.idx.msk [tilespmem:v12+s20+$0x0], $0xffff;
	_ =	sdelay $0x4  }
0x316: {  	v11 =	vadd.f32 v13, v11;
	_ =	sdelay $0x1  }
0x317: {  	v13 =	vmul.f32 $9.999999770e-03, v11  }
0x318: {  	vm14 =	vgt.f32 v11, $0.0e+00  }
0x319: {  	v11 =	vsel vm14, v11, v13  }
0x31a: {  	v11 =	vsub.f32 v11, v10;
	_ =	sdelay $0x1  }
0x31b: {  	v11 =	vmul.f32 $1.442695020e+00, v11;
	_ =	sdelay $0x1  }
0x31c: {  	(erf) = vpow2.f32 v11;
	_ =	sdelay $0x8  }
0x31d: {  	[tilespmem:$0x6E80] =	vst v12;
	v11 =	vpop (erf)  }
0x31e: {  	[tilespmem:$0x6DE0] =	vst v11  }
0x31f: {  	v11 =	vld [tilespmem:s16+$0x4E60]  }
0x320: {  	v12 =	vld [tilespmem:s16+$0x5630];
	_ =	sdelay $0x6  }
0x321: {  	v11 =	vld.idx.msk [tilespmem:v11+s5+$0x0], $0xffff  }
0x322: {  	v13 =	vld.idx.msk [tilespmem:v12+s20+$0x0], $0xffff;
	_ =	sdelay $0x4  }
0x323: {  	v11 =	vadd.f32 v13, v11;
	_ =	sdelay $0x1  }
0x324: {  	v13 =	vmul.f32 $9.999999770e-03, v11  }
0x325: {  	vm15 =	vgt.f32 v11, $0.0e+00  }
0x326: {  	v11 =	vsel vm15, v11, v13  }
0x327: {  	v11 =	vsub.f32 v11, v10;
	_ =	sdelay $0x1  }
0x328: {  	v11 =	vmul.f32 $1.442695020e+00, v11;
	_ =	sdelay $0x1  }
0x329: {  	(erf) = vpow2.f32 v11;
	_ =	sdelay $0x1  }
0x32a: {  	p2 =	sgt.u32 s18, $0x30  }
0x32b: {  	s0 =	sand.u32 @!p2 $0xFF, s13  }
0x32c: {  	p3 =	sne.s32 @!p2 s0, $0x0  }
0x32d: {  	p1 =	por p3, p2  }
0x32e: {  	s0 =	sadd.s32 @!p1 $0x1, s11  }
0x32f: {  	s9 =	smul.u32 @!p1 $0x19, s0  }
0x330: {  	s17 =	simm.s32 $0x7;
	s23 =	simm.s32 $0x1;
	s0 =	sand.u32 @!p1 $0x1, s0  }
0x331: {  	s25 =	simm.s32 $0x2;
	p4 =	seq.s32 @!p1 s0, $0x1;
	s9 =	sadd.s32 @!p1 s10, s9;
	[tilespmem:$0x6E90] =	vst v12;
	v11 =	vpop (erf)  }
0x332: {  	s13 =	simm.s32 @!p1 $0x0;
	p3 =	por @!p2 !p4, p3;
	s0 =	smul.u32 @!p1 $0x50, s9;
	[tilespmem:$0x6DF0] =	vst v11  }
0x333: {  	s9 =	simm.s32 @!p1 $0xFA0;
	p2 =	por !p3, p2;
	v11 =	vmov s17;
	_ =	swait.ge [sflag:s6], $0x1400  }
0x334: {  	s9 =	simm.s32 @!p2 $0x0;
	s0 =	sshrl.u32 @!p1 s0, $0x3;
	v12 =	vmov s23;
	v11 =	vshrl.u32 v11, $0x3;
	[sflag:s6] =	ssyncset.done $0x0  }
0x335: {  	s11 =	sadd.s32 @!p1 $0x4E20, s9;
	s0 =	sadd.s32 @!p1 s8, s0;
	v12 =	vshrl.u32 v12, $0x3;
	v11 =	vshll.u32 v11, v2;
	[sflag:s6] =	ssyncadd.s32 $0xFFFFEC00  }
0x336: {  	v12 =	vshll.u32 v12, v2;
	v13 =	vmov s25;
	v11 =	vadd.s32 $0x57, v11;
	[tilespmem:s11], [sflag:$0x3] =	stream.linear.gather @!p1 [hbm4b:s0+s13], $0x7D0, $0x38;
	[tilespmem:$0x1FDA8] =	vst v63  }
0x337: {  	s28 =	simm.s32 $0x3;
	s9 =	sadd.s32 @!p1 $0x55F0, s9;
	v12 =	vadd.s32 $0x51, v12;
	v13 =	vshrl.u32 v13, $0x3;
	s0 =	sadd.s32 @!p1 $0x9C40, s0;
	v11 =	vbroadcast v11, $0x0  }
0x338: {  	v14 =	vmov s28;
	v12 =	vbroadcast v12, $0x0;
	v13 =	vshll.u32 v13, v2;
	[tilespmem:s9], [sflag:$0x3] =	stream.linear.gather @!p1 [hbm4b:s0+s13], $0x7D0, $0x38;
	[tilespmem:$0x1FDA8] =	vst v63  }
0x339: {  	v14 =	vshrl.u32 v14, $0x3;
	v13 =	vadd.s32 $0x52, v13;
	_ =	swait.ge [sflag:s7], $0x1400  }
0x33a: {  	v14 =	vshll.u32 v14, v2;
	v13 =	vbroadcast v13, $0x0;
	[sflag:s7] =	ssyncset.done $0x0  }
0x33b: {  	v14 =	vadd.s32 $0x53, v14;
	s15 =	simm.s32 $0x8490;
	s9 =	simm.s32 $0x4;
	[sflag:s7] =	ssyncadd.s32 $0xFFFFEC00  }
0x33c: {  	v14 =	vbroadcast v14, $0x0;
	v15 =	vmov s9;
	v19 =	vld [tilespmem:s15+$0xFFFFFFD0]  }
0x33d: {  	s14 =	simm.s32 $0x0;
	v15 =	vshrl.u32 v15, $0x3;
	v18 =	vld.idx.msk [tilespmem:v11+s29+$0x0], $0xffff  }
0x33e: {  	v21 =	vmov s14;
	s11 =	simm.s32 $0x5;
	v15 =	vshll.u32 v15, v2;
	v17 =	vld.idx.msk [tilespmem:v12+s29+$0x0], $0xffff  }
0x33f: {  	v21 =	vshrl.u32 v21, $0x3;
	s13 =	simm.s32 $0x6;
	v15 =	vadd.s32 $0x54, v15;
	v12 =	vmov s11;
	v20 =	vld [tilespmem:s15+$0xFFFFFE50]  }
0x340: {  	v16 =	vld.idx.msk [tilespmem:v13+s29+$0x0], $0xffff;
	v11 =	vbroadcast v15, $0x0;
	v15 =	vmov s13;
	v12 =	vshrl.u32 v12, $0x3  }
0x341: {  	v21 =	vshll.u32 v21, v2;
	v22 =	vld [tilespmem:s15+$0xFFFFFE90];
	v13 =	vshrl.u32 v15, $0x3;
	v12 =	vshll.u32 v12, v2  }
0x342: {  	v15 =	vld.idx.msk [tilespmem:v14+s29+$0x0], $0xffff;
	v13 =	vshll.u32 v13, v2;
	v12 =	vadd.s32 $0x55, v12;
	v23 =	vunpack.i.l.bf16.f32 v19  }
0x343: {  	v12 =	vbroadcast v12, $0x0;
	v14 =	vunpack.i.u.bf16.f32 v19;
	v19 =	vmul.f32 v23, v18;
	v23 =	vld [tilespmem:s15+$0xFFFFFED0]  }
0x344: {  	s11 =	simm.s32 $0x9A20;
	v13 =	vadd.s32 $0x56, v13;
	v24 =	vunpack.i.l.bf16.f32 v20;
	v14 =	vmul.f32 v14, v18  }
0x345: {  	v13 =	vbroadcast v13, $0x0;
	v20 =	vunpack.i.u.bf16.f32 v20;
	v24 =	vmul.f32 v24, v17;
	[tilespmem:v0+s11+$0x0] =	vst.idx.msk $0xffff, v19;
	v19 =	vld [tilespmem:s15+$0xFFFFFF10]  }
0x346: {  	v20 =	vmul.f32 v20, v17;
	v11 =	vld.idx.msk [tilespmem:v11+s29+$0x0], $0xffff;
	[tilespmem:v3+s11+$0x0] =	vst.idx.msk $0xffff, v14;
	v14 =	vadd.s32 $0x50, v21;
	v21 =	vunpack.i.l.bf16.f32 v22  }
0x347: {  	[tilespmem:v0+s11+$0xFFFFFD00] =	vst.idx.msk $0xffff, v24;
	v25 =	vld [tilespmem:s15+$0xFFFFFFE0];
	v26 =	vbroadcast v14, $0x0;
	v14 =	vunpack.i.u.bf16.f32 v22;
	v21 =	vmul.f32 v21, v16  }
0x348: {  	[tilespmem:v3+s11+$0xFFFFFD00] =	vst.idx.msk $0xffff, v20;
	v24 =	vunpack.i.l.bf16.f32 v23;
	v20 =	vmul.f32 v14, v16  }
0x349: {  	v27 =	vld [tilespmem:s15+$0xFFFFFF50];
	v23 =	vunpack.i.u.bf16.f32 v23;
	[tilespmem:v0+s11+$0xFFFFFD80] =	vst.idx.msk $0xffff, v21;
	v21 =	vmul.f32 v24, v15  }
0x34a: {  	v14 =	vld.idx.msk [tilespmem:v12+s29+$0x0], $0xffff;
	v23 =	vmul.f32 v23, v15;
	v12 =	vunpack.i.l.bf16.f32 v19;
	[tilespmem:v3+s11+$0xFFFFFD80] =	vst.idx.msk $0xffff, v20  }
0x34b: {  	v20 =	vld [tilespmem:s15+$0xFFFFFF90];
	v19 =	vunpack.i.u.bf16.f32 v19;
	v24 =	vmul.f32 v12, v11;
	[tilespmem:v0+s11+$0xFFFFFE00] =	vst.idx.msk $0xffff, v21  }
0x34c: {  	v13 =	vld.idx.msk [tilespmem:v13+s29+$0x0], $0xffff;
	v19 =	vmul.f32 v19, v11;
	v12 =	vunpack.i.l.bf16.f32 v25;
	[tilespmem:v3+s11+$0xFFFFFE00] =	vst.idx.msk $0xffff, v23  }
0x34d: {  	v22 =	vld [tilespmem:s15+$0xFFFFFE10];
	v21 =	vunpack.i.u.bf16.f32 v25;
	v23 =	vmul.f32 v12, v18;
	[tilespmem:v0+s11+$0xFFFFFE80] =	vst.idx.msk $0xffff, v24  }
0x34e: {  	v12 =	vld.idx.msk [tilespmem:v26+s29+$0x0], $0xffff;
	v21 =	vmul.f32 v21, v18;
	v24 =	vunpack.i.l.bf16.f32 v27;
	[tilespmem:v3+s11+$0xFFFFFE80] =	vst.idx.msk $0xffff, v19  }
0x34f: {  	v25 =	vld [tilespmem:s15+$0xFFFFFE60];
	v24 =	vmul.f32 v24, v14;
	[tilespmem:v4+s11+$0x0] =	vst.idx.msk $0xffff, v23;
	v23 =	vunpack.i.u.bf16.f32 v27  }
0x350: {  	v26 =	vld [tilespmem:s15+$0xFFFFFEA0];
	[tilespmem:v5+s11+$0x0] =	vst.idx.msk $0xffff, v21;
	v21 =	vunpack.i.l.bf16.f32 v20;
	v23 =	vmul.f32 v23, v14  }
0x351: {  	v20 =	vunpack.i.u.bf16.f32 v20;
	[tilespmem:v0+s11+$0xFFFFFF00] =	vst.idx.msk $0xffff, v24;
	v19 =	vld [tilespmem:s15+$0xFFFFFFF0];
	v21 =	vmul.f32 v21, v13  }
0x352: {  	v24 =	vunpack.i.l.bf16.f32 v22;
	v20 =	vmul.f32 v20, v13;
	[tilespmem:v3+s11+$0xFFFFFF00] =	vst.idx.msk $0xffff, v23  }
0x353: {  	v27 =	vld [tilespmem:s15+$0xFFFFFEE0];
	v22 =	vunpack.i.u.bf16.f32 v22;
	v23 =	vmul.f32 v24, v12;
	[tilespmem:v0+s11+$0xFFFFFF80] =	vst.idx.msk $0xffff, v21  }
0x354: {  	v21 =	vmul.f32 v22, v12;
	v22 =	vunpack.i.l.bf16.f32 v25;
	[tilespmem:v3+s11+$0xFFFFFF80] =	vst.idx.msk $0xffff, v20  }
0x355: {  	v24 =	vunpack.i.u.bf16.f32 v25;
	v25 =	vld [tilespmem:s15+$0xFFFFFF20];
	v20 =	vmul.f32 v22, v17;
	[tilespmem:v0+s11+$0xFFFFFC80] =	vst.idx.msk $0xffff, v23  }
0x356: {  	v24 =	vmul.f32 v24, v17;
	v28 =	vld [tilespmem:s15+$0xFFFFFF60];
	v22 =	vunpack.i.u.bf16.f32 v26;
	[tilespmem:v3+s11+$0xFFFFFC80] =	vst.idx.msk $0xffff, v21;
	v23 =	vunpack.i.l.bf16.f32 v19  }
0x357: {  	v26 =	vunpack.i.l.bf16.f32 v26;
	v29 =	vld [tilespmem:s15+$0xFFFFFFA0];
	v19 =	vunpack.i.u.bf16.f32 v19;
	[tilespmem:v4+s11+$0xFFFFFD00] =	vst.idx.msk $0xffff, v20;
	v21 =	vmul.f32 v23, v18  }
0x358: {  	v20 =	vmul.f32 v22, v16;
	v23 =	vmul.f32 v26, v16;
	v26 =	vunpack.i.l.bf16.f32 v27;
	[tilespmem:v5+s11+$0xFFFFFD00] =	vst.idx.msk $0xffff, v24  }
0x359: {  	v22 =	vunpack.i.u.bf16.f32 v27;
	v19 =	vmul.f32 v19, v18;
	v26 =	vmul.f32 v26, v15;
	[tilespmem:v6+s11+$0x0] =	vst.idx.msk $0xffff, v21  }
0x35a: {  	v27 =	vld [tilespmem:s15+$0xFFFFFE20];
	v21 =	vmul.f32 v22, v15;
	v22 =	vunpack.i.u.bf16.f32 v25;
	v25 =	vunpack.i.l.bf16.f32 v25;
	[tilespmem:v4+s11+$0xFFFFFD80] =	vst.idx.msk $0xffff, v23  }
0x35b: {  	[tilespmem:v7+s11+$0x0] =	vst.idx.msk $0xffff, v19;
	v19 =	vmul.f32 v22, v11;
	v22 =	vmul.f32 v25, v11  }
0x35c: {  	v31 =	vld [tilespmem:s15+$0xFFFFFE70];
	v25 =	vunpack.i.l.bf16.f32 v28;
	v28 =	vunpack.i.u.bf16.f32 v28;
	v30 =	vunpack.i.l.bf16.f32 v29;
	[tilespmem:v5+s11+$0xFFFFFD80] =	vst.idx.msk $0xffff, v20  }
0x35d: {  	s16 =	simm.s32 $0x9;
	[tilespmem:v4+s11+$0xFFFFFE00] =	vst.idx.msk $0xffff, v26;
	v24 =	vld [tilespmem:s15+$0x0];
	v25 =	vmul.f32 v25, v14;
	v23 =	vmul.f32 v28, v14;
	v28 =	vunpack.i.u.bf16.f32 v29  }
0x35e: {  	v29 =	vmul.f32 v30, v13;
	[tilespmem:v5+s11+$0xFFFFFE00] =	vst.idx.msk $0xffff, v21;
	v21 =	vmov s16;
	v20 =	vmul.f32 v28, v13  }
0x35f: {  	s17 =	simm.s32 $0xA;
	v30 =	vld [tilespmem:s15+$0xFFFFFEB0];
	v28 =	vunpack.i.u.bf16.f32 v27;
	v27 =	vunpack.i.l.bf16.f32 v27;
	[tilespmem:v4+s11+$0xFFFFFE80] =	vst.idx.msk $0xffff, v22;
	v21 =	vshrl.u32 v21, $0x3  }
0x360: {  	v26 =	vmul.f32 v27, v12;
	v27 =	vmul.f32 v28, v12;
	v28 =	vmov s17;
	[tilespmem:v5+s11+$0xFFFFFE80] =	vst.idx.msk $0xffff, v19  }
0x361: {  	v32 =	vld [tilespmem:s15+$0xFFFFFEF0];
	v33 =	vunpack.i.u.bf16.f32 v31;
	[tilespmem:v4+s11+$0xFFFFFF00] =	vst.idx.msk $0xffff, v25;
	v21 =	vshll.u32 v21, v2;
	v28 =	vshrl.u32 v28, $0x3  }
0x362: {  	[tilespmem:v4+s11+$0xFFFFFF80] =	vst.idx.msk $0xffff, v29;
	v21 =	vadd.s32 $0x51, v21;
	v28 =	vshll.u32 v28, v2;
	v22 =	vunpack.i.l.bf16.f32 v24  }
0x363: {  	v60 =	vld [tilespmem:s15+$0xFFFFFF30];
	[tilespmem:v5+s11+$0xFFFFFF00] =	vst.idx.msk $0xffff, v23;
	v19 =	vunpack.i.u.bf16.f32 v24;
	v24 =	vunpack.i.l.bf16.f32 v31;
	v31 =	vmul.f32 v33, v17  }
0x364: {  	[tilespmem:v5+s11+$0xFFFFFF80] =	vst.idx.msk $0xffff, v20;
	v25 =	vunpack.i.l.bf16.f32 v30;
	v22 =	vmul.f32 v22, v18;
	v18 =	vmul.f32 v19, v18  }
0x365: {  	v61 =	vld [tilespmem:s15+$0xFFFFFF70];
	[tilespmem:v4+s11+$0xFFFFFC80] =	vst.idx.msk $0xffff, v26;
	v19 =	vmul.f32 v24, v17;
	v24 =	vunpack.i.u.bf16.f32 v30;
	v25 =	vmul.f32 v25, v16  }
0x366: {  	s23 =	simm.s32 $0xB;
	[tilespmem:v5+s11+$0xFFFFFC80] =	vst.idx.msk $0xffff, v27;
	v30 =	vunpack.i.u.bf16.f32 v32;
	v32 =	vunpack.i.l.bf16.f32 v32;
	v24 =	vmul.f32 v24, v16  }
0x367: {  	s25 =	simm.s32 $0xC;
	v62 =	vld [tilespmem:s15+$0xFFFFFFB0];
	v23 =	vmul.f32 v32, v15;
	v30 =	vmul.f32 v30, v15;
	[tilespmem:v8+s11+$0x0] =	vst.idx.msk $0xffff, v22;
	v22 =	vmov s23  }
0x368: {  	v29 =	vunpack.i.u.bf16.f32 v60;
	v33 =	vunpack.i.l.bf16.f32 v60;
	[tilespmem:v9+s11+$0x0] =	vst.idx.msk $0xffff, v18;
	v18 =	vmov s25  }
0x369: {  	v34 =	vld [tilespmem:s15+$0xFFFFFE30];
	[tilespmem:v6+s11+$0xFFFFFD00] =	vst.idx.msk $0xffff, v19;
	v20 =	vshrl.u32 v22, $0x3;
	v26 =	vmul.f32 v33, v11;
	v29 =	vmul.f32 v29, v11  }
0x36a: {  	[tilespmem:v6+s11+$0xFFFFFD80] =	vst.idx.msk $0xffff, v25;
	v22 =	vbroadcast v21, $0x0;
	v19 =	vunpack.i.l.bf16.f32 v61;
	v21 =	vadd.s32 $0x52, v28  }
0x36b: {  	[tilespmem:v7+s11+$0xFFFFFD00] =	vst.idx.msk $0xffff, v31;
	v18 =	vshrl.u32 v18, $0x3;
	v20 =	vshll.u32 v20, v2;
	v31 =	vmul.f32 v19, v14  }
0x36c: {  	[tilespmem:v7+s11+$0xFFFFFD80] =	vst.idx.msk $0xffff, v24;
	v28 =	vld [tilespmem:s15+$0xFFFFFE80];
	v21 =	vbroadcast v21, $0x0;
	v19 =	vunpack.i.l.bf16.f32 v62;
	v27 =	vshll.u32 v18, v2  }
0x36d: {  	[tilespmem:v6+s11+$0xFFFFFE00] =	vst.idx.msk $0xffff, v23;
	v18 =	vunpack.i.u.bf16.f32 v61;
	v20 =	vadd.s32 $0x53, v20;
	v33 =	vmul.f32 v19, v13  }
0x36e: {  	v24 =	vld [tilespmem:s15+$0xFFFFFEC0];
	[tilespmem:v7+s11+$0xFFFFFE00] =	vst.idx.msk $0xffff, v30;
	v19 =	vunpack.i.u.bf16.f32 v34;
	v63 =	vmul.f32 v18, v14;
	v18 =	vunpack.i.u.bf16.f32 v62  }
0x36f: {  	v36 =	vld [tilespmem:s15+$0xFFFFFF00];
	v35 =	vmul.f32 v18, v13;
	v18 =	vbroadcast v20, $0x0;
	v20 =	vunpack.i.l.bf16.f32 v34  }
0x370: {  	[tilespmem:v6+s11+$0xFFFFFE80] =	vst.idx.msk $0xffff, v26;
	v25 =	vadd.s32 $0x54, v27;
	v23 =	vmul.f32 v19, v12;
	v34 =	vmul.f32 v20, v12  }
0x371: {  	s14 =	simm.s32 $0x8;
	[tilespmem:v7+s11+$0xFFFFFE80] =	vst.idx.msk $0xffff, v29;
	v20 =	vbroadcast v25, $0x0;
	v25 =	vunpack.i.u.bf16.f32 v28;
	v26 =	vunpack.i.l.bf16.f32 v28  }
0x372: {  	s28 =	simm.s32 $0xF;
	v19 =	vmov s14;
	[tilespmem:v6+s11+$0xFFFFFF00] =	vst.idx.msk $0xffff, v31;
	v32 =	vld [tilespmem:s15+$0xFFFFFF40];
	v29 =	vmul.f32 v26, v17;
	v25 =	vmul.f32 v25, v17  }
0x373: {  	[tilespmem:v7+s11+$0xFFFFFF00] =	vst.idx.msk $0xffff, v63;
	v17 =	vmov s28;
	v26 =	vunpack.i.u.bf16.f32 v24;
	v24 =	vunpack.i.l.bf16.f32 v24  }
0x374: {  	[tilespmem:v6+s11+$0xFFFFFF80] =	vst.idx.msk $0xffff, v33;
	v27 =	vld [tilespmem:s15+$0xFFFFFF80];
	v28 =	vunpack.i.l.bf16.f32 v36;
	v17 =	vshrl.u32 v17, $0x3;
	v30 =	vmul.f32 v24, v16  }
0x375: {  	[tilespmem:v7+s11+$0xFFFFFF80] =	vst.idx.msk $0xffff, v35;
	v26 =	vmul.f32 v26, v16;
	v24 =	vunpack.i.u.bf16.f32 v36;
	v16 =	vshll.u32 v17, v2  }
0x376: {  	s13 =	simm.s32 $0x9A20;
	s16 =	simm.s32 $0x10;
	[tilespmem:v6+s11+$0xFFFFFC80] =	vst.idx.msk $0xffff, v34;
	v31 =	vmul.f32 v28, v15;
	v28 =	vld [tilespmem:s15+$0xFFFFFFC0];
	v24 =	vmul.f32 v24, v15;
	v17 =	vadd.s32 $0x57, v16  }
.LBB2_16:
0x377: {  	p1 =	slt.u32 s16, $0x20;
	v16 =	vld.idx.msk [tilespmem:v22+s29+$0x0], $0xffff;
	s0 =	sadd.s32 $0x5, s14;
	v22 =	vbroadcast v17, $0x0;
	[tilespmem:v7+s11+$0xFFFFFC80] =	vst.idx.msk $0xffff, v23;
	v15 =	vunpack.i.u.bf16.f32 v32;
	v17 =	vunpack.i.l.bf16.f32 v32  }
0x378: {  	v23 =	vmov s0;
	v32 =	vld [tilespmem:s15+$0xFFFFFE40];
	[tilespmem:v8+s11+$0xFFFFFD00] =	vst.idx.msk $0xffff, v29;
	v29 =	vmul.f32 v17, v11;
	v33 =	vmul.f32 v15, v11  }
0x379: {  	s0 =	sadd.s32 $0x6, s14;
	s14 =	smov.u32 s16;
	v17 =	vld.idx.msk [tilespmem:v21+s29+$0x0], $0xffff;
	v21 =	vshrl.u32 v23, $0x3;
	[tilespmem:v9+s11+$0xFFFFFD00] =	vst.idx.msk $0xffff, v25;
	v11 =	vunpack.i.u.bf16.f32 v27;
	v23 =	vunpack.i.l.bf16.f32 v27  }
0x37a: {  	v15 =	vld.idx.msk [tilespmem:v18+s29+$0x0], $0xffff;
	v18 =	vmov s0;
	[tilespmem:v8+s11+$0xFFFFFD80] =	vst.idx.msk $0xffff, v30;
	v23 =	vmul.f32 v23, v14;
	v14 =	vmul.f32 v11, v14  }
0x37b: {  	s15 =	sadd.s32 $0x200, s15;
	v11 =	vld.idx.msk [tilespmem:v20+s29+$0x0], $0xffff;
	v20 =	vshll.u32 v21, v2;
	[tilespmem:v9+s11+$0xFFFFFD80] =	vst.idx.msk $0xffff, v26;
	v21 =	vunpack.i.u.bf16.f32 v28;
	v25 =	vunpack.i.l.bf16.f32 v28  }
0x37c: {  	v18 =	vshrl.u32 v18, $0x3;
	v26 =	vld [tilespmem:s15+$0xFFFFFFD0];
	[tilespmem:v8+s11+$0xFFFFFE00] =	vst.idx.msk $0xffff, v31;
	v25 =	vmul.f32 v25, v13;
	v13 =	vmul.f32 v21, v13  }
0x37d: {  	v21 =	vshll.u32 v18, v2;
	v18 =	vld.idx.msk [tilespmem:v22+s29+$0x0], $0xffff;
	v22 =	vunpack.i.u.bf16.f32 v32;
	v27 =	vunpack.i.l.bf16.f32 v32;
	[tilespmem:v9+s11+$0xFFFFFE00] =	vst.idx.msk $0xffff, v24  }
0x37e: {  	v20 =	vadd.s32 $0x55, v20;
	v24 =	vld [tilespmem:s15+$0xFFFFFE10];
	v27 =	vmul.f32 v27, v12;
	v12 =	vmul.f32 v22, v12;
	[tilespmem:v8+s11+$0xFFFFFE80] =	vst.idx.msk $0xffff, v29  }
0x37f: {  	v19 =	vshrl.u32 v19, $0x3;
	v20 =	vbroadcast v20, $0x0;
	v21 =	vadd.s32 $0x56, v21;
	v22 =	vld [tilespmem:s15+$0xFFFFFE50];
	[tilespmem:v9+s11+$0xFFFFFE80] =	vst.idx.msk $0xffff, v33  }
0x380: {  	v19 =	vshll.u32 v19, v2;
	v21 =	vbroadcast v21, $0x0;
	v28 =	vld [tilespmem:s15+$0xFFFFFE90];
	[tilespmem:v8+s11+$0xFFFFFF00] =	vst.idx.msk $0xffff, v23  }
0x381: {  	v19 =	vadd.s32 $0x50, v19;
	v23 =	vld [tilespmem:s15+$0xFFFFFED0];
	[tilespmem:v9+s11+$0xFFFFFF00] =	vst.idx.msk $0xffff, v14  }
0x382: {  	v19 =	vbroadcast v19, $0x0;
	v14 =	vunpack.i.l.bf16.f32 v26;
	v29 =	vld [tilespmem:s15+$0xFFFFFF10];
	[tilespmem:v8+s11+$0xFFFFFF80] =	vst.idx.msk $0xffff, v25  }
0x383: {  	v26 =	vunpack.i.u.bf16.f32 v26;
	v31 =	vmul.f32 v14, v18;
	v25 =	vunpack.i.u.bf16.f32 v24;
	v30 =	vld [tilespmem:s15+$0xFFFFFF50];
	[tilespmem:v9+s11+$0xFFFFFF80] =	vst.idx.msk $0xffff, v13  }
0x384: {  	v26 =	vmul.f32 v26, v18;
	v24 =	vunpack.i.l.bf16.f32 v24;
	s11 =	sadd.s32 $0x400, s11;
	v32 =	vunpack.i.u.bf16.f32 v22;
	v33 =	vld [tilespmem:s15+$0xFFFFFF90];
	[tilespmem:v8+s13+$0xFFFFFC80] =	vst.idx.msk $0xffff, v27  }
0x385: {  	v13 =	vunpack.i.l.bf16.f32 v22;
	v22 =	vunpack.i.u.bf16.f32 v28;
	v27 =	vunpack.i.l.bf16.f32 v28;
	v14 =	vld.idx.msk [tilespmem:v20+s29+$0x0], $0xffff;
	[tilespmem:v0+s11+$0x0] =	vst.idx.msk $0xffff, v31  }
0x386: {  	v20 =	vmul.f32 v13, v16;
	v28 =	vunpack.i.u.bf16.f32 v23;
	v23 =	vunpack.i.l.bf16.f32 v23;
	v13 =	vld.idx.msk [tilespmem:v21+s29+$0x0], $0xffff;
	[tilespmem:v3+s11+$0x0] =	vst.idx.msk $0xffff, v26  }
0x387: {  	v21 =	vmul.f32 v32, v16;
	v26 =	vunpack.i.u.bf16.f32 v29;
	v29 =	vunpack.i.l.bf16.f32 v29;
	v31 =	vld [tilespmem:s15+$0xFFFFFFE0];
	[tilespmem:v9+s13+$0xFFFFFC80] =	vst.idx.msk $0xffff, v12;
	s13 =	smov.u32 s11  }
0x388: {  	[tilespmem:v0+s11+$0xFFFFFD00] =	vst.idx.msk $0xffff, v20;
	v20 =	vmul.f32 v27, v17;
	v27 =	vunpack.i.u.bf16.f32 v30;
	v30 =	vunpack.i.l.bf16.f32 v30  }
0x389: {  	v12 =	vld.idx.msk [tilespmem:v19+s29+$0x0], $0xffff;
	[tilespmem:v3+s11+$0xFFFFFD00] =	vst.idx.msk $0xffff, v21;
	v19 =	vmul.f32 v22, v17;
	v21 =	vunpack.i.u.bf16.f32 v33;
	v22 =	vunpack.i.l.bf16.f32 v33  }
0x38a: {  	v32 =	vld [tilespmem:s15+$0xFFFFFE60];
	[tilespmem:v0+s11+$0xFFFFFD80] =	vst.idx.msk $0xffff, v20;
	v20 =	vmul.f32 v23, v15;
	v23 =	vmul.f32 v28, v15  }
0x38b: {  	v26 =	vmul.f32 v26, v11;
	[tilespmem:v3+s11+$0xFFFFFD80] =	vst.idx.msk $0xffff, v19;
	v19 =	vmul.f32 v29, v11  }
0x38c: {  	v27 =	vmul.f32 v27, v14;
	v28 =	vld [tilespmem:s15+$0xFFFFFEA0];
	[tilespmem:v0+s11+$0xFFFFFE00] =	vst.idx.msk $0xffff, v20;
	v20 =	vmul.f32 v30, v14;
	v29 =	vunpack.i.l.bf16.f32 v31  }
0x38d: {  	v22 =	vmul.f32 v22, v13;
	[tilespmem:v3+s11+$0xFFFFFE00] =	vst.idx.msk $0xffff, v23;
	v23 =	vunpack.i.u.bf16.f32 v31;
	v29 =	vmul.f32 v29, v18  }
0x38e: {  	v30 =	vld [tilespmem:s15+$0xFFFFFEE0];
	[tilespmem:v0+s11+$0xFFFFFE80] =	vst.idx.msk $0xffff, v19;
	v19 =	vmul.f32 v21, v13;
	v21 =	vmul.f32 v23, v18  }
0x38f: {  	v23 =	vmul.f32 v24, v12;
	v24 =	vmul.f32 v25, v12;
	v25 =	vunpack.i.u.bf16.f32 v32;
	[tilespmem:v4+s11+$0x0] =	vst.idx.msk $0xffff, v29  }
0x390: {  	v29 =	vunpack.i.l.bf16.f32 v32;
	v25 =	vmul.f32 v25, v16;
	[tilespmem:v5+s11+$0x0] =	vst.idx.msk $0xffff, v21  }
0x391: {  	v21 =	vmul.f32 v29, v16;
	v29 =	vunpack.i.u.bf16.f32 v28;
	v28 =	vunpack.i.l.bf16.f32 v28;
	[tilespmem:v3+s11+$0xFFFFFE80] =	vst.idx.msk $0xffff, v26;
	v26 =	vld [tilespmem:s15+$0xFFFFFFF0]  }
0x392: {  	v28 =	vmul.f32 v28, v17;
	v29 =	vmul.f32 v29, v17;
	v31 =	vld [tilespmem:s15+$0xFFFFFF20];
	[tilespmem:v0+s11+$0xFFFFFF00] =	vst.idx.msk $0xffff, v20  }
0x393: {  	v20 =	vunpack.i.u.bf16.f32 v30;
	v30 =	vunpack.i.l.bf16.f32 v30;
	[tilespmem:v3+s11+$0xFFFFFF00] =	vst.idx.msk $0xffff, v27  }
0x394: {  	v27 =	vmul.f32 v30, v15;
	v20 =	vmul.f32 v20, v15;
	v30 =	vld [tilespmem:s15+$0xFFFFFF60];
	[tilespmem:v0+s11+$0xFFFFFF80] =	vst.idx.msk $0xffff, v22  }
0x395: {  	[tilespmem:v3+s11+$0xFFFFFF80] =	vst.idx.msk $0xffff, v19  }
0x396: {  	[tilespmem:v0+s11+$0xFFFFFC80] =	vst.idx.msk $0xffff, v23;
	v19 =	vld [tilespmem:s15+$0xFFFFFFA0];
	v22 =	vunpack.i.l.bf16.f32 v26  }
0x397: {  	[tilespmem:v3+s11+$0xFFFFFC80] =	vst.idx.msk $0xffff, v24;
	v23 =	vunpack.i.u.bf16.f32 v31;
	v24 =	vunpack.i.u.bf16.f32 v26;
	v22 =	vmul.f32 v22, v18  }
0x398: {  	v26 =	vld [tilespmem:s15+$0xFFFFFE20];
	[tilespmem:v4+s11+$0xFFFFFD00] =	vst.idx.msk $0xffff, v21;
	v21 =	vunpack.i.l.bf16.f32 v31;
	v23 =	vmul.f32 v23, v11;
	v24 =	vmul.f32 v24, v18  }
0x399: {  	v21 =	vmul.f32 v21, v11;
	v31 =	vunpack.i.u.bf16.f32 v30;
	v30 =	vunpack.i.l.bf16.f32 v30;
	[tilespmem:v6+s11+$0x0] =	vst.idx.msk $0xffff, v22  }
0x39a: {  	v22 =	vmul.f32 v30, v14;
	v30 =	vmul.f32 v31, v14;
	[tilespmem:v7+s11+$0x0] =	vst.idx.msk $0xffff, v24  }
0x39b: {  	[tilespmem:v5+s11+$0xFFFFFD00] =	vst.idx.msk $0xffff, v25;
	v24 =	vunpack.i.u.bf16.f32 v19;
	v19 =	vunpack.i.l.bf16.f32 v19;
	v25 =	vld [tilespmem:s15+$0x0]  }
0x39c: {  	v31 =	vld [tilespmem:s15+$0xFFFFFE70];
	[tilespmem:v4+s11+$0xFFFFFD80] =	vst.idx.msk $0xffff, v28;
	v19 =	vmul.f32 v19, v13;
	v24 =	vmul.f32 v24, v13  }
0x39d: {  	v28 =	vunpack.i.u.bf16.f32 v26;
	v26 =	vunpack.i.l.bf16.f32 v26;
	[tilespmem:v5+s11+$0xFFFFFD80] =	vst.idx.msk $0xffff, v29  }
0x39e: {  	v26 =	vmul.f32 v26, v12;
	v28 =	vmul.f32 v28, v12;
	v29 =	vld [tilespmem:s15+$0xFFFFFEB0];
	[tilespmem:v4+s11+$0xFFFFFE00] =	vst.idx.msk $0xffff, v27  }
0x39f: {  	s9 =	sadd.s32 $0x2, s16;
	s0 =	sadd.s32 $0x1, s16;
	[tilespmem:v5+s11+$0xFFFFFE00] =	vst.idx.msk $0xffff, v20  }
0x3a0: {  	v27 =	vmov s9;
	v20 =	vmov s0;
	v32 =	vld [tilespmem:s15+$0xFFFFFEF0];
	[tilespmem:v4+s11+$0xFFFFFE80] =	vst.idx.msk $0xffff, v21;
	v21 =	vunpack.i.l.bf16.f32 v25  }
0x3a1: {  	v33 =	vunpack.i.u.bf16.f32 v31;
	[tilespmem:v5+s11+$0xFFFFFE80] =	vst.idx.msk $0xffff, v23;
	v23 =	vunpack.i.u.bf16.f32 v25;
	v21 =	vmul.f32 v21, v18  }
0x3a2: {  	v25 =	vunpack.i.l.bf16.f32 v31;
	v31 =	vmul.f32 v33, v16;
	v33 =	vld [tilespmem:s15+$0xFFFFFF30];
	[tilespmem:v4+s11+$0xFFFFFF00] =	vst.idx.msk $0xffff, v22;
	v18 =	vmul.f32 v23, v18  }
0x3a3: {  	s0 =	sadd.s32 $0x3, s16;
	v22 =	vmul.f32 v25, v16;
	v23 =	vunpack.i.u.bf16.f32 v29;
	v25 =	vunpack.i.l.bf16.f32 v29;
	[tilespmem:v8+s11+$0x0] =	vst.idx.msk $0xffff, v21  }
0x3a4: {  	v21 =	vmov s0;
	s0 =	sadd.s32 $0x4, s16;
	v25 =	vmul.f32 v25, v17;
	v23 =	vmul.f32 v23, v17;
	[tilespmem:v9+s11+$0x0] =	vst.idx.msk $0xffff, v18  }
0x3a5: {  	v18 =	vmov s0;
	v29 =	vunpack.i.u.bf16.f32 v32;
	v32 =	vunpack.i.l.bf16.f32 v32;
	[tilespmem:v5+s11+$0xFFFFFF00] =	vst.idx.msk $0xffff, v30  }
0x3a6: {  	v20 =	vshrl.u32 v20, $0x3;
	v30 =	vmul.f32 v32, v15;
	v29 =	vmul.f32 v29, v15;
	v32 =	vld [tilespmem:s15+$0xFFFFFF70];
	[tilespmem:v4+s11+$0xFFFFFF80] =	vst.idx.msk $0xffff, v19  }
0x3a7: {  	v19 =	vshrl.u32 v27, $0x3;
	v27 =	vunpack.i.u.bf16.f32 v33;
	v33 =	vunpack.i.l.bf16.f32 v33;
	[tilespmem:v5+s11+$0xFFFFFF80] =	vst.idx.msk $0xffff, v24  }
0x3a8: {  	v21 =	vshrl.u32 v21, $0x3;
	[tilespmem:v4+s11+$0xFFFFFC80] =	vst.idx.msk $0xffff, v26;
	v24 =	vmul.f32 v33, v11;
	v26 =	vmul.f32 v27, v11;
	v27 =	vld [tilespmem:s15+$0xFFFFFFB0]  }
0x3a9: {  	v20 =	vshll.u32 v20, v2;
	v18 =	vshrl.u32 v18, $0x3;
	v19 =	vshll.u32 v19, v2;
	[tilespmem:v5+s11+$0xFFFFFC80] =	vst.idx.msk $0xffff, v28  }
0x3aa: {  	v20 =	vadd.s32 $0x51, v20;
	v33 =	vshll.u32 v18, v2;
	v28 =	vshll.u32 v21, v2;
	v34 =	vld [tilespmem:s15+$0xFFFFFE30];
	[tilespmem:v6+s11+$0xFFFFFD00] =	vst.idx.msk $0xffff, v22  }
0x3ab: {  	v22 =	vbroadcast v20, $0x0;
	[tilespmem:v7+s11+$0xFFFFFD00] =	vst.idx.msk $0xffff, v31;
	v18 =	vunpack.i.u.bf16.f32 v32;
	v20 =	vunpack.i.l.bf16.f32 v32  }
0x3ac: {  	v19 =	vadd.s32 $0x52, v19;
	v31 =	vld [tilespmem:s15+$0xFFFFFE80];
	[tilespmem:v6+s11+$0xFFFFFD80] =	vst.idx.msk $0xffff, v25;
	v35 =	vmul.f32 v20, v14;
	v36 =	vmul.f32 v18, v14  }
0x3ad: {  	v21 =	vbroadcast v19, $0x0;
	[tilespmem:v7+s11+$0xFFFFFD80] =	vst.idx.msk $0xffff, v23;
	v18 =	vunpack.i.u.bf16.f32 v27;
	v19 =	vunpack.i.l.bf16.f32 v27  }
0x3ae: {  	v20 =	vadd.s32 $0x53, v28;
	v27 =	vld [tilespmem:s15+$0xFFFFFEC0];
	[tilespmem:v6+s11+$0xFFFFFE00] =	vst.idx.msk $0xffff, v30;
	v28 =	vmul.f32 v19, v13;
	v37 =	vmul.f32 v18, v13  }
0x3af: {  	v18 =	vbroadcast v20, $0x0;
	v19 =	vunpack.i.u.bf16.f32 v34;
	v20 =	vunpack.i.l.bf16.f32 v34;
	[tilespmem:v7+s11+$0xFFFFFE00] =	vst.idx.msk $0xffff, v29  }
0x3b0: {  	v25 =	vadd.s32 $0x54, v33;
	v33 =	vmul.f32 v20, v12;
	v23 =	vmul.f32 v19, v12;
	v34 =	vld [tilespmem:s15+$0xFFFFFF00];
	[tilespmem:v6+s11+$0xFFFFFE80] =	vst.idx.msk $0xffff, v24  }
0x3b1: {  	v20 =	vbroadcast v25, $0x0;
	v24 =	vunpack.i.u.bf16.f32 v31;
	v25 =	vunpack.i.l.bf16.f32 v31;
	[tilespmem:v7+s11+$0xFFFFFE80] =	vst.idx.msk $0xffff, v26  }
.Ltmp12:
0x3b2: {  	s0 =	sadd.s32 $0x7, s16;
	v19 =	vmov s16;
	v29 =	vmul.f32 v25, v16;
	v25 =	vmul.f32 v24, v16;
	v32 =	vld [tilespmem:s15+$0xFFFFFF40];
	[tilespmem:v6+s11+$0xFFFFFF00] =	vst.idx.msk $0xffff, v35;
	(pc) =	sbr.rel @p1 .LBB2_16-.Ltmp12, $4  }
0x3b3: {  	v16 =	vmov s0;
	v24 =	vunpack.i.u.bf16.f32 v27;
	v26 =	vunpack.i.l.bf16.f32 v27;
	[tilespmem:v7+s11+$0xFFFFFF00] =	vst.idx.msk $0xffff, v36  }
0x3b4: {  	v16 =	vshrl.u32 v16, $0x3;
	v30 =	vmul.f32 v26, v17;
	v26 =	vmul.f32 v24, v17;
	v27 =	vld [tilespmem:s15+$0xFFFFFF80];
	[tilespmem:v6+s11+$0xFFFFFF80] =	vst.idx.msk $0xffff, v28  }
0x3b5: {  	v16 =	vshll.u32 v16, v2;
	v24 =	vunpack.i.u.bf16.f32 v34;
	v28 =	vunpack.i.l.bf16.f32 v34;
	[tilespmem:v7+s11+$0xFFFFFF80] =	vst.idx.msk $0xffff, v37  }
0x3b6: {  	s16 =	sadd.s32 $0x8, s16;
	v17 =	vadd.s32 $0x57, v16;
	[tilespmem:v6+s11+$0xFFFFFC80] =	vst.idx.msk $0xffff, v33;
	v31 =	vmul.f32 v28, v15;
	v24 =	vmul.f32 v24, v15;
	v28 =	vld [tilespmem:s15+$0xFFFFFFC0]  }
0x3b7: {  	_ =	sdelay $0x3  }
0x3b8: {  	[tilespmem:v7+s11+$0xFFFFFC80] =	vst.idx.msk $0xffff, v23  }
0x3b9: {  	v17 =	vbroadcast v17, $0x0;
	[tilespmem:v8+s11+$0xFFFFFD00] =	vst.idx.msk $0xffff, v29  }
0x3ba: {  	[tilespmem:v8+s11+$0xFFFFFD80] =	vst.idx.msk $0xffff, v30  }
0x3bb: {  	v15 =	vld.idx.msk [tilespmem:v22+s29+$0x0], $0xffff;
	[tilespmem:v9+s11+$0xFFFFFD00] =	vst.idx.msk $0xffff, v25  }
0x3bc: {  	s0 =	sadd.s32 $0x5, s14;
	v16 =	vunpack.i.l.bf16.f32 v32;
	v22 =	vld [tilespmem:s15+$0xFFFFFE40];
	[tilespmem:v9+s11+$0xFFFFFD80] =	vst.idx.msk $0xffff, v26  }
0x3bd: {  	v23 =	vunpack.i.u.bf16.f32 v32;
	s23 =	sadd.s32 $0x200, s15;
	v25 =	vmov s0;
	v26 =	vmul.f32 v16, v11;
	v16 =	vld.idx.msk [tilespmem:v21+s29+$0x0], $0xffff;
	[tilespmem:v8+s11+$0xFFFFFE00] =	vst.idx.msk $0xffff, v31  }
0x3be: {  	s25 =	sadd.s32 $0x6, s14;
	v11 =	vmul.f32 v23, v11;
	v23 =	vshrl.u32 v25, $0x3;
	v21 =	vunpack.i.l.bf16.f32 v27;
	v25 =	vld [tilespmem:s23+$0xFFFFFFD0];
	[tilespmem:v9+s11+$0xFFFFFE00] =	vst.idx.msk $0xffff, v24  }
0x3bf: {  	v24 =	vunpack.i.u.bf16.f32 v27;
	v27 =	vmov s25;
	v29 =	vmul.f32 v21, v14;
	[tilespmem:v8+s11+$0xFFFFFE80] =	vst.idx.msk $0xffff, v26;
	v21 =	vld.idx.msk [tilespmem:v17+s29+$0x0], $0xffff  }
0x3c0: {  	v14 =	vmul.f32 v24, v14;
	[tilespmem:v9+s11+$0xFFFFFE80] =	vst.idx.msk $0xffff, v11;
	v17 =	vshll.u32 v23, v2;
	v23 =	vunpack.i.l.bf16.f32 v28  }
0x3c1: {  	v24 =	vshrl.u32 v27, $0x3;
	v26 =	vld [tilespmem:s23+$0xFFFFFE50];
	v11 =	vunpack.i.u.bf16.f32 v28;
	[tilespmem:v8+s11+$0xFFFFFF00] =	vst.idx.msk $0xffff, v29;
	v23 =	vmul.f32 v23, v13  }
0x3c2: {  	v24 =	vshll.u32 v24, v2;
	[tilespmem:v9+s11+$0xFFFFFF00] =	vst.idx.msk $0xffff, v14;
	v13 =	vmul.f32 v11, v13;
	v11 =	vunpack.i.l.bf16.f32 v22  }
0x3c3: {  	v27 =	vld [tilespmem:s23+$0xFFFFFE90];
	v14 =	vunpack.i.u.bf16.f32 v22;
	v28 =	vunpack.i.l.bf16.f32 v25;
	v22 =	vmul.f32 v11, v12;
	[tilespmem:v8+s11+$0xFFFFFF80] =	vst.idx.msk $0xffff, v23  }
0x3c4: {  	v17 =	vadd.s32 $0x55, v17;
	v11 =	vld.idx.msk [tilespmem:v18+s29+$0x0], $0xffff;
	v18 =	vunpack.i.u.bf16.f32 v25;
	[tilespmem:v9+s11+$0xFFFFFF80] =	vst.idx.msk $0xffff, v13;
	v23 =	vmul.f32 v28, v21  }
0x3c5: {  	s28 =	sadd.s32 $0x400, s11;
	v13 =	vmul.f32 v14, v12;
	v14 =	vshrl.u32 v19, $0x3;
	v19 =	vld [tilespmem:s23+$0xFFFFFED0];
	[tilespmem:v8+s13+$0xFFFFFC80] =	vst.idx.msk $0xffff, v22;
	v18 =	vmul.f32 v18, v21  }
0x3c6: {  	v17 =	vbroadcast v17, $0x0;
	v12 =	vld.idx.msk [tilespmem:v20+s29+$0x0], $0xffff;
	v20 =	vadd.s32 $0x56, v24;
	v22 =	vunpack.i.l.bf16.f32 v26;
	[tilespmem:v0+s28+$0x0] =	vst.idx.msk $0xffff, v23  }
0x3c7: {  	v24 =	vunpack.i.u.bf16.f32 v26;
	v14 =	vshll.u32 v14, v2;
	v22 =	vmul.f32 v22, v15;
	v23 =	vld [tilespmem:s23+$0xFFFFFF10];
	[tilespmem:v3+s28+$0x0] =	vst.idx.msk $0xffff, v18  }
0x3c8: {  	v24 =	vmul.f32 v24, v15;
	[tilespmem:v9+s13+$0xFFFFFC80] =	vst.idx.msk $0xffff, v13;
	v18 =	vbroadcast v20, $0x0;
	v20 =	vunpack.i.l.bf16.f32 v27;
	v25 =	vld [tilespmem:s23+$0xFFFFFFE0]  }
0x3c9: {  	v13 =	vadd.s32 $0x50, v14;
	v14 =	vunpack.i.u.bf16.f32 v27;
	[tilespmem:v0+s28+$0xFFFFFD00] =	vst.idx.msk $0xffff, v22;
	v20 =	vmul.f32 v20, v16  }
0x3ca: {  	v22 =	vbroadcast v13, $0x0;
	v14 =	vmul.f32 v14, v16;
	[tilespmem:v3+s28+$0xFFFFFD00] =	vst.idx.msk $0xffff, v24;
	v13 =	vunpack.i.l.bf16.f32 v19  }
0x3cb: {  	v24 =	vld [tilespmem:s23+$0xFFFFFF50];
	v19 =	vunpack.i.u.bf16.f32 v19;
	[tilespmem:v0+s28+$0xFFFFFD80] =	vst.idx.msk $0xffff, v20;
	v20 =	vmul.f32 v13, v11  }
0x3cc: {  	v19 =	vmul.f32 v19, v11;
	v13 =	vld.idx.msk [tilespmem:v17+s29+$0x0], $0xffff;
	v17 =	vunpack.i.l.bf16.f32 v23;
	[tilespmem:v3+s28+$0xFFFFFD80] =	vst.idx.msk $0xffff, v14  }
0x3cd: {  	v26 =	vld [tilespmem:s23+$0xFFFFFF90];
	v14 =	vmul.f32 v17, v12;
	[tilespmem:v0+s28+$0xFFFFFE00] =	vst.idx.msk $0xffff, v20;
	v20 =	vunpack.i.l.bf16.f32 v25  }
0x3ce: {  	v17 =	vld.idx.msk [tilespmem:v18+s29+$0x0], $0xffff;
	[tilespmem:v3+s28+$0xFFFFFE00] =	vst.idx.msk $0xffff, v19;
	v18 =	vunpack.i.u.bf16.f32 v25;
	v19 =	vmul.f32 v20, v21  }
0x3cf: {  	v23 =	vunpack.i.u.bf16.f32 v23;
	v20 =	vld [tilespmem:s23+$0xFFFFFE10];
	[tilespmem:v0+s28+$0xFFFFFE80] =	vst.idx.msk $0xffff, v14;
	v18 =	vmul.f32 v18, v21  }
0x3d0: {  	v25 =	vunpack.i.l.bf16.f32 v24;
	v14 =	vld.idx.msk [tilespmem:v22+s29+$0x0], $0xffff;
	v22 =	vmul.f32 v23, v12;
	[tilespmem:v4+s28+$0x0] =	vst.idx.msk $0xffff, v19  }
0x3d1: {  	v23 =	vld [tilespmem:s23+$0xFFFFFE60];
	v19 =	vunpack.i.u.bf16.f32 v24;
	v24 =	vmul.f32 v25, v13;
	[tilespmem:v5+s28+$0x0] =	vst.idx.msk $0xffff, v18  }
0x3d2: {  	[tilespmem:v3+s28+$0xFFFFFE80] =	vst.idx.msk $0xffff, v22;
	v18 =	vunpack.i.l.bf16.f32 v26;
	v19 =	vmul.f32 v19, v13;
	v22 =	vld [tilespmem:s23+$0xFFFFFFF0]  }
0x3d3: {  	v25 =	vunpack.i.u.bf16.f32 v26;
	v18 =	vmul.f32 v18, v17;
	[tilespmem:v0+s28+$0xFFFFFF00] =	vst.idx.msk $0xffff, v24  }
0x3d4: {  	v25 =	vmul.f32 v25, v17;
	v24 =	vunpack.i.l.bf16.f32 v20;
	[tilespmem:v3+s28+$0xFFFFFF00] =	vst.idx.msk $0xffff, v19  }
0x3d5: {  	v19 =	vunpack.i.u.bf16.f32 v20;
	v20 =	vld [tilespmem:s23+$0xFFFFFEA0];
	v24 =	vmul.f32 v24, v14;
	[tilespmem:v0+s28+$0xFFFFFF80] =	vst.idx.msk $0xffff, v18  }
0x3d6: {  	v18 =	vmul.f32 v19, v14;
	v19 =	vunpack.i.l.bf16.f32 v23;
	[tilespmem:v3+s28+$0xFFFFFF80] =	vst.idx.msk $0xffff, v25  }
0x3d7: {  	v25 =	vld [tilespmem:s23+$0xFFFFFEE0];
	v19 =	vmul.f32 v19, v15;
	[tilespmem:v0+s28+$0xFFFFFC80] =	vst.idx.msk $0xffff, v24;
	v24 =	vunpack.i.l.bf16.f32 v22  }
0x3d8: {  	[tilespmem:v3+s28+$0xFFFFFC80] =	vst.idx.msk $0xffff, v18;
	v18 =	vunpack.i.u.bf16.f32 v22;
	v22 =	vmul.f32 v24, v21  }
0x3d9: {  	v23 =	vunpack.i.u.bf16.f32 v23;
	[tilespmem:v4+s28+$0xFFFFFD00] =	vst.idx.msk $0xffff, v19;
	v24 =	vld [tilespmem:s23+$0xFFFFFF20];
	v18 =	vmul.f32 v18, v21  }
0x3da: {  	v19 =	vmul.f32 v23, v15;
	v23 =	vunpack.i.l.bf16.f32 v20;
	[tilespmem:v6+s28+$0x0] =	vst.idx.msk $0xffff, v22  }
0x3db: {  	v20 =	vunpack.i.u.bf16.f32 v20;
	v22 =	vmul.f32 v23, v16;
	v23 =	vld [tilespmem:s23+$0xFFFFFF60];
	[tilespmem:v7+s28+$0x0] =	vst.idx.msk $0xffff, v18  }
0x3dc: {  	[tilespmem:v5+s28+$0xFFFFFD00] =	vst.idx.msk $0xffff, v19;
	v18 =	vmul.f32 v20, v16;
	v20 =	vunpack.i.l.bf16.f32 v25;
	v19 =	vld [tilespmem:s23+$0x0]  }
0x3dd: {  	v25 =	vunpack.i.u.bf16.f32 v25;
	v20 =	vmul.f32 v20, v11;
	[tilespmem:v4+s28+$0xFFFFFD80] =	vst.idx.msk $0xffff, v22  }
0x3de: {  	v22 =	vmul.f32 v25, v11;
	v25 =	vunpack.i.l.bf16.f32 v24;
	[tilespmem:v5+s28+$0xFFFFFD80] =	vst.idx.msk $0xffff, v18  }
0x3df: {  	v18 =	vld [tilespmem:s23+$0xFFFFFFA0];
	v24 =	vunpack.i.u.bf16.f32 v24;
	v25 =	vmul.f32 v25, v12;
	[tilespmem:v4+s28+$0xFFFFFE00] =	vst.idx.msk $0xffff, v20  }
0x3e0: {  	v20 =	vmul.f32 v24, v12;
	v24 =	vunpack.i.l.bf16.f32 v23;
	[tilespmem:v5+s28+$0xFFFFFE00] =	vst.idx.msk $0xffff, v22  }
0x3e1: {  	v22 =	vld [tilespmem:s23+$0xFFFFFE20];
	v24 =	vmul.f32 v24, v13;
	[tilespmem:v4+s28+$0xFFFFFE80] =	vst.idx.msk $0xffff, v25;
	v25 =	vunpack.i.l.bf16.f32 v19  }
0x3e2: {  	v23 =	vunpack.i.u.bf16.f32 v23;
	[tilespmem:v5+s28+$0xFFFFFE80] =	vst.idx.msk $0xffff, v20;
	v19 =	vunpack.i.u.bf16.f32 v19;
	v20 =	vmul.f32 v25, v21  }
0x3e3: {  	v25 =	vld [tilespmem:s23+$0xFFFFFE70];
	[tilespmem:v4+s28+$0xFFFFFF00] =	vst.idx.msk $0xffff, v24;
	v19 =	vmul.f32 v19, v21;
	v21 =	vmul.f32 v23, v13  }
0x3e4: {  	v23 =	vunpack.i.l.bf16.f32 v18;
	[tilespmem:v8+s28+$0x0] =	vst.idx.msk $0xffff, v20  }
0x3e5: {  	v18 =	vunpack.i.u.bf16.f32 v18;
	v20 =	vmul.f32 v23, v17;
	v23 =	vld [tilespmem:s23+$0xFFFFFEB0];
	[tilespmem:v5+s28+$0xFFFFFF00] =	vst.idx.msk $0xffff, v21  }
0x3e6: {  	v18 =	vmul.f32 v18, v17;
	[tilespmem:v9+s28+$0x0] =	vst.idx.msk $0xffff, v19;
	v19 =	vunpack.i.l.bf16.f32 v22  }
0x3e7: {  	v21 =	vunpack.i.u.bf16.f32 v22;
	v22 =	vld [tilespmem:s23+$0xFFFFFEF0];
	v19 =	vmul.f32 v19, v14;
	[tilespmem:v4+s28+$0xFFFFFF80] =	vst.idx.msk $0xffff, v20  }
0x3e8: {  	v20 =	vmul.f32 v21, v14;
	v21 =	vunpack.i.l.bf16.f32 v25;
	[tilespmem:v5+s28+$0xFFFFFF80] =	vst.idx.msk $0xffff, v18  }
0x3e9: {  	v24 =	vld [tilespmem:s23+$0xFFFFFF30];
	v18 =	vunpack.i.u.bf16.f32 v25;
	v21 =	vmul.f32 v21, v15;
	[tilespmem:v4+s28+$0xFFFFFC80] =	vst.idx.msk $0xffff, v19  }
0x3ea: {  	v18 =	vmul.f32 v18, v15;
	v19 =	vunpack.i.l.bf16.f32 v23;
	[tilespmem:v5+s28+$0xFFFFFC80] =	vst.idx.msk $0xffff, v20  }
0x3eb: {  	v20 =	vunpack.i.u.bf16.f32 v23;
	v23 =	vld [tilespmem:s23+$0xFFFFFF70];
	v19 =	vmul.f32 v19, v16;
	[tilespmem:v6+s28+$0xFFFFFD00] =	vst.idx.msk $0xffff, v21  }
0x3ec: {  	v20 =	vmul.f32 v20, v16;
	v21 =	vunpack.i.l.bf16.f32 v22;
	[tilespmem:v7+s28+$0xFFFFFD00] =	vst.idx.msk $0xffff, v18  }
0x3ed: {  	v18 =	vunpack.i.u.bf16.f32 v22;
	v21 =	vmul.f32 v21, v11;
	v22 =	vld [tilespmem:s23+$0xFFFFFFB0];
	[tilespmem:v6+s28+$0xFFFFFD80] =	vst.idx.msk $0xffff, v19  }
0x3ee: {  	v18 =	vmul.f32 v18, v11;
	v19 =	vunpack.i.l.bf16.f32 v24;
	[tilespmem:v7+s28+$0xFFFFFD80] =	vst.idx.msk $0xffff, v20  }
0x3ef: {  	v20 =	vunpack.i.u.bf16.f32 v24;
	v19 =	vmul.f32 v19, v12;
	v24 =	vld [tilespmem:s23+$0xFFFFFE30];
	[tilespmem:v6+s28+$0xFFFFFE00] =	vst.idx.msk $0xffff, v21  }
0x3f0: {  	v20 =	vmul.f32 v20, v12;
	v21 =	vunpack.i.l.bf16.f32 v23;
	[tilespmem:v7+s28+$0xFFFFFE00] =	vst.idx.msk $0xffff, v18  }
0x3f1: {  	v18 =	vunpack.i.u.bf16.f32 v23;
	v23 =	vld [tilespmem:s23+$0xFFFFFE80];
	v21 =	vmul.f32 v21, v13;
	[tilespmem:v6+s28+$0xFFFFFE80] =	vst.idx.msk $0xffff, v19  }
0x3f2: {  	v18 =	vmul.f32 v18, v13;
	v19 =	vunpack.i.l.bf16.f32 v22;
	[tilespmem:v7+s28+$0xFFFFFE80] =	vst.idx.msk $0xffff, v20  }
0x3f3: {  	v20 =	vunpack.i.u.bf16.f32 v22;
	v22 =	vld [tilespmem:s23+$0xFFFFFEC0];
	v19 =	vmul.f32 v19, v17;
	[tilespmem:v6+s28+$0xFFFFFF00] =	vst.idx.msk $0xffff, v21  }
0x3f4: {  	v20 =	vmul.f32 v20, v17;
	v21 =	vunpack.i.l.bf16.f32 v24;
	[tilespmem:v7+s28+$0xFFFFFF00] =	vst.idx.msk $0xffff, v18  }
0x3f5: {  	v18 =	vunpack.i.u.bf16.f32 v24;
	v24 =	vld [tilespmem:s23+$0xFFFFFF00];
	v21 =	vmul.f32 v21, v14;
	[tilespmem:v6+s28+$0xFFFFFF80] =	vst.idx.msk $0xffff, v19  }
0x3f6: {  	v18 =	vmul.f32 v18, v14;
	v19 =	vunpack.i.l.bf16.f32 v23;
	[tilespmem:v7+s28+$0xFFFFFF80] =	vst.idx.msk $0xffff, v20  }
0x3f7: {  	v20 =	vunpack.i.u.bf16.f32 v23;
	v19 =	vmul.f32 v19, v15;
	v23 =	vld [tilespmem:s23+$0xFFFFFF40];
	[tilespmem:v6+s28+$0xFFFFFC80] =	vst.idx.msk $0xffff, v21  }
0x3f8: {  	v15 =	vmul.f32 v20, v15;
	v20 =	vunpack.i.l.bf16.f32 v22;
	[tilespmem:v7+s28+$0xFFFFFC80] =	vst.idx.msk $0xffff, v18  }
0x3f9: {  	v21 =	vld [tilespmem:s23+$0xFFFFFF80];
	v18 =	vunpack.i.u.bf16.f32 v22;
	v20 =	vmul.f32 v20, v16;
	[tilespmem:v8+s28+$0xFFFFFD00] =	vst.idx.msk $0xffff, v19  }
0x3fa: {  	v16 =	vmul.f32 v18, v16;
	v18 =	vunpack.i.l.bf16.f32 v24;
	[tilespmem:v9+s28+$0xFFFFFD00] =	vst.idx.msk $0xffff, v15  }
0x3fb: {  	v19 =	vld [tilespmem:s23+$0xFFFFFFC0];
	v15 =	vunpack.i.u.bf16.f32 v24;
	v18 =	vmul.f32 v18, v11;
	[tilespmem:v8+s28+$0xFFFFFD80] =	vst.idx.msk $0xffff, v20  }
0x3fc: {  	v11 =	vmul.f32 v15, v11;
	v15 =	vunpack.i.l.bf16.f32 v23;
	[tilespmem:v9+s28+$0xFFFFFD80] =	vst.idx.msk $0xffff, v16  }
0x3fd: {  	v20 =	vld [tilespmem:s23+$0xFFFFFE40];
	v16 =	vunpack.i.u.bf16.f32 v23;
	v15 =	vmul.f32 v15, v12;
	[tilespmem:v8+s28+$0xFFFFFE00] =	vst.idx.msk $0xffff, v18  }
0x3fe: {  	v12 =	vmul.f32 v16, v12;
	v16 =	vunpack.i.l.bf16.f32 v21;
	[tilespmem:v9+s28+$0xFFFFFE00] =	vst.idx.msk $0xffff, v11  }
0x3ff: {  	v11 =	vunpack.i.u.bf16.f32 v21;
	v16 =	vmul.f32 v16, v13;
	[tilespmem:v8+s28+$0xFFFFFE80] =	vst.idx.msk $0xffff, v15  }
0x400: {  	v11 =	vmul.f32 v11, v13;
	v15 =	vunpack.i.l.bf16.f32 v19;
	[tilespmem:v9+s28+$0xFFFFFE80] =	vst.idx.msk $0xffff, v12  }
0x401: {  	v13 =	vunpack.i.u.bf16.f32 v19;
	v12 =	vmul.f32 v15, v17;
	[tilespmem:v8+s28+$0xFFFFFF00] =	vst.idx.msk $0xffff, v16  }
0x402: {  	s13 =	simm.s32 $0x2F;
	v13 =	vmul.f32 v13, v17;
	v16 =	vunpack.i.l.bf16.f32 v20;
	[tilespmem:v9+s28+$0xFFFFFF00] =	vst.idx.msk $0xffff, v11  }
0x403: {  	s9 =	simm.s32 $0x28;
	v15 =	vunpack.i.u.bf16.f32 v20;
	v11 =	vmov s13;
	v16 =	vmul.f32 v16, v14;
	[tilespmem:v8+s28+$0xFFFFFF80] =	vst.idx.msk $0xffff, v12  }
0x404: {  	s14 =	simm.s32 $0x29;
	v14 =	vmul.f32 v15, v14;
	v12 =	vmov s9;
	v11 =	vshrl.u32 v11, $0x3;
	[tilespmem:v9+s28+$0xFFFFFF80] =	vst.idx.msk $0xffff, v13  }
0x405: {  	v12 =	vshrl.u32 v12, $0x3;
	v11 =	vshll.u32 v11, v2;
	[tilespmem:v8+s28+$0xFFFFFC80] =	vst.idx.msk $0xffff, v16;
	v13 =	vmov s14  }
0x406: {  	s16 =	simm.s32 $0x6E50;
	s15 =	simm.s32 $0x2A;
	v12 =	vshll.u32 v12, v2;
	v11 =	vadd.s32 $0x57, v11;
	[tilespmem:v9+s28+$0xFFFFFC80] =	vst.idx.msk $0xffff, v14;
	v13 =	vshrl.u32 v13, $0x3  }
0x407: {  	v14 =	vmov s15;
	v12 =	vadd.s32 $0x50, v12;
	v11 =	vbroadcast v11, $0x0;
	[spmem:s2] =	stream.indirect.scatter.add.f32 [tilespmem:s21], [sflag:$0x4], $0x80, s16, s30, $0xb8;
	[tilespmem:$0x1FDA8] =	vst v63  }
0x408: {  	v13 =	vshll.u32 v13, v2;
	v14 =	vshrl.u32 v14, $0x3;
	v12 =	vbroadcast v12, $0x0;
	_ =	swait.ge [sflag:s12], $0x1400  }
0x409: {  	s17 =	simm.s32 $0x2B;
	v13 =	vadd.s32 $0x51, v13;
	v14 =	vshll.u32 v14, v2;
	[sflag:s12] =	ssyncset.done $0x0  }
0x40a: {  	s11 =	simm.s32 $0x8E90;
	v15 =	vmov s17;
	v16 =	vbroadcast v13, $0x0;
	v14 =	vadd.s32 $0x52, v14;
	[sflag:s12] =	ssyncadd.s32 $0xFFFFEC00  }
0x40b: {  	s23 =	simm.s32 $0x2C;
	v13 =	vshrl.u32 v15, $0x3;
	v15 =	vbroadcast v14, $0x0;
	v17 =	vld [tilespmem:s11+$0xFFFFFFD0]  }
0x40c: {  	v13 =	vshll.u32 v13, v2;
	v14 =	vmov s23;
	v20 =	vld [tilespmem:s11+$0xFFFFFE10]  }
0x40d: {  	s25 =	simm.s32 $0x2D;
	v13 =	vadd.s32 $0x53, v13;
	v19 =	vshrl.u32 v14, $0x3;
	v18 =	vld.idx.msk [tilespmem:v11+s29+$0x0], $0xffff  }
0x40e: {  	v19 =	vshll.u32 v19, v2;
	v11 =	vbroadcast v13, $0x0;
	v13 =	vld.idx.msk [tilespmem:v12+s29+$0x0], $0xffff;
	v12 =	vmov s25  }
0x40f: {  	s28 =	simm.s32 $0x2E;
	v22 =	vld [tilespmem:s11+$0xFFFFFE50];
	v19 =	vadd.s32 $0x54, v19;
	v12 =	vshrl.u32 v12, $0x3  }
0x410: {  	v14 =	vld.idx.msk [tilespmem:v16+s29+$0x0], $0xffff;
	v16 =	vmov s28;
	v21 =	vshll.u32 v12, v2;
	v23 =	vunpack.i.l.bf16.f32 v17  }
0x411: {  	v12 =	vld.idx.msk [tilespmem:v15+s29+$0x0], $0xffff;
	v15 =	vbroadcast v19, $0x0;
	v17 =	vunpack.i.u.bf16.f32 v17;
	v16 =	vshrl.u32 v16, $0x3  }
0x412: {  	v24 =	vunpack.i.l.bf16.f32 v20;
	v16 =	vshll.u32 v16, v2;
	v19 =	vmul.f32 v23, v18;
	v23 =	vld [tilespmem:s11+$0xFFFFFE90]  }
0x413: {  	s13 =	simm.s32 $0xAE20;
	v26 =	vld [tilespmem:s11+$0xFFFFFF10];
	v20 =	vunpack.i.u.bf16.f32 v20;
	v17 =	vmul.f32 v17, v18;
	v16 =	vadd.s32 $0x56, v16  }
0x414: {  	v21 =	vadd.s32 $0x55, v21;
	v24 =	vmul.f32 v24, v13;
	v16 =	vbroadcast v16, $0x0;
	[tilespmem:v0+s13+$0x0] =	vst.idx.msk $0xffff, v19;
	v19 =	vld [tilespmem:s11+$0xFFFFFED0]  }
0x415: {  	v21 =	vbroadcast v21, $0x0;
	v11 =	vld.idx.msk [tilespmem:v11+s29+$0x0], $0xffff;
	v20 =	vmul.f32 v20, v13;
	[tilespmem:v3+s13+$0x0] =	vst.idx.msk $0xffff, v17;
	v17 =	vunpack.i.l.bf16.f32 v22  }
0x416: {  	v22 =	vunpack.i.u.bf16.f32 v22;
	[tilespmem:v0+s13+$0xFFFFFC80] =	vst.idx.msk $0xffff, v24;
	v25 =	vld [tilespmem:s11+$0xFFFFFFE0];
	v17 =	vmul.f32 v17, v14  }
0x417: {  	v24 =	vld [tilespmem:s11+$0xFFFFFF50];
	[tilespmem:v3+s13+$0xFFFFFC80] =	vst.idx.msk $0xffff, v20;
	v20 =	vmul.f32 v22, v14;
	v27 =	vunpack.i.l.bf16.f32 v23  }
0x418: {  	v22 =	vld [tilespmem:s11+$0xFFFFFF90];
	v23 =	vunpack.i.u.bf16.f32 v23;
	[tilespmem:v0+s13+$0xFFFFFD00] =	vst.idx.msk $0xffff, v17;
	v27 =	vmul.f32 v27, v12  }
0x419: {  	v17 =	vld.idx.msk [tilespmem:v15+s29+$0x0], $0xffff;
	v23 =	vmul.f32 v23, v12;
	v28 =	vunpack.i.l.bf16.f32 v19;
	[tilespmem:v3+s13+$0xFFFFFD00] =	vst.idx.msk $0xffff, v20  }
0x41a: {  	v16 =	vld.idx.msk [tilespmem:v16+s29+$0x0], $0xffff;
	v19 =	vunpack.i.u.bf16.f32 v19;
	v20 =	vmul.f32 v28, v11;
	[tilespmem:v0+s13+$0xFFFFFD80] =	vst.idx.msk $0xffff, v27  }
0x41b: {  	v15 =	vld.idx.msk [tilespmem:v21+s29+$0x0], $0xffff;
	v19 =	vmul.f32 v19, v11;
	v21 =	vunpack.i.l.bf16.f32 v25;
	[tilespmem:v3+s13+$0xFFFFFD80] =	vst.idx.msk $0xffff, v23  }
0x41c: {  	v23 =	vunpack.i.u.bf16.f32 v25;
	v21 =	vmul.f32 v21, v18;
	[tilespmem:v0+s13+$0xFFFFFE00] =	vst.idx.msk $0xffff, v20  }
0x41d: {  	v25 =	vld [tilespmem:s11+$0xFFFFFE20];
	v20 =	vmul.f32 v23, v18;
	v23 =	vunpack.i.l.bf16.f32 v26;
	[tilespmem:v3+s13+$0xFFFFFE00] =	vst.idx.msk $0xffff, v19  }
0x41e: {  	v27 =	vunpack.i.u.bf16.f32 v22;
	v22 =	vunpack.i.l.bf16.f32 v22;
	v23 =	vmul.f32 v23, v17;
	[tilespmem:v4+s13+$0x0] =	vst.idx.msk $0xffff, v21  }
0x41f: {  	v21 =	vunpack.i.u.bf16.f32 v26;
	v26 =	vld [tilespmem:s11+$0xFFFFFE60];
	v22 =	vmul.f32 v22, v16;
	[tilespmem:v5+s13+$0x0] =	vst.idx.msk $0xffff, v20  }
0x420: {  	v20 =	vunpack.i.u.bf16.f32 v24;
	v24 =	vunpack.i.l.bf16.f32 v24;
	v21 =	vmul.f32 v21, v17;
	[tilespmem:v0+s13+$0xFFFFFE80] =	vst.idx.msk $0xffff, v23;
	v19 =	vld [tilespmem:s11+$0xFFFFFFF0]  }
0x421: {  	v28 =	vld [tilespmem:s11+$0xFFFFFEA0];
	v24 =	vmul.f32 v24, v15;
	[tilespmem:v0+s13+$0xFFFFFF80] =	vst.idx.msk $0xffff, v22  }
0x422: {  	v20 =	vmul.f32 v20, v15;
	v23 =	vunpack.i.u.bf16.f32 v25;
	[tilespmem:v3+s13+$0xFFFFFE80] =	vst.idx.msk $0xffff, v21  }
0x423: {  	v25 =	vunpack.i.l.bf16.f32 v25;
	v21 =	vmul.f32 v27, v16;
	v23 =	vmul.f32 v23, v13;
	v27 =	vld [tilespmem:s11+$0xFFFFFEE0];
	[tilespmem:v0+s13+$0xFFFFFF00] =	vst.idx.msk $0xffff, v24  }
0x424: {  	v24 =	vmul.f32 v25, v13;
	v29 =	vld [tilespmem:s11+$0xFFFFFF20];
	v25 =	vunpack.i.u.bf16.f32 v26;
	v26 =	vunpack.i.l.bf16.f32 v26;
	[tilespmem:v3+s13+$0xFFFFFF00] =	vst.idx.msk $0xffff, v20  }
0x425: {  	[tilespmem:v3+s13+$0xFFFFFF80] =	vst.idx.msk $0xffff, v21;
	v20 =	vmul.f32 v26, v14;
	v31 =	vmul.f32 v25, v14;
	v30 =	vld [tilespmem:s11+$0xFFFFFF60];
	v22 =	vunpack.i.l.bf16.f32 v19  }
0x426: {  	v25 =	vunpack.i.l.bf16.f32 v28;
	[tilespmem:v4+s13+$0xFFFFFC80] =	vst.idx.msk $0xffff, v24;
	v24 =	vld [tilespmem:s11+$0xFFFFFFA0];
	v19 =	vunpack.i.u.bf16.f32 v19;
	v21 =	vmul.f32 v22, v18  }
0x427: {  	v63 =	vmul.f32 v25, v12;
	v22 =	vunpack.i.u.bf16.f32 v28;
	v19 =	vmul.f32 v19, v18  }
0x428: {  	v25 =	vunpack.i.u.bf16.f32 v27;
	v26 =	vunpack.i.l.bf16.f32 v27;
	v22 =	vmul.f32 v22, v12;
	[tilespmem:v6+s13+$0x0] =	vst.idx.msk $0xffff, v21  }
0x429: {  	v27 =	vmul.f32 v26, v11;
	v21 =	vunpack.i.l.bf16.f32 v29;
	[tilespmem:v7+s13+$0x0] =	vst.idx.msk $0xffff, v19;
	v19 =	vunpack.i.u.bf16.f32 v29  }
0x42a: {  	[tilespmem:v5+s13+$0xFFFFFC80] =	vst.idx.msk $0xffff, v23;
	v26 =	vmul.f32 v21, v17;
	v21 =	vunpack.i.l.bf16.f32 v30;
	v28 =	vunpack.i.u.bf16.f32 v30;
	v30 =	vld [tilespmem:s11+$0x0]  }
0x42b: {  	[tilespmem:v4+s13+$0xFFFFFD00] =	vst.idx.msk $0xffff, v20;
	v25 =	vmul.f32 v25, v11;
	v29 =	vld [tilespmem:s11+$0xFFFFFE30];
	v20 =	vunpack.i.u.bf16.f32 v24;
	v19 =	vmul.f32 v19, v17  }
0x42c: {  	[tilespmem:v5+s13+$0xFFFFFD00] =	vst.idx.msk $0xffff, v31;
	v24 =	vunpack.i.l.bf16.f32 v24;
	v23 =	vmul.f32 v21, v15;
	v21 =	vmul.f32 v28, v15  }
0x42d: {  	s14 =	simm.s32 $0x0;
	s15 =	simm.s32 $0xAE20;
	[tilespmem:v4+s13+$0xFFFFFD80] =	vst.idx.msk $0xffff, v63;
	v28 =	vld [tilespmem:s11+$0xFFFFFE70];
	v24 =	vmul.f32 v24, v16;
	v20 =	vmul.f32 v20, v16  }
.LBB2_18:
0x42e: {  	s0 =	sadd.s32 $0x30, s14;
	s9 =	sadd.s32 $0x31, s14;
	[tilespmem:v5+s13+$0xFFFFFD80] =	vst.idx.msk $0xffff, v22;
	s16 =	smov.u32 s14  }
0x42f: {  	v22 =	vmov s0;
	v31 =	vmov s9;
	v32 =	vld [tilespmem:s11+$0xFFFFFEB0];
	[tilespmem:v4+s13+$0xFFFFFE00] =	vst.idx.msk $0xffff, v27;
	v27 =	vunpack.i.l.bf16.f32 v30  }
0x430: {  	v33 =	vunpack.i.u.bf16.f32 v29;
	[tilespmem:v5+s13+$0xFFFFFE00] =	vst.idx.msk $0xffff, v25;
	v25 =	vunpack.i.u.bf16.f32 v30;
	v27 =	vmul.f32 v27, v18  }
0x431: {  	v29 =	vunpack.i.l.bf16.f32 v29;
	v30 =	vmul.f32 v33, v13;
	v33 =	vld [tilespmem:s11+$0xFFFFFEF0];
	[tilespmem:v4+s13+$0xFFFFFE80] =	vst.idx.msk $0xffff, v26;
	v18 =	vmul.f32 v25, v18  }
0x432: {  	s0 =	sadd.s32 $0x32, s14;
	v25 =	vmul.f32 v29, v13;
	v26 =	vunpack.i.u.bf16.f32 v28;
	v28 =	vunpack.i.l.bf16.f32 v28;
	[tilespmem:v8+s13+$0x0] =	vst.idx.msk $0xffff, v27  }
0x433: {  	v27 =	vmov s0;
	s0 =	sadd.s32 $0x33, s14;
	v28 =	vmul.f32 v28, v14;
	v26 =	vmul.f32 v26, v14;
	[tilespmem:v9+s13+$0x0] =	vst.idx.msk $0xffff, v18  }
0x434: {  	v18 =	vmov s0;
	v29 =	vunpack.i.u.bf16.f32 v32;
	v32 =	vunpack.i.l.bf16.f32 v32;
	[tilespmem:v5+s13+$0xFFFFFE80] =	vst.idx.msk $0xffff, v19  }
0x435: {  	v19 =	vshrl.u32 v22, $0x3;
	v22 =	vmul.f32 v32, v12;
	v29 =	vmul.f32 v29, v12;
	v32 =	vld [tilespmem:s11+$0xFFFFFF30];
	[tilespmem:v4+s13+$0xFFFFFF00] =	vst.idx.msk $0xffff, v23  }
0x436: {  	v23 =	vshrl.u32 v31, $0x3;
	v31 =	vunpack.i.u.bf16.f32 v33;
	v33 =	vunpack.i.l.bf16.f32 v33;
	[tilespmem:v5+s13+$0xFFFFFF00] =	vst.idx.msk $0xffff, v21  }
0x437: {  	v21 =	vshrl.u32 v27, $0x3;
	v27 =	vmul.f32 v33, v11;
	v31 =	vmul.f32 v31, v11;
	v33 =	vld [tilespmem:s11+$0xFFFFFF70];
	[tilespmem:v4+s13+$0xFFFFFF80] =	vst.idx.msk $0xffff, v24  }
0x438: {  	v18 =	vshrl.u32 v18, $0x3;
	v19 =	vshll.u32 v19, v2;
	v23 =	vshll.u32 v23, v2;
	[tilespmem:v5+s13+$0xFFFFFF80] =	vst.idx.msk $0xffff, v20  }
0x439: {  	v18 =	vshll.u32 v18, v2;
	v19 =	vadd.s32 $0x50, v19;
	v20 =	vshll.u32 v21, v2;
	[tilespmem:v6+s13+$0xFFFFFC80] =	vst.idx.msk $0xffff, v25;
	v21 =	vld [tilespmem:s11+$0xFFFFFFB0]  }
0x43a: {  	v19 =	vbroadcast v19, $0x0;
	[tilespmem:v7+s13+$0xFFFFFC80] =	vst.idx.msk $0xffff, v30;
	v24 =	vunpack.i.u.bf16.f32 v32;
	v25 =	vunpack.i.l.bf16.f32 v32  }
0x43b: {  	v23 =	vadd.s32 $0x51, v23;
	v30 =	vld [tilespmem:s11+$0xFFFFFE40];
	[tilespmem:v6+s13+$0xFFFFFD00] =	vst.idx.msk $0xffff, v28;
	v25 =	vmul.f32 v25, v17;
	v24 =	vmul.f32 v24, v17  }
0x43c: {  	v23 =	vbroadcast v23, $0x0;
	[tilespmem:v7+s13+$0xFFFFFD00] =	vst.idx.msk $0xffff, v26;
	v26 =	vunpack.i.u.bf16.f32 v33;
	v28 =	vunpack.i.l.bf16.f32 v33  }
0x43d: {  	v20 =	vadd.s32 $0x52, v20;
	v32 =	vld [tilespmem:s11+$0xFFFFFE80];
	[tilespmem:v6+s13+$0xFFFFFD80] =	vst.idx.msk $0xffff, v22;
	v22 =	vmul.f32 v28, v15;
	v26 =	vmul.f32 v26, v15  }
0x43e: {  	v20 =	vbroadcast v20, $0x0;
	[tilespmem:v7+s13+$0xFFFFFD80] =	vst.idx.msk $0xffff, v29;
	v28 =	vunpack.i.u.bf16.f32 v21;
	v21 =	vunpack.i.l.bf16.f32 v21  }
0x43f: {  	v18 =	vadd.s32 $0x53, v18;
	v29 =	vld [tilespmem:s11+$0xFFFFFEC0];
	[tilespmem:v6+s13+$0xFFFFFE00] =	vst.idx.msk $0xffff, v27;
	v21 =	vmul.f32 v21, v16;
	v27 =	vmul.f32 v28, v16  }
0x440: {  	s0 =	sadd.s32 $0x34, s14;
	v18 =	vbroadcast v18, $0x0;
	v28 =	vunpack.i.u.bf16.f32 v30;
	v30 =	vunpack.i.l.bf16.f32 v30;
	[tilespmem:v7+s13+$0xFFFFFE00] =	vst.idx.msk $0xffff, v31  }
0x441: {  	v31 =	vmov s0;
	s0 =	sadd.s32 $0x37, s14;
	v30 =	vmul.f32 v30, v13;
	v28 =	vmul.f32 v28, v13;
	v33 =	vld [tilespmem:s11+$0xFFFFFF00];
	[tilespmem:v6+s13+$0xFFFFFE80] =	vst.idx.msk $0xffff, v25  }
0x442: {  	v13 =	vmov s0;
	v25 =	vunpack.i.u.bf16.f32 v32;
	v32 =	vunpack.i.l.bf16.f32 v32;
	[tilespmem:v7+s13+$0xFFFFFE80] =	vst.idx.msk $0xffff, v24  }
0x443: {  	v13 =	vshrl.u32 v13, $0x3;
	v24 =	vmul.f32 v32, v14;
	v25 =	vmul.f32 v25, v14;
	v32 =	vld [tilespmem:s11+$0xFFFFFF40];
	[tilespmem:v6+s13+$0xFFFFFF00] =	vst.idx.msk $0xffff, v22  }
0x444: {  	v13 =	vshll.u32 v13, v2;
	v14 =	vunpack.i.u.bf16.f32 v29;
	v22 =	vunpack.i.l.bf16.f32 v29;
	[tilespmem:v7+s13+$0xFFFFFF00] =	vst.idx.msk $0xffff, v26  }
0x445: {  	s14 =	sadd.s32 $0x8, s14;
	v26 =	vadd.s32 $0x57, v13;
	v22 =	vmul.f32 v22, v12;
	v29 =	vmul.f32 v14, v12;
	v34 =	vld [tilespmem:s11+$0xFFFFFF80];
	[tilespmem:v6+s13+$0xFFFFFF80] =	vst.idx.msk $0xffff, v21  }
0x446: {  	s0 =	sadd.s32 $0x35, s16;
	p1 =	slt.u32 s14, $0x20;
	v13 =	vld.idx.msk [tilespmem:v19+s29+$0x0], $0xffff;
	v19 =	vbroadcast v26, $0x0;
	v12 =	vunpack.i.u.bf16.f32 v33;
	v14 =	vunpack.i.l.bf16.f32 v33;
	[tilespmem:v7+s13+$0xFFFFFF80] =	vst.idx.msk $0xffff, v27  }
0x447: {  	v21 =	vmov s0;
	[tilespmem:v8+s13+$0xFFFFFC80] =	vst.idx.msk $0xffff, v30;
	v26 =	vmul.f32 v14, v11;
	v27 =	vmul.f32 v12, v11;
	v30 =	vld [tilespmem:s11+$0xFFFFFFC0]  }
0x448: {  	s0 =	sadd.s32 $0x36, s16;
	v14 =	vld.idx.msk [tilespmem:v23+s29+$0x0], $0xffff;
	v23 =	vshrl.u32 v31, $0x3;
	[tilespmem:v9+s13+$0xFFFFFC80] =	vst.idx.msk $0xffff, v28;
	v11 =	vunpack.i.u.bf16.f32 v32;
	v28 =	vunpack.i.l.bf16.f32 v32  }
0x449: {  	v12 =	vld.idx.msk [tilespmem:v20+s29+$0x0], $0xffff;
	v20 =	vmov s0;
	[tilespmem:v8+s13+$0xFFFFFD00] =	vst.idx.msk $0xffff, v24;
	v24 =	vmul.f32 v28, v17;
	v17 =	vmul.f32 v11, v17  }
0x44a: {  	s11 =	sadd.s32 $0x200, s11;
	v23 =	vshll.u32 v23, v2;
	v11 =	vld.idx.msk [tilespmem:v18+s29+$0x0], $0xffff;
	[tilespmem:v9+s13+$0xFFFFFD00] =	vst.idx.msk $0xffff, v25;
	v18 =	vunpack.i.u.bf16.f32 v34;
	v25 =	vunpack.i.l.bf16.f32 v34  }
0x44b: {  	v21 =	vshrl.u32 v21, $0x3;
	v28 =	vld [tilespmem:s11+$0xFFFFFFD0];
	[tilespmem:v8+s13+$0xFFFFFD80] =	vst.idx.msk $0xffff, v22;
	v22 =	vmul.f32 v25, v15;
	v15 =	vmul.f32 v18, v15  }
0x44c: {  	v21 =	vshll.u32 v21, v2;
	v18 =	vld.idx.msk [tilespmem:v19+s29+$0x0], $0xffff;
	[tilespmem:v9+s13+$0xFFFFFD80] =	vst.idx.msk $0xffff, v29;
	v19 =	vunpack.i.u.bf16.f32 v30;
	v25 =	vunpack.i.l.bf16.f32 v30  }
0x44d: {  	v23 =	vadd.s32 $0x54, v23;
	v29 =	vld [tilespmem:s11+$0xFFFFFE10];
	[tilespmem:v8+s13+$0xFFFFFE00] =	vst.idx.msk $0xffff, v26;
	v25 =	vmul.f32 v25, v16;
	v16 =	vmul.f32 v19, v16  }
0x44e: {  	v21 =	vadd.s32 $0x55, v21;
	v20 =	vshrl.u32 v20, $0x3;
	v23 =	vbroadcast v23, $0x0;
	v19 =	vld [tilespmem:s11+$0xFFFFFE50];
	[tilespmem:v9+s13+$0xFFFFFE00] =	vst.idx.msk $0xffff, v27  }
0x44f: {  	v21 =	vbroadcast v21, $0x0;
	v20 =	vshll.u32 v20, v2;
	v26 =	vld [tilespmem:s11+$0xFFFFFE90];
	[tilespmem:v8+s13+$0xFFFFFE80] =	vst.idx.msk $0xffff, v24  }
0x450: {  	v20 =	vadd.s32 $0x56, v20;
	v24 =	vld [tilespmem:s11+$0xFFFFFED0];
	[tilespmem:v9+s13+$0xFFFFFE80] =	vst.idx.msk $0xffff, v17  }
0x451: {  	v20 =	vbroadcast v20, $0x0;
	v17 =	vunpack.i.l.bf16.f32 v28;
	v27 =	vld [tilespmem:s11+$0xFFFFFF10];
	[tilespmem:v8+s13+$0xFFFFFF00] =	vst.idx.msk $0xffff, v22  }
0x452: {  	v28 =	vunpack.i.u.bf16.f32 v28;
	v31 =	vmul.f32 v17, v18;
	v22 =	vunpack.i.u.bf16.f32 v29;
	v30 =	vld [tilespmem:s11+$0xFFFFFF50];
	[tilespmem:v9+s13+$0xFFFFFF00] =	vst.idx.msk $0xffff, v15  }
0x453: {  	v28 =	vmul.f32 v28, v18;
	v15 =	vunpack.i.l.bf16.f32 v29;
	s13 =	sadd.s32 $0x400, s13;
	v29 =	vunpack.i.u.bf16.f32 v19;
	v32 =	vld [tilespmem:s11+$0xFFFFFF90];
	[tilespmem:v8+s15+$0xFFFFFF80] =	vst.idx.msk $0xffff, v25  }
0x454: {  	v19 =	vunpack.i.l.bf16.f32 v19;
	v25 =	vunpack.i.u.bf16.f32 v26;
	v26 =	vunpack.i.l.bf16.f32 v26;
	v17 =	vld.idx.msk [tilespmem:v23+s29+$0x0], $0xffff;
	[tilespmem:v0+s13+$0x0] =	vst.idx.msk $0xffff, v31  }
0x455: {  	v23 =	vmul.f32 v15, v13;
	v31 =	vunpack.i.u.bf16.f32 v24;
	v24 =	vunpack.i.l.bf16.f32 v24;
	v15 =	vld.idx.msk [tilespmem:v21+s29+$0x0], $0xffff;
	[tilespmem:v3+s13+$0x0] =	vst.idx.msk $0xffff, v28  }
0x456: {  	v21 =	vmul.f32 v22, v13;
	v22 =	vunpack.i.u.bf16.f32 v27;
	v27 =	vunpack.i.l.bf16.f32 v27;
	v28 =	vld [tilespmem:s11+$0xFFFFFFE0];
	[tilespmem:v9+s15+$0xFFFFFF80] =	vst.idx.msk $0xffff, v16;
	s15 =	smov.u32 s13  }
0x457: {  	v19 =	vmul.f32 v19, v14;
	[tilespmem:v0+s13+$0xFFFFFC80] =	vst.idx.msk $0xffff, v23;
	v23 =	vunpack.i.u.bf16.f32 v30;
	v30 =	vunpack.i.l.bf16.f32 v30  }
0x458: {  	[tilespmem:v3+s13+$0xFFFFFC80] =	vst.idx.msk $0xffff, v21;
	v21 =	vmul.f32 v29, v14;
	v16 =	vld.idx.msk [tilespmem:v20+s29+$0x0], $0xffff;
	v20 =	vunpack.i.u.bf16.f32 v32;
	v29 =	vunpack.i.l.bf16.f32 v32  }
0x459: {  	v25 =	vmul.f32 v25, v12;
	v32 =	vld [tilespmem:s11+$0xFFFFFE20];
	[tilespmem:v0+s13+$0xFFFFFD00] =	vst.idx.msk $0xffff, v19;
	v19 =	vmul.f32 v26, v12  }
0x45a: {  	[tilespmem:v3+s13+$0xFFFFFD00] =	vst.idx.msk $0xffff, v21;
	v21 =	vmul.f32 v24, v11;
	v24 =	vmul.f32 v31, v11  }
0x45b: {  	v22 =	vmul.f32 v22, v17;
	v26 =	vld [tilespmem:s11+$0xFFFFFE60];
	[tilespmem:v0+s13+$0xFFFFFD80] =	vst.idx.msk $0xffff, v19;
	v19 =	vmul.f32 v27, v17;
	v27 =	vunpack.i.l.bf16.f32 v28  }
0x45c: {  	v28 =	vunpack.i.u.bf16.f32 v28;
	[tilespmem:v3+s13+$0xFFFFFD80] =	vst.idx.msk $0xffff, v25;
	v25 =	vmul.f32 v30, v15;
	v27 =	vmul.f32 v27, v18  }
0x45d: {  	v30 =	vld [tilespmem:s11+$0xFFFFFEA0];
	[tilespmem:v0+s13+$0xFFFFFE00] =	vst.idx.msk $0xffff, v21;
	v21 =	vmul.f32 v23, v15;
	v23 =	vmul.f32 v28, v18  }
0x45e: {  	v29 =	vmul.f32 v29, v16;
	v20 =	vmul.f32 v20, v16;
	v28 =	vunpack.i.u.bf16.f32 v32;
	[tilespmem:v4+s13+$0x0] =	vst.idx.msk $0xffff, v27  }
0x45f: {  	v27 =	vunpack.i.l.bf16.f32 v32;
	v28 =	vmul.f32 v28, v13;
	[tilespmem:v5+s13+$0x0] =	vst.idx.msk $0xffff, v23  }
0x460: {  	v23 =	vmul.f32 v27, v13;
	v27 =	vunpack.i.u.bf16.f32 v26;
	v26 =	vunpack.i.l.bf16.f32 v26;
	[tilespmem:v3+s13+$0xFFFFFE00] =	vst.idx.msk $0xffff, v24;
	v24 =	vld [tilespmem:s11+$0xFFFFFFF0]  }
0x461: {  	v31 =	vmul.f32 v26, v14;
	v32 =	vmul.f32 v27, v14;
	v26 =	vld [tilespmem:s11+$0xFFFFFEE0];
	[tilespmem:v0+s13+$0xFFFFFE80] =	vst.idx.msk $0xffff, v19  }
0x462: {  	v19 =	vunpack.i.u.bf16.f32 v30;
	v27 =	vunpack.i.l.bf16.f32 v30;
	[tilespmem:v3+s13+$0xFFFFFE80] =	vst.idx.msk $0xffff, v22  }
0x463: {  	v33 =	vmul.f32 v27, v12;
	v22 =	vmul.f32 v19, v12;
	v19 =	vld [tilespmem:s11+$0xFFFFFF20];
	[tilespmem:v0+s13+$0xFFFFFF00] =	vst.idx.msk $0xffff, v25  }
0x464: {  	[tilespmem:v3+s13+$0xFFFFFF00] =	vst.idx.msk $0xffff, v21  }
0x465: {  	v21 =	vld [tilespmem:s11+$0xFFFFFF60];
	[tilespmem:v0+s13+$0xFFFFFF80] =	vst.idx.msk $0xffff, v29;
	v25 =	vunpack.i.l.bf16.f32 v24  }
0x466: {  	v27 =	vunpack.i.u.bf16.f32 v26;
	[tilespmem:v3+s13+$0xFFFFFF80] =	vst.idx.msk $0xffff, v20;
	v20 =	vunpack.i.u.bf16.f32 v24;
	v24 =	vmul.f32 v25, v18  }
0x467: {  	[tilespmem:v4+s13+$0xFFFFFC80] =	vst.idx.msk $0xffff, v23;
	v23 =	vunpack.i.l.bf16.f32 v26;
	v25 =	vmul.f32 v27, v11;
	v34 =	vld [tilespmem:s11+$0xFFFFFFA0];
	v20 =	vmul.f32 v20, v18  }
0x468: {  	v27 =	vmul.f32 v23, v11;
	v23 =	vunpack.i.u.bf16.f32 v19;
	v19 =	vunpack.i.l.bf16.f32 v19;
	[tilespmem:v6+s13+$0x0] =	vst.idx.msk $0xffff, v24  }
.Ltmp13:
0x469: {  	v26 =	vmul.f32 v19, v17;
	v19 =	vmul.f32 v23, v17;
	[tilespmem:v7+s13+$0x0] =	vst.idx.msk $0xffff, v20;
	(pc) =	sbr.rel @p1 .LBB2_18-.Ltmp13, $4  }
0x46a: {  	[tilespmem:v5+s13+$0xFFFFFC80] =	vst.idx.msk $0xffff, v28;
	v20 =	vunpack.i.u.bf16.f32 v21;
	v21 =	vunpack.i.l.bf16.f32 v21;
	v30 =	vld [tilespmem:s11+$0x0]  }
0x46b: {  	v29 =	vld [tilespmem:s11+$0xFFFFFE30];
	[tilespmem:v4+s13+$0xFFFFFD00] =	vst.idx.msk $0xffff, v31;
	v23 =	vmul.f32 v21, v15;
	v21 =	vmul.f32 v20, v15  }
0x46c: {  	[tilespmem:v5+s13+$0xFFFFFD00] =	vst.idx.msk $0xffff, v32;
	v20 =	vunpack.i.u.bf16.f32 v34;
	v24 =	vunpack.i.l.bf16.f32 v34  }
0x46d: {  	v28 =	vld [tilespmem:s11+$0xFFFFFE70];
	[tilespmem:v4+s13+$0xFFFFFD80] =	vst.idx.msk $0xffff, v33;
	v24 =	vmul.f32 v24, v16;
	v20 =	vmul.f32 v20, v16  }
0x46e: {  	_ =	sdelay $0x3  }
0x46f: {  	[tilespmem:v5+s13+$0xFFFFFD80] =	vst.idx.msk $0xffff, v22  }
0x470: {  	[tilespmem:v4+s13+$0xFFFFFE00] =	vst.idx.msk $0xffff, v27  }
0x471: {  	[tilespmem:v4+s13+$0xFFFFFE80] =	vst.idx.msk $0xffff, v26  }
0x472: {  	[tilespmem:v4+s13+$0xFFFFFF00] =	vst.idx.msk $0xffff, v23  }
0x473: {  	[tilespmem:v5+s13+$0xFFFFFE00] =	vst.idx.msk $0xffff, v25  }
0x474: {  	[tilespmem:v5+s13+$0xFFFFFE80] =	vst.idx.msk $0xffff, v19  }
0x475: {  	v54 =	vunpack.i.l.bf16.f32 v30;
	[tilespmem:v5+s13+$0xFFFFFF00] =	vst.idx.msk $0xffff, v21  }
0x476: {  	v55 =	vunpack.i.u.bf16.f32 v30;
	v57 =	vld [tilespmem:s11+$0xFFFFFEB0];
	[tilespmem:v4+s13+$0xFFFFFF80] =	vst.idx.msk $0xffff, v24;
	v22 =	vmul.f32 v54, v18  }
0x477: {  	v56 =	vmul.f32 v55, v18;
	v58 =	vunpack.i.l.bf16.f32 v29;
	[tilespmem:v5+s13+$0xFFFFFF80] =	vst.idx.msk $0xffff, v20  }
0x478: {  	v59 =	vunpack.i.u.bf16.f32 v29;
	v60 =	vld [tilespmem:s11+$0xFFFFFEF0];
	v19 =	vmul.f32 v58, v13;
	[tilespmem:v8+s13+$0x0] =	vst.idx.msk $0xffff, v22  }
0x479: {  	v30 =	vld [tilespmem:s11+$0xFFFFFF70];
	v21 =	vmul.f32 v59, v13;
	v61 =	vunpack.i.l.bf16.f32 v28;
	[tilespmem:v9+s13+$0x0] =	vst.idx.msk $0xffff, v56  }
0x47a: {  	v62 =	vunpack.i.u.bf16.f32 v28;
	v23 =	vmul.f32 v61, v14;
	[tilespmem:v6+s13+$0xFFFFFC80] =	vst.idx.msk $0xffff, v19  }
0x47b: {  	v63 =	vld [tilespmem:s11+$0xFFFFFF30];
	v28 =	vmul.f32 v62, v14;
	v29 =	vunpack.i.l.bf16.f32 v57;
	[tilespmem:v7+s13+$0xFFFFFC80] =	vst.idx.msk $0xffff, v21  }
0x47c: {  	v18 =	vunpack.i.u.bf16.f32 v57;
	v20 =	vmul.f32 v29, v12;
	[tilespmem:v6+s13+$0xFFFFFD00] =	vst.idx.msk $0xffff, v23  }
0x47d: {  	v18 =	vmul.f32 v18, v12;
	v31 =	vunpack.i.l.bf16.f32 v60;
	[tilespmem:v7+s13+$0xFFFFFD00] =	vst.idx.msk $0xffff, v28  }
0x47e: {  	v34 =	vld [tilespmem:s11+$0xFFFFFFB0];
	v38 =	vunpack.i.l.bf16.f32 v30;
	v33 =	vmul.f32 v31, v11;
	[tilespmem:v6+s13+$0xFFFFFD80] =	vst.idx.msk $0xffff, v20  }
0x47f: {  	v32 =	vunpack.i.u.bf16.f32 v60;
	v22 =	vmul.f32 v38, v15;
	[tilespmem:v7+s13+$0xFFFFFD80] =	vst.idx.msk $0xffff, v18  }
0x480: {  	v35 =	vunpack.i.l.bf16.f32 v63;
	v37 =	vld [tilespmem:s11+$0xFFFFFE40];
	v19 =	vmul.f32 v32, v11;
	[tilespmem:v6+s13+$0xFFFFFE00] =	vst.idx.msk $0xffff, v33  }
0x481: {  	v36 =	vunpack.i.u.bf16.f32 v63;
	v20 =	vmul.f32 v35, v17;
	[tilespmem:v6+s13+$0xFFFFFF00] =	vst.idx.msk $0xffff, v22  }
0x482: {  	v39 =	vunpack.i.u.bf16.f32 v30;
	v40 =	vld [tilespmem:s11+$0xFFFFFE80];
	v18 =	vmul.f32 v36, v17;
	[tilespmem:v7+s13+$0xFFFFFE00] =	vst.idx.msk $0xffff, v19  }
0x483: {  	v41 =	vunpack.i.l.bf16.f32 v34;
	[tilespmem:v6+s13+$0xFFFFFE80] =	vst.idx.msk $0xffff, v20;
	v19 =	vmul.f32 v39, v15  }
0x484: {  	v42 =	vunpack.i.u.bf16.f32 v34;
	v43 =	vld [tilespmem:s11+$0xFFFFFEC0];
	v20 =	vmul.f32 v41, v16;
	[tilespmem:v7+s13+$0xFFFFFE80] =	vst.idx.msk $0xffff, v18  }
0x485: {  	v18 =	vmul.f32 v42, v16;
	v44 =	vunpack.i.l.bf16.f32 v37;
	[tilespmem:v7+s13+$0xFFFFFF00] =	vst.idx.msk $0xffff, v19  }
0x486: {  	v45 =	vunpack.i.u.bf16.f32 v37;
	v46 =	vld [tilespmem:s11+$0xFFFFFF00];
	v22 =	vmul.f32 v44, v13;
	[tilespmem:v6+s13+$0xFFFFFF80] =	vst.idx.msk $0xffff, v20  }
0x487: {  	v47 =	vmul.f32 v45, v13;
	v48 =	vunpack.i.l.bf16.f32 v40;
	[tilespmem:v7+s13+$0xFFFFFF80] =	vst.idx.msk $0xffff, v18  }
0x488: {  	v50 =	vld [tilespmem:s11+$0xFFFFFF40];
	v49 =	vunpack.i.u.bf16.f32 v40;
	v19 =	vmul.f32 v48, v14;
	[tilespmem:v8+s13+$0xFFFFFC80] =	vst.idx.msk $0xffff, v22  }
0x489: {  	v51 =	vmul.f32 v49, v14;
	v52 =	vunpack.i.l.bf16.f32 v43;
	[tilespmem:v9+s13+$0xFFFFFC80] =	vst.idx.msk $0xffff, v47  }
0x48a: {  	v54 =	vld [tilespmem:s11+$0xFFFFFF80];
	v53 =	vunpack.i.u.bf16.f32 v43;
	v18 =	vmul.f32 v52, v12;
	[tilespmem:v8+s13+$0xFFFFFD00] =	vst.idx.msk $0xffff, v19  }
0x48b: {  	v58 =	vld [tilespmem:s11+$0xFFFFFFC0];
	v55 =	vmul.f32 v53, v12;
	v56 =	vunpack.i.l.bf16.f32 v46;
	[tilespmem:v9+s13+$0xFFFFFD00] =	vst.idx.msk $0xffff, v51  }
0x48c: {  	v57 =	vunpack.i.u.bf16.f32 v46;
	v13 =	vmul.f32 v56, v11;
	[tilespmem:v8+s13+$0xFFFFFD80] =	vst.idx.msk $0xffff, v18  }
0x48d: {  	v11 =	vmul.f32 v57, v11;
	v59 =	vunpack.i.l.bf16.f32 v50;
	[tilespmem:v9+s13+$0xFFFFFD80] =	vst.idx.msk $0xffff, v55  }
0x48e: {  	v60 =	vunpack.i.u.bf16.f32 v50;
	v14 =	vmul.f32 v59, v17;
	[tilespmem:v8+s13+$0xFFFFFE00] =	vst.idx.msk $0xffff, v13  }
0x48f: {  	v12 =	vmul.f32 v60, v17;
	v61 =	vunpack.i.l.bf16.f32 v54;
	[tilespmem:v9+s13+$0xFFFFFE00] =	vst.idx.msk $0xffff, v11  }
0x490: {  	v13 =	vmul.f32 v61, v15;
	v62 =	vunpack.i.l.bf16.f32 v58;
	[tilespmem:v8+s13+$0xFFFFFE80] =	vst.idx.msk $0xffff, v14  }
0x491: {  	v11 =	vunpack.i.u.bf16.f32 v54;
	v14 =	vmul.f32 v62, v16;
	[tilespmem:v9+s13+$0xFFFFFE80] =	vst.idx.msk $0xffff, v12  }
0x492: {  	v63 =	vunpack.i.u.bf16.f32 v58;
	v11 =	vmul.f32 v11, v15;
	[tilespmem:v8+s13+$0xFFFFFF00] =	vst.idx.msk $0xffff, v13  }
0x493: {  	v12 =	vmul.f32 v63, v16;
	[tilespmem:v8+s15+$0xFFFFFF80] =	vst.idx.msk $0xffff, v14  }
.Ltmp14:
0x494: {  	[tilespmem:v9+s13+$0xFFFFFF00] =	vst.idx.msk $0xffff, v11;
	(pc) =	sbr.rel .LBB2_20-.Ltmp14, $4  }
0x495: {  	s0 =	simm.s32 $0x6E78;
	[tilespmem:v9+s15+$0xFFFFFF80] =	vst.idx.msk $0xffff, v12  }
0x496: {  	[spmem:s2] =	stream.indirect.scatter.add.f32 [tilespmem:s4], [sflag:$0x5], $0x80, s0, s30, $0xb8;
	[tilespmem:$0x1FDA8] =	vst v63  }
0x497: {  	s28 =	simm.s32 $0x6E50;
	s9 =	simm.s32 $0x6DB0  }
0x498: {  	[spmem:s3] =	stream.indirect.scatter.add.f32 [tilespmem:s9], [sflag:$0x7], $0x1, s28, s22, $0xb8;
	[tilespmem:$0x1FDA8] =	vst v63  }
.LBB2_22:
0x499: {  	_ =	sfence.sel $0x180000  }
0x49a: {  	[bflag:$0x0] =	sbarrier.arrive $0xFFFF  }
0x49b: {  	_ =	strace $0x90000047  }
0x49c: {  	[bflag:$0x2] =	sbarrier.arrive $0xFFFF  }
0x49d: {  	s0 =	rddreg [dreg:$0x4]  }
0x49e: {  	s0 =	sadd.s32 @!p0 $0x100000, s0  }
0x49f: {  	[sflag:s0] =	ssyncadd.tile.s32 @!p0 $0x1;
	_ =	shalt  }
.Lfunc_end2:
_tile_overlayer_lowered:
.L_overlay_start_2:
0x4a0: {  	(tag) =	ssettag $0x2  }
0x4a1: {  	s0 =	rddreg [dreg:$0x0];
	s2 =	stileid.u32  }
0x4a2: {  	s1 =	rddreg [dreg:$0x1];
	p0 =	sne.s32 s2, $0x0  }
0x4a3: {  	s3 =	rddreg [dreg:$0x2];
	[bflag:$0x3] =	sbarrier.arrive $0xFFFF;
	s2 =	simm.s32 @!p0 $0x1C08  }
0x4a4: {  	[timem:s3], [sflag:s2] =	dma.local @!p0 [hbm:s0], s1  }
0x4a5: {  	s0 =	simm.s32 @!p0 $0x8  }
0x4a6: {  	_ =	swait.ge @!p0 [sflag:s0], s1  }
0x4a7: {  	s1 =	ssub.s32 @!p0 $0x0, s1;
	[sflag:s0] =	ssyncset.done @!p0 $0x0  }
0x4a8: {  	[sflag:s0] =	ssyncadd.s32 @!p0 s1  }
0x4a9: {  	[bflag:$0x3] =	sbarrier.arrive $0xFFFF  }
0x4aa: {  	_ =	shalt  }

</sc_bundles>
